<compile_context>
chip_gen: v7x
topology: tpu7x:2x2x1
jax: 0.10.2.dev20260603
libtpu: 0.0.44.dev20260713+nightly
codegen_flags: <defaults>
</compile_context>

<pallas_src>
import dataclasses
import functools

import jax
import jax.numpy as jnp
from jax import lax
from jax.experimental import pallas as pl
from jax.experimental.pallas import tpu as pltpu
from jax.experimental.pallas import tpu_sc as plsc

_N = 10000
_L = 128
_NC = 2
_NS = 16
_CHUNK = 56
_NBUF = 3

_NTAB = 10112
_ROWS_PER_TEC = _NTAB // _NS
_DUMMY = _N


def _ceil_to(x, m):
    return (x + m - 1) // m * m


def _tc_pre(x, h0, w0, Wh, W1, W2, we, W3):
    n = x.shape[0]
    blk = 2000
    grid = n // blk

    def body(x_ref, h_ref, w0_ref, Wh_ref, W1_ref, W2_ref, we_ref, W3_ref,
             ne_ref, a_ref, b_ref, vv_ref):
        ne = jnp.maximum(
            x_ref[...] * w0_ref[...]
            + jnp.dot(h_ref[...], Wh_ref[...], preferred_element_type=jnp.float32, precision=jax.lax.Precision.HIGHEST),
            0.0)
        ne_ref[...] = ne
        a_ref[...] = jnp.dot(ne, W1_ref[...], preferred_element_type=jnp.float32, precision=jax.lax.Precision.HIGHEST)
        b_ref[...] = jnp.dot(ne, W2_ref[...], preferred_element_type=jnp.float32, precision=jax.lax.Precision.HIGHEST)
        wev = we_ref[...]
        wcat = jnp.concatenate([jnp.maximum(wev, 0.0), jnp.minimum(wev, 0.0)], axis=0)
        vv_ref[...] = jnp.dot(wcat, W3_ref[...], preferred_element_type=jnp.float32, precision=jax.lax.Precision.HIGHEST)

    f32 = jnp.float32
    return pl.pallas_call(
        body,
        grid=(grid,),
        in_specs=[
            pl.BlockSpec((blk, 1), lambda i: (i, 0)),
            pl.BlockSpec((blk, _L), lambda i: (i, 0)),
            pl.BlockSpec((1, _L), lambda i: (0, 0)),
            pl.BlockSpec((_L, _L), lambda i: (0, 0)),
            pl.BlockSpec((_L, _L), lambda i: (0, 0)),
            pl.BlockSpec((_L, _L), lambda i: (0, 0)),
            pl.BlockSpec((1, _L), lambda i: (0, 0)),
            pl.BlockSpec((_L, _L), lambda i: (0, 0)),
        ],
        out_specs=[
            pl.BlockSpec((blk, _L), lambda i: (i, 0)),
            pl.BlockSpec((blk, _L), lambda i: (i, 0)),
            pl.BlockSpec((blk, _L), lambda i: (i, 0)),
            pl.BlockSpec((2, _L), lambda i: (0, 0)),
        ],
        out_shape=[
            jax.ShapeDtypeStruct((n, _L), f32),
            jax.ShapeDtypeStruct((n, _L), f32),
            jax.ShapeDtypeStruct((n, _L), f32),
            jax.ShapeDtypeStruct((2, _L), f32),
        ],
    )(x, h0, w0, Wh, W1, W2, we, W3)


def _sc_edge(A, B, vv_flat, src, dst, ev, chunks_per_tec):
    epad = src.shape[0]
    e_core = epad // _NC
    e_tec = e_core // _NS
    mesh = plsc.VectorSubcoreMesh(core_axis_name="c", subcore_axis_name="s")
    cp = pltpu.CompilerParams()
    if "needs_layout_passes" in pltpu.CompilerParams.__dataclass_fields__:
        cp = dataclasses.replace(cp, needs_layout_passes=False)
    if "use_tc_tiling_on_sc" in pltpu.CompilerParams.__dataclass_fields__:
        cp = dataclasses.replace(cp, use_tc_tiling_on_sc=False)

    @functools.partial(
        pl.kernel,
        out_type=jax.ShapeDtypeStruct((_NC, _NTAB, _L), jnp.float32),
        mesh=mesh,
        compiler_params=cp,
        scratch_types=[
            pltpu.VMEM_SHARED((_NTAB, _L), jnp.float32),
            pltpu.VMEM((_NBUF, _CHUNK), jnp.int32),
            pltpu.VMEM((_NBUF, _CHUNK), jnp.int32),
            pltpu.VMEM((_NBUF, _CHUNK), jnp.float32),
            pltpu.VMEM((_NBUF, _CHUNK, _L), jnp.float32),
            pltpu.VMEM((_NBUF, _CHUNK, _L), jnp.float32),
            pltpu.VMEM((2 * _L,), jnp.float32),
            pltpu.SemaphoreType.DMA((_NBUF,)),
            pltpu.SemaphoreType.DMA((_NBUF,)),
            pltpu.SemaphoreType.DMA((_NBUF,)),
            pltpu.SemaphoreType.DMA,
        ],
    )
    def sck(a_hbm, b_hbm, vv_hbm, src_hbm, dst_hbm, e_hbm, out_hbm,
            agg_sh, srcb, dstb, eb, ab, bb, vvb, isem, gsem, ssem, msem):
        c = lax.axis_index("c")
        sid = lax.axis_index("s")
        base = c * e_core + sid * e_tec

        pltpu.async_copy(vv_hbm, vvb, msem).wait()
        vp = [vvb[pl.ds(16 * j, 16)] for j in range(8)]
        vn = [vvb[pl.ds(_L + 16 * j, 16)] for j in range(8)]

        zero = jnp.zeros((16,), jnp.float32)

        @pl.loop(0, _CHUNK)
        def _(r):
            for j in range(8):
                ab[0, r, pl.ds(16 * j, 16)] = zero

        row0 = sid * _ROWS_PER_TEC
        for i in range(_ROWS_PER_TEC // _CHUNK):
            pltpu.sync_copy(ab.at[0], agg_sh.at[pl.ds(row0 + i * _CHUNK, _CHUNK)])
        rem = _ROWS_PER_TEC % _CHUNK
        if rem:
            full = (_ROWS_PER_TEC // _CHUNK) * _CHUNK
            pltpu.sync_copy(ab.at[0, pl.ds(0, rem)],
                            agg_sh.at[pl.ds(row0 + full, rem)])
        plsc.subcore_barrier()

        def issue_idx(t, q):
            off = base + t * _CHUNK
            pltpu.async_copy(src_hbm.at[pl.ds(off, _CHUNK)], srcb.at[q], isem.at[q])
            pltpu.async_copy(dst_hbm.at[pl.ds(off, _CHUNK)], dstb.at[q], isem.at[q])
            pltpu.async_copy(e_hbm.at[pl.ds(off, _CHUNK)], eb.at[q], isem.at[q])

        def wait_idx(t, q):
            off = base + t * _CHUNK
            pltpu.make_async_copy(src_hbm.at[pl.ds(off, _CHUNK)], srcb.at[q], isem.at[q]).wait()
            pltpu.make_async_copy(dst_hbm.at[pl.ds(off, _CHUNK)], dstb.at[q], isem.at[q]).wait()
            pltpu.make_async_copy(e_hbm.at[pl.ds(off, _CHUNK)], eb.at[q], isem.at[q]).wait()

        def issue_gather(q):
            pltpu.async_copy(a_hbm.at[srcb.at[q]], ab.at[q], gsem.at[q])
            pltpu.async_copy(b_hbm.at[dstb.at[q]], bb.at[q], gsem.at[q])

        def wait_gather(q):
            pltpu.make_async_copy(a_hbm.at[srcb.at[q]], ab.at[q], gsem.at[q]).wait()
            pltpu.make_async_copy(b_hbm.at[dstb.at[q]], bb.at[q], gsem.at[q]).wait()

        def compute(q):
            @plsc.parallel_loop(0, _CHUNK, step=1, unroll=4)
            def _(k):
                evec = plsc.load_gather(eb.at[q], [jnp.full((16,), k, jnp.int32)])
                sp = jnp.maximum(evec, 0.0)
                sn = jnp.minimum(evec, 0.0)
                for j in range(8):
                    s = pl.ds(16 * j, 16)
                    r = ab[q, k, s] + bb[q, k, s] + sp * vp[j] + sn * vn[j]
                    ab[q, k, s] = jnp.maximum(r, 0.0)

        def issue_scatter(q):
            pltpu.async_copy(ab.at[q], agg_sh.at[dstb.at[q]], ssem.at[q], add=True)

        def wait_scatter(q):
            pltpu.make_async_copy(ab.at[q], agg_sh.at[dstb.at[q]], ssem.at[q]).wait()

        issue_idx(0, 0)
        issue_idx(1, 1)
        wait_idx(0, 0)
        issue_gather(0)

        @pl.loop(0, chunks_per_tec // _NBUF)
        def _(g):
            for qq in range(_NBUF):
                t = g * _NBUF + qq
                nq = (qq + 1) % _NBUF
                pq = (qq + 2) % _NBUF

                @pl.when(t + 1 < chunks_per_tec)
                def _():
                    wait_idx(t + 1, nq)
                    issue_gather(nq)

                wait_gather(qq)
                compute(qq)
                issue_scatter(qq)

                @pl.when(t >= 1)
                def _():
                    wait_scatter(pq)

                @pl.when(t + 2 < chunks_per_tec)
                def _():
                    issue_idx(t + 2, pq)

        wait_scatter((chunks_per_tec - 1) % _NBUF)
        plsc.subcore_barrier()
        pltpu.sync_copy(agg_sh.at[pl.ds(row0, _ROWS_PER_TEC)],
                        out_hbm.at[c, pl.ds(row0, _ROWS_PER_TEC)])

    return sck(A, B, vv_flat, src, dst, ev)


def _tc_post(parts, ne, Wun, Wua, Wdn, Wdl, Wd2):
    n = ne.shape[0]
    blk = 2000
    grid = n // blk

    def body(p_ref, ne_ref, Wun_ref, Wua_ref, Wdn_ref, Wdl_ref, Wd2_ref, o_ref):
        agg = p_ref[0] + p_ref[1]
        ne = ne_ref[...]
        latent = jnp.maximum(
            jnp.dot(ne, Wun_ref[...], preferred_element_type=jnp.float32, precision=jax.lax.Precision.HIGHEST)
            + jnp.dot(agg, Wua_ref[...], preferred_element_type=jnp.float32, precision=jax.lax.Precision.HIGHEST), 0.0)
        dech = jnp.maximum(
            jnp.dot(ne, Wdn_ref[...], preferred_element_type=jnp.float32, precision=jax.lax.Precision.HIGHEST)
            + jnp.dot(latent, Wdl_ref[...], preferred_element_type=jnp.float32, precision=jax.lax.Precision.HIGHEST), 0.0)
        o_ref[...] = jnp.dot(dech, Wd2_ref[...], preferred_element_type=jnp.float32, precision=jax.lax.Precision.HIGHEST)

    return pl.pallas_call(
        body,
        grid=(grid,),
        in_specs=[
            pl.BlockSpec((2, blk, _L), lambda i: (0, i, 0)),
            pl.BlockSpec((blk, _L), lambda i: (i, 0)),
            pl.BlockSpec((_L, _L), lambda i: (0, 0)),
            pl.BlockSpec((_L, _L), lambda i: (0, 0)),
            pl.BlockSpec((_L, _L), lambda i: (0, 0)),
            pl.BlockSpec((_L, _L), lambda i: (0, 0)),
            pl.BlockSpec((_L, 1), lambda i: (0, 0)),
        ],
        out_specs=[pl.BlockSpec((blk, 1), lambda i: (i, 0))],
        out_shape=[jax.ShapeDtypeStruct((n, 1), jnp.float32)],
    )(parts, ne, Wun, Wua, Wdn, Wdl, Wd2)[0]


def kernel(node_features, edge_features, latent_features, edge_index,
           W_node_enc, W_edge_enc, W_msg, W_upd, W_dec1, W_dec2):
    n = node_features.shape[0]
    e_cnt = edge_features.shape[0]

    x = node_features.astype(jnp.float32)[:, None]
    h0 = latent_features.astype(jnp.float32)
    ev = edge_features.astype(jnp.float32)
    src = edge_index[0].astype(jnp.int32)
    dst = edge_index[1].astype(jnp.int32)

    epad = _ceil_to(e_cnt, _NC * _NS * _CHUNK * _NBUF)
    chunks_per_tec = epad // (_NC * _NS * _CHUNK)
    npad = epad - e_cnt
    src = jnp.concatenate([src, jnp.zeros((npad,), jnp.int32)])
    dst = jnp.concatenate([dst, jnp.full((npad,), _DUMMY, jnp.int32)])
    ev = jnp.concatenate([ev, jnp.zeros((npad,), jnp.float32)])

    w0 = W_node_enc[0:1]
    Wh = W_node_enc[1:]
    W1 = W_msg[0:_L]
    W2 = W_msg[_L:2 * _L]
    W3 = W_msg[2 * _L:]

    ne, A, B, vv = _tc_pre(x, h0, w0, Wh, W1, W2, W_edge_enc, W3)
    parts = _sc_edge(A, B, vv.reshape(-1), src, dst, ev, chunks_per_tec)
    out = _tc_post(parts, ne, W_upd[:_L], W_upd[_L:], W_dec1[:_L], W_dec1[_L:], W_dec2)
    return out

# --- scband reference (transcript-rebuilt; emitter-appended) ---
"""Pipeline reference for scband-execution-model-63531156242470 (READ-ONLY COPY).

The authoritative reference and input builder live on the scoring server;
editing this copy changes nothing except your own understanding.
"""

import jax, jax.numpy as jnp
import numpy as np

N = 10000
E = 320000
L = 128

def setup_inputs(seed: int = 0) -> dict:
    key = jax.random.key(seed)
    ks = jax.random.split(key, 10)
    node_features = jax.random.normal(ks[0], (N,), dtype=jnp.float32)
    edge_features = jax.random.normal(ks[1], (E,), dtype=jnp.float32)
    latent_features = jax.random.normal(ks[2], (N, L), dtype=jnp.float32)
    edge_index = jax.random.randint(ks[3], (2, E), 0, N, dtype=jnp.int64)
    # Learned parameters (bias=False throughout, per init args)
    W_node_enc = jax.random.normal(ks[4], (1 + L, L), dtype=jnp.float32) / np.sqrt(1 + L)
    W_edge_enc = jax.random.normal(ks[5], (1, L), dtype=jnp.float32) / np.sqrt(1.0)
    W_msg = jax.random.normal(ks[6], (3 * L, L), dtype=jnp.float32) / np.sqrt(3 * L)
    W_upd = jax.random.normal(ks[7], (2 * L, L), dtype=jnp.float32) / np.sqrt(2 * L)
    W_dec1 = jax.random.normal(ks[8], (2 * L, L), dtype=jnp.float32) / np.sqrt(2 * L)
    W_dec2 = jax.random.normal(ks[9], (L, 1), dtype=jnp.float32) / np.sqrt(L)
    return {
        "node_features": node_features,
        "edge_features": edge_features,
        "latent_features": latent_features,
        "edge_index": edge_index,
        "W_node_enc": W_node_enc,
        "W_edge_enc": W_edge_enc,
        "W_msg": W_msg,
        "W_upd": W_upd,
        "W_dec1": W_dec1,
        "W_dec2": W_dec2,
    }

def reference(node_features, edge_features, latent_features, edge_index,
              W_node_enc, W_edge_enc, W_msg, W_upd, W_dec1, W_dec2):
    n = node_features.shape[0]
    # ExecutionModel.predict
    x = node_features[:, None].astype(jnp.float32)            # [N,1]
    e = edge_features[:, None].astype(jnp.float32)            # [E,1]
    h0 = latent_features.astype(jnp.float32)                   # [N,L]
    t = jnp.concatenate([x, h0], axis=1)                       # [N,1+L]
    node_enc = jax.nn.relu(t @ W_node_enc)                      # EncoderNetwork (node)
    edge_enc = jax.nn.relu(e @ W_edge_enc)                      # EncoderNetwork (edge)
    # MPNN processor: per-edge message MLP + scatter-add aggregation + node update
    src = edge_index[0]
    dst = edge_index[1]
    msg_in = jnp.concatenate([node_enc[src], node_enc[dst], edge_enc], axis=1)  # [E,3L]
    msg = jax.nn.relu(msg_in @ W_msg)                           # [E,L]
    agg = jax.ops.segment_sum(msg, dst, num_segments=n)         # [N,L]
    latent = jax.nn.relu(jnp.concatenate([node_enc, agg], axis=1) @ W_upd)  # [N,L]
    # DecoderNetwork on cat(node_enc, latent)
    dec_h = jax.nn.relu(jnp.concatenate([node_enc, latent], axis=1) @ W_dec1)
    output = dec_h @ W_dec2                                     # [N,1]
    return output

if __name__ == "__main__":
    import jax
    _d = setup_inputs()
    print(jax.jit(kernel)(*tuple(_d.values())))

</pallas_src>

<mosaic_0001>
#map = affine_map<(d0, d1) -> (0, 0)>
#map1 = affine_map<(d0, d1) -> (0)>
#map2 = affine_map<(d0, d1) -> (0, 0, 0)>
module attributes {stable_mosaic.version = 14 : i64} {
  func.func @sck(%arg0: i32, %arg1: i32, %arg2: memref<10000x128xf32, #tpu.memory_space<hbm>>, %arg3: memref<10000x128xf32, #tpu.memory_space<hbm>>, %arg4: memref<256xf32, #tpu.memory_space<hbm>>, %arg5: memref<322560xi32, #tpu.memory_space<hbm>>, %arg6: memref<322560xi32, #tpu.memory_space<hbm>>, %arg7: memref<322560xf32, #tpu.memory_space<hbm>>, %arg8: memref<2x10112x128xf32, #tpu.memory_space<hbm>>, %arg9: memref<10112x128xf32, #tpu.memory_space<vmem_shared>>, %arg10: memref<3x56xi32, #tpu.memory_space<vmem>>, %arg11: memref<3x56xi32, #tpu.memory_space<vmem>>, %arg12: memref<3x56xf32, #tpu.memory_space<vmem>>, %arg13: memref<3x56x128xf32, #tpu.memory_space<vmem>>, %arg14: memref<3x56x128xf32, #tpu.memory_space<vmem>>, %arg15: memref<256xf32, #tpu.memory_space<vmem>>, %arg16: memref<3x!tpu.dma_semaphore, #tpu.memory_space<semaphore_mem>>, %arg17: memref<3x!tpu.dma_semaphore, #tpu.memory_space<semaphore_mem>>, %arg18: memref<3x!tpu.dma_semaphore, #tpu.memory_space<semaphore_mem>>, %arg19: memref<!tpu.dma_semaphore, #tpu.memory_space<semaphore_mem>>) attributes {dimension_semantics = [#tpu.dimension_semantics<core_parallel>, #tpu.dimension_semantics<subcore_parallel>], iteration_bounds = array<i64: 2, 16>, scalar_prefetch = 0 : i64, scratch_operands = 11 : i64, tpu.core_type = #tpu.core_type<sc_vector_subcore>, window_params = [{transform_indices = #map}, {transform_indices = #map}, {transform_indices = #map1}, {transform_indices = #map1}, {transform_indices = #map1}, {transform_indices = #map1}, {transform_indices = #map2}]} {
    %mul3A = arith.constant 161280 : i32
    %mul3A_0 = arith.muli %arg0, %mul3A : i32
    %mul3A_1 = arith.constant 10080 : i32
    %mul3A_2 = arith.muli %arg1, %mul3A_1 : i32
    %add3A = arith.addi %mul3A_0, %mul3A_2 : i32
    tpu.enqueue_dma source(%arg4 : memref<256xf32, #tpu.memory_space<hbm>>) target(%arg15 : memref<256xf32, #tpu.memory_space<vmem>>) target_semaphore(%arg19 : memref<!tpu.dma_semaphore, #tpu.memory_space<semaphore_mem>>)
    tpu.wait_dma2 semaphore(%arg19 : memref<!tpu.dma_semaphore, #tpu.memory_space<semaphore_mem>>) src(%arg4 : memref<256xf32, #tpu.memory_space<hbm>>) dst(%arg15 : memref<256xf32, #tpu.memory_space<vmem>>)
    %get3A = arith.constant 0 : index
    %get3A_3 = tpu.vector_load %arg15[%get3A] {strides = array<i32>} : memref<256xf32, #tpu.memory_space<vmem>>, vector<16xf32>,
    %get3A_4 = arith.constant 16 : index
    %get3A_5 = tpu.vector_load %arg15[%get3A_4] {strides = array<i32>} : memref<256xf32, #tpu.memory_space<vmem>>, vector<16xf32>,
    %get3A_6 = arith.constant 32 : index
    %get3A_7 = tpu.vector_load %arg15[%get3A_6] {strides = array<i32>} : memref<256xf32, #tpu.memory_space<vmem>>, vector<16xf32>,
    %get3A_8 = arith.constant 48 : index
    %get3A_9 = tpu.vector_load %arg15[%get3A_8] {strides = array<i32>} : memref<256xf32, #tpu.memory_space<vmem>>, vector<16xf32>,
    %get3A_10 = arith.constant 64 : index
    %get3A_11 = tpu.vector_load %arg15[%get3A_10] {strides = array<i32>} : memref<256xf32, #tpu.memory_space<vmem>>, vector<16xf32>,
    %get3A_12 = arith.constant 80 : index
    %get3A_13 = tpu.vector_load %arg15[%get3A_12] {strides = array<i32>} : memref<256xf32, #tpu.memory_space<vmem>>, vector<16xf32>,
    %get3A_14 = arith.constant 96 : index
    %get3A_15 = tpu.vector_load %arg15[%get3A_14] {strides = array<i32>} : memref<256xf32, #tpu.memory_space<vmem>>, vector<16xf32>,
    %get3A_16 = arith.constant 112 : index
    %get3A_17 = tpu.vector_load %arg15[%get3A_16] {strides = array<i32>} : memref<256xf32, #tpu.memory_space<vmem>>, vector<16xf32>,
    %get3A_18 = arith.constant 128 : index
    %get3A_19 = tpu.vector_load %arg15[%get3A_18] {strides = array<i32>} : memref<256xf32, #tpu.memory_space<vmem>>, vector<16xf32>,
    %get3A_20 = arith.constant 144 : index
    %get3A_21 = tpu.vector_load %arg15[%get3A_20] {strides = array<i32>} : memref<256xf32, #tpu.memory_space<vmem>>, vector<16xf32>,
    %get3A_22 = arith.constant 160 : index
    %get3A_23 = tpu.vector_load %arg15[%get3A_22] {strides = array<i32>} : memref<256xf32, #tpu.memory_space<vmem>>, vector<16xf32>,
    %get3A_24 = arith.constant 176 : index
    %get3A_25 = tpu.vector_load %arg15[%get3A_24] {strides = array<i32>} : memref<256xf32, #tpu.memory_space<vmem>>, vector<16xf32>,
    %get3A_26 = arith.constant 192 : index
    %get3A_27 = tpu.vector_load %arg15[%get3A_26] {strides = array<i32>} : memref<256xf32, #tpu.memory_space<vmem>>, vector<16xf32>,
    %get3A_28 = arith.constant 208 : index
    %get3A_29 = tpu.vector_load %arg15[%get3A_28] {strides = array<i32>} : memref<256xf32, #tpu.memory_space<vmem>>, vector<16xf32>,
    %get3A_30 = arith.constant 224 : index
    %get3A_31 = tpu.vector_load %arg15[%get3A_30] {strides = array<i32>} : memref<256xf32, #tpu.memory_space<vmem>>, vector<16xf32>,
    %get3A_32 = arith.constant 240 : index
    %get3A_33 = tpu.vector_load %arg15[%get3A_32] {strides = array<i32>} : memref<256xf32, #tpu.memory_space<vmem>>, vector<16xf32>,
    %broadcast_in_dim3A = arith.constant 0.000000e+00 : f32
    %broadcast_in_dim3A_34 = vector.broadcast %broadcast_in_dim3A : f32 to vector<16xf32>
    %scan3A = arith.constant 0 : i32
    %scan3A_35 = arith.constant 56 : i32
    %scan3A_36 = arith.addi %scan3A, %scan3A_35 : i32
    %scan3A_37 = arith.constant 1 : i32
    scf.for %scan3A_239 = %scan3A to %scan3A_36 step %scan3A_37  : i32 {
      %mul3A_240 = arith.constant 1 : i32
      %mul3A_241 = arith.muli %scan3A_239, %mul3A_240 : i32
      %add3A_242 = arith.constant 0 : i32
      %add3A_243 = arith.addi %add3A_242, %mul3A_241 : i32
      %swap3A = arith.constant 0 : i32
      %swap3A_244 = arith.index_cast %swap3A : i32 to index
      %swap3A_245 = arith.index_cast %add3A_243 : i32 to index
      %swap3A_246 = arith.constant 0 : index
      %swap3A_247 = tpu.vector_load %arg13[%swap3A_244, %swap3A_245, %swap3A_246] {strides = array<i32>} : memref<3x56x128xf32, #tpu.memory_space<vmem>>, vector<16xf32>,
      tpu.vector_store %arg13[%swap3A_244, %swap3A_245, %swap3A_246], %broadcast_in_dim3A_34 {strides = array<i32>} : memref<3x56x128xf32, #tpu.memory_space<vmem>>, vector<16xf32>,
      %swap3A_248 = arith.constant 0 : i32
      %swap3A_249 = arith.index_cast %swap3A_248 : i32 to index
      %swap3A_250 = arith.index_cast %add3A_243 : i32 to index
      %swap3A_251 = arith.constant 16 : index
      %swap3A_252 = tpu.vector_load %arg13[%swap3A_249, %swap3A_250, %swap3A_251] {strides = array<i32>} : memref<3x56x128xf32, #tpu.memory_space<vmem>>, vector<16xf32>,
      tpu.vector_store %arg13[%swap3A_249, %swap3A_250, %swap3A_251], %broadcast_in_dim3A_34 {strides = array<i32>} : memref<3x56x128xf32, #tpu.memory_space<vmem>>, vector<16xf32>,
      %swap3A_253 = arith.constant 0 : i32
      %swap3A_254 = arith.index_cast %swap3A_253 : i32 to index
      %swap3A_255 = arith.index_cast %add3A_243 : i32 to index
      %swap3A_256 = arith.constant 32 : index
      %swap3A_257 = tpu.vector_load %arg13[%swap3A_254, %swap3A_255, %swap3A_256] {strides = array<i32>} : memref<3x56x128xf32, #tpu.memory_space<vmem>>, vector<16xf32>,
      tpu.vector_store %arg13[%swap3A_254, %swap3A_255, %swap3A_256], %broadcast_in_dim3A_34 {strides = array<i32>} : memref<3x56x128xf32, #tpu.memory_space<vmem>>, vector<16xf32>,
      %swap3A_258 = arith.constant 0 : i32
      %swap3A_259 = arith.index_cast %swap3A_258 : i32 to index
      %swap3A_260 = arith.index_cast %add3A_243 : i32 to index
      %swap3A_261 = arith.constant 48 : index
      %swap3A_262 = tpu.vector_load %arg13[%swap3A_259, %swap3A_260, %swap3A_261] {strides = array<i32>} : memref<3x56x128xf32, #tpu.memory_space<vmem>>, vector<16xf32>,
      tpu.vector_store %arg13[%swap3A_259, %swap3A_260, %swap3A_261], %broadcast_in_dim3A_34 {strides = array<i32>} : memref<3x56x128xf32, #tpu.memory_space<vmem>>, vector<16xf32>,
      %swap3A_263 = arith.constant 0 : i32
      %swap3A_264 = arith.index_cast %swap3A_263 : i32 to index
      %swap3A_265 = arith.index_cast %add3A_243 : i32 to index
      %swap3A_266 = arith.constant 64 : index
      %swap3A_267 = tpu.vector_load %arg13[%swap3A_264, %swap3A_265, %swap3A_266] {strides = array<i32>} : memref<3x56x128xf32, #tpu.memory_space<vmem>>, vector<16xf32>,
      tpu.vector_store %arg13[%swap3A_264, %swap3A_265, %swap3A_266], %broadcast_in_dim3A_34 {strides = array<i32>} : memref<3x56x128xf32, #tpu.memory_space<vmem>>, vector<16xf32>,
      %swap3A_268 = arith.constant 0 : i32
      %swap3A_269 = arith.index_cast %swap3A_268 : i32 to index
      %swap3A_270 = arith.index_cast %add3A_243 : i32 to index
      %swap3A_271 = arith.constant 80 : index
      %swap3A_272 = tpu.vector_load %arg13[%swap3A_269, %swap3A_270, %swap3A_271] {strides = array<i32>} : memref<3x56x128xf32, #tpu.memory_space<vmem>>, vector<16xf32>,
      tpu.vector_store %arg13[%swap3A_269, %swap3A_270, %swap3A_271], %broadcast_in_dim3A_34 {strides = array<i32>} : memref<3x56x128xf32, #tpu.memory_space<vmem>>, vector<16xf32>,
      %swap3A_273 = arith.constant 0 : i32
      %swap3A_274 = arith.index_cast %swap3A_273 : i32 to index
      %swap3A_275 = arith.index_cast %add3A_243 : i32 to index
      %swap3A_276 = arith.constant 96 : index
      %swap3A_277 = tpu.vector_load %arg13[%swap3A_274, %swap3A_275, %swap3A_276] {strides = array<i32>} : memref<3x56x128xf32, #tpu.memory_space<vmem>>, vector<16xf32>,
      tpu.vector_store %arg13[%swap3A_274, %swap3A_275, %swap3A_276], %broadcast_in_dim3A_34 {strides = array<i32>} : memref<3x56x128xf32, #tpu.memory_space<vmem>>, vector<16xf32>,
      %swap3A_278 = arith.constant 0 : i32
      %swap3A_279 = arith.index_cast %swap3A_278 : i32 to index
      %swap3A_280 = arith.index_cast %add3A_243 : i32 to index
      %swap3A_281 = arith.constant 112 : index
      %swap3A_282 = tpu.vector_load %arg13[%swap3A_279, %swap3A_280, %swap3A_281] {strides = array<i32>} : memref<3x56x128xf32, #tpu.memory_space<vmem>>, vector<16xf32>,
      tpu.vector_store %arg13[%swap3A_279, %swap3A_280, %swap3A_281], %broadcast_in_dim3A_34 {strides = array<i32>} : memref<3x56x128xf32, #tpu.memory_space<vmem>>, vector<16xf32>,
    }
    %scan3A_38 = arith.constant 56 : i32
    %mul3A_39 = arith.constant 632 : i32
    %mul3A_40 = arith.muli %arg1, %mul3A_39 : i32
    %add3A_41 = arith.constant 0 : i32
    %add3A_42 = arith.addi %mul3A_40, %add3A_41 : i32
    %run_scoped3A = arith.constant 0 : i32
    "tpu.region"() ({
      %run_scoped3A_239 = tpu.sem_alloc : memref<!tpu.dma_semaphore, #tpu.memory_space<semaphore_mem>>
      %dma_start3A_240 = arith.constant 0 : i32
      %dma_start3A_241 = arith.constant 0 : i32
      %dma_start3A_242 = tpu.memref_slice %arg13[%run_scoped3A, %dma_start3A_240, %dma_start3A_241] : memref<3x56x128xf32, #tpu.memory_space<vmem>> -> memref<1x56x128xf32, #tpu.memory_space<vmem>>
      %dma_start3A_243 = tpu.memref_squeeze %dma_start3A_242 : memref<1x56x128xf32, #tpu.memory_space<vmem>> -> memref<56x128xf32, #tpu.memory_space<vmem>>
      %dma_start3A_244 = arith.constant 0 : i32
      %dma_start3A_245 = tpu.memref_slice %arg9[%add3A_42, %dma_start3A_244] : memref<10112x128xf32, #tpu.memory_space<vmem_shared>> -> memref<56x128xf32, #tpu.memory_space<vmem_shared>>
      %dma_start3A_246 = arith.constant 0 : i32
      %dma_start3A_247 = tpu.memref_slice %arg9[%add3A_42, %dma_start3A_246] : memref<10112x128xf32, #tpu.memory_space<vmem_shared>> -> memref<56x128xf32, #tpu.memory_space<vmem_shared>>
      %dma_start3A_248 = arith.constant 0 : i32
      %dma_start3A_249 = arith.constant 0 : i32
      %dma_start3A_250 = tpu.memref_slice %arg13[%run_scoped3A, %dma_start3A_248, %dma_start3A_249] : memref<3x56x128xf32, #tpu.memory_space<vmem>> -> memref<1x56x128xf32, #tpu.memory_space<vmem>>
      %dma_start3A_251 = tpu.memref_squeeze %dma_start3A_250 : memref<1x56x128xf32, #tpu.memory_space<vmem>> -> memref<56x128xf32, #tpu.memory_space<vmem>>
      tpu.enqueue_dma source(%dma_start3A_251 : memref<56x128xf32, #tpu.memory_space<vmem>>) target(%dma_start3A_247 : memref<56x128xf32, #tpu.memory_space<vmem_shared>>) target_semaphore(%run_scoped3A_239 : memref<!tpu.dma_semaphore, #tpu.memory_space<semaphore_mem>>)
      %dma_wait3A_252 = arith.constant 0 : i32
      %dma_wait3A_253 = arith.constant 0 : i32
      %dma_wait3A_254 = tpu.memref_slice %arg13[%run_scoped3A, %dma_wait3A_252, %dma_wait3A_253] : memref<3x56x128xf32, #tpu.memory_space<vmem>> -> memref<1x56x128xf32, #tpu.memory_space<vmem>>
      %dma_wait3A_255 = tpu.memref_squeeze %dma_wait3A_254 : memref<1x56x128xf32, #tpu.memory_space<vmem>> -> memref<56x128xf32, #tpu.memory_space<vmem>>
      %dma_wait3A_256 = arith.constant 0 : i32
      %dma_wait3A_257 = tpu.memref_slice %arg9[%add3A_42, %dma_wait3A_256] : memref<10112x128xf32, #tpu.memory_space<vmem_shared>> -> memref<56x128xf32, #tpu.memory_space<vmem_shared>>
      %dma_wait3A_258 = arith.constant 0 : i32
      %dma_wait3A_259 = tpu.memref_slice %arg9[%add3A_42, %dma_wait3A_258] : memref<10112x128xf32, #tpu.memory_space<vmem_shared>> -> memref<56x128xf32, #tpu.memory_space<vmem_shared>>
      %dma_wait3A_260 = arith.constant 0 : i32
      %dma_wait3A_261 = arith.constant 0 : i32
      %dma_wait3A_262 = tpu.memref_slice %arg13[%run_scoped3A, %dma_wait3A_260, %dma_wait3A_261] : memref<3x56x128xf32, #tpu.memory_space<vmem>> -> memref<1x56x128xf32, #tpu.memory_space<vmem>>
      %dma_wait3A_263 = tpu.memref_squeeze %dma_wait3A_262 : memref<1x56x128xf32, #tpu.memory_space<vmem>> -> memref<56x128xf32, #tpu.memory_space<vmem>>
      tpu.wait_dma2 semaphore(%run_scoped3A_239 : memref<!tpu.dma_semaphore, #tpu.memory_space<semaphore_mem>>) src(%dma_wait3A_263 : memref<56x128xf32, #tpu.memory_space<vmem>>) dst(%dma_wait3A_259 : memref<56x128xf32, #tpu.memory_space<vmem_shared>>)
      tpu.yield
    }) : () -> ()
    %add3A_43 = arith.constant 56 : i32
    %add3A_44 = arith.addi %mul3A_40, %add3A_43 : i32
    %run_scoped3A_45 = arith.constant 0 : i32
    "tpu.region"() ({
      %run_scoped3A_239 = tpu.sem_alloc : memref<!tpu.dma_semaphore, #tpu.memory_space<semaphore_mem>>
      %dma_start3A_240 = arith.constant 0 : i32
      %dma_start3A_241 = arith.constant 0 : i32
      %dma_start3A_242 = tpu.memref_slice %arg13[%run_scoped3A_45, %dma_start3A_240, %dma_start3A_241] : memref<3x56x128xf32, #tpu.memory_space<vmem>> -> memref<1x56x128xf32, #tpu.memory_space<vmem>>
      %dma_start3A_243 = tpu.memref_squeeze %dma_start3A_242 : memref<1x56x128xf32, #tpu.memory_space<vmem>> -> memref<56x128xf32, #tpu.memory_space<vmem>>
      %dma_start3A_244 = arith.constant 0 : i32
      %dma_start3A_245 = tpu.memref_slice %arg9[%add3A_44, %dma_start3A_244] : memref<10112x128xf32, #tpu.memory_space<vmem_shared>> -> memref<56x128xf32, #tpu.memory_space<vmem_shared>>
      %dma_start3A_246 = arith.constant 0 : i32
      %dma_start3A_247 = tpu.memref_slice %arg9[%add3A_44, %dma_start3A_246] : memref<10112x128xf32, #tpu.memory_space<vmem_shared>> -> memref<56x128xf32, #tpu.memory_space<vmem_shared>>
      %dma_start3A_248 = arith.constant 0 : i32
      %dma_start3A_249 = arith.constant 0 : i32
      %dma_start3A_250 = tpu.memref_slice %arg13[%run_scoped3A_45, %dma_start3A_248, %dma_start3A_249] : memref<3x56x128xf32, #tpu.memory_space<vmem>> -> memref<1x56x128xf32, #tpu.memory_space<vmem>>
      %dma_start3A_251 = tpu.memref_squeeze %dma_start3A_250 : memref<1x56x128xf32, #tpu.memory_space<vmem>> -> memref<56x128xf32, #tpu.memory_space<vmem>>
      tpu.enqueue_dma source(%dma_start3A_251 : memref<56x128xf32, #tpu.memory_space<vmem>>) target(%dma_start3A_247 : memref<56x128xf32, #tpu.memory_space<vmem_shared>>) target_semaphore(%run_scoped3A_239 : memref<!tpu.dma_semaphore, #tpu.memory_space<semaphore_mem>>)
      %dma_wait3A_252 = arith.constant 0 : i32
      %dma_wait3A_253 = arith.constant 0 : i32
      %dma_wait3A_254 = tpu.memref_slice %arg13[%run_scoped3A_45, %dma_wait3A_252, %dma_wait3A_253] : memref<3x56x128xf32, #tpu.memory_space<vmem>> -> memref<1x56x128xf32, #tpu.memory_space<vmem>>
      %dma_wait3A_255 = tpu.memref_squeeze %dma_wait3A_254 : memref<1x56x128xf32, #tpu.memory_space<vmem>> -> memref<56x128xf32, #tpu.memory_space<vmem>>
      %dma_wait3A_256 = arith.constant 0 : i32
      %dma_wait3A_257 = tpu.memref_slice %arg9[%add3A_44, %dma_wait3A_256] : memref<10112x128xf32, #tpu.memory_space<vmem_shared>> -> memref<56x128xf32, #tpu.memory_space<vmem_shared>>
      %dma_wait3A_258 = arith.constant 0 : i32
      %dma_wait3A_259 = tpu.memref_slice %arg9[%add3A_44, %dma_wait3A_258] : memref<10112x128xf32, #tpu.memory_space<vmem_shared>> -> memref<56x128xf32, #tpu.memory_space<vmem_shared>>
      %dma_wait3A_260 = arith.constant 0 : i32
      %dma_wait3A_261 = arith.constant 0 : i32
      %dma_wait3A_262 = tpu.memref_slice %arg13[%run_scoped3A_45, %dma_wait3A_260, %dma_wait3A_261] : memref<3x56x128xf32, #tpu.memory_space<vmem>> -> memref<1x56x128xf32, #tpu.memory_space<vmem>>
      %dma_wait3A_263 = tpu.memref_squeeze %dma_wait3A_262 : memref<1x56x128xf32, #tpu.memory_space<vmem>> -> memref<56x128xf32, #tpu.memory_space<vmem>>
      tpu.wait_dma2 semaphore(%run_scoped3A_239 : memref<!tpu.dma_semaphore, #tpu.memory_space<semaphore_mem>>) src(%dma_wait3A_263 : memref<56x128xf32, #tpu.memory_space<vmem>>) dst(%dma_wait3A_259 : memref<56x128xf32, #tpu.memory_space<vmem_shared>>)
      tpu.yield
    }) : () -> ()
    %add3A_46 = arith.constant 112 : i32
    %add3A_47 = arith.addi %mul3A_40, %add3A_46 : i32
    %run_scoped3A_48 = arith.constant 0 : i32
    "tpu.region"() ({
      %run_scoped3A_239 = tpu.sem_alloc : memref<!tpu.dma_semaphore, #tpu.memory_space<semaphore_mem>>
      %dma_start3A_240 = arith.constant 0 : i32
      %dma_start3A_241 = arith.constant 0 : i32
      %dma_start3A_242 = tpu.memref_slice %arg13[%run_scoped3A_48, %dma_start3A_240, %dma_start3A_241] : memref<3x56x128xf32, #tpu.memory_space<vmem>> -> memref<1x56x128xf32, #tpu.memory_space<vmem>>
      %dma_start3A_243 = tpu.memref_squeeze %dma_start3A_242 : memref<1x56x128xf32, #tpu.memory_space<vmem>> -> memref<56x128xf32, #tpu.memory_space<vmem>>
      %dma_start3A_244 = arith.constant 0 : i32
      %dma_start3A_245 = tpu.memref_slice %arg9[%add3A_47, %dma_start3A_244] : memref<10112x128xf32, #tpu.memory_space<vmem_shared>> -> memref<56x128xf32, #tpu.memory_space<vmem_shared>>
      %dma_start3A_246 = arith.constant 0 : i32
      %dma_start3A_247 = tpu.memref_slice %arg9[%add3A_47, %dma_start3A_246] : memref<10112x128xf32, #tpu.memory_space<vmem_shared>> -> memref<56x128xf32, #tpu.memory_space<vmem_shared>>
      %dma_start3A_248 = arith.constant 0 : i32
      %dma_start3A_249 = arith.constant 0 : i32
      %dma_start3A_250 = tpu.memref_slice %arg13[%run_scoped3A_48, %dma_start3A_248, %dma_start3A_249] : memref<3x56x128xf32, #tpu.memory_space<vmem>> -> memref<1x56x128xf32, #tpu.memory_space<vmem>>
      %dma_start3A_251 = tpu.memref_squeeze %dma_start3A_250 : memref<1x56x128xf32, #tpu.memory_space<vmem>> -> memref<56x128xf32, #tpu.memory_space<vmem>>
      tpu.enqueue_dma source(%dma_start3A_251 : memref<56x128xf32, #tpu.memory_space<vmem>>) target(%dma_start3A_247 : memref<56x128xf32, #tpu.memory_space<vmem_shared>>) target_semaphore(%run_scoped3A_239 : memref<!tpu.dma_semaphore, #tpu.memory_space<semaphore_mem>>)
      %dma_wait3A_252 = arith.constant 0 : i32
      %dma_wait3A_253 = arith.constant 0 : i32
      %dma_wait3A_254 = tpu.memref_slice %arg13[%run_scoped3A_48, %dma_wait3A_252, %dma_wait3A_253] : memref<3x56x128xf32, #tpu.memory_space<vmem>> -> memref<1x56x128xf32, #tpu.memory_space<vmem>>
      %dma_wait3A_255 = tpu.memref_squeeze %dma_wait3A_254 : memref<1x56x128xf32, #tpu.memory_space<vmem>> -> memref<56x128xf32, #tpu.memory_space<vmem>>
      %dma_wait3A_256 = arith.constant 0 : i32
      %dma_wait3A_257 = tpu.memref_slice %arg9[%add3A_47, %dma_wait3A_256] : memref<10112x128xf32, #tpu.memory_space<vmem_shared>> -> memref<56x128xf32, #tpu.memory_space<vmem_shared>>
      %dma_wait3A_258 = arith.constant 0 : i32
      %dma_wait3A_259 = tpu.memref_slice %arg9[%add3A_47, %dma_wait3A_258] : memref<10112x128xf32, #tpu.memory_space<vmem_shared>> -> memref<56x128xf32, #tpu.memory_space<vmem_shared>>
      %dma_wait3A_260 = arith.constant 0 : i32
      %dma_wait3A_261 = arith.constant 0 : i32
      %dma_wait3A_262 = tpu.memref_slice %arg13[%run_scoped3A_48, %dma_wait3A_260, %dma_wait3A_261] : memref<3x56x128xf32, #tpu.memory_space<vmem>> -> memref<1x56x128xf32, #tpu.memory_space<vmem>>
      %dma_wait3A_263 = tpu.memref_squeeze %dma_wait3A_262 : memref<1x56x128xf32, #tpu.memory_space<vmem>> -> memref<56x128xf32, #tpu.memory_space<vmem>>
      tpu.wait_dma2 semaphore(%run_scoped3A_239 : memref<!tpu.dma_semaphore, #tpu.memory_space<semaphore_mem>>) src(%dma_wait3A_263 : memref<56x128xf32, #tpu.memory_space<vmem>>) dst(%dma_wait3A_259 : memref<56x128xf32, #tpu.memory_space<vmem_shared>>)
      tpu.yield
    }) : () -> ()
    %add3A_49 = arith.constant 168 : i32
    %add3A_50 = arith.addi %mul3A_40, %add3A_49 : i32
    %run_scoped3A_51 = arith.constant 0 : i32
    "tpu.region"() ({
      %run_scoped3A_239 = tpu.sem_alloc : memref<!tpu.dma_semaphore, #tpu.memory_space<semaphore_mem>>
      %dma_start3A_240 = arith.constant 0 : i32
      %dma_start3A_241 = arith.constant 0 : i32
      %dma_start3A_242 = tpu.memref_slice %arg13[%run_scoped3A_51, %dma_start3A_240, %dma_start3A_241] : memref<3x56x128xf32, #tpu.memory_space<vmem>> -> memref<1x56x128xf32, #tpu.memory_space<vmem>>
      %dma_start3A_243 = tpu.memref_squeeze %dma_start3A_242 : memref<1x56x128xf32, #tpu.memory_space<vmem>> -> memref<56x128xf32, #tpu.memory_space<vmem>>
      %dma_start3A_244 = arith.constant 0 : i32
      %dma_start3A_245 = tpu.memref_slice %arg9[%add3A_50, %dma_start3A_244] : memref<10112x128xf32, #tpu.memory_space<vmem_shared>> -> memref<56x128xf32, #tpu.memory_space<vmem_shared>>
      %dma_start3A_246 = arith.constant 0 : i32
      %dma_start3A_247 = tpu.memref_slice %arg9[%add3A_50, %dma_start3A_246] : memref<10112x128xf32, #tpu.memory_space<vmem_shared>> -> memref<56x128xf32, #tpu.memory_space<vmem_shared>>
      %dma_start3A_248 = arith.constant 0 : i32
      %dma_start3A_249 = arith.constant 0 : i32
      %dma_start3A_250 = tpu.memref_slice %arg13[%run_scoped3A_51, %dma_start3A_248, %dma_start3A_249] : memref<3x56x128xf32, #tpu.memory_space<vmem>> -> memref<1x56x128xf32, #tpu.memory_space<vmem>>
      %dma_start3A_251 = tpu.memref_squeeze %dma_start3A_250 : memref<1x56x128xf32, #tpu.memory_space<vmem>> -> memref<56x128xf32, #tpu.memory_space<vmem>>
      tpu.enqueue_dma source(%dma_start3A_251 : memref<56x128xf32, #tpu.memory_space<vmem>>) target(%dma_start3A_247 : memref<56x128xf32, #tpu.memory_space<vmem_shared>>) target_semaphore(%run_scoped3A_239 : memref<!tpu.dma_semaphore, #tpu.memory_space<semaphore_mem>>)
      %dma_wait3A_252 = arith.constant 0 : i32
      %dma_wait3A_253 = arith.constant 0 : i32
      %dma_wait3A_254 = tpu.memref_slice %arg13[%run_scoped3A_51, %dma_wait3A_252, %dma_wait3A_253] : memref<3x56x128xf32, #tpu.memory_space<vmem>> -> memref<1x56x128xf32, #tpu.memory_space<vmem>>
      %dma_wait3A_255 = tpu.memref_squeeze %dma_wait3A_254 : memref<1x56x128xf32, #tpu.memory_space<vmem>> -> memref<56x128xf32, #tpu.memory_space<vmem>>
      %dma_wait3A_256 = arith.constant 0 : i32
      %dma_wait3A_257 = tpu.memref_slice %arg9[%add3A_50, %dma_wait3A_256] : memref<10112x128xf32, #tpu.memory_space<vmem_shared>> -> memref<56x128xf32, #tpu.memory_space<vmem_shared>>
      %dma_wait3A_258 = arith.constant 0 : i32
      %dma_wait3A_259 = tpu.memref_slice %arg9[%add3A_50, %dma_wait3A_258] : memref<10112x128xf32, #tpu.memory_space<vmem_shared>> -> memref<56x128xf32, #tpu.memory_space<vmem_shared>>
      %dma_wait3A_260 = arith.constant 0 : i32
      %dma_wait3A_261 = arith.constant 0 : i32
      %dma_wait3A_262 = tpu.memref_slice %arg13[%run_scoped3A_51, %dma_wait3A_260, %dma_wait3A_261] : memref<3x56x128xf32, #tpu.memory_space<vmem>> -> memref<1x56x128xf32, #tpu.memory_space<vmem>>
      %dma_wait3A_263 = tpu.memref_squeeze %dma_wait3A_262 : memref<1x56x128xf32, #tpu.memory_space<vmem>> -> memref<56x128xf32, #tpu.memory_space<vmem>>
      tpu.wait_dma2 semaphore(%run_scoped3A_239 : memref<!tpu.dma_semaphore, #tpu.memory_space<semaphore_mem>>) src(%dma_wait3A_263 : memref<56x128xf32, #tpu.memory_space<vmem>>) dst(%dma_wait3A_259 : memref<56x128xf32, #tpu.memory_space<vmem_shared>>)
      tpu.yield
    }) : () -> ()
    %add3A_52 = arith.constant 224 : i32
    %add3A_53 = arith.addi %mul3A_40, %add3A_52 : i32
    %run_scoped3A_54 = arith.constant 0 : i32
    "tpu.region"() ({
      %run_scoped3A_239 = tpu.sem_alloc : memref<!tpu.dma_semaphore, #tpu.memory_space<semaphore_mem>>
      %dma_start3A_240 = arith.constant 0 : i32
      %dma_start3A_241 = arith.constant 0 : i32
      %dma_start3A_242 = tpu.memref_slice %arg13[%run_scoped3A_54, %dma_start3A_240, %dma_start3A_241] : memref<3x56x128xf32, #tpu.memory_space<vmem>> -> memref<1x56x128xf32, #tpu.memory_space<vmem>>
      %dma_start3A_243 = tpu.memref_squeeze %dma_start3A_242 : memref<1x56x128xf32, #tpu.memory_space<vmem>> -> memref<56x128xf32, #tpu.memory_space<vmem>>
      %dma_start3A_244 = arith.constant 0 : i32
      %dma_start3A_245 = tpu.memref_slice %arg9[%add3A_53, %dma_start3A_244] : memref<10112x128xf32, #tpu.memory_space<vmem_shared>> -> memref<56x128xf32, #tpu.memory_space<vmem_shared>>
      %dma_start3A_246 = arith.constant 0 : i32
      %dma_start3A_247 = tpu.memref_slice %arg9[%add3A_53, %dma_start3A_246] : memref<10112x128xf32, #tpu.memory_space<vmem_shared>> -> memref<56x128xf32, #tpu.memory_space<vmem_shared>>
      %dma_start3A_248 = arith.constant 0 : i32
      %dma_start3A_249 = arith.constant 0 : i32
      %dma_start3A_250 = tpu.memref_slice %arg13[%run_scoped3A_54, %dma_start3A_248, %dma_start3A_249] : memref<3x56x128xf32, #tpu.memory_space<vmem>> -> memref<1x56x128xf32, #tpu.memory_space<vmem>>
      %dma_start3A_251 = tpu.memref_squeeze %dma_start3A_250 : memref<1x56x128xf32, #tpu.memory_space<vmem>> -> memref<56x128xf32, #tpu.memory_space<vmem>>
      tpu.enqueue_dma source(%dma_start3A_251 : memref<56x128xf32, #tpu.memory_space<vmem>>) target(%dma_start3A_247 : memref<56x128xf32, #tpu.memory_space<vmem_shared>>) target_semaphore(%run_scoped3A_239 : memref<!tpu.dma_semaphore, #tpu.memory_space<semaphore_mem>>)
      %dma_wait3A_252 = arith.constant 0 : i32
      %dma_wait3A_253 = arith.constant 0 : i32
      %dma_wait3A_254 = tpu.memref_slice %arg13[%run_scoped3A_54, %dma_wait3A_252, %dma_wait3A_253] : memref<3x56x128xf32, #tpu.memory_space<vmem>> -> memref<1x56x128xf32, #tpu.memory_space<vmem>>
      %dma_wait3A_255 = tpu.memref_squeeze %dma_wait3A_254 : memref<1x56x128xf32, #tpu.memory_space<vmem>> -> memref<56x128xf32, #tpu.memory_space<vmem>>
      %dma_wait3A_256 = arith.constant 0 : i32
      %dma_wait3A_257 = tpu.memref_slice %arg9[%add3A_53, %dma_wait3A_256] : memref<10112x128xf32, #tpu.memory_space<vmem_shared>> -> memref<56x128xf32, #tpu.memory_space<vmem_shared>>
      %dma_wait3A_258 = arith.constant 0 : i32
      %dma_wait3A_259 = tpu.memref_slice %arg9[%add3A_53, %dma_wait3A_258] : memref<10112x128xf32, #tpu.memory_space<vmem_shared>> -> memref<56x128xf32, #tpu.memory_space<vmem_shared>>
      %dma_wait3A_260 = arith.constant 0 : i32
      %dma_wait3A_261 = arith.constant 0 : i32
      %dma_wait3A_262 = tpu.memref_slice %arg13[%run_scoped3A_54, %dma_wait3A_260, %dma_wait3A_261] : memref<3x56x128xf32, #tpu.memory_space<vmem>> -> memref<1x56x128xf32, #tpu.memory_space<vmem>>
      %dma_wait3A_263 = tpu.memref_squeeze %dma_wait3A_262 : memref<1x56x128xf32, #tpu.memory_space<vmem>> -> memref<56x128xf32, #tpu.memory_space<vmem>>
      tpu.wait_dma2 semaphore(%run_scoped3A_239 : memref<!tpu.dma_semaphore, #tpu.memory_space<semaphore_mem>>) src(%dma_wait3A_263 : memref<56x128xf32, #tpu.memory_space<vmem>>) dst(%dma_wait3A_259 : memref<56x128xf32, #tpu.memory_space<vmem_shared>>)
      tpu.yield
    }) : () -> ()
    %add3A_55 = arith.constant 280 : i32
    %add3A_56 = arith.addi %mul3A_40, %add3A_55 : i32
    %run_scoped3A_57 = arith.constant 0 : i32
    "tpu.region"() ({
      %run_scoped3A_239 = tpu.sem_alloc : memref<!tpu.dma_semaphore, #tpu.memory_space<semaphore_mem>>
      %dma_start3A_240 = arith.constant 0 : i32
      %dma_start3A_241 = arith.constant 0 : i32
      %dma_start3A_242 = tpu.memref_slice %arg13[%run_scoped3A_57, %dma_start3A_240, %dma_start3A_241] : memref<3x56x128xf32, #tpu.memory_space<vmem>> -> memref<1x56x128xf32, #tpu.memory_space<vmem>>
      %dma_start3A_243 = tpu.memref_squeeze %dma_start3A_242 : memref<1x56x128xf32, #tpu.memory_space<vmem>> -> memref<56x128xf32, #tpu.memory_space<vmem>>
      %dma_start3A_244 = arith.constant 0 : i32
      %dma_start3A_245 = tpu.memref_slice %arg9[%add3A_56, %dma_start3A_244] : memref<10112x128xf32, #tpu.memory_space<vmem_shared>> -> memref<56x128xf32, #tpu.memory_space<vmem_shared>>
      %dma_start3A_246 = arith.constant 0 : i32
      %dma_start3A_247 = tpu.memref_slice %arg9[%add3A_56, %dma_start3A_246] : memref<10112x128xf32, #tpu.memory_space<vmem_shared>> -> memref<56x128xf32, #tpu.memory_space<vmem_shared>>
      %dma_start3A_248 = arith.constant 0 : i32
      %dma_start3A_249 = arith.constant 0 : i32
      %dma_start3A_250 = tpu.memref_slice %arg13[%run_scoped3A_57, %dma_start3A_248, %dma_start3A_249] : memref<3x56x128xf32, #tpu.memory_space<vmem>> -> memref<1x56x128xf32, #tpu.memory_space<vmem>>
      %dma_start3A_251 = tpu.memref_squeeze %dma_start3A_250 : memref<1x56x128xf32, #tpu.memory_space<vmem>> -> memref<56x128xf32, #tpu.memory_space<vmem>>
      tpu.enqueue_dma source(%dma_start3A_251 : memref<56x128xf32, #tpu.memory_space<vmem>>) target(%dma_start3A_247 : memref<56x128xf32, #tpu.memory_space<vmem_shared>>) target_semaphore(%run_scoped3A_239 : memref<!tpu.dma_semaphore, #tpu.memory_space<semaphore_mem>>)
      %dma_wait3A_252 = arith.constant 0 : i32
      %dma_wait3A_253 = arith.constant 0 : i32
      %dma_wait3A_254 = tpu.memref_slice %arg13[%run_scoped3A_57, %dma_wait3A_252, %dma_wait3A_253] : memref<3x56x128xf32, #tpu.memory_space<vmem>> -> memref<1x56x128xf32, #tpu.memory_space<vmem>>
      %dma_wait3A_255 = tpu.memref_squeeze %dma_wait3A_254 : memref<1x56x128xf32, #tpu.memory_space<vmem>> -> memref<56x128xf32, #tpu.memory_space<vmem>>
      %dma_wait3A_256 = arith.constant 0 : i32
      %dma_wait3A_257 = tpu.memref_slice %arg9[%add3A_56, %dma_wait3A_256] : memref<10112x128xf32, #tpu.memory_space<vmem_shared>> -> memref<56x128xf32, #tpu.memory_space<vmem_shared>>
      %dma_wait3A_258 = arith.constant 0 : i32
      %dma_wait3A_259 = tpu.memref_slice %arg9[%add3A_56, %dma_wait3A_258] : memref<10112x128xf32, #tpu.memory_space<vmem_shared>> -> memref<56x128xf32, #tpu.memory_space<vmem_shared>>
      %dma_wait3A_260 = arith.constant 0 : i32
      %dma_wait3A_261 = arith.constant 0 : i32
      %dma_wait3A_262 = tpu.memref_slice %arg13[%run_scoped3A_57, %dma_wait3A_260, %dma_wait3A_261] : memref<3x56x128xf32, #tpu.memory_space<vmem>> -> memref<1x56x128xf32, #tpu.memory_space<vmem>>
      %dma_wait3A_263 = tpu.memref_squeeze %dma_wait3A_262 : memref<1x56x128xf32, #tpu.memory_space<vmem>> -> memref<56x128xf32, #tpu.memory_space<vmem>>
      tpu.wait_dma2 semaphore(%run_scoped3A_239 : memref<!tpu.dma_semaphore, #tpu.memory_space<semaphore_mem>>) src(%dma_wait3A_263 : memref<56x128xf32, #tpu.memory_space<vmem>>) dst(%dma_wait3A_259 : memref<56x128xf32, #tpu.memory_space<vmem_shared>>)
      tpu.yield
    }) : () -> ()
    %add3A_58 = arith.constant 336 : i32
    %add3A_59 = arith.addi %mul3A_40, %add3A_58 : i32
    %run_scoped3A_60 = arith.constant 0 : i32
    "tpu.region"() ({
      %run_scoped3A_239 = tpu.sem_alloc : memref<!tpu.dma_semaphore, #tpu.memory_space<semaphore_mem>>
      %dma_start3A_240 = arith.constant 0 : i32
      %dma_start3A_241 = arith.constant 0 : i32
      %dma_start3A_242 = tpu.memref_slice %arg13[%run_scoped3A_60, %dma_start3A_240, %dma_start3A_241] : memref<3x56x128xf32, #tpu.memory_space<vmem>> -> memref<1x56x128xf32, #tpu.memory_space<vmem>>
      %dma_start3A_243 = tpu.memref_squeeze %dma_start3A_242 : memref<1x56x128xf32, #tpu.memory_space<vmem>> -> memref<56x128xf32, #tpu.memory_space<vmem>>
      %dma_start3A_244 = arith.constant 0 : i32
      %dma_start3A_245 = tpu.memref_slice %arg9[%add3A_59, %dma_start3A_244] : memref<10112x128xf32, #tpu.memory_space<vmem_shared>> -> memref<56x128xf32, #tpu.memory_space<vmem_shared>>
      %dma_start3A_246 = arith.constant 0 : i32
      %dma_start3A_247 = tpu.memref_slice %arg9[%add3A_59, %dma_start3A_246] : memref<10112x128xf32, #tpu.memory_space<vmem_shared>> -> memref<56x128xf32, #tpu.memory_space<vmem_shared>>
      %dma_start3A_248 = arith.constant 0 : i32
      %dma_start3A_249 = arith.constant 0 : i32
      %dma_start3A_250 = tpu.memref_slice %arg13[%run_scoped3A_60, %dma_start3A_248, %dma_start3A_249] : memref<3x56x128xf32, #tpu.memory_space<vmem>> -> memref<1x56x128xf32, #tpu.memory_space<vmem>>
      %dma_start3A_251 = tpu.memref_squeeze %dma_start3A_250 : memref<1x56x128xf32, #tpu.memory_space<vmem>> -> memref<56x128xf32, #tpu.memory_space<vmem>>
      tpu.enqueue_dma source(%dma_start3A_251 : memref<56x128xf32, #tpu.memory_space<vmem>>) target(%dma_start3A_247 : memref<56x128xf32, #tpu.memory_space<vmem_shared>>) target_semaphore(%run_scoped3A_239 : memref<!tpu.dma_semaphore, #tpu.memory_space<semaphore_mem>>)
      %dma_wait3A_252 = arith.constant 0 : i32
      %dma_wait3A_253 = arith.constant 0 : i32
      %dma_wait3A_254 = tpu.memref_slice %arg13[%run_scoped3A_60, %dma_wait3A_252, %dma_wait3A_253] : memref<3x56x128xf32, #tpu.memory_space<vmem>> -> memref<1x56x128xf32, #tpu.memory_space<vmem>>
      %dma_wait3A_255 = tpu.memref_squeeze %dma_wait3A_254 : memref<1x56x128xf32, #tpu.memory_space<vmem>> -> memref<56x128xf32, #tpu.memory_space<vmem>>
      %dma_wait3A_256 = arith.constant 0 : i32
      %dma_wait3A_257 = tpu.memref_slice %arg9[%add3A_59, %dma_wait3A_256] : memref<10112x128xf32, #tpu.memory_space<vmem_shared>> -> memref<56x128xf32, #tpu.memory_space<vmem_shared>>
      %dma_wait3A_258 = arith.constant 0 : i32
      %dma_wait3A_259 = tpu.memref_slice %arg9[%add3A_59, %dma_wait3A_258] : memref<10112x128xf32, #tpu.memory_space<vmem_shared>> -> memref<56x128xf32, #tpu.memory_space<vmem_shared>>
      %dma_wait3A_260 = arith.constant 0 : i32
      %dma_wait3A_261 = arith.constant 0 : i32
      %dma_wait3A_262 = tpu.memref_slice %arg13[%run_scoped3A_60, %dma_wait3A_260, %dma_wait3A_261] : memref<3x56x128xf32, #tpu.memory_space<vmem>> -> memref<1x56x128xf32, #tpu.memory_space<vmem>>
      %dma_wait3A_263 = tpu.memref_squeeze %dma_wait3A_262 : memref<1x56x128xf32, #tpu.memory_space<vmem>> -> memref<56x128xf32, #tpu.memory_space<vmem>>
      tpu.wait_dma2 semaphore(%run_scoped3A_239 : memref<!tpu.dma_semaphore, #tpu.memory_space<semaphore_mem>>) src(%dma_wait3A_263 : memref<56x128xf32, #tpu.memory_space<vmem>>) dst(%dma_wait3A_259 : memref<56x128xf32, #tpu.memory_space<vmem_shared>>)
      tpu.yield
    }) : () -> ()
    %add3A_61 = arith.constant 392 : i32
    %add3A_62 = arith.addi %mul3A_40, %add3A_61 : i32
    %run_scoped3A_63 = arith.constant 0 : i32
    "tpu.region"() ({
      %run_scoped3A_239 = tpu.sem_alloc : memref<!tpu.dma_semaphore, #tpu.memory_space<semaphore_mem>>
      %dma_start3A_240 = arith.constant 0 : i32
      %dma_start3A_241 = arith.constant 0 : i32
      %dma_start3A_242 = tpu.memref_slice %arg13[%run_scoped3A_63, %dma_start3A_240, %dma_start3A_241] : memref<3x56x128xf32, #tpu.memory_space<vmem>> -> memref<1x56x128xf32, #tpu.memory_space<vmem>>
      %dma_start3A_243 = tpu.memref_squeeze %dma_start3A_242 : memref<1x56x128xf32, #tpu.memory_space<vmem>> -> memref<56x128xf32, #tpu.memory_space<vmem>>
      %dma_start3A_244 = arith.constant 0 : i32
      %dma_start3A_245 = tpu.memref_slice %arg9[%add3A_62, %dma_start3A_244] : memref<10112x128xf32, #tpu.memory_space<vmem_shared>> -> memref<56x128xf32, #tpu.memory_space<vmem_shared>>
      %dma_start3A_246 = arith.constant 0 : i32
      %dma_start3A_247 = tpu.memref_slice %arg9[%add3A_62, %dma_start3A_246] : memref<10112x128xf32, #tpu.memory_space<vmem_shared>> -> memref<56x128xf32, #tpu.memory_space<vmem_shared>>
      %dma_start3A_248 = arith.constant 0 : i32
      %dma_start3A_249 = arith.constant 0 : i32
      %dma_start3A_250 = tpu.memref_slice %arg13[%run_scoped3A_63, %dma_start3A_248, %dma_start3A_249] : memref<3x56x128xf32, #tpu.memory_space<vmem>> -> memref<1x56x128xf32, #tpu.memory_space<vmem>>
      %dma_start3A_251 = tpu.memref_squeeze %dma_start3A_250 : memref<1x56x128xf32, #tpu.memory_space<vmem>> -> memref<56x128xf32, #tpu.memory_space<vmem>>
      tpu.enqueue_dma source(%dma_start3A_251 : memref<56x128xf32, #tpu.memory_space<vmem>>) target(%dma_start3A_247 : memref<56x128xf32, #tpu.memory_space<vmem_shared>>) target_semaphore(%run_scoped3A_239 : memref<!tpu.dma_semaphore, #tpu.memory_space<semaphore_mem>>)
      %dma_wait3A_252 = arith.constant 0 : i32
      %dma_wait3A_253 = arith.constant 0 : i32
      %dma_wait3A_254 = tpu.memref_slice %arg13[%run_scoped3A_63, %dma_wait3A_252, %dma_wait3A_253] : memref<3x56x128xf32, #tpu.memory_space<vmem>> -> memref<1x56x128xf32, #tpu.memory_space<vmem>>
      %dma_wait3A_255 = tpu.memref_squeeze %dma_wait3A_254 : memref<1x56x128xf32, #tpu.memory_space<vmem>> -> memref<56x128xf32, #tpu.memory_space<vmem>>
      %dma_wait3A_256 = arith.constant 0 : i32
      %dma_wait3A_257 = tpu.memref_slice %arg9[%add3A_62, %dma_wait3A_256] : memref<10112x128xf32, #tpu.memory_space<vmem_shared>> -> memref<56x128xf32, #tpu.memory_space<vmem_shared>>
      %dma_wait3A_258 = arith.constant 0 : i32
      %dma_wait3A_259 = tpu.memref_slice %arg9[%add3A_62, %dma_wait3A_258] : memref<10112x128xf32, #tpu.memory_space<vmem_shared>> -> memref<56x128xf32, #tpu.memory_space<vmem_shared>>
      %dma_wait3A_260 = arith.constant 0 : i32
      %dma_wait3A_261 = arith.constant 0 : i32
      %dma_wait3A_262 = tpu.memref_slice %arg13[%run_scoped3A_63, %dma_wait3A_260, %dma_wait3A_261] : memref<3x56x128xf32, #tpu.memory_space<vmem>> -> memref<1x56x128xf32, #tpu.memory_space<vmem>>
      %dma_wait3A_263 = tpu.memref_squeeze %dma_wait3A_262 : memref<1x56x128xf32, #tpu.memory_space<vmem>> -> memref<56x128xf32, #tpu.memory_space<vmem>>
      tpu.wait_dma2 semaphore(%run_scoped3A_239 : memref<!tpu.dma_semaphore, #tpu.memory_space<semaphore_mem>>) src(%dma_wait3A_263 : memref<56x128xf32, #tpu.memory_space<vmem>>) dst(%dma_wait3A_259 : memref<56x128xf32, #tpu.memory_space<vmem_shared>>)
      tpu.yield
    }) : () -> ()
    %add3A_64 = arith.constant 448 : i32
    %add3A_65 = arith.addi %mul3A_40, %add3A_64 : i32
    %run_scoped3A_66 = arith.constant 0 : i32
    "tpu.region"() ({
      %run_scoped3A_239 = tpu.sem_alloc : memref<!tpu.dma_semaphore, #tpu.memory_space<semaphore_mem>>
      %dma_start3A_240 = arith.constant 0 : i32
      %dma_start3A_241 = arith.constant 0 : i32
      %dma_start3A_242 = tpu.memref_slice %arg13[%run_scoped3A_66, %dma_start3A_240, %dma_start3A_241] : memref<3x56x128xf32, #tpu.memory_space<vmem>> -> memref<1x56x128xf32, #tpu.memory_space<vmem>>
      %dma_start3A_243 = tpu.memref_squeeze %dma_start3A_242 : memref<1x56x128xf32, #tpu.memory_space<vmem>> -> memref<56x128xf32, #tpu.memory_space<vmem>>
      %dma_start3A_244 = arith.constant 0 : i32
      %dma_start3A_245 = tpu.memref_slice %arg9[%add3A_65, %dma_start3A_244] : memref<10112x128xf32, #tpu.memory_space<vmem_shared>> -> memref<56x128xf32, #tpu.memory_space<vmem_shared>>
      %dma_start3A_246 = arith.constant 0 : i32
      %dma_start3A_247 = tpu.memref_slice %arg9[%add3A_65, %dma_start3A_246] : memref<10112x128xf32, #tpu.memory_space<vmem_shared>> -> memref<56x128xf32, #tpu.memory_space<vmem_shared>>
      %dma_start3A_248 = arith.constant 0 : i32
      %dma_start3A_249 = arith.constant 0 : i32
      %dma_start3A_250 = tpu.memref_slice %arg13[%run_scoped3A_66, %dma_start3A_248, %dma_start3A_249] : memref<3x56x128xf32, #tpu.memory_space<vmem>> -> memref<1x56x128xf32, #tpu.memory_space<vmem>>
      %dma_start3A_251 = tpu.memref_squeeze %dma_start3A_250 : memref<1x56x128xf32, #tpu.memory_space<vmem>> -> memref<56x128xf32, #tpu.memory_space<vmem>>
      tpu.enqueue_dma source(%dma_start3A_251 : memref<56x128xf32, #tpu.memory_space<vmem>>) target(%dma_start3A_247 : memref<56x128xf32, #tpu.memory_space<vmem_shared>>) target_semaphore(%run_scoped3A_239 : memref<!tpu.dma_semaphore, #tpu.memory_space<semaphore_mem>>)
      %dma_wait3A_252 = arith.constant 0 : i32
      %dma_wait3A_253 = arith.constant 0 : i32
      %dma_wait3A_254 = tpu.memref_slice %arg13[%run_scoped3A_66, %dma_wait3A_252, %dma_wait3A_253] : memref<3x56x128xf32, #tpu.memory_space<vmem>> -> memref<1x56x128xf32, #tpu.memory_space<vmem>>
      %dma_wait3A_255 = tpu.memref_squeeze %dma_wait3A_254 : memref<1x56x128xf32, #tpu.memory_space<vmem>> -> memref<56x128xf32, #tpu.memory_space<vmem>>
      %dma_wait3A_256 = arith.constant 0 : i32
      %dma_wait3A_257 = tpu.memref_slice %arg9[%add3A_65, %dma_wait3A_256] : memref<10112x128xf32, #tpu.memory_space<vmem_shared>> -> memref<56x128xf32, #tpu.memory_space<vmem_shared>>
      %dma_wait3A_258 = arith.constant 0 : i32
      %dma_wait3A_259 = tpu.memref_slice %arg9[%add3A_65, %dma_wait3A_258] : memref<10112x128xf32, #tpu.memory_space<vmem_shared>> -> memref<56x128xf32, #tpu.memory_space<vmem_shared>>
      %dma_wait3A_260 = arith.constant 0 : i32
      %dma_wait3A_261 = arith.constant 0 : i32
      %dma_wait3A_262 = tpu.memref_slice %arg13[%run_scoped3A_66, %dma_wait3A_260, %dma_wait3A_261] : memref<3x56x128xf32, #tpu.memory_space<vmem>> -> memref<1x56x128xf32, #tpu.memory_space<vmem>>
      %dma_wait3A_263 = tpu.memref_squeeze %dma_wait3A_262 : memref<1x56x128xf32, #tpu.memory_space<vmem>> -> memref<56x128xf32, #tpu.memory_space<vmem>>
      tpu.wait_dma2 semaphore(%run_scoped3A_239 : memref<!tpu.dma_semaphore, #tpu.memory_space<semaphore_mem>>) src(%dma_wait3A_263 : memref<56x128xf32, #tpu.memory_space<vmem>>) dst(%dma_wait3A_259 : memref<56x128xf32, #tpu.memory_space<vmem_shared>>)
      tpu.yield
    }) : () -> ()
    %add3A_67 = arith.constant 504 : i32
    %add3A_68 = arith.addi %mul3A_40, %add3A_67 : i32
    %run_scoped3A_69 = arith.constant 0 : i32
    "tpu.region"() ({
      %run_scoped3A_239 = tpu.sem_alloc : memref<!tpu.dma_semaphore, #tpu.memory_space<semaphore_mem>>
      %dma_start3A_240 = arith.constant 0 : i32
      %dma_start3A_241 = arith.constant 0 : i32
      %dma_start3A_242 = tpu.memref_slice %arg13[%run_scoped3A_69, %dma_start3A_240, %dma_start3A_241] : memref<3x56x128xf32, #tpu.memory_space<vmem>> -> memref<1x56x128xf32, #tpu.memory_space<vmem>>
      %dma_start3A_243 = tpu.memref_squeeze %dma_start3A_242 : memref<1x56x128xf32, #tpu.memory_space<vmem>> -> memref<56x128xf32, #tpu.memory_space<vmem>>
      %dma_start3A_244 = arith.constant 0 : i32
      %dma_start3A_245 = tpu.memref_slice %arg9[%add3A_68, %dma_start3A_244] : memref<10112x128xf32, #tpu.memory_space<vmem_shared>> -> memref<56x128xf32, #tpu.memory_space<vmem_shared>>
      %dma_start3A_246 = arith.constant 0 : i32
      %dma_start3A_247 = tpu.memref_slice %arg9[%add3A_68, %dma_start3A_246] : memref<10112x128xf32, #tpu.memory_space<vmem_shared>> -> memref<56x128xf32, #tpu.memory_space<vmem_shared>>
      %dma_start3A_248 = arith.constant 0 : i32
      %dma_start3A_249 = arith.constant 0 : i32
      %dma_start3A_250 = tpu.memref_slice %arg13[%run_scoped3A_69, %dma_start3A_248, %dma_start3A_249] : memref<3x56x128xf32, #tpu.memory_space<vmem>> -> memref<1x56x128xf32, #tpu.memory_space<vmem>>
      %dma_start3A_251 = tpu.memref_squeeze %dma_start3A_250 : memref<1x56x128xf32, #tpu.memory_space<vmem>> -> memref<56x128xf32, #tpu.memory_space<vmem>>
      tpu.enqueue_dma source(%dma_start3A_251 : memref<56x128xf32, #tpu.memory_space<vmem>>) target(%dma_start3A_247 : memref<56x128xf32, #tpu.memory_space<vmem_shared>>) target_semaphore(%run_scoped3A_239 : memref<!tpu.dma_semaphore, #tpu.memory_space<semaphore_mem>>)
      %dma_wait3A_252 = arith.constant 0 : i32
      %dma_wait3A_253 = arith.constant 0 : i32
      %dma_wait3A_254 = tpu.memref_slice %arg13[%run_scoped3A_69, %dma_wait3A_252, %dma_wait3A_253] : memref<3x56x128xf32, #tpu.memory_space<vmem>> -> memref<1x56x128xf32, #tpu.memory_space<vmem>>
      %dma_wait3A_255 = tpu.memref_squeeze %dma_wait3A_254 : memref<1x56x128xf32, #tpu.memory_space<vmem>> -> memref<56x128xf32, #tpu.memory_space<vmem>>
      %dma_wait3A_256 = arith.constant 0 : i32
      %dma_wait3A_257 = tpu.memref_slice %arg9[%add3A_68, %dma_wait3A_256] : memref<10112x128xf32, #tpu.memory_space<vmem_shared>> -> memref<56x128xf32, #tpu.memory_space<vmem_shared>>
      %dma_wait3A_258 = arith.constant 0 : i32
      %dma_wait3A_259 = tpu.memref_slice %arg9[%add3A_68, %dma_wait3A_258] : memref<10112x128xf32, #tpu.memory_space<vmem_shared>> -> memref<56x128xf32, #tpu.memory_space<vmem_shared>>
      %dma_wait3A_260 = arith.constant 0 : i32
      %dma_wait3A_261 = arith.constant 0 : i32
      %dma_wait3A_262 = tpu.memref_slice %arg13[%run_scoped3A_69, %dma_wait3A_260, %dma_wait3A_261] : memref<3x56x128xf32, #tpu.memory_space<vmem>> -> memref<1x56x128xf32, #tpu.memory_space<vmem>>
      %dma_wait3A_263 = tpu.memref_squeeze %dma_wait3A_262 : memref<1x56x128xf32, #tpu.memory_space<vmem>> -> memref<56x128xf32, #tpu.memory_space<vmem>>
      tpu.wait_dma2 semaphore(%run_scoped3A_239 : memref<!tpu.dma_semaphore, #tpu.memory_space<semaphore_mem>>) src(%dma_wait3A_263 : memref<56x128xf32, #tpu.memory_space<vmem>>) dst(%dma_wait3A_259 : memref<56x128xf32, #tpu.memory_space<vmem_shared>>)
      tpu.yield
    }) : () -> ()
    %add3A_70 = arith.constant 560 : i32
    %add3A_71 = arith.addi %mul3A_40, %add3A_70 : i32
    %run_scoped3A_72 = arith.constant 0 : i32
    "tpu.region"() ({
      %run_scoped3A_239 = tpu.sem_alloc : memref<!tpu.dma_semaphore, #tpu.memory_space<semaphore_mem>>
      %dma_start3A_240 = arith.constant 0 : i32
      %dma_start3A_241 = arith.constant 0 : i32
      %dma_start3A_242 = tpu.memref_slice %arg13[%run_scoped3A_72, %dma_start3A_240, %dma_start3A_241] : memref<3x56x128xf32, #tpu.memory_space<vmem>> -> memref<1x56x128xf32, #tpu.memory_space<vmem>>
      %dma_start3A_243 = tpu.memref_squeeze %dma_start3A_242 : memref<1x56x128xf32, #tpu.memory_space<vmem>> -> memref<56x128xf32, #tpu.memory_space<vmem>>
      %dma_start3A_244 = arith.constant 0 : i32
      %dma_start3A_245 = tpu.memref_slice %arg9[%add3A_71, %dma_start3A_244] : memref<10112x128xf32, #tpu.memory_space<vmem_shared>> -> memref<56x128xf32, #tpu.memory_space<vmem_shared>>
      %dma_start3A_246 = arith.constant 0 : i32
      %dma_start3A_247 = tpu.memref_slice %arg9[%add3A_71, %dma_start3A_246] : memref<10112x128xf32, #tpu.memory_space<vmem_shared>> -> memref<56x128xf32, #tpu.memory_space<vmem_shared>>
      %dma_start3A_248 = arith.constant 0 : i32
      %dma_start3A_249 = arith.constant 0 : i32
      %dma_start3A_250 = tpu.memref_slice %arg13[%run_scoped3A_72, %dma_start3A_248, %dma_start3A_249] : memref<3x56x128xf32, #tpu.memory_space<vmem>> -> memref<1x56x128xf32, #tpu.memory_space<vmem>>
      %dma_start3A_251 = tpu.memref_squeeze %dma_start3A_250 : memref<1x56x128xf32, #tpu.memory_space<vmem>> -> memref<56x128xf32, #tpu.memory_space<vmem>>
      tpu.enqueue_dma source(%dma_start3A_251 : memref<56x128xf32, #tpu.memory_space<vmem>>) target(%dma_start3A_247 : memref<56x128xf32, #tpu.memory_space<vmem_shared>>) target_semaphore(%run_scoped3A_239 : memref<!tpu.dma_semaphore, #tpu.memory_space<semaphore_mem>>)
      %dma_wait3A_252 = arith.constant 0 : i32
      %dma_wait3A_253 = arith.constant 0 : i32
      %dma_wait3A_254 = tpu.memref_slice %arg13[%run_scoped3A_72, %dma_wait3A_252, %dma_wait3A_253] : memref<3x56x128xf32, #tpu.memory_space<vmem>> -> memref<1x56x128xf32, #tpu.memory_space<vmem>>
      %dma_wait3A_255 = tpu.memref_squeeze %dma_wait3A_254 : memref<1x56x128xf32, #tpu.memory_space<vmem>> -> memref<56x128xf32, #tpu.memory_space<vmem>>
      %dma_wait3A_256 = arith.constant 0 : i32
      %dma_wait3A_257 = tpu.memref_slice %arg9[%add3A_71, %dma_wait3A_256] : memref<10112x128xf32, #tpu.memory_space<vmem_shared>> -> memref<56x128xf32, #tpu.memory_space<vmem_shared>>
      %dma_wait3A_258 = arith.constant 0 : i32
      %dma_wait3A_259 = tpu.memref_slice %arg9[%add3A_71, %dma_wait3A_258] : memref<10112x128xf32, #tpu.memory_space<vmem_shared>> -> memref<56x128xf32, #tpu.memory_space<vmem_shared>>
      %dma_wait3A_260 = arith.constant 0 : i32
      %dma_wait3A_261 = arith.constant 0 : i32
      %dma_wait3A_262 = tpu.memref_slice %arg13[%run_scoped3A_72, %dma_wait3A_260, %dma_wait3A_261] : memref<3x56x128xf32, #tpu.memory_space<vmem>> -> memref<1x56x128xf32, #tpu.memory_space<vmem>>
      %dma_wait3A_263 = tpu.memref_squeeze %dma_wait3A_262 : memref<1x56x128xf32, #tpu.memory_space<vmem>> -> memref<56x128xf32, #tpu.memory_space<vmem>>
      tpu.wait_dma2 semaphore(%run_scoped3A_239 : memref<!tpu.dma_semaphore, #tpu.memory_space<semaphore_mem>>) src(%dma_wait3A_263 : memref<56x128xf32, #tpu.memory_space<vmem>>) dst(%dma_wait3A_259 : memref<56x128xf32, #tpu.memory_space<vmem_shared>>)
      tpu.yield
    }) : () -> ()
    %add3A_73 = arith.constant 616 : i32
    %add3A_74 = arith.addi %mul3A_40, %add3A_73 : i32
    %run_scoped3A_75 = arith.constant 0 : i32
    "tpu.region"() ({
      %run_scoped3A_239 = tpu.sem_alloc : memref<!tpu.dma_semaphore, #tpu.memory_space<semaphore_mem>>
      %dma_start3A_240 = arith.constant 0 : i32
      %dma_start3A_241 = arith.constant 0 : i32
      %dma_start3A_242 = tpu.memref_slice %arg13[%run_scoped3A_75, %dma_start3A_240, %dma_start3A_241] : memref<3x56x128xf32, #tpu.memory_space<vmem>> -> memref<1x16x128xf32, #tpu.memory_space<vmem>>
      %dma_start3A_243 = tpu.memref_squeeze %dma_start3A_242 : memref<1x16x128xf32, #tpu.memory_space<vmem>> -> memref<16x128xf32, #tpu.memory_space<vmem>>
      %dma_start3A_244 = arith.constant 0 : i32
      %dma_start3A_245 = tpu.memref_slice %arg9[%add3A_74, %dma_start3A_244] : memref<10112x128xf32, #tpu.memory_space<vmem_shared>> -> memref<16x128xf32, #tpu.memory_space<vmem_shared>>
      %dma_start3A_246 = arith.constant 0 : i32
      %dma_start3A_247 = tpu.memref_slice %arg9[%add3A_74, %dma_start3A_246] : memref<10112x128xf32, #tpu.memory_space<vmem_shared>> -> memref<16x128xf32, #tpu.memory_space<vmem_shared>>
      %dma_start3A_248 = arith.constant 0 : i32
      %dma_start3A_249 = arith.constant 0 : i32
      %dma_start3A_250 = tpu.memref_slice %arg13[%run_scoped3A_75, %dma_start3A_248, %dma_start3A_249] : memref<3x56x128xf32, #tpu.memory_space<vmem>> -> memref<1x16x128xf32, #tpu.memory_space<vmem>>
      %dma_start3A_251 = tpu.memref_squeeze %dma_start3A_250 : memref<1x16x128xf32, #tpu.memory_space<vmem>> -> memref<16x128xf32, #tpu.memory_space<vmem>>
      tpu.enqueue_dma source(%dma_start3A_251 : memref<16x128xf32, #tpu.memory_space<vmem>>) target(%dma_start3A_247 : memref<16x128xf32, #tpu.memory_space<vmem_shared>>) target_semaphore(%run_scoped3A_239 : memref<!tpu.dma_semaphore, #tpu.memory_space<semaphore_mem>>)
      %dma_wait3A_252 = arith.constant 0 : i32
      %dma_wait3A_253 = arith.constant 0 : i32
      %dma_wait3A_254 = tpu.memref_slice %arg13[%run_scoped3A_75, %dma_wait3A_252, %dma_wait3A_253] : memref<3x56x128xf32, #tpu.memory_space<vmem>> -> memref<1x16x128xf32, #tpu.memory_space<vmem>>
      %dma_wait3A_255 = tpu.memref_squeeze %dma_wait3A_254 : memref<1x16x128xf32, #tpu.memory_space<vmem>> -> memref<16x128xf32, #tpu.memory_space<vmem>>
      %dma_wait3A_256 = arith.constant 0 : i32
      %dma_wait3A_257 = tpu.memref_slice %arg9[%add3A_74, %dma_wait3A_256] : memref<10112x128xf32, #tpu.memory_space<vmem_shared>> -> memref<16x128xf32, #tpu.memory_space<vmem_shared>>
      %dma_wait3A_258 = arith.constant 0 : i32
      %dma_wait3A_259 = tpu.memref_slice %arg9[%add3A_74, %dma_wait3A_258] : memref<10112x128xf32, #tpu.memory_space<vmem_shared>> -> memref<16x128xf32, #tpu.memory_space<vmem_shared>>
      %dma_wait3A_260 = arith.constant 0 : i32
      %dma_wait3A_261 = arith.constant 0 : i32
      %dma_wait3A_262 = tpu.memref_slice %arg13[%run_scoped3A_75, %dma_wait3A_260, %dma_wait3A_261] : memref<3x56x128xf32, #tpu.memory_space<vmem>> -> memref<1x16x128xf32, #tpu.memory_space<vmem>>
      %dma_wait3A_263 = tpu.memref_squeeze %dma_wait3A_262 : memref<1x16x128xf32, #tpu.memory_space<vmem>> -> memref<16x128xf32, #tpu.memory_space<vmem>>
      tpu.wait_dma2 semaphore(%run_scoped3A_239 : memref<!tpu.dma_semaphore, #tpu.memory_space<semaphore_mem>>) src(%dma_wait3A_263 : memref<16x128xf32, #tpu.memory_space<vmem>>) dst(%dma_wait3A_259 : memref<16x128xf32, #tpu.memory_space<vmem_shared>>)
      tpu.yield
    }) : () -> ()
    %barrier3A = arith.constant 0 : index
    tpu.barrier barrier_id(%barrier3A)
    %add3A_76 = arith.constant 0 : i32
    %add3A_77 = arith.addi %add3A, %add3A_76 : i32
    %dma_start3A = arith.constant 0 : i32
    %dma_start3A_78 = arith.constant 0 : i32
    %dma_start3A_79 = arith.constant 0 : i32
    %dma_start3A_80 = tpu.memref_slice %arg10[%dma_start3A, %dma_start3A_79] : memref<3x56xi32, #tpu.memory_space<vmem>> -> memref<1x56xi32, #tpu.memory_space<vmem>>
    %dma_start3A_81 = tpu.memref_squeeze %dma_start3A_80 : memref<1x56xi32, #tpu.memory_space<vmem>> -> memref<56xi32, #tpu.memory_space<vmem>>
    %dma_start3A_82 = tpu.memref_slice %arg5[%add3A_77] : memref<322560xi32, #tpu.memory_space<hbm>> -> memref<56xi32, #tpu.memory_space<hbm>>
    %dma_start3A_83 = tpu.memref_slice %arg16[%dma_start3A_78] : memref<3x!tpu.dma_semaphore, #tpu.memory_space<semaphore_mem>> -> memref<1x!tpu.dma_semaphore, #tpu.memory_space<semaphore_mem>>
    %dma_start3A_84 = tpu.memref_squeeze %dma_start3A_83 : memref<1x!tpu.dma_semaphore, #tpu.memory_space<semaphore_mem>> -> memref<!tpu.dma_semaphore, #tpu.memory_space<semaphore_mem>>
    %dma_start3A_85 = arith.constant 0 : i32
    %dma_start3A_86 = tpu.memref_slice %arg10[%dma_start3A, %dma_start3A_85] : memref<3x56xi32, #tpu.memory_space<vmem>> -> memref<1x56xi32, #tpu.memory_space<vmem>>
    %dma_start3A_87 = tpu.memref_squeeze %dma_start3A_86 : memref<1x56xi32, #tpu.memory_space<vmem>> -> memref<56xi32, #tpu.memory_space<vmem>>
    %dma_start3A_88 = tpu.memref_slice %arg5[%add3A_77] : memref<322560xi32, #tpu.memory_space<hbm>> -> memref<56xi32, #tpu.memory_space<hbm>>
    tpu.enqueue_dma source(%dma_start3A_88 : memref<56xi32, #tpu.memory_space<hbm>>) target(%dma_start3A_87 : memref<56xi32, #tpu.memory_space<vmem>>) target_semaphore(%dma_start3A_84 : memref<!tpu.dma_semaphore, #tpu.memory_space<semaphore_mem>>)
    %dma_start3A_89 = arith.constant 0 : i32
    %dma_start3A_90 = arith.constant 0 : i32
    %dma_start3A_91 = arith.constant 0 : i32
    %dma_start3A_92 = tpu.memref_slice %arg11[%dma_start3A_89, %dma_start3A_91] : memref<3x56xi32, #tpu.memory_space<vmem>> -> memref<1x56xi32, #tpu.memory_space<vmem>>
    %dma_start3A_93 = tpu.memref_squeeze %dma_start3A_92 : memref<1x56xi32, #tpu.memory_space<vmem>> -> memref<56xi32, #tpu.memory_space<vmem>>
    %dma_start3A_94 = tpu.memref_slice %arg6[%add3A_77] : memref<322560xi32, #tpu.memory_space<hbm>> -> memref<56xi32, #tpu.memory_space<hbm>>
    %dma_start3A_95 = tpu.memref_slice %arg16[%dma_start3A_90] : memref<3x!tpu.dma_semaphore, #tpu.memory_space<semaphore_mem>> -> memref<1x!tpu.dma_semaphore, #tpu.memory_space<semaphore_mem>>
    %dma_start3A_96 = tpu.memref_squeeze %dma_start3A_95 : memref<1x!tpu.dma_semaphore, #tpu.memory_space<semaphore_mem>> -> memref<!tpu.dma_semaphore, #tpu.memory_space<semaphore_mem>>
    %dma_start3A_97 = arith.constant 0 : i32
    %dma_start3A_98 = tpu.memref_slice %arg11[%dma_start3A_89, %dma_start3A_97] : memref<3x56xi32, #tpu.memory_space<vmem>> -> memref<1x56xi32, #tpu.memory_space<vmem>>
    %dma_start3A_99 = tpu.memref_squeeze %dma_start3A_98 : memref<1x56xi32, #tpu.memory_space<vmem>> -> memref<56xi32, #tpu.memory_space<vmem>>
    %dma_start3A_100 = tpu.memref_slice %arg6[%add3A_77] : memref<322560xi32, #tpu.memory_space<hbm>> -> memref<56xi32, #tpu.memory_space<hbm>>
    tpu.enqueue_dma source(%dma_start3A_100 : memref<56xi32, #tpu.memory_space<hbm>>) target(%dma_start3A_99 : memref<56xi32, #tpu.memory_space<vmem>>) target_semaphore(%dma_start3A_96 : memref<!tpu.dma_semaphore, #tpu.memory_space<semaphore_mem>>)
    %dma_start3A_101 = arith.constant 0 : i32
    %dma_start3A_102 = arith.constant 0 : i32
    %dma_start3A_103 = arith.constant 0 : i32
    %dma_start3A_104 = tpu.memref_slice %arg12[%dma_start3A_101, %dma_start3A_103] : memref<3x56xf32, #tpu.memory_space<vmem>> -> memref<1x56xf32, #tpu.memory_space<vmem>>
    %dma_start3A_105 = tpu.memref_squeeze %dma_start3A_104 : memref<1x56xf32, #tpu.memory_space<vmem>> -> memref<56xf32, #tpu.memory_space<vmem>>
    %dma_start3A_106 = tpu.memref_slice %arg7[%add3A_77] : memref<322560xf32, #tpu.memory_space<hbm>> -> memref<56xf32, #tpu.memory_space<hbm>>
    %dma_start3A_107 = tpu.memref_slice %arg16[%dma_start3A_102] : memref<3x!tpu.dma_semaphore, #tpu.memory_space<semaphore_mem>> -> memref<1x!tpu.dma_semaphore, #tpu.memory_space<semaphore_mem>>
    %dma_start3A_108 = tpu.memref_squeeze %dma_start3A_107 : memref<1x!tpu.dma_semaphore, #tpu.memory_space<semaphore_mem>> -> memref<!tpu.dma_semaphore, #tpu.memory_space<semaphore_mem>>
    %dma_start3A_109 = arith.constant 0 : i32
    %dma_start3A_110 = tpu.memref_slice %arg12[%dma_start3A_101, %dma_start3A_109] : memref<3x56xf32, #tpu.memory_space<vmem>> -> memref<1x56xf32, #tpu.memory_space<vmem>>
    %dma_start3A_111 = tpu.memref_squeeze %dma_start3A_110 : memref<1x56xf32, #tpu.memory_space<vmem>> -> memref<56xf32, #tpu.memory_space<vmem>>
    %dma_start3A_112 = tpu.memref_slice %arg7[%add3A_77] : memref<322560xf32, #tpu.memory_space<hbm>> -> memref<56xf32, #tpu.memory_space<hbm>>
    tpu.enqueue_dma source(%dma_start3A_112 : memref<56xf32, #tpu.memory_space<hbm>>) target(%dma_start3A_111 : memref<56xf32, #tpu.memory_space<vmem>>) target_semaphore(%dma_start3A_108 : memref<!tpu.dma_semaphore, #tpu.memory_space<semaphore_mem>>)
    %add3A_113 = arith.constant 56 : i32
    %add3A_114 = arith.addi %add3A, %add3A_113 : i32
    %dma_start3A_115 = arith.constant 1 : i32
    %dma_start3A_116 = arith.constant 1 : i32
    %dma_start3A_117 = arith.constant 0 : i32
    %dma_start3A_118 = tpu.memref_slice %arg10[%dma_start3A_115, %dma_start3A_117] : memref<3x56xi32, #tpu.memory_space<vmem>> -> memref<1x56xi32, #tpu.memory_space<vmem>>
    %dma_start3A_119 = tpu.memref_squeeze %dma_start3A_118 : memref<1x56xi32, #tpu.memory_space<vmem>> -> memref<56xi32, #tpu.memory_space<vmem>>
    %dma_start3A_120 = tpu.memref_slice %arg5[%add3A_114] : memref<322560xi32, #tpu.memory_space<hbm>> -> memref<56xi32, #tpu.memory_space<hbm>>
    %dma_start3A_121 = tpu.memref_slice %arg16[%dma_start3A_116] : memref<3x!tpu.dma_semaphore, #tpu.memory_space<semaphore_mem>> -> memref<1x!tpu.dma_semaphore, #tpu.memory_space<semaphore_mem>>
    %dma_start3A_122 = tpu.memref_squeeze %dma_start3A_121 : memref<1x!tpu.dma_semaphore, #tpu.memory_space<semaphore_mem>> -> memref<!tpu.dma_semaphore, #tpu.memory_space<semaphore_mem>>
    %dma_start3A_123 = arith.constant 0 : i32
    %dma_start3A_124 = tpu.memref_slice %arg10[%dma_start3A_115, %dma_start3A_123] : memref<3x56xi32, #tpu.memory_space<vmem>> -> memref<1x56xi32, #tpu.memory_space<vmem>>
    %dma_start3A_125 = tpu.memref_squeeze %dma_start3A_124 : memref<1x56xi32, #tpu.memory_space<vmem>> -> memref<56xi32, #tpu.memory_space<vmem>>
    %dma_start3A_126 = tpu.memref_slice %arg5[%add3A_114] : memref<322560xi32, #tpu.memory_space<hbm>> -> memref<56xi32, #tpu.memory_space<hbm>>
    tpu.enqueue_dma source(%dma_start3A_126 : memref<56xi32, #tpu.memory_space<hbm>>) target(%dma_start3A_125 : memref<56xi32, #tpu.memory_space<vmem>>) target_semaphore(%dma_start3A_122 : memref<!tpu.dma_semaphore, #tpu.memory_space<semaphore_mem>>)
    %dma_start3A_127 = arith.constant 1 : i32
    %dma_start3A_128 = arith.constant 1 : i32
    %dma_start3A_129 = arith.constant 0 : i32
    %dma_start3A_130 = tpu.memref_slice %arg11[%dma_start3A_127, %dma_start3A_129] : memref<3x56xi32, #tpu.memory_space<vmem>> -> memref<1x56xi32, #tpu.memory_space<vmem>>
    %dma_start3A_131 = tpu.memref_squeeze %dma_start3A_130 : memref<1x56xi32, #tpu.memory_space<vmem>> -> memref<56xi32, #tpu.memory_space<vmem>>
    %dma_start3A_132 = tpu.memref_slice %arg6[%add3A_114] : memref<322560xi32, #tpu.memory_space<hbm>> -> memref<56xi32, #tpu.memory_space<hbm>>
    %dma_start3A_133 = tpu.memref_slice %arg16[%dma_start3A_128] : memref<3x!tpu.dma_semaphore, #tpu.memory_space<semaphore_mem>> -> memref<1x!tpu.dma_semaphore, #tpu.memory_space<semaphore_mem>>
    %dma_start3A_134 = tpu.memref_squeeze %dma_start3A_133 : memref<1x!tpu.dma_semaphore, #tpu.memory_space<semaphore_mem>> -> memref<!tpu.dma_semaphore, #tpu.memory_space<semaphore_mem>>
    %dma_start3A_135 = arith.constant 0 : i32
    %dma_start3A_136 = tpu.memref_slice %arg11[%dma_start3A_127, %dma_start3A_135] : memref<3x56xi32, #tpu.memory_space<vmem>> -> memref<1x56xi32, #tpu.memory_space<vmem>>
    %dma_start3A_137 = tpu.memref_squeeze %dma_start3A_136 : memref<1x56xi32, #tpu.memory_space<vmem>> -> memref<56xi32, #tpu.memory_space<vmem>>
    %dma_start3A_138 = tpu.memref_slice %arg6[%add3A_114] : memref<322560xi32, #tpu.memory_space<hbm>> -> memref<56xi32, #tpu.memory_space<hbm>>
    tpu.enqueue_dma source(%dma_start3A_138 : memref<56xi32, #tpu.memory_space<hbm>>) target(%dma_start3A_137 : memref<56xi32, #tpu.memory_space<vmem>>) target_semaphore(%dma_start3A_134 : memref<!tpu.dma_semaphore, #tpu.memory_space<semaphore_mem>>)
    %dma_start3A_139 = arith.constant 1 : i32
    %dma_start3A_140 = arith.constant 1 : i32
    %dma_start3A_141 = arith.constant 0 : i32
    %dma_start3A_142 = tpu.memref_slice %arg12[%dma_start3A_139, %dma_start3A_141] : memref<3x56xf32, #tpu.memory_space<vmem>> -> memref<1x56xf32, #tpu.memory_space<vmem>>
    %dma_start3A_143 = tpu.memref_squeeze %dma_start3A_142 : memref<1x56xf32, #tpu.memory_space<vmem>> -> memref<56xf32, #tpu.memory_space<vmem>>
    %dma_start3A_144 = tpu.memref_slice %arg7[%add3A_114] : memref<322560xf32, #tpu.memory_space<hbm>> -> memref<56xf32, #tpu.memory_space<hbm>>
    %dma_start3A_145 = tpu.memref_slice %arg16[%dma_start3A_140] : memref<3x!tpu.dma_semaphore, #tpu.memory_space<semaphore_mem>> -> memref<1x!tpu.dma_semaphore, #tpu.memory_space<semaphore_mem>>
    %dma_start3A_146 = tpu.memref_squeeze %dma_start3A_145 : memref<1x!tpu.dma_semaphore, #tpu.memory_space<semaphore_mem>> -> memref<!tpu.dma_semaphore, #tpu.memory_space<semaphore_mem>>
    %dma_start3A_147 = arith.constant 0 : i32
    %dma_start3A_148 = tpu.memref_slice %arg12[%dma_start3A_139, %dma_start3A_147] : memref<3x56xf32, #tpu.memory_space<vmem>> -> memref<1x56xf32, #tpu.memory_space<vmem>>
    %dma_start3A_149 = tpu.memref_squeeze %dma_start3A_148 : memref<1x56xf32, #tpu.memory_space<vmem>> -> memref<56xf32, #tpu.memory_space<vmem>>
    %dma_start3A_150 = tpu.memref_slice %arg7[%add3A_114] : memref<322560xf32, #tpu.memory_space<hbm>> -> memref<56xf32, #tpu.memory_space<hbm>>
    tpu.enqueue_dma source(%dma_start3A_150 : memref<56xf32, #tpu.memory_space<hbm>>) target(%dma_start3A_149 : memref<56xf32, #tpu.memory_space<vmem>>) target_semaphore(%dma_start3A_146 : memref<!tpu.dma_semaphore, #tpu.memory_space<semaphore_mem>>)
    %add3A_151 = arith.constant 0 : i32
    %add3A_152 = arith.addi %add3A, %add3A_151 : i32
    %dma_wait3A = arith.constant 0 : i32
    %dma_wait3A_153 = arith.constant 0 : i32
    %dma_wait3A_154 = arith.constant 0 : i32
    %dma_wait3A_155 = tpu.memref_slice %arg10[%dma_wait3A, %dma_wait3A_154] : memref<3x56xi32, #tpu.memory_space<vmem>> -> memref<1x56xi32, #tpu.memory_space<vmem>>
    %dma_wait3A_156 = tpu.memref_squeeze %dma_wait3A_155 : memref<1x56xi32, #tpu.memory_space<vmem>> -> memref<56xi32, #tpu.memory_space<vmem>>
    %dma_wait3A_157 = tpu.memref_slice %arg5[%add3A_152] : memref<322560xi32, #tpu.memory_space<hbm>> -> memref<56xi32, #tpu.memory_space<hbm>>
    %dma_wait3A_158 = tpu.memref_slice %arg16[%dma_wait3A_153] : memref<3x!tpu.dma_semaphore, #tpu.memory_space<semaphore_mem>> -> memref<1x!tpu.dma_semaphore, #tpu.memory_space<semaphore_mem>>
    %dma_wait3A_159 = tpu.memref_squeeze %dma_wait3A_158 : memref<1x!tpu.dma_semaphore, #tpu.memory_space<semaphore_mem>> -> memref<!tpu.dma_semaphore, #tpu.memory_space<semaphore_mem>>
    %dma_wait3A_160 = arith.constant 0 : i32
    %dma_wait3A_161 = tpu.memref_slice %arg10[%dma_wait3A, %dma_wait3A_160] : memref<3x56xi32, #tpu.memory_space<vmem>> -> memref<1x56xi32, #tpu.memory_space<vmem>>
    %dma_wait3A_162 = tpu.memref_squeeze %dma_wait3A_161 : memref<1x56xi32, #tpu.memory_space<vmem>> -> memref<56xi32, #tpu.memory_space<vmem>>
    %dma_wait3A_163 = tpu.memref_slice %arg5[%add3A_152] : memref<322560xi32, #tpu.memory_space<hbm>> -> memref<56xi32, #tpu.memory_space<hbm>>
    tpu.wait_dma2 semaphore(%dma_wait3A_159 : memref<!tpu.dma_semaphore, #tpu.memory_space<semaphore_mem>>) src(%dma_wait3A_163 : memref<56xi32, #tpu.memory_space<hbm>>) dst(%dma_wait3A_162 : memref<56xi32, #tpu.memory_space<vmem>>)
    %dma_wait3A_164 = arith.constant 0 : i32
    %dma_wait3A_165 = arith.constant 0 : i32
    %dma_wait3A_166 = arith.constant 0 : i32
    %dma_wait3A_167 = tpu.memref_slice %arg11[%dma_wait3A_164, %dma_wait3A_166] : memref<3x56xi32, #tpu.memory_space<vmem>> -> memref<1x56xi32, #tpu.memory_space<vmem>>
    %dma_wait3A_168 = tpu.memref_squeeze %dma_wait3A_167 : memref<1x56xi32, #tpu.memory_space<vmem>> -> memref<56xi32, #tpu.memory_space<vmem>>
    %dma_wait3A_169 = tpu.memref_slice %arg6[%add3A_152] : memref<322560xi32, #tpu.memory_space<hbm>> -> memref<56xi32, #tpu.memory_space<hbm>>
    %dma_wait3A_170 = tpu.memref_slice %arg16[%dma_wait3A_165] : memref<3x!tpu.dma_semaphore, #tpu.memory_space<semaphore_mem>> -> memref<1x!tpu.dma_semaphore, #tpu.memory_space<semaphore_mem>>
    %dma_wait3A_171 = tpu.memref_squeeze %dma_wait3A_170 : memref<1x!tpu.dma_semaphore, #tpu.memory_space<semaphore_mem>> -> memref<!tpu.dma_semaphore, #tpu.memory_space<semaphore_mem>>
    %dma_wait3A_172 = arith.constant 0 : i32
    %dma_wait3A_173 = tpu.memref_slice %arg11[%dma_wait3A_164, %dma_wait3A_172] : memref<3x56xi32, #tpu.memory_space<vmem>> -> memref<1x56xi32, #tpu.memory_space<vmem>>
    %dma_wait3A_174 = tpu.memref_squeeze %dma_wait3A_173 : memref<1x56xi32, #tpu.memory_space<vmem>> -> memref<56xi32, #tpu.memory_space<vmem>>
    %dma_wait3A_175 = tpu.memref_slice %arg6[%add3A_152] : memref<322560xi32, #tpu.memory_space<hbm>> -> memref<56xi32, #tpu.memory_space<hbm>>
    tpu.wait_dma2 semaphore(%dma_wait3A_171 : memref<!tpu.dma_semaphore, #tpu.memory_space<semaphore_mem>>) src(%dma_wait3A_175 : memref<56xi32, #tpu.memory_space<hbm>>) dst(%dma_wait3A_174 : memref<56xi32, #tpu.memory_space<vmem>>)
    %dma_wait3A_176 = arith.constant 0 : i32
    %dma_wait3A_177 = arith.constant 0 : i32
    %dma_wait3A_178 = arith.constant 0 : i32
    %dma_wait3A_179 = tpu.memref_slice %arg12[%dma_wait3A_176, %dma_wait3A_178] : memref<3x56xf32, #tpu.memory_space<vmem>> -> memref<1x56xf32, #tpu.memory_space<vmem>>
    %dma_wait3A_180 = tpu.memref_squeeze %dma_wait3A_179 : memref<1x56xf32, #tpu.memory_space<vmem>> -> memref<56xf32, #tpu.memory_space<vmem>>
    %dma_wait3A_181 = tpu.memref_slice %arg7[%add3A_152] : memref<322560xf32, #tpu.memory_space<hbm>> -> memref<56xf32, #tpu.memory_space<hbm>>
    %dma_wait3A_182 = tpu.memref_slice %arg16[%dma_wait3A_177] : memref<3x!tpu.dma_semaphore, #tpu.memory_space<semaphore_mem>> -> memref<1x!tpu.dma_semaphore, #tpu.memory_space<semaphore_mem>>
    %dma_wait3A_183 = tpu.memref_squeeze %dma_wait3A_182 : memref<1x!tpu.dma_semaphore, #tpu.memory_space<semaphore_mem>> -> memref<!tpu.dma_semaphore, #tpu.memory_space<semaphore_mem>>
    %dma_wait3A_184 = arith.constant 0 : i32
    %dma_wait3A_185 = tpu.memref_slice %arg12[%dma_wait3A_176, %dma_wait3A_184] : memref<3x56xf32, #tpu.memory_space<vmem>> -> memref<1x56xf32, #tpu.memory_space<vmem>>
    %dma_wait3A_186 = tpu.memref_squeeze %dma_wait3A_185 : memref<1x56xf32, #tpu.memory_space<vmem>> -> memref<56xf32, #tpu.memory_space<vmem>>
    %dma_wait3A_187 = tpu.memref_slice %arg7[%add3A_152] : memref<322560xf32, #tpu.memory_space<hbm>> -> memref<56xf32, #tpu.memory_space<hbm>>
    tpu.wait_dma2 semaphore(%dma_wait3A_183 : memref<!tpu.dma_semaphore, #tpu.memory_space<semaphore_mem>>) src(%dma_wait3A_187 : memref<56xf32, #tpu.memory_space<hbm>>) dst(%dma_wait3A_186 : memref<56xf32, #tpu.memory_space<vmem>>)
    %dma_start3A_188 = arith.constant 0 : i32
    %dma_start3A_189 = arith.constant 0 : i32
    %dma_start3A_190 = arith.constant 0 : i32
    %dma_start3A_191 = arith.constant 0 : i32
    %dma_start3A_192 = arith.constant 0 : i32
    %dma_start3A_193 = tpu.memref_slice %arg13[%dma_start3A_189, %dma_start3A_191, %dma_start3A_192] : memref<3x56x128xf32, #tpu.memory_space<vmem>> -> memref<1x56x128xf32, #tpu.memory_space<vmem>>
    %dma_start3A_194 = tpu.memref_squeeze %dma_start3A_193 : memref<1x56x128xf32, #tpu.memory_space<vmem>> -> memref<56x128xf32, #tpu.memory_space<vmem>>
    %dma_start3A_195 = arith.constant 0 : i32
    %dma_start3A_196 = tpu.memref_slice %arg10[%dma_start3A_188, %dma_start3A_195] : memref<3x56xi32, #tpu.memory_space<vmem>> -> memref<1x56xi32, #tpu.memory_space<vmem>>
    %dma_start3A_197 = tpu.memref_squeeze %dma_start3A_196 : memref<1x56xi32, #tpu.memory_space<vmem>> -> memref<56xi32, #tpu.memory_space<vmem>>
    %dma_start3A_198 = arith.constant 0 : i32
    %dma_start3A_199 = arith.constant 0 : i32
    %dma_start3A_200 = tpu.memref_slice %arg2[%dma_start3A_198, %dma_start3A_199] : memref<10000x128xf32, #tpu.memory_space<hbm>> -> memref<10000x128xf32, #tpu.memory_space<hbm>>
    %dma_start3A_201 = tpu.memref_slice %arg17[%dma_start3A_190] : memref<3x!tpu.dma_semaphore, #tpu.memory_space<semaphore_mem>> -> memref<1x!tpu.dma_semaphore, #tpu.memory_space<semaphore_mem>>
    %dma_start3A_202 = tpu.memref_squeeze %dma_start3A_201 : memref<1x!tpu.dma_semaphore, #tpu.memory_space<semaphore_mem>> -> memref<!tpu.dma_semaphore, #tpu.memory_space<semaphore_mem>>
    tpu.enqueue_indirect_dma source(%dma_start3A_200 : memref<10000x128xf32, #tpu.memory_space<hbm>>) target(%dma_start3A_194 : memref<56x128xf32, #tpu.memory_space<vmem>>) offsets(%dma_start3A_197 : memref<56xi32, #tpu.memory_space<vmem>>) semaphore(%dma_start3A_202 : memref<!tpu.dma_semaphore, #tpu.memory_space<semaphore_mem>>)
    %dma_start3A_203 = arith.constant 0 : i32
    %dma_start3A_204 = arith.constant 0 : i32
    %dma_start3A_205 = arith.constant 0 : i32
    %dma_start3A_206 = arith.constant 0 : i32
    %dma_start3A_207 = arith.constant 0 : i32
    %dma_start3A_208 = tpu.memref_slice %arg14[%dma_start3A_204, %dma_start3A_206, %dma_start3A_207] : memref<3x56x128xf32, #tpu.memory_space<vmem>> -> memref<1x56x128xf32, #tpu.memory_space<vmem>>
    %dma_start3A_209 = tpu.memref_squeeze %dma_start3A_208 : memref<1x56x128xf32, #tpu.memory_space<vmem>> -> memref<56x128xf32, #tpu.memory_space<vmem>>
    %dma_start3A_210 = arith.constant 0 : i32
    %dma_start3A_211 = tpu.memref_slice %arg11[%dma_start3A_203, %dma_start3A_210] : memref<3x56xi32, #tpu.memory_space<vmem>> -> memref<1x56xi32, #tpu.memory_space<vmem>>
    %dma_start3A_212 = tpu.memref_squeeze %dma_start3A_211 : memref<1x56xi32, #tpu.memory_space<vmem>> -> memref<56xi32, #tpu.memory_space<vmem>>
    %dma_start3A_213 = arith.constant 0 : i32
    %dma_start3A_214 = arith.constant 0 : i32
    %dma_start3A_215 = tpu.memref_slice %arg3[%dma_start3A_213, %dma_start3A_214] : memref<10000x128xf32, #tpu.memory_space<hbm>> -> memref<10000x128xf32, #tpu.memory_space<hbm>>
    %dma_start3A_216 = tpu.memref_slice %arg17[%dma_start3A_205] : memref<3x!tpu.dma_semaphore, #tpu.memory_space<semaphore_mem>> -> memref<1x!tpu.dma_semaphore, #tpu.memory_space<semaphore_mem>>
    %dma_start3A_217 = tpu.memref_squeeze %dma_start3A_216 : memref<1x!tpu.dma_semaphore, #tpu.memory_space<semaphore_mem>> -> memref<!tpu.dma_semaphore, #tpu.memory_space<semaphore_mem>>
    tpu.enqueue_indirect_dma source(%dma_start3A_215 : memref<10000x128xf32, #tpu.memory_space<hbm>>) target(%dma_start3A_209 : memref<56x128xf32, #tpu.memory_space<vmem>>) offsets(%dma_start3A_212 : memref<56xi32, #tpu.memory_space<vmem>>) semaphore(%dma_start3A_217 : memref<!tpu.dma_semaphore, #tpu.memory_space<semaphore_mem>>)
    %scan3A_218 = arith.constant 0 : i32
    %scan3A_219 = arith.constant 60 : i32
    %scan3A_220 = arith.addi %scan3A_218, %scan3A_219 : i32
    %scan3A_221 = arith.constant 1 : i32
    scf.for %scan3A_239 = %scan3A_218 to %scan3A_220 step %scan3A_221  : i32 {
      %mul3A_240 = arith.constant 1 : i32
      %mul3A_241 = arith.muli %scan3A_239, %mul3A_240 : i32
      %add3A_242 = arith.constant 0 : i32
      %add3A_243 = arith.addi %add3A_242, %mul3A_241 : i32
      %mul3A_244 = arith.constant 3 : i32
      %mul3A_245 = arith.muli %add3A_243, %mul3A_244 : i32
      %add3A_246 = arith.constant 0 : i32
      %add3A_247 = arith.addi %mul3A_245, %add3A_246 : i32
      %add3A_248 = arith.constant 1 : i32
      %add3A_249 = arith.addi %add3A_247, %add3A_248 : i32
      %lt3A = arith.constant 180 : i32
      %lt3A_250 = arith.cmpi slt, %add3A_249, %lt3A : i32
      %convert_element_type3A = arith.extui %lt3A_250 : i1 to i32
      %cond3A = arith.constant 0 : i32
      %cond3A_251 = arith.cmpi ne, %convert_element_type3A, %cond3A : i32
      scf.if %cond3A_251 {
        %add3A_452 = arith.constant 1 : i32
        %add3A_453 = arith.addi %add3A_247, %add3A_452 : i32
        %mul3A_454 = arith.constant 56 : i32
        %mul3A_455 = arith.muli %add3A_453, %mul3A_454 : i32
        %add3A_456 = arith.addi %add3A, %mul3A_455 : i32
        %dma_wait3A_457 = arith.constant 1 : i32
        %dma_wait3A_458 = arith.constant 1 : i32
        %dma_wait3A_459 = arith.constant 0 : i32
        %dma_wait3A_460 = tpu.memref_slice %arg10[%dma_wait3A_457, %dma_wait3A_459] : memref<3x56xi32, #tpu.memory_space<vmem>> -> memref<1x56xi32, #tpu.memory_space<vmem>>
        %dma_wait3A_461 = tpu.memref_squeeze %dma_wait3A_460 : memref<1x56xi32, #tpu.memory_space<vmem>> -> memref<56xi32, #tpu.memory_space<vmem>>
        %dma_wait3A_462 = tpu.memref_slice %arg5[%add3A_456] : memref<322560xi32, #tpu.memory_space<hbm>> -> memref<56xi32, #tpu.memory_space<hbm>>
        %dma_wait3A_463 = tpu.memref_slice %arg16[%dma_wait3A_458] : memref<3x!tpu.dma_semaphore, #tpu.memory_space<semaphore_mem>> -> memref<1x!tpu.dma_semaphore, #tpu.memory_space<semaphore_mem>>
        %dma_wait3A_464 = tpu.memref_squeeze %dma_wait3A_463 : memref<1x!tpu.dma_semaphore, #tpu.memory_space<semaphore_mem>> -> memref<!tpu.dma_semaphore, #tpu.memory_space<semaphore_mem>>
        %dma_wait3A_465 = arith.constant 0 : i32
        %dma_wait3A_466 = tpu.memref_slice %arg10[%dma_wait3A_457, %dma_wait3A_465] : memref<3x56xi32, #tpu.memory_space<vmem>> -> memref<1x56xi32, #tpu.memory_space<vmem>>
        %dma_wait3A_467 = tpu.memref_squeeze %dma_wait3A_466 : memref<1x56xi32, #tpu.memory_space<vmem>> -> memref<56xi32, #tpu.memory_space<vmem>>
        %dma_wait3A_468 = tpu.memref_slice %arg5[%add3A_456] : memref<322560xi32, #tpu.memory_space<hbm>> -> memref<56xi32, #tpu.memory_space<hbm>>
        tpu.wait_dma2 semaphore(%dma_wait3A_464 : memref<!tpu.dma_semaphore, #tpu.memory_space<semaphore_mem>>) src(%dma_wait3A_468 : memref<56xi32, #tpu.memory_space<hbm>>) dst(%dma_wait3A_467 : memref<56xi32, #tpu.memory_space<vmem>>)
        %dma_wait3A_469 = arith.constant 1 : i32
        %dma_wait3A_470 = arith.constant 1 : i32
        %dma_wait3A_471 = arith.constant 0 : i32
        %dma_wait3A_472 = tpu.memref_slice %arg11[%dma_wait3A_469, %dma_wait3A_471] : memref<3x56xi32, #tpu.memory_space<vmem>> -> memref<1x56xi32, #tpu.memory_space<vmem>>
        %dma_wait3A_473 = tpu.memref_squeeze %dma_wait3A_472 : memref<1x56xi32, #tpu.memory_space<vmem>> -> memref<56xi32, #tpu.memory_space<vmem>>
        %dma_wait3A_474 = tpu.memref_slice %arg6[%add3A_456] : memref<322560xi32, #tpu.memory_space<hbm>> -> memref<56xi32, #tpu.memory_space<hbm>>
        %dma_wait3A_475 = tpu.memref_slice %arg16[%dma_wait3A_470] : memref<3x!tpu.dma_semaphore, #tpu.memory_space<semaphore_mem>> -> memref<1x!tpu.dma_semaphore, #tpu.memory_space<semaphore_mem>>
        %dma_wait3A_476 = tpu.memref_squeeze %dma_wait3A_475 : memref<1x!tpu.dma_semaphore, #tpu.memory_space<semaphore_mem>> -> memref<!tpu.dma_semaphore, #tpu.memory_space<semaphore_mem>>
        %dma_wait3A_477 = arith.constant 0 : i32
        %dma_wait3A_478 = tpu.memref_slice %arg11[%dma_wait3A_469, %dma_wait3A_477] : memref<3x56xi32, #tpu.memory_space<vmem>> -> memref<1x56xi32, #tpu.memory_space<vmem>>
        %dma_wait3A_479 = tpu.memref_squeeze %dma_wait3A_478 : memref<1x56xi32, #tpu.memory_space<vmem>> -> memref<56xi32, #tpu.memory_space<vmem>>
        %dma_wait3A_480 = tpu.memref_slice %arg6[%add3A_456] : memref<322560xi32, #tpu.memory_space<hbm>> -> memref<56xi32, #tpu.memory_space<hbm>>
        tpu.wait_dma2 semaphore(%dma_wait3A_476 : memref<!tpu.dma_semaphore, #tpu.memory_space<semaphore_mem>>) src(%dma_wait3A_480 : memref<56xi32, #tpu.memory_space<hbm>>) dst(%dma_wait3A_479 : memref<56xi32, #tpu.memory_space<vmem>>)
        %dma_wait3A_481 = arith.constant 1 : i32
        %dma_wait3A_482 = arith.constant 1 : i32
        %dma_wait3A_483 = arith.constant 0 : i32
        %dma_wait3A_484 = tpu.memref_slice %arg12[%dma_wait3A_481, %dma_wait3A_483] : memref<3x56xf32, #tpu.memory_space<vmem>> -> memref<1x56xf32, #tpu.memory_space<vmem>>
        %dma_wait3A_485 = tpu.memref_squeeze %dma_wait3A_484 : memref<1x56xf32, #tpu.memory_space<vmem>> -> memref<56xf32, #tpu.memory_space<vmem>>
        %dma_wait3A_486 = tpu.memref_slice %arg7[%add3A_456] : memref<322560xf32, #tpu.memory_space<hbm>> -> memref<56xf32, #tpu.memory_space<hbm>>
        %dma_wait3A_487 = tpu.memref_slice %arg16[%dma_wait3A_482] : memref<3x!tpu.dma_semaphore, #tpu.memory_space<semaphore_mem>> -> memref<1x!tpu.dma_semaphore, #tpu.memory_space<semaphore_mem>>
        %dma_wait3A_488 = tpu.memref_squeeze %dma_wait3A_487 : memref<1x!tpu.dma_semaphore, #tpu.memory_space<semaphore_mem>> -> memref<!tpu.dma_semaphore, #tpu.memory_space<semaphore_mem>>
        %dma_wait3A_489 = arith.constant 0 : i32
        %dma_wait3A_490 = tpu.memref_slice %arg12[%dma_wait3A_481, %dma_wait3A_489] : memref<3x56xf32, #tpu.memory_space<vmem>> -> memref<1x56xf32, #tpu.memory_space<vmem>>
        %dma_wait3A_491 = tpu.memref_squeeze %dma_wait3A_490 : memref<1x56xf32, #tpu.memory_space<vmem>> -> memref<56xf32, #tpu.memory_space<vmem>>
        %dma_wait3A_492 = tpu.memref_slice %arg7[%add3A_456] : memref<322560xf32, #tpu.memory_space<hbm>> -> memref<56xf32, #tpu.memory_space<hbm>>
        tpu.wait_dma2 semaphore(%dma_wait3A_488 : memref<!tpu.dma_semaphore, #tpu.memory_space<semaphore_mem>>) src(%dma_wait3A_492 : memref<56xf32, #tpu.memory_space<hbm>>) dst(%dma_wait3A_491 : memref<56xf32, #tpu.memory_space<vmem>>)
        %dma_start3A_493 = arith.constant 1 : i32
        %dma_start3A_494 = arith.constant 1 : i32
        %dma_start3A_495 = arith.constant 1 : i32
        %dma_start3A_496 = arith.constant 0 : i32
        %dma_start3A_497 = arith.constant 0 : i32
        %dma_start3A_498 = tpu.memref_slice %arg13[%dma_start3A_494, %dma_start3A_496, %dma_start3A_497] : memref<3x56x128xf32, #tpu.memory_space<vmem>> -> memref<1x56x128xf32, #tpu.memory_space<vmem>>
        %dma_start3A_499 = tpu.memref_squeeze %dma_start3A_498 : memref<1x56x128xf32, #tpu.memory_space<vmem>> -> memref<56x128xf32, #tpu.memory_space<vmem>>
        %dma_start3A_500 = arith.constant 0 : i32
        %dma_start3A_501 = tpu.memref_slice %arg10[%dma_start3A_493, %dma_start3A_500] : memref<3x56xi32, #tpu.memory_space<vmem>> -> memref<1x56xi32, #tpu.memory_space<vmem>>
        %dma_start3A_502 = tpu.memref_squeeze %dma_start3A_501 : memref<1x56xi32, #tpu.memory_space<vmem>> -> memref<56xi32, #tpu.memory_space<vmem>>
        %dma_start3A_503 = arith.constant 0 : i32
        %dma_start3A_504 = arith.constant 0 : i32
        %dma_start3A_505 = tpu.memref_slice %arg2[%dma_start3A_503, %dma_start3A_504] : memref<10000x128xf32, #tpu.memory_space<hbm>> -> memref<10000x128xf32, #tpu.memory_space<hbm>>
        %dma_start3A_506 = tpu.memref_slice %arg17[%dma_start3A_495] : memref<3x!tpu.dma_semaphore, #tpu.memory_space<semaphore_mem>> -> memref<1x!tpu.dma_semaphore, #tpu.memory_space<semaphore_mem>>
        %dma_start3A_507 = tpu.memref_squeeze %dma_start3A_506 : memref<1x!tpu.dma_semaphore, #tpu.memory_space<semaphore_mem>> -> memref<!tpu.dma_semaphore, #tpu.memory_space<semaphore_mem>>
        tpu.enqueue_indirect_dma source(%dma_start3A_505 : memref<10000x128xf32, #tpu.memory_space<hbm>>) target(%dma_start3A_499 : memref<56x128xf32, #tpu.memory_space<vmem>>) offsets(%dma_start3A_502 : memref<56xi32, #tpu.memory_space<vmem>>) semaphore(%dma_start3A_507 : memref<!tpu.dma_semaphore, #tpu.memory_space<semaphore_mem>>)
        %dma_start3A_508 = arith.constant 1 : i32
        %dma_start3A_509 = arith.constant 1 : i32
        %dma_start3A_510 = arith.constant 1 : i32
        %dma_start3A_511 = arith.constant 0 : i32
        %dma_start3A_512 = arith.constant 0 : i32
        %dma_start3A_513 = tpu.memref_slice %arg14[%dma_start3A_509, %dma_start3A_511, %dma_start3A_512] : memref<3x56x128xf32, #tpu.memory_space<vmem>> -> memref<1x56x128xf32, #tpu.memory_space<vmem>>
        %dma_start3A_514 = tpu.memref_squeeze %dma_start3A_513 : memref<1x56x128xf32, #tpu.memory_space<vmem>> -> memref<56x128xf32, #tpu.memory_space<vmem>>
        %dma_start3A_515 = arith.constant 0 : i32
        %dma_start3A_516 = tpu.memref_slice %arg11[%dma_start3A_508, %dma_start3A_515] : memref<3x56xi32, #tpu.memory_space<vmem>> -> memref<1x56xi32, #tpu.memory_space<vmem>>
        %dma_start3A_517 = tpu.memref_squeeze %dma_start3A_516 : memref<1x56xi32, #tpu.memory_space<vmem>> -> memref<56xi32, #tpu.memory_space<vmem>>
        %dma_start3A_518 = arith.constant 0 : i32
        %dma_start3A_519 = arith.constant 0 : i32
        %dma_start3A_520 = tpu.memref_slice %arg3[%dma_start3A_518, %dma_start3A_519] : memref<10000x128xf32, #tpu.memory_space<hbm>> -> memref<10000x128xf32, #tpu.memory_space<hbm>>
        %dma_start3A_521 = tpu.memref_slice %arg17[%dma_start3A_510] : memref<3x!tpu.dma_semaphore, #tpu.memory_space<semaphore_mem>> -> memref<1x!tpu.dma_semaphore, #tpu.memory_space<semaphore_mem>>
        %dma_start3A_522 = tpu.memref_squeeze %dma_start3A_521 : memref<1x!tpu.dma_semaphore, #tpu.memory_space<semaphore_mem>> -> memref<!tpu.dma_semaphore, #tpu.memory_space<semaphore_mem>>
        tpu.enqueue_indirect_dma source(%dma_start3A_520 : memref<10000x128xf32, #tpu.memory_space<hbm>>) target(%dma_start3A_514 : memref<56x128xf32, #tpu.memory_space<vmem>>) offsets(%dma_start3A_517 : memref<56xi32, #tpu.memory_space<vmem>>) semaphore(%dma_start3A_522 : memref<!tpu.dma_semaphore, #tpu.memory_space<semaphore_mem>>)
      } else {
      }
      %dma_wait3A_252 = arith.constant 0 : i32
      %dma_wait3A_253 = arith.constant 0 : i32
      %dma_wait3A_254 = arith.constant 0 : i32
      %dma_wait3A_255 = arith.constant 0 : i32
      %dma_wait3A_256 = arith.constant 0 : i32
      %dma_wait3A_257 = tpu.memref_slice %arg13[%dma_wait3A_253, %dma_wait3A_255, %dma_wait3A_256] : memref<3x56x128xf32, #tpu.memory_space<vmem>> -> memref<1x56x128xf32, #tpu.memory_space<vmem>>
      %dma_wait3A_258 = tpu.memref_squeeze %dma_wait3A_257 : memref<1x56x128xf32, #tpu.memory_space<vmem>> -> memref<56x128xf32, #tpu.memory_space<vmem>>
      %dma_wait3A_259 = arith.constant 0 : i32
      %dma_wait3A_260 = tpu.memref_slice %arg10[%dma_wait3A_252, %dma_wait3A_259] : memref<3x56xi32, #tpu.memory_space<vmem>> -> memref<1x56xi32, #tpu.memory_space<vmem>>
      %dma_wait3A_261 = tpu.memref_squeeze %dma_wait3A_260 : memref<1x56xi32, #tpu.memory_space<vmem>> -> memref<56xi32, #tpu.memory_space<vmem>>
      %dma_wait3A_262 = arith.constant 0 : i32
      %dma_wait3A_263 = arith.constant 0 : i32
      %dma_wait3A_264 = tpu.memref_slice %arg2[%dma_wait3A_262, %dma_wait3A_263] : memref<10000x128xf32, #tpu.memory_space<hbm>> -> memref<10000x128xf32, #tpu.memory_space<hbm>>
      %dma_wait3A_265 = tpu.memref_slice %arg17[%dma_wait3A_254] : memref<3x!tpu.dma_semaphore, #tpu.memory_space<semaphore_mem>> -> memref<1x!tpu.dma_semaphore, #tpu.memory_space<semaphore_mem>>
      %dma_wait3A_266 = tpu.memref_squeeze %dma_wait3A_265 : memref<1x!tpu.dma_semaphore, #tpu.memory_space<semaphore_mem>> -> memref<!tpu.dma_semaphore, #tpu.memory_space<semaphore_mem>>
      tpu.wait_indirect_dma semaphore(%dma_wait3A_266 : memref<!tpu.dma_semaphore, #tpu.memory_space<semaphore_mem>>) src(%dma_wait3A_264 : memref<10000x128xf32, #tpu.memory_space<hbm>>) dst(%dma_wait3A_258 : memref<56x128xf32, #tpu.memory_space<vmem>>)
      %dma_wait3A_267 = arith.constant 0 : i32
      %dma_wait3A_268 = arith.constant 0 : i32
      %dma_wait3A_269 = arith.constant 0 : i32
      %dma_wait3A_270 = arith.constant 0 : i32
      %dma_wait3A_271 = arith.constant 0 : i32
      %dma_wait3A_272 = tpu.memref_slice %arg14[%dma_wait3A_268, %dma_wait3A_270, %dma_wait3A_271] : memref<3x56x128xf32, #tpu.memory_space<vmem>> -> memref<1x56x128xf32, #tpu.memory_space<vmem>>
      %dma_wait3A_273 = tpu.memref_squeeze %dma_wait3A_272 : memref<1x56x128xf32, #tpu.memory_space<vmem>> -> memref<56x128xf32, #tpu.memory_space<vmem>>
      %dma_wait3A_274 = arith.constant 0 : i32
      %dma_wait3A_275 = tpu.memref_slice %arg11[%dma_wait3A_267, %dma_wait3A_274] : memref<3x56xi32, #tpu.memory_space<vmem>> -> memref<1x56xi32, #tpu.memory_space<vmem>>
      %dma_wait3A_276 = tpu.memref_squeeze %dma_wait3A_275 : memref<1x56xi32, #tpu.memory_space<vmem>> -> memref<56xi32, #tpu.memory_space<vmem>>
      %dma_wait3A_277 = arith.constant 0 : i32
      %dma_wait3A_278 = arith.constant 0 : i32
      %dma_wait3A_279 = tpu.memref_slice %arg3[%dma_wait3A_277, %dma_wait3A_278] : memref<10000x128xf32, #tpu.memory_space<hbm>> -> memref<10000x128xf32, #tpu.memory_space<hbm>>
      %dma_wait3A_280 = tpu.memref_slice %arg17[%dma_wait3A_269] : memref<3x!tpu.dma_semaphore, #tpu.memory_space<semaphore_mem>> -> memref<1x!tpu.dma_semaphore, #tpu.memory_space<semaphore_mem>>
      %dma_wait3A_281 = tpu.memref_squeeze %dma_wait3A_280 : memref<1x!tpu.dma_semaphore, #tpu.memory_space<semaphore_mem>> -> memref<!tpu.dma_semaphore, #tpu.memory_space<semaphore_mem>>
      tpu.wait_indirect_dma semaphore(%dma_wait3A_281 : memref<!tpu.dma_semaphore, #tpu.memory_space<semaphore_mem>>) src(%dma_wait3A_279 : memref<10000x128xf32, #tpu.memory_space<hbm>>) dst(%dma_wait3A_273 : memref<56x128xf32, #tpu.memory_space<vmem>>)
      %parallel_loop3A = arith.constant 0 : i32
      %parallel_loop3A_282 = arith.constant 56 : i32
      %parallel_loop3A_283 = arith.constant 1 : i32
      scf.for %parallel_loop3A_452 = %parallel_loop3A to %parallel_loop3A_282 step %parallel_loop3A_283  : i32 {
        %parallel_loop3A_453 = vector.broadcast %parallel_loop3A_452 : i32 to vector<16xi32>
        %parallel_loop3A_454 = arith.constant 0 : i32
        %parallel_loop3A_455 = arith.constant 0 : i32
        %parallel_loop3A_456 = tpu.memref_slice %arg12[%parallel_loop3A_454, %parallel_loop3A_455] : memref<3x56xf32, #tpu.memory_space<vmem>> -> memref<1x56xf32, #tpu.memory_space<vmem>>
        %parallel_loop3A_457 = tpu.memref_squeeze %parallel_loop3A_456 : memref<1x56xf32, #tpu.memory_space<vmem>> -> memref<56xf32, #tpu.memory_space<vmem>>
        %parallel_loop3A_458 = tpu.vector_load_idx %parallel_loop3A_457[%parallel_loop3A_453] : memref<56xf32, #tpu.memory_space<vmem>>[vector<16xi32>], vector<16xf32>,
        %parallel_loop3A_459 = arith.constant 0.000000e+00 : f32
        %parallel_loop3A_460 = vector.broadcast %parallel_loop3A_459 : f32 to vector<16xf32>
        %parallel_loop3A_461 = arith.maximumf %parallel_loop3A_458, %parallel_loop3A_460 : vector<16xf32>
        %parallel_loop3A_462 = arith.constant 0.000000e+00 : f32
        %parallel_loop3A_463 = vector.broadcast %parallel_loop3A_462 : f32 to vector<16xf32>
        %parallel_loop3A_464 = arith.minimumf %parallel_loop3A_458, %parallel_loop3A_463 : vector<16xf32>
        %parallel_loop3A_465 = arith.constant 0 : i32
        %parallel_loop3A_466 = arith.index_cast %parallel_loop3A_465 : i32 to index
        %parallel_loop3A_467 = arith.index_cast %parallel_loop3A_452 : i32 to index
        %parallel_loop3A_468 = arith.constant 0 : index
        %parallel_loop3A_469 = tpu.vector_load %arg13[%parallel_loop3A_466, %parallel_loop3A_467, %parallel_loop3A_468] {strides = array<i32>} : memref<3x56x128xf32, #tpu.memory_space<vmem>>, vector<16xf32>,
        %parallel_loop3A_470 = arith.constant 0 : i32
        %parallel_loop3A_471 = arith.index_cast %parallel_loop3A_470 : i32 to index
        %parallel_loop3A_472 = arith.index_cast %parallel_loop3A_452 : i32 to index
        %parallel_loop3A_473 = arith.constant 0 : index
        %parallel_loop3A_474 = tpu.vector_load %arg14[%parallel_loop3A_471, %parallel_loop3A_472, %parallel_loop3A_473] {strides = array<i32>} : memref<3x56x128xf32, #tpu.memory_space<vmem>>, vector<16xf32>,
        %parallel_loop3A_475 = arith.addf %parallel_loop3A_469, %parallel_loop3A_474 : vector<16xf32>
        %parallel_loop3A_476 = arith.mulf %parallel_loop3A_461, %get3A_3 : vector<16xf32>
        %parallel_loop3A_477 = arith.addf %parallel_loop3A_475, %parallel_loop3A_476 : vector<16xf32>
        %parallel_loop3A_478 = arith.mulf %parallel_loop3A_464, %get3A_19 : vector<16xf32>
        %parallel_loop3A_479 = arith.addf %parallel_loop3A_477, %parallel_loop3A_478 : vector<16xf32>
        %parallel_loop3A_480 = arith.constant 0.000000e+00 : f32
        %parallel_loop3A_481 = vector.broadcast %parallel_loop3A_480 : f32 to vector<16xf32>
        %parallel_loop3A_482 = arith.maximumf %parallel_loop3A_479, %parallel_loop3A_481 : vector<16xf32>
        %parallel_loop3A_483 = arith.constant 0 : i32
        %parallel_loop3A_484 = arith.index_cast %parallel_loop3A_483 : i32 to index
        %parallel_loop3A_485 = arith.index_cast %parallel_loop3A_452 : i32 to index
        %parallel_loop3A_486 = arith.constant 0 : index
        %parallel_loop3A_487 = tpu.vector_load %arg13[%parallel_loop3A_484, %parallel_loop3A_485, %parallel_loop3A_486] {strides = array<i32>} : memref<3x56x128xf32, #tpu.memory_space<vmem>>, vector<16xf32>,
        tpu.vector_store %arg13[%parallel_loop3A_484, %parallel_loop3A_485, %parallel_loop3A_486], %parallel_loop3A_482 {strides = array<i32>} : memref<3x56x128xf32, #tpu.memory_space<vmem>>, vector<16xf32>,
        %parallel_loop3A_488 = arith.constant 0 : i32
        %parallel_loop3A_489 = arith.index_cast %parallel_loop3A_488 : i32 to index
        %parallel_loop3A_490 = arith.index_cast %parallel_loop3A_452 : i32 to index
        %parallel_loop3A_491 = arith.constant 16 : index
        %parallel_loop3A_492 = tpu.vector_load %arg13[%parallel_loop3A_489, %parallel_loop3A_490, %parallel_loop3A_491] {strides = array<i32>} : memref<3x56x128xf32, #tpu.memory_space<vmem>>, vector<16xf32>,
        %parallel_loop3A_493 = arith.constant 0 : i32
        %parallel_loop3A_494 = arith.index_cast %parallel_loop3A_493 : i32 to index
        %parallel_loop3A_495 = arith.index_cast %parallel_loop3A_452 : i32 to index
        %parallel_loop3A_496 = arith.constant 16 : index
        %parallel_loop3A_497 = tpu.vector_load %arg14[%parallel_loop3A_494, %parallel_loop3A_495, %parallel_loop3A_496] {strides = array<i32>} : memref<3x56x128xf32, #tpu.memory_space<vmem>>, vector<16xf32>,
        %parallel_loop3A_498 = arith.addf %parallel_loop3A_492, %parallel_loop3A_497 : vector<16xf32>
        %parallel_loop3A_499 = arith.mulf %parallel_loop3A_461, %get3A_5 : vector<16xf32>
        %parallel_loop3A_500 = arith.addf %parallel_loop3A_498, %parallel_loop3A_499 : vector<16xf32>
        %parallel_loop3A_501 = arith.mulf %parallel_loop3A_464, %get3A_21 : vector<16xf32>
        %parallel_loop3A_502 = arith.addf %parallel_loop3A_500, %parallel_loop3A_501 : vector<16xf32>
        %parallel_loop3A_503 = arith.constant 0.000000e+00 : f32
        %parallel_loop3A_504 = vector.broadcast %parallel_loop3A_503 : f32 to vector<16xf32>
        %parallel_loop3A_505 = arith.maximumf %parallel_loop3A_502, %parallel_loop3A_504 : vector<16xf32>
        %parallel_loop3A_506 = arith.constant 0 : i32
        %parallel_loop3A_507 = arith.index_cast %parallel_loop3A_506 : i32 to index
        %parallel_loop3A_508 = arith.index_cast %parallel_loop3A_452 : i32 to index
        %parallel_loop3A_509 = arith.constant 16 : index
        %parallel_loop3A_510 = tpu.vector_load %arg13[%parallel_loop3A_507, %parallel_loop3A_508, %parallel_loop3A_509] {strides = array<i32>} : memref<3x56x128xf32, #tpu.memory_space<vmem>>, vector<16xf32>,
        tpu.vector_store %arg13[%parallel_loop3A_507, %parallel_loop3A_508, %parallel_loop3A_509], %parallel_loop3A_505 {strides = array<i32>} : memref<3x56x128xf32, #tpu.memory_space<vmem>>, vector<16xf32>,
        %parallel_loop3A_511 = arith.constant 0 : i32
        %parallel_loop3A_512 = arith.index_cast %parallel_loop3A_511 : i32 to index
        %parallel_loop3A_513 = arith.index_cast %parallel_loop3A_452 : i32 to index
        %parallel_loop3A_514 = arith.constant 32 : index
        %parallel_loop3A_515 = tpu.vector_load %arg13[%parallel_loop3A_512, %parallel_loop3A_513, %parallel_loop3A_514] {strides = array<i32>} : memref<3x56x128xf32, #tpu.memory_space<vmem>>, vector<16xf32>,
        %parallel_loop3A_516 = arith.constant 0 : i32
        %parallel_loop3A_517 = arith.index_cast %parallel_loop3A_516 : i32 to index
        %parallel_loop3A_518 = arith.index_cast %parallel_loop3A_452 : i32 to index
        %parallel_loop3A_519 = arith.constant 32 : index
        %parallel_loop3A_520 = tpu.vector_load %arg14[%parallel_loop3A_517, %parallel_loop3A_518, %parallel_loop3A_519] {strides = array<i32>} : memref<3x56x128xf32, #tpu.memory_space<vmem>>, vector<16xf32>,
        %parallel_loop3A_521 = arith.addf %parallel_loop3A_515, %parallel_loop3A_520 : vector<16xf32>
        %parallel_loop3A_522 = arith.mulf %parallel_loop3A_461, %get3A_7 : vector<16xf32>
        %parallel_loop3A_523 = arith.addf %parallel_loop3A_521, %parallel_loop3A_522 : vector<16xf32>
        %parallel_loop3A_524 = arith.mulf %parallel_loop3A_464, %get3A_23 : vector<16xf32>
        %parallel_loop3A_525 = arith.addf %parallel_loop3A_523, %parallel_loop3A_524 : vector<16xf32>
        %parallel_loop3A_526 = arith.constant 0.000000e+00 : f32
        %parallel_loop3A_527 = vector.broadcast %parallel_loop3A_526 : f32 to vector<16xf32>
        %parallel_loop3A_528 = arith.maximumf %parallel_loop3A_525, %parallel_loop3A_527 : vector<16xf32>
        %parallel_loop3A_529 = arith.constant 0 : i32
        %parallel_loop3A_530 = arith.index_cast %parallel_loop3A_529 : i32 to index
        %parallel_loop3A_531 = arith.index_cast %parallel_loop3A_452 : i32 to index
        %parallel_loop3A_532 = arith.constant 32 : index
        %parallel_loop3A_533 = tpu.vector_load %arg13[%parallel_loop3A_530, %parallel_loop3A_531, %parallel_loop3A_532] {strides = array<i32>} : memref<3x56x128xf32, #tpu.memory_space<vmem>>, vector<16xf32>,
        tpu.vector_store %arg13[%parallel_loop3A_530, %parallel_loop3A_531, %parallel_loop3A_532], %parallel_loop3A_528 {strides = array<i32>} : memref<3x56x128xf32, #tpu.memory_space<vmem>>, vector<16xf32>,
        %parallel_loop3A_534 = arith.constant 0 : i32
        %parallel_loop3A_535 = arith.index_cast %parallel_loop3A_534 : i32 to index
        %parallel_loop3A_536 = arith.index_cast %parallel_loop3A_452 : i32 to index
        %parallel_loop3A_537 = arith.constant 48 : index
        %parallel_loop3A_538 = tpu.vector_load %arg13[%parallel_loop3A_535, %parallel_loop3A_536, %parallel_loop3A_537] {strides = array<i32>} : memref<3x56x128xf32, #tpu.memory_space<vmem>>, vector<16xf32>,
        %parallel_loop3A_539 = arith.constant 0 : i32
        %parallel_loop3A_540 = arith.index_cast %parallel_loop3A_539 : i32 to index
        %parallel_loop3A_541 = arith.index_cast %parallel_loop3A_452 : i32 to index
        %parallel_loop3A_542 = arith.constant 48 : index
        %parallel_loop3A_543 = tpu.vector_load %arg14[%parallel_loop3A_540, %parallel_loop3A_541, %parallel_loop3A_542] {strides = array<i32>} : memref<3x56x128xf32, #tpu.memory_space<vmem>>, vector<16xf32>,
        %parallel_loop3A_544 = arith.addf %parallel_loop3A_538, %parallel_loop3A_543 : vector<16xf32>
        %parallel_loop3A_545 = arith.mulf %parallel_loop3A_461, %get3A_9 : vector<16xf32>
        %parallel_loop3A_546 = arith.addf %parallel_loop3A_544, %parallel_loop3A_545 : vector<16xf32>
        %parallel_loop3A_547 = arith.mulf %parallel_loop3A_464, %get3A_25 : vector<16xf32>
        %parallel_loop3A_548 = arith.addf %parallel_loop3A_546, %parallel_loop3A_547 : vector<16xf32>
        %parallel_loop3A_549 = arith.constant 0.000000e+00 : f32
        %parallel_loop3A_550 = vector.broadcast %parallel_loop3A_549 : f32 to vector<16xf32>
        %parallel_loop3A_551 = arith.maximumf %parallel_loop3A_548, %parallel_loop3A_550 : vector<16xf32>
        %parallel_loop3A_552 = arith.constant 0 : i32
        %parallel_loop3A_553 = arith.index_cast %parallel_loop3A_552 : i32 to index
        %parallel_loop3A_554 = arith.index_cast %parallel_loop3A_452 : i32 to index
        %parallel_loop3A_555 = arith.constant 48 : index
        %parallel_loop3A_556 = tpu.vector_load %arg13[%parallel_loop3A_553, %parallel_loop3A_554, %parallel_loop3A_555] {strides = array<i32>} : memref<3x56x128xf32, #tpu.memory_space<vmem>>, vector<16xf32>,
        tpu.vector_store %arg13[%parallel_loop3A_553, %parallel_loop3A_554, %parallel_loop3A_555], %parallel_loop3A_551 {strides = array<i32>} : memref<3x56x128xf32, #tpu.memory_space<vmem>>, vector<16xf32>,
        %parallel_loop3A_557 = arith.constant 0 : i32
        %parallel_loop3A_558 = arith.index_cast %parallel_loop3A_557 : i32 to index
        %parallel_loop3A_559 = arith.index_cast %parallel_loop3A_452 : i32 to index
        %parallel_loop3A_560 = arith.constant 64 : index
        %parallel_loop3A_561 = tpu.vector_load %arg13[%parallel_loop3A_558, %parallel_loop3A_559, %parallel_loop3A_560] {strides = array<i32>} : memref<3x56x128xf32, #tpu.memory_space<vmem>>, vector<16xf32>,
        %parallel_loop3A_562 = arith.constant 0 : i32
        %parallel_loop3A_563 = arith.index_cast %parallel_loop3A_562 : i32 to index
        %parallel_loop3A_564 = arith.index_cast %parallel_loop3A_452 : i32 to index
        %parallel_loop3A_565 = arith.constant 64 : index
        %parallel_loop3A_566 = tpu.vector_load %arg14[%parallel_loop3A_563, %parallel_loop3A_564, %parallel_loop3A_565] {strides = array<i32>} : memref<3x56x128xf32, #tpu.memory_space<vmem>>, vector<16xf32>,
        %parallel_loop3A_567 = arith.addf %parallel_loop3A_561, %parallel_loop3A_566 : vector<16xf32>
        %parallel_loop3A_568 = arith.mulf %parallel_loop3A_461, %get3A_11 : vector<16xf32>
        %parallel_loop3A_569 = arith.addf %parallel_loop3A_567, %parallel_loop3A_568 : vector<16xf32>
        %parallel_loop3A_570 = arith.mulf %parallel_loop3A_464, %get3A_27 : vector<16xf32>
        %parallel_loop3A_571 = arith.addf %parallel_loop3A_569, %parallel_loop3A_570 : vector<16xf32>
        %parallel_loop3A_572 = arith.constant 0.000000e+00 : f32
        %parallel_loop3A_573 = vector.broadcast %parallel_loop3A_572 : f32 to vector<16xf32>
        %parallel_loop3A_574 = arith.maximumf %parallel_loop3A_571, %parallel_loop3A_573 : vector<16xf32>
        %parallel_loop3A_575 = arith.constant 0 : i32
        %parallel_loop3A_576 = arith.index_cast %parallel_loop3A_575 : i32 to index
        %parallel_loop3A_577 = arith.index_cast %parallel_loop3A_452 : i32 to index
        %parallel_loop3A_578 = arith.constant 64 : index
        %parallel_loop3A_579 = tpu.vector_load %arg13[%parallel_loop3A_576, %parallel_loop3A_577, %parallel_loop3A_578] {strides = array<i32>} : memref<3x56x128xf32, #tpu.memory_space<vmem>>, vector<16xf32>,
        tpu.vector_store %arg13[%parallel_loop3A_576, %parallel_loop3A_577, %parallel_loop3A_578], %parallel_loop3A_574 {strides = array<i32>} : memref<3x56x128xf32, #tpu.memory_space<vmem>>, vector<16xf32>,
        %parallel_loop3A_580 = arith.constant 0 : i32
        %parallel_loop3A_581 = arith.index_cast %parallel_loop3A_580 : i32 to index
        %parallel_loop3A_582 = arith.index_cast %parallel_loop3A_452 : i32 to index
        %parallel_loop3A_583 = arith.constant 80 : index
        %parallel_loop3A_584 = tpu.vector_load %arg13[%parallel_loop3A_581, %parallel_loop3A_582, %parallel_loop3A_583] {strides = array<i32>} : memref<3x56x128xf32, #tpu.memory_space<vmem>>, vector<16xf32>,
        %parallel_loop3A_585 = arith.constant 0 : i32
        %parallel_loop3A_586 = arith.index_cast %parallel_loop3A_585 : i32 to index
        %parallel_loop3A_587 = arith.index_cast %parallel_loop3A_452 : i32 to index
        %parallel_loop3A_588 = arith.constant 80 : index
        %parallel_loop3A_589 = tpu.vector_load %arg14[%parallel_loop3A_586, %parallel_loop3A_587, %parallel_loop3A_588] {strides = array<i32>} : memref<3x56x128xf32, #tpu.memory_space<vmem>>, vector<16xf32>,
        %parallel_loop3A_590 = arith.addf %parallel_loop3A_584, %parallel_loop3A_589 : vector<16xf32>
        %parallel_loop3A_591 = arith.mulf %parallel_loop3A_461, %get3A_13 : vector<16xf32>
        %parallel_loop3A_592 = arith.addf %parallel_loop3A_590, %parallel_loop3A_591 : vector<16xf32>
        %parallel_loop3A_593 = arith.mulf %parallel_loop3A_464, %get3A_29 : vector<16xf32>
        %parallel_loop3A_594 = arith.addf %parallel_loop3A_592, %parallel_loop3A_593 : vector<16xf32>
        %parallel_loop3A_595 = arith.constant 0.000000e+00 : f32
        %parallel_loop3A_596 = vector.broadcast %parallel_loop3A_595 : f32 to vector<16xf32>
        %parallel_loop3A_597 = arith.maximumf %parallel_loop3A_594, %parallel_loop3A_596 : vector<16xf32>
        %parallel_loop3A_598 = arith.constant 0 : i32
        %parallel_loop3A_599 = arith.index_cast %parallel_loop3A_598 : i32 to index
        %parallel_loop3A_600 = arith.index_cast %parallel_loop3A_452 : i32 to index
        %parallel_loop3A_601 = arith.constant 80 : index
        %parallel_loop3A_602 = tpu.vector_load %arg13[%parallel_loop3A_599, %parallel_loop3A_600, %parallel_loop3A_601] {strides = array<i32>} : memref<3x56x128xf32, #tpu.memory_space<vmem>>, vector<16xf32>,
        tpu.vector_store %arg13[%parallel_loop3A_599, %parallel_loop3A_600, %parallel_loop3A_601], %parallel_loop3A_597 {strides = array<i32>} : memref<3x56x128xf32, #tpu.memory_space<vmem>>, vector<16xf32>,
        %parallel_loop3A_603 = arith.constant 0 : i32
        %parallel_loop3A_604 = arith.index_cast %parallel_loop3A_603 : i32 to index
        %parallel_loop3A_605 = arith.index_cast %parallel_loop3A_452 : i32 to index
        %parallel_loop3A_606 = arith.constant 96 : index
        %parallel_loop3A_607 = tpu.vector_load %arg13[%parallel_loop3A_604, %parallel_loop3A_605, %parallel_loop3A_606] {strides = array<i32>} : memref<3x56x128xf32, #tpu.memory_space<vmem>>, vector<16xf32>,
        %parallel_loop3A_608 = arith.constant 0 : i32
        %parallel_loop3A_609 = arith.index_cast %parallel_loop3A_608 : i32 to index
        %parallel_loop3A_610 = arith.index_cast %parallel_loop3A_452 : i32 to index
        %parallel_loop3A_611 = arith.constant 96 : index
        %parallel_loop3A_612 = tpu.vector_load %arg14[%parallel_loop3A_609, %parallel_loop3A_610, %parallel_loop3A_611] {strides = array<i32>} : memref<3x56x128xf32, #tpu.memory_space<vmem>>, vector<16xf32>,
        %parallel_loop3A_613 = arith.addf %parallel_loop3A_607, %parallel_loop3A_612 : vector<16xf32>
        %parallel_loop3A_614 = arith.mulf %parallel_loop3A_461, %get3A_15 : vector<16xf32>
        %parallel_loop3A_615 = arith.addf %parallel_loop3A_613, %parallel_loop3A_614 : vector<16xf32>
        %parallel_loop3A_616 = arith.mulf %parallel_loop3A_464, %get3A_31 : vector<16xf32>
        %parallel_loop3A_617 = arith.addf %parallel_loop3A_615, %parallel_loop3A_616 : vector<16xf32>
        %parallel_loop3A_618 = arith.constant 0.000000e+00 : f32
        %parallel_loop3A_619 = vector.broadcast %parallel_loop3A_618 : f32 to vector<16xf32>
        %parallel_loop3A_620 = arith.maximumf %parallel_loop3A_617, %parallel_loop3A_619 : vector<16xf32>
        %parallel_loop3A_621 = arith.constant 0 : i32
        %parallel_loop3A_622 = arith.index_cast %parallel_loop3A_621 : i32 to index
        %parallel_loop3A_623 = arith.index_cast %parallel_loop3A_452 : i32 to index
        %parallel_loop3A_624 = arith.constant 96 : index
        %parallel_loop3A_625 = tpu.vector_load %arg13[%parallel_loop3A_622, %parallel_loop3A_623, %parallel_loop3A_624] {strides = array<i32>} : memref<3x56x128xf32, #tpu.memory_space<vmem>>, vector<16xf32>,
        tpu.vector_store %arg13[%parallel_loop3A_622, %parallel_loop3A_623, %parallel_loop3A_624], %parallel_loop3A_620 {strides = array<i32>} : memref<3x56x128xf32, #tpu.memory_space<vmem>>, vector<16xf32>,
        %parallel_loop3A_626 = arith.constant 0 : i32
        %parallel_loop3A_627 = arith.index_cast %parallel_loop3A_626 : i32 to index
        %parallel_loop3A_628 = arith.index_cast %parallel_loop3A_452 : i32 to index
        %parallel_loop3A_629 = arith.constant 112 : index
        %parallel_loop3A_630 = tpu.vector_load %arg13[%parallel_loop3A_627, %parallel_loop3A_628, %parallel_loop3A_629] {strides = array<i32>} : memref<3x56x128xf32, #tpu.memory_space<vmem>>, vector<16xf32>,
        %parallel_loop3A_631 = arith.constant 0 : i32
        %parallel_loop3A_632 = arith.index_cast %parallel_loop3A_631 : i32 to index
        %parallel_loop3A_633 = arith.index_cast %parallel_loop3A_452 : i32 to index
        %parallel_loop3A_634 = arith.constant 112 : index
        %parallel_loop3A_635 = tpu.vector_load %arg14[%parallel_loop3A_632, %parallel_loop3A_633, %parallel_loop3A_634] {strides = array<i32>} : memref<3x56x128xf32, #tpu.memory_space<vmem>>, vector<16xf32>,
        %parallel_loop3A_636 = arith.addf %parallel_loop3A_630, %parallel_loop3A_635 : vector<16xf32>
        %parallel_loop3A_637 = arith.mulf %parallel_loop3A_461, %get3A_17 : vector<16xf32>
        %parallel_loop3A_638 = arith.addf %parallel_loop3A_636, %parallel_loop3A_637 : vector<16xf32>
        %parallel_loop3A_639 = arith.mulf %parallel_loop3A_464, %get3A_33 : vector<16xf32>
        %parallel_loop3A_640 = arith.addf %parallel_loop3A_638, %parallel_loop3A_639 : vector<16xf32>
        %parallel_loop3A_641 = arith.constant 0.000000e+00 : f32
        %parallel_loop3A_642 = vector.broadcast %parallel_loop3A_641 : f32 to vector<16xf32>
        %parallel_loop3A_643 = arith.maximumf %parallel_loop3A_640, %parallel_loop3A_642 : vector<16xf32>
        %parallel_loop3A_644 = arith.constant 0 : i32
        %parallel_loop3A_645 = arith.index_cast %parallel_loop3A_644 : i32 to index
        %parallel_loop3A_646 = arith.index_cast %parallel_loop3A_452 : i32 to index
        %parallel_loop3A_647 = arith.constant 112 : index
        %parallel_loop3A_648 = tpu.vector_load %arg13[%parallel_loop3A_645, %parallel_loop3A_646, %parallel_loop3A_647] {strides = array<i32>} : memref<3x56x128xf32, #tpu.memory_space<vmem>>, vector<16xf32>,
        tpu.vector_store %arg13[%parallel_loop3A_645, %parallel_loop3A_646, %parallel_loop3A_647], %parallel_loop3A_643 {strides = array<i32>} : memref<3x56x128xf32, #tpu.memory_space<vmem>>, vector<16xf32>,
      } {sc.loop_unroll_factor = 4 : i64, sc.parallel_access}
      %dma_start3A_284 = arith.constant 0 : i32
      %dma_start3A_285 = arith.constant 0 : i32
      %dma_start3A_286 = arith.constant 0 : i32
      %dma_start3A_287 = arith.constant 0 : i32
      %dma_start3A_288 = arith.constant 0 : i32
      %dma_start3A_289 = tpu.memref_slice %arg13[%dma_start3A_284, %dma_start3A_287, %dma_start3A_288] : memref<3x56x128xf32, #tpu.memory_space<vmem>> -> memref<1x56x128xf32, #tpu.memory_space<vmem>>
      %dma_start3A_290 = tpu.memref_squeeze %dma_start3A_289 : memref<1x56x128xf32, #tpu.memory_space<vmem>> -> memref<56x128xf32, #tpu.memory_space<vmem>>
      %dma_start3A_291 = arith.constant 0 : i32
      %dma_start3A_292 = tpu.memref_slice %arg11[%dma_start3A_285, %dma_start3A_291] : memref<3x56xi32, #tpu.memory_space<vmem>> -> memref<1x56xi32, #tpu.memory_space<vmem>>
      %dma_start3A_293 = tpu.memref_squeeze %dma_start3A_292 : memref<1x56xi32, #tpu.memory_space<vmem>> -> memref<56xi32, #tpu.memory_space<vmem>>
      %dma_start3A_294 = arith.constant 0 : i32
      %dma_start3A_295 = arith.constant 0 : i32
      %dma_start3A_296 = tpu.memref_slice %arg9[%dma_start3A_294, %dma_start3A_295] : memref<10112x128xf32, #tpu.memory_space<vmem_shared>> -> memref<10112x128xf32, #tpu.memory_space<vmem_shared>>
      %dma_start3A_297 = tpu.memref_slice %arg18[%dma_start3A_286] : memref<3x!tpu.dma_semaphore, #tpu.memory_space<semaphore_mem>> -> memref<1x!tpu.dma_semaphore, #tpu.memory_space<semaphore_mem>>
      %dma_start3A_298 = tpu.memref_squeeze %dma_start3A_297 : memref<1x!tpu.dma_semaphore, #tpu.memory_space<semaphore_mem>> -> memref<!tpu.dma_semaphore, #tpu.memory_space<semaphore_mem>>
      tpu.enqueue_indirect_dma source(%dma_start3A_290 : memref<56x128xf32, #tpu.memory_space<vmem>>) target(%dma_start3A_296 : memref<10112x128xf32, #tpu.memory_space<vmem_shared>>) offsets(%dma_start3A_293 : memref<56xi32, #tpu.memory_space<vmem>>) semaphore(%dma_start3A_298 : memref<!tpu.dma_semaphore, #tpu.memory_space<semaphore_mem>>) {add = true}
      %ge3A = arith.constant 1 : i32
      %ge3A_299 = arith.cmpi sge, %add3A_247, %ge3A : i32
      %convert_element_type3A_300 = arith.extui %ge3A_299 : i1 to i32
      %cond3A_301 = arith.constant 0 : i32
      %cond3A_302 = arith.cmpi ne, %convert_element_type3A_300, %cond3A_301 : i32
      scf.if %cond3A_302 {
        %dma_wait3A_452 = arith.constant 2 : i32
        %dma_wait3A_453 = arith.constant 2 : i32
        %dma_wait3A_454 = arith.constant 2 : i32
        %dma_wait3A_455 = arith.constant 0 : i32
        %dma_wait3A_456 = arith.constant 0 : i32
        %dma_wait3A_457 = tpu.memref_slice %arg13[%dma_wait3A_452, %dma_wait3A_455, %dma_wait3A_456] : memref<3x56x128xf32, #tpu.memory_space<vmem>> -> memref<1x56x128xf32, #tpu.memory_space<vmem>>
        %dma_wait3A_458 = tpu.memref_squeeze %dma_wait3A_457 : memref<1x56x128xf32, #tpu.memory_space<vmem>> -> memref<56x128xf32, #tpu.memory_space<vmem>>
        %dma_wait3A_459 = arith.constant 0 : i32
        %dma_wait3A_460 = tpu.memref_slice %arg11[%dma_wait3A_453, %dma_wait3A_459] : memref<3x56xi32, #tpu.memory_space<vmem>> -> memref<1x56xi32, #tpu.memory_space<vmem>>
        %dma_wait3A_461 = tpu.memref_squeeze %dma_wait3A_460 : memref<1x56xi32, #tpu.memory_space<vmem>> -> memref<56xi32, #tpu.memory_space<vmem>>
        %dma_wait3A_462 = arith.constant 0 : i32
        %dma_wait3A_463 = arith.constant 0 : i32
        %dma_wait3A_464 = tpu.memref_slice %arg9[%dma_wait3A_462, %dma_wait3A_463] : memref<10112x128xf32, #tpu.memory_space<vmem_shared>> -> memref<10112x128xf32, #tpu.memory_space<vmem_shared>>
        %dma_wait3A_465 = tpu.memref_slice %arg18[%dma_wait3A_454] : memref<3x!tpu.dma_semaphore, #tpu.memory_space<semaphore_mem>> -> memref<1x!tpu.dma_semaphore, #tpu.memory_space<semaphore_mem>>
        %dma_wait3A_466 = tpu.memref_squeeze %dma_wait3A_465 : memref<1x!tpu.dma_semaphore, #tpu.memory_space<semaphore_mem>> -> memref<!tpu.dma_semaphore, #tpu.memory_space<semaphore_mem>>
        tpu.wait_indirect_dma semaphore(%dma_wait3A_466 : memref<!tpu.dma_semaphore, #tpu.memory_space<semaphore_mem>>) src(%dma_wait3A_458 : memref<56x128xf32, #tpu.memory_space<vmem>>) dst(%dma_wait3A_464 : memref<10112x128xf32, #tpu.memory_space<vmem_shared>>)
      } else {
      }
      %add3A_303 = arith.constant 2 : i32
      %add3A_304 = arith.addi %add3A_247, %add3A_303 : i32
      %lt3A_305 = arith.constant 180 : i32
      %lt3A_306 = arith.cmpi slt, %add3A_304, %lt3A_305 : i32
      %convert_element_type3A_307 = arith.extui %lt3A_306 : i1 to i32
      %cond3A_308 = arith.constant 0 : i32
      %cond3A_309 = arith.cmpi ne, %convert_element_type3A_307, %cond3A_308 : i32
      scf.if %cond3A_309 {
        %add3A_452 = arith.constant 2 : i32
        %add3A_453 = arith.addi %add3A_247, %add3A_452 : i32
        %mul3A_454 = arith.constant 56 : i32
        %mul3A_455 = arith.muli %add3A_453, %mul3A_454 : i32
        %add3A_456 = arith.addi %add3A, %mul3A_455 : i32
        %dma_start3A_457 = arith.constant 2 : i32
        %dma_start3A_458 = arith.constant 2 : i32
        %dma_start3A_459 = arith.constant 0 : i32
        %dma_start3A_460 = tpu.memref_slice %arg10[%dma_start3A_457, %dma_start3A_459] : memref<3x56xi32, #tpu.memory_space<vmem>> -> memref<1x56xi32, #tpu.memory_space<vmem>>
        %dma_start3A_461 = tpu.memref_squeeze %dma_start3A_460 : memref<1x56xi32, #tpu.memory_space<vmem>> -> memref<56xi32, #tpu.memory_space<vmem>>
        %dma_start3A_462 = tpu.memref_slice %arg5[%add3A_456] : memref<322560xi32, #tpu.memory_space<hbm>> -> memref<56xi32, #tpu.memory_space<hbm>>
        %dma_start3A_463 = tpu.memref_slice %arg16[%dma_start3A_458] : memref<3x!tpu.dma_semaphore, #tpu.memory_space<semaphore_mem>> -> memref<1x!tpu.dma_semaphore, #tpu.memory_space<semaphore_mem>>
        %dma_start3A_464 = tpu.memref_squeeze %dma_start3A_463 : memref<1x!tpu.dma_semaphore, #tpu.memory_space<semaphore_mem>> -> memref<!tpu.dma_semaphore, #tpu.memory_space<semaphore_mem>>
        %dma_start3A_465 = arith.constant 0 : i32
        %dma_start3A_466 = tpu.memref_slice %arg10[%dma_start3A_457, %dma_start3A_465] : memref<3x56xi32, #tpu.memory_space<vmem>> -> memref<1x56xi32, #tpu.memory_space<vmem>>
        %dma_start3A_467 = tpu.memref_squeeze %dma_start3A_466 : memref<1x56xi32, #tpu.memory_space<vmem>> -> memref<56xi32, #tpu.memory_space<vmem>>
        %dma_start3A_468 = tpu.memref_slice %arg5[%add3A_456] : memref<322560xi32, #tpu.memory_space<hbm>> -> memref<56xi32, #tpu.memory_space<hbm>>
        tpu.enqueue_dma source(%dma_start3A_468 : memref<56xi32, #tpu.memory_space<hbm>>) target(%dma_start3A_467 : memref<56xi32, #tpu.memory_space<vmem>>) target_semaphore(%dma_start3A_464 : memref<!tpu.dma_semaphore, #tpu.memory_space<semaphore_mem>>)
        %dma_start3A_469 = arith.constant 2 : i32
        %dma_start3A_470 = arith.constant 2 : i32
        %dma_start3A_471 = arith.constant 0 : i32
        %dma_start3A_472 = tpu.memref_slice %arg11[%dma_start3A_469, %dma_start3A_471] : memref<3x56xi32, #tpu.memory_space<vmem>> -> memref<1x56xi32, #tpu.memory_space<vmem>>
        %dma_start3A_473 = tpu.memref_squeeze %dma_start3A_472 : memref<1x56xi32, #tpu.memory_space<vmem>> -> memref<56xi32, #tpu.memory_space<vmem>>
        %dma_start3A_474 = tpu.memref_slice %arg6[%add3A_456] : memref<322560xi32, #tpu.memory_space<hbm>> -> memref<56xi32, #tpu.memory_space<hbm>>
        %dma_start3A_475 = tpu.memref_slice %arg16[%dma_start3A_470] : memref<3x!tpu.dma_semaphore, #tpu.memory_space<semaphore_mem>> -> memref<1x!tpu.dma_semaphore, #tpu.memory_space<semaphore_mem>>
        %dma_start3A_476 = tpu.memref_squeeze %dma_start3A_475 : memref<1x!tpu.dma_semaphore, #tpu.memory_space<semaphore_mem>> -> memref<!tpu.dma_semaphore, #tpu.memory_space<semaphore_mem>>
        %dma_start3A_477 = arith.constant 0 : i32
        %dma_start3A_478 = tpu.memref_slice %arg11[%dma_start3A_469, %dma_start3A_477] : memref<3x56xi32, #tpu.memory_space<vmem>> -> memref<1x56xi32, #tpu.memory_space<vmem>>
        %dma_start3A_479 = tpu.memref_squeeze %dma_start3A_478 : memref<1x56xi32, #tpu.memory_space<vmem>> -> memref<56xi32, #tpu.memory_space<vmem>>
        %dma_start3A_480 = tpu.memref_slice %arg6[%add3A_456] : memref<322560xi32, #tpu.memory_space<hbm>> -> memref<56xi32, #tpu.memory_space<hbm>>
        tpu.enqueue_dma source(%dma_start3A_480 : memref<56xi32, #tpu.memory_space<hbm>>) target(%dma_start3A_479 : memref<56xi32, #tpu.memory_space<vmem>>) target_semaphore(%dma_start3A_476 : memref<!tpu.dma_semaphore, #tpu.memory_space<semaphore_mem>>)
        %dma_start3A_481 = arith.constant 2 : i32
        %dma_start3A_482 = arith.constant 2 : i32
        %dma_start3A_483 = arith.constant 0 : i32
        %dma_start3A_484 = tpu.memref_slice %arg12[%dma_start3A_481, %dma_start3A_483] : memref<3x56xf32, #tpu.memory_space<vmem>> -> memref<1x56xf32, #tpu.memory_space<vmem>>
        %dma_start3A_485 = tpu.memref_squeeze %dma_start3A_484 : memref<1x56xf32, #tpu.memory_space<vmem>> -> memref<56xf32, #tpu.memory_space<vmem>>
        %dma_start3A_486 = tpu.memref_slice %arg7[%add3A_456] : memref<322560xf32, #tpu.memory_space<hbm>> -> memref<56xf32, #tpu.memory_space<hbm>>
        %dma_start3A_487 = tpu.memref_slice %arg16[%dma_start3A_482] : memref<3x!tpu.dma_semaphore, #tpu.memory_space<semaphore_mem>> -> memref<1x!tpu.dma_semaphore, #tpu.memory_space<semaphore_mem>>
        %dma_start3A_488 = tpu.memref_squeeze %dma_start3A_487 : memref<1x!tpu.dma_semaphore, #tpu.memory_space<semaphore_mem>> -> memref<!tpu.dma_semaphore, #tpu.memory_space<semaphore_mem>>
        %dma_start3A_489 = arith.constant 0 : i32
        %dma_start3A_490 = tpu.memref_slice %arg12[%dma_start3A_481, %dma_start3A_489] : memref<3x56xf32, #tpu.memory_space<vmem>> -> memref<1x56xf32, #tpu.memory_space<vmem>>
        %dma_start3A_491 = tpu.memref_squeeze %dma_start3A_490 : memref<1x56xf32, #tpu.memory_space<vmem>> -> memref<56xf32, #tpu.memory_space<vmem>>
        %dma_start3A_492 = tpu.memref_slice %arg7[%add3A_456] : memref<322560xf32, #tpu.memory_space<hbm>> -> memref<56xf32, #tpu.memory_space<hbm>>
        tpu.enqueue_dma source(%dma_start3A_492 : memref<56xf32, #tpu.memory_space<hbm>>) target(%dma_start3A_491 : memref<56xf32, #tpu.memory_space<vmem>>) target_semaphore(%dma_start3A_488 : memref<!tpu.dma_semaphore, #tpu.memory_space<semaphore_mem>>)
      } else {
      }
      %mul3A_310 = arith.constant 3 : i32
      %mul3A_311 = arith.muli %add3A_243, %mul3A_310 : i32
      %add3A_312 = arith.constant 1 : i32
      %add3A_313 = arith.addi %mul3A_311, %add3A_312 : i32
      %add3A_314 = arith.constant 1 : i32
      %add3A_315 = arith.addi %add3A_313, %add3A_314 : i32
      %lt3A_316 = arith.constant 180 : i32
      %lt3A_317 = arith.cmpi slt, %add3A_315, %lt3A_316 : i32
      %convert_element_type3A_318 = arith.extui %lt3A_317 : i1 to i32
      %cond3A_319 = arith.constant 0 : i32
      %cond3A_320 = arith.cmpi ne, %convert_element_type3A_318, %cond3A_319 : i32
      scf.if %cond3A_320 {
        %add3A_452 = arith.constant 1 : i32
        %add3A_453 = arith.addi %add3A_313, %add3A_452 : i32
        %mul3A_454 = arith.constant 56 : i32
        %mul3A_455 = arith.muli %add3A_453, %mul3A_454 : i32
        %add3A_456 = arith.addi %add3A, %mul3A_455 : i32
        %dma_wait3A_457 = arith.constant 2 : i32
        %dma_wait3A_458 = arith.constant 2 : i32
        %dma_wait3A_459 = arith.constant 0 : i32
        %dma_wait3A_460 = tpu.memref_slice %arg10[%dma_wait3A_457, %dma_wait3A_459] : memref<3x56xi32, #tpu.memory_space<vmem>> -> memref<1x56xi32, #tpu.memory_space<vmem>>
        %dma_wait3A_461 = tpu.memref_squeeze %dma_wait3A_460 : memref<1x56xi32, #tpu.memory_space<vmem>> -> memref<56xi32, #tpu.memory_space<vmem>>
        %dma_wait3A_462 = tpu.memref_slice %arg5[%add3A_456] : memref<322560xi32, #tpu.memory_space<hbm>> -> memref<56xi32, #tpu.memory_space<hbm>>
        %dma_wait3A_463 = tpu.memref_slice %arg16[%dma_wait3A_458] : memref<3x!tpu.dma_semaphore, #tpu.memory_space<semaphore_mem>> -> memref<1x!tpu.dma_semaphore, #tpu.memory_space<semaphore_mem>>
        %dma_wait3A_464 = tpu.memref_squeeze %dma_wait3A_463 : memref<1x!tpu.dma_semaphore, #tpu.memory_space<semaphore_mem>> -> memref<!tpu.dma_semaphore, #tpu.memory_space<semaphore_mem>>
        %dma_wait3A_465 = arith.constant 0 : i32
        %dma_wait3A_466 = tpu.memref_slice %arg10[%dma_wait3A_457, %dma_wait3A_465] : memref<3x56xi32, #tpu.memory_space<vmem>> -> memref<1x56xi32, #tpu.memory_space<vmem>>
        %dma_wait3A_467 = tpu.memref_squeeze %dma_wait3A_466 : memref<1x56xi32, #tpu.memory_space<vmem>> -> memref<56xi32, #tpu.memory_space<vmem>>
        %dma_wait3A_468 = tpu.memref_slice %arg5[%add3A_456] : memref<322560xi32, #tpu.memory_space<hbm>> -> memref<56xi32, #tpu.memory_space<hbm>>
        tpu.wait_dma2 semaphore(%dma_wait3A_464 : memref<!tpu.dma_semaphore, #tpu.memory_space<semaphore_mem>>) src(%dma_wait3A_468 : memref<56xi32, #tpu.memory_space<hbm>>) dst(%dma_wait3A_467 : memref<56xi32, #tpu.memory_space<vmem>>)
        %dma_wait3A_469 = arith.constant 2 : i32
        %dma_wait3A_470 = arith.constant 2 : i32
        %dma_wait3A_471 = arith.constant 0 : i32
        %dma_wait3A_472 = tpu.memref_slice %arg11[%dma_wait3A_469, %dma_wait3A_471] : memref<3x56xi32, #tpu.memory_space<vmem>> -> memref<1x56xi32, #tpu.memory_space<vmem>>
        %dma_wait3A_473 = tpu.memref_squeeze %dma_wait3A_472 : memref<1x56xi32, #tpu.memory_space<vmem>> -> memref<56xi32, #tpu.memory_space<vmem>>
        %dma_wait3A_474 = tpu.memref_slice %arg6[%add3A_456] : memref<322560xi32, #tpu.memory_space<hbm>> -> memref<56xi32, #tpu.memory_space<hbm>>
        %dma_wait3A_475 = tpu.memref_slice %arg16[%dma_wait3A_470] : memref<3x!tpu.dma_semaphore, #tpu.memory_space<semaphore_mem>> -> memref<1x!tpu.dma_semaphore, #tpu.memory_space<semaphore_mem>>
        %dma_wait3A_476 = tpu.memref_squeeze %dma_wait3A_475 : memref<1x!tpu.dma_semaphore, #tpu.memory_space<semaphore_mem>> -> memref<!tpu.dma_semaphore, #tpu.memory_space<semaphore_mem>>
        %dma_wait3A_477 = arith.constant 0 : i32
        %dma_wait3A_478 = tpu.memref_slice %arg11[%dma_wait3A_469, %dma_wait3A_477] : memref<3x56xi32, #tpu.memory_space<vmem>> -> memref<1x56xi32, #tpu.memory_space<vmem>>
        %dma_wait3A_479 = tpu.memref_squeeze %dma_wait3A_478 : memref<1x56xi32, #tpu.memory_space<vmem>> -> memref<56xi32, #tpu.memory_space<vmem>>
        %dma_wait3A_480 = tpu.memref_slice %arg6[%add3A_456] : memref<322560xi32, #tpu.memory_space<hbm>> -> memref<56xi32, #tpu.memory_space<hbm>>
        tpu.wait_dma2 semaphore(%dma_wait3A_476 : memref<!tpu.dma_semaphore, #tpu.memory_space<semaphore_mem>>) src(%dma_wait3A_480 : memref<56xi32, #tpu.memory_space<hbm>>) dst(%dma_wait3A_479 : memref<56xi32, #tpu.memory_space<vmem>>)
        %dma_wait3A_481 = arith.constant 2 : i32
        %dma_wait3A_482 = arith.constant 2 : i32
        %dma_wait3A_483 = arith.constant 0 : i32
        %dma_wait3A_484 = tpu.memref_slice %arg12[%dma_wait3A_481, %dma_wait3A_483] : memref<3x56xf32, #tpu.memory_space<vmem>> -> memref<1x56xf32, #tpu.memory_space<vmem>>
        %dma_wait3A_485 = tpu.memref_squeeze %dma_wait3A_484 : memref<1x56xf32, #tpu.memory_space<vmem>> -> memref<56xf32, #tpu.memory_space<vmem>>
        %dma_wait3A_486 = tpu.memref_slice %arg7[%add3A_456] : memref<322560xf32, #tpu.memory_space<hbm>> -> memref<56xf32, #tpu.memory_space<hbm>>
        %dma_wait3A_487 = tpu.memref_slice %arg16[%dma_wait3A_482] : memref<3x!tpu.dma_semaphore, #tpu.memory_space<semaphore_mem>> -> memref<1x!tpu.dma_semaphore, #tpu.memory_space<semaphore_mem>>
        %dma_wait3A_488 = tpu.memref_squeeze %dma_wait3A_487 : memref<1x!tpu.dma_semaphore, #tpu.memory_space<semaphore_mem>> -> memref<!tpu.dma_semaphore, #tpu.memory_space<semaphore_mem>>
        %dma_wait3A_489 = arith.constant 0 : i32
        %dma_wait3A_490 = tpu.memref_slice %arg12[%dma_wait3A_481, %dma_wait3A_489] : memref<3x56xf32, #tpu.memory_space<vmem>> -> memref<1x56xf32, #tpu.memory_space<vmem>>
        %dma_wait3A_491 = tpu.memref_squeeze %dma_wait3A_490 : memref<1x56xf32, #tpu.memory_space<vmem>> -> memref<56xf32, #tpu.memory_space<vmem>>
        %dma_wait3A_492 = tpu.memref_slice %arg7[%add3A_456] : memref<322560xf32, #tpu.memory_space<hbm>> -> memref<56xf32, #tpu.memory_space<hbm>>
        tpu.wait_dma2 semaphore(%dma_wait3A_488 : memref<!tpu.dma_semaphore, #tpu.memory_space<semaphore_mem>>) src(%dma_wait3A_492 : memref<56xf32, #tpu.memory_space<hbm>>) dst(%dma_wait3A_491 : memref<56xf32, #tpu.memory_space<vmem>>)
        %dma_start3A_493 = arith.constant 2 : i32
        %dma_start3A_494 = arith.constant 2 : i32
        %dma_start3A_495 = arith.constant 2 : i32
        %dma_start3A_496 = arith.constant 0 : i32
        %dma_start3A_497 = arith.constant 0 : i32
        %dma_start3A_498 = tpu.memref_slice %arg13[%dma_start3A_494, %dma_start3A_496, %dma_start3A_497] : memref<3x56x128xf32, #tpu.memory_space<vmem>> -> memref<1x56x128xf32, #tpu.memory_space<vmem>>
        %dma_start3A_499 = tpu.memref_squeeze %dma_start3A_498 : memref<1x56x128xf32, #tpu.memory_space<vmem>> -> memref<56x128xf32, #tpu.memory_space<vmem>>
        %dma_start3A_500 = arith.constant 0 : i32
        %dma_start3A_501 = tpu.memref_slice %arg10[%dma_start3A_493, %dma_start3A_500] : memref<3x56xi32, #tpu.memory_space<vmem>> -> memref<1x56xi32, #tpu.memory_space<vmem>>
        %dma_start3A_502 = tpu.memref_squeeze %dma_start3A_501 : memref<1x56xi32, #tpu.memory_space<vmem>> -> memref<56xi32, #tpu.memory_space<vmem>>
        %dma_start3A_503 = arith.constant 0 : i32
        %dma_start3A_504 = arith.constant 0 : i32
        %dma_start3A_505 = tpu.memref_slice %arg2[%dma_start3A_503, %dma_start3A_504] : memref<10000x128xf32, #tpu.memory_space<hbm>> -> memref<10000x128xf32, #tpu.memory_space<hbm>>
        %dma_start3A_506 = tpu.memref_slice %arg17[%dma_start3A_495] : memref<3x!tpu.dma_semaphore, #tpu.memory_space<semaphore_mem>> -> memref<1x!tpu.dma_semaphore, #tpu.memory_space<semaphore_mem>>
        %dma_start3A_507 = tpu.memref_squeeze %dma_start3A_506 : memref<1x!tpu.dma_semaphore, #tpu.memory_space<semaphore_mem>> -> memref<!tpu.dma_semaphore, #tpu.memory_space<semaphore_mem>>
        tpu.enqueue_indirect_dma source(%dma_start3A_505 : memref<10000x128xf32, #tpu.memory_space<hbm>>) target(%dma_start3A_499 : memref<56x128xf32, #tpu.memory_space<vmem>>) offsets(%dma_start3A_502 : memref<56xi32, #tpu.memory_space<vmem>>) semaphore(%dma_start3A_507 : memref<!tpu.dma_semaphore, #tpu.memory_space<semaphore_mem>>)
        %dma_start3A_508 = arith.constant 2 : i32
        %dma_start3A_509 = arith.constant 2 : i32
        %dma_start3A_510 = arith.constant 2 : i32
        %dma_start3A_511 = arith.constant 0 : i32
        %dma_start3A_512 = arith.constant 0 : i32
        %dma_start3A_513 = tpu.memref_slice %arg14[%dma_start3A_509, %dma_start3A_511, %dma_start3A_512] : memref<3x56x128xf32, #tpu.memory_space<vmem>> -> memref<1x56x128xf32, #tpu.memory_space<vmem>>
        %dma_start3A_514 = tpu.memref_squeeze %dma_start3A_513 : memref<1x56x128xf32, #tpu.memory_space<vmem>> -> memref<56x128xf32, #tpu.memory_space<vmem>>
        %dma_start3A_515 = arith.constant 0 : i32
        %dma_start3A_516 = tpu.memref_slice %arg11[%dma_start3A_508, %dma_start3A_515] : memref<3x56xi32, #tpu.memory_space<vmem>> -> memref<1x56xi32, #tpu.memory_space<vmem>>
        %dma_start3A_517 = tpu.memref_squeeze %dma_start3A_516 : memref<1x56xi32, #tpu.memory_space<vmem>> -> memref<56xi32, #tpu.memory_space<vmem>>
        %dma_start3A_518 = arith.constant 0 : i32
        %dma_start3A_519 = arith.constant 0 : i32
        %dma_start3A_520 = tpu.memref_slice %arg3[%dma_start3A_518, %dma_start3A_519] : memref<10000x128xf32, #tpu.memory_space<hbm>> -> memref<10000x128xf32, #tpu.memory_space<hbm>>
        %dma_start3A_521 = tpu.memref_slice %arg17[%dma_start3A_510] : memref<3x!tpu.dma_semaphore, #tpu.memory_space<semaphore_mem>> -> memref<1x!tpu.dma_semaphore, #tpu.memory_space<semaphore_mem>>
        %dma_start3A_522 = tpu.memref_squeeze %dma_start3A_521 : memref<1x!tpu.dma_semaphore, #tpu.memory_space<semaphore_mem>> -> memref<!tpu.dma_semaphore, #tpu.memory_space<semaphore_mem>>
        tpu.enqueue_indirect_dma source(%dma_start3A_520 : memref<10000x128xf32, #tpu.memory_space<hbm>>) target(%dma_start3A_514 : memref<56x128xf32, #tpu.memory_space<vmem>>) offsets(%dma_start3A_517 : memref<56xi32, #tpu.memory_space<vmem>>) semaphore(%dma_start3A_522 : memref<!tpu.dma_semaphore, #tpu.memory_space<semaphore_mem>>)
      } else {
      }
      %dma_wait3A_321 = arith.constant 1 : i32
      %dma_wait3A_322 = arith.constant 1 : i32
      %dma_wait3A_323 = arith.constant 1 : i32
      %dma_wait3A_324 = arith.constant 0 : i32
      %dma_wait3A_325 = arith.constant 0 : i32
      %dma_wait3A_326 = tpu.memref_slice %arg13[%dma_wait3A_322, %dma_wait3A_324, %dma_wait3A_325] : memref<3x56x128xf32, #tpu.memory_space<vmem>> -> memref<1x56x128xf32, #tpu.memory_space<vmem>>
      %dma_wait3A_327 = tpu.memref_squeeze %dma_wait3A_326 : memref<1x56x128xf32, #tpu.memory_space<vmem>> -> memref<56x128xf32, #tpu.memory_space<vmem>>
      %dma_wait3A_328 = arith.constant 0 : i32
      %dma_wait3A_329 = tpu.memref_slice %arg10[%dma_wait3A_321, %dma_wait3A_328] : memref<3x56xi32, #tpu.memory_space<vmem>> -> memref<1x56xi32, #tpu.memory_space<vmem>>
      %dma_wait3A_330 = tpu.memref_squeeze %dma_wait3A_329 : memref<1x56xi32, #tpu.memory_space<vmem>> -> memref<56xi32, #tpu.memory_space<vmem>>
      %dma_wait3A_331 = arith.constant 0 : i32
      %dma_wait3A_332 = arith.constant 0 : i32
      %dma_wait3A_333 = tpu.memref_slice %arg2[%dma_wait3A_331, %dma_wait3A_332] : memref<10000x128xf32, #tpu.memory_space<hbm>> -> memref<10000x128xf32, #tpu.memory_space<hbm>>
      %dma_wait3A_334 = tpu.memref_slice %arg17[%dma_wait3A_323] : memref<3x!tpu.dma_semaphore, #tpu.memory_space<semaphore_mem>> -> memref<1x!tpu.dma_semaphore, #tpu.memory_space<semaphore_mem>>
      %dma_wait3A_335 = tpu.memref_squeeze %dma_wait3A_334 : memref<1x!tpu.dma_semaphore, #tpu.memory_space<semaphore_mem>> -> memref<!tpu.dma_semaphore, #tpu.memory_space<semaphore_mem>>
      tpu.wait_indirect_dma semaphore(%dma_wait3A_335 : memref<!tpu.dma_semaphore, #tpu.memory_space<semaphore_mem>>) src(%dma_wait3A_333 : memref<10000x128xf32, #tpu.memory_space<hbm>>) dst(%dma_wait3A_327 : memref<56x128xf32, #tpu.memory_space<vmem>>)
      %dma_wait3A_336 = arith.constant 1 : i32
      %dma_wait3A_337 = arith.constant 1 : i32
      %dma_wait3A_338 = arith.constant 1 : i32
      %dma_wait3A_339 = arith.constant 0 : i32
      %dma_wait3A_340 = arith.constant 0 : i32
      %dma_wait3A_341 = tpu.memref_slice %arg14[%dma_wait3A_337, %dma_wait3A_339, %dma_wait3A_340] : memref<3x56x128xf32, #tpu.memory_space<vmem>> -> memref<1x56x128xf32, #tpu.memory_space<vmem>>
      %dma_wait3A_342 = tpu.memref_squeeze %dma_wait3A_341 : memref<1x56x128xf32, #tpu.memory_space<vmem>> -> memref<56x128xf32, #tpu.memory_space<vmem>>
      %dma_wait3A_343 = arith.constant 0 : i32
      %dma_wait3A_344 = tpu.memref_slice %arg11[%dma_wait3A_336, %dma_wait3A_343] : memref<3x56xi32, #tpu.memory_space<vmem>> -> memref<1x56xi32, #tpu.memory_space<vmem>>
      %dma_wait3A_345 = tpu.memref_squeeze %dma_wait3A_344 : memref<1x56xi32, #tpu.memory_space<vmem>> -> memref<56xi32, #tpu.memory_space<vmem>>
      %dma_wait3A_346 = arith.constant 0 : i32
      %dma_wait3A_347 = arith.constant 0 : i32
      %dma_wait3A_348 = tpu.memref_slice %arg3[%dma_wait3A_346, %dma_wait3A_347] : memref<10000x128xf32, #tpu.memory_space<hbm>> -> memref<10000x128xf32, #tpu.memory_space<hbm>>
      %dma_wait3A_349 = tpu.memref_slice %arg17[%dma_wait3A_338] : memref<3x!tpu.dma_semaphore, #tpu.memory_space<semaphore_mem>> -> memref<1x!tpu.dma_semaphore, #tpu.memory_space<semaphore_mem>>
      %dma_wait3A_350 = tpu.memref_squeeze %dma_wait3A_349 : memref<1x!tpu.dma_semaphore, #tpu.memory_space<semaphore_mem>> -> memref<!tpu.dma_semaphore, #tpu.memory_space<semaphore_mem>>
      tpu.wait_indirect_dma semaphore(%dma_wait3A_350 : memref<!tpu.dma_semaphore, #tpu.memory_space<semaphore_mem>>) src(%dma_wait3A_348 : memref<10000x128xf32, #tpu.memory_space<hbm>>) dst(%dma_wait3A_342 : memref<56x128xf32, #tpu.memory_space<vmem>>)
      %parallel_loop3A_351 = arith.constant 0 : i32
      %parallel_loop3A_352 = arith.constant 56 : i32
      %parallel_loop3A_353 = arith.constant 1 : i32
      scf.for %parallel_loop3A_452 = %parallel_loop3A_351 to %parallel_loop3A_352 step %parallel_loop3A_353  : i32 {
        %parallel_loop3A_453 = vector.broadcast %parallel_loop3A_452 : i32 to vector<16xi32>
        %parallel_loop3A_454 = arith.constant 1 : i32
        %parallel_loop3A_455 = arith.constant 0 : i32
        %parallel_loop3A_456 = tpu.memref_slice %arg12[%parallel_loop3A_454, %parallel_loop3A_455] : memref<3x56xf32, #tpu.memory_space<vmem>> -> memref<1x56xf32, #tpu.memory_space<vmem>>
        %parallel_loop3A_457 = tpu.memref_squeeze %parallel_loop3A_456 : memref<1x56xf32, #tpu.memory_space<vmem>> -> memref<56xf32, #tpu.memory_space<vmem>>
        %parallel_loop3A_458 = tpu.vector_load_idx %parallel_loop3A_457[%parallel_loop3A_453] : memref<56xf32, #tpu.memory_space<vmem>>[vector<16xi32>], vector<16xf32>,
        %parallel_loop3A_459 = arith.constant 0.000000e+00 : f32
        %parallel_loop3A_460 = vector.broadcast %parallel_loop3A_459 : f32 to vector<16xf32>
        %parallel_loop3A_461 = arith.maximumf %parallel_loop3A_458, %parallel_loop3A_460 : vector<16xf32>
        %parallel_loop3A_462 = arith.constant 0.000000e+00 : f32
        %parallel_loop3A_463 = vector.broadcast %parallel_loop3A_462 : f32 to vector<16xf32>
        %parallel_loop3A_464 = arith.minimumf %parallel_loop3A_458, %parallel_loop3A_463 : vector<16xf32>
        %parallel_loop3A_465 = arith.constant 1 : i32
        %parallel_loop3A_466 = arith.index_cast %parallel_loop3A_465 : i32 to index
        %parallel_loop3A_467 = arith.index_cast %parallel_loop3A_452 : i32 to index
        %parallel_loop3A_468 = arith.constant 0 : index
        %parallel_loop3A_469 = tpu.vector_load %arg13[%parallel_loop3A_466, %parallel_loop3A_467, %parallel_loop3A_468] {strides = array<i32>} : memref<3x56x128xf32, #tpu.memory_space<vmem>>, vector<16xf32>,
        %parallel_loop3A_470 = arith.constant 1 : i32
        %parallel_loop3A_471 = arith.index_cast %parallel_loop3A_470 : i32 to index
        %parallel_loop3A_472 = arith.index_cast %parallel_loop3A_452 : i32 to index
        %parallel_loop3A_473 = arith.constant 0 : index
        %parallel_loop3A_474 = tpu.vector_load %arg14[%parallel_loop3A_471, %parallel_loop3A_472, %parallel_loop3A_473] {strides = array<i32>} : memref<3x56x128xf32, #tpu.memory_space<vmem>>, vector<16xf32>,
        %parallel_loop3A_475 = arith.addf %parallel_loop3A_469, %parallel_loop3A_474 : vector<16xf32>
        %parallel_loop3A_476 = arith.mulf %parallel_loop3A_461, %get3A_3 : vector<16xf32>
        %parallel_loop3A_477 = arith.addf %parallel_loop3A_475, %parallel_loop3A_476 : vector<16xf32>
        %parallel_loop3A_478 = arith.mulf %parallel_loop3A_464, %get3A_19 : vector<16xf32>
        %parallel_loop3A_479 = arith.addf %parallel_loop3A_477, %parallel_loop3A_478 : vector<16xf32>
        %parallel_loop3A_480 = arith.constant 0.000000e+00 : f32
        %parallel_loop3A_481 = vector.broadcast %parallel_loop3A_480 : f32 to vector<16xf32>
        %parallel_loop3A_482 = arith.maximumf %parallel_loop3A_479, %parallel_loop3A_481 : vector<16xf32>
        %parallel_loop3A_483 = arith.constant 1 : i32
        %parallel_loop3A_484 = arith.index_cast %parallel_loop3A_483 : i32 to index
        %parallel_loop3A_485 = arith.index_cast %parallel_loop3A_452 : i32 to index
        %parallel_loop3A_486 = arith.constant 0 : index
        %parallel_loop3A_487 = tpu.vector_load %arg13[%parallel_loop3A_484, %parallel_loop3A_485, %parallel_loop3A_486] {strides = array<i32>} : memref<3x56x128xf32, #tpu.memory_space<vmem>>, vector<16xf32>,
        tpu.vector_store %arg13[%parallel_loop3A_484, %parallel_loop3A_485, %parallel_loop3A_486], %parallel_loop3A_482 {strides = array<i32>} : memref<3x56x128xf32, #tpu.memory_space<vmem>>, vector<16xf32>,
        %parallel_loop3A_488 = arith.constant 1 : i32
        %parallel_loop3A_489 = arith.index_cast %parallel_loop3A_488 : i32 to index
        %parallel_loop3A_490 = arith.index_cast %parallel_loop3A_452 : i32 to index
        %parallel_loop3A_491 = arith.constant 16 : index
        %parallel_loop3A_492 = tpu.vector_load %arg13[%parallel_loop3A_489, %parallel_loop3A_490, %parallel_loop3A_491] {strides = array<i32>} : memref<3x56x128xf32, #tpu.memory_space<vmem>>, vector<16xf32>,
        %parallel_loop3A_493 = arith.constant 1 : i32
        %parallel_loop3A_494 = arith.index_cast %parallel_loop3A_493 : i32 to index
        %parallel_loop3A_495 = arith.index_cast %parallel_loop3A_452 : i32 to index
        %parallel_loop3A_496 = arith.constant 16 : index
        %parallel_loop3A_497 = tpu.vector_load %arg14[%parallel_loop3A_494, %parallel_loop3A_495, %parallel_loop3A_496] {strides = array<i32>} : memref<3x56x128xf32, #tpu.memory_space<vmem>>, vector<16xf32>,
        %parallel_loop3A_498 = arith.addf %parallel_loop3A_492, %parallel_loop3A_497 : vector<16xf32>
        %parallel_loop3A_499 = arith.mulf %parallel_loop3A_461, %get3A_5 : vector<16xf32>
        %parallel_loop3A_500 = arith.addf %parallel_loop3A_498, %parallel_loop3A_499 : vector<16xf32>
        %parallel_loop3A_501 = arith.mulf %parallel_loop3A_464, %get3A_21 : vector<16xf32>
        %parallel_loop3A_502 = arith.addf %parallel_loop3A_500, %parallel_loop3A_501 : vector<16xf32>
        %parallel_loop3A_503 = arith.constant 0.000000e+00 : f32
        %parallel_loop3A_504 = vector.broadcast %parallel_loop3A_503 : f32 to vector<16xf32>
        %parallel_loop3A_505 = arith.maximumf %parallel_loop3A_502, %parallel_loop3A_504 : vector<16xf32>
        %parallel_loop3A_506 = arith.constant 1 : i32
        %parallel_loop3A_507 = arith.index_cast %parallel_loop3A_506 : i32 to index
        %parallel_loop3A_508 = arith.index_cast %parallel_loop3A_452 : i32 to index
        %parallel_loop3A_509 = arith.constant 16 : index
        %parallel_loop3A_510 = tpu.vector_load %arg13[%parallel_loop3A_507, %parallel_loop3A_508, %parallel_loop3A_509] {strides = array<i32>} : memref<3x56x128xf32, #tpu.memory_space<vmem>>, vector<16xf32>,
        tpu.vector_store %arg13[%parallel_loop3A_507, %parallel_loop3A_508, %parallel_loop3A_509], %parallel_loop3A_505 {strides = array<i32>} : memref<3x56x128xf32, #tpu.memory_space<vmem>>, vector<16xf32>,
        %parallel_loop3A_511 = arith.constant 1 : i32
        %parallel_loop3A_512 = arith.index_cast %parallel_loop3A_511 : i32 to index
        %parallel_loop3A_513 = arith.index_cast %parallel_loop3A_452 : i32 to index
        %parallel_loop3A_514 = arith.constant 32 : index
        %parallel_loop3A_515 = tpu.vector_load %arg13[%parallel_loop3A_512, %parallel_loop3A_513, %parallel_loop3A_514] {strides = array<i32>} : memref<3x56x128xf32, #tpu.memory_space<vmem>>, vector<16xf32>,
        %parallel_loop3A_516 = arith.constant 1 : i32
        %parallel_loop3A_517 = arith.index_cast %parallel_loop3A_516 : i32 to index
        %parallel_loop3A_518 = arith.index_cast %parallel_loop3A_452 : i32 to index
        %parallel_loop3A_519 = arith.constant 32 : index
        %parallel_loop3A_520 = tpu.vector_load %arg14[%parallel_loop3A_517, %parallel_loop3A_518, %parallel_loop3A_519] {strides = array<i32>} : memref<3x56x128xf32, #tpu.memory_space<vmem>>, vector<16xf32>,
        %parallel_loop3A_521 = arith.addf %parallel_loop3A_515, %parallel_loop3A_520 : vector<16xf32>
        %parallel_loop3A_522 = arith.mulf %parallel_loop3A_461, %get3A_7 : vector<16xf32>
        %parallel_loop3A_523 = arith.addf %parallel_loop3A_521, %parallel_loop3A_522 : vector<16xf32>
        %parallel_loop3A_524 = arith.mulf %parallel_loop3A_464, %get3A_23 : vector<16xf32>
        %parallel_loop3A_525 = arith.addf %parallel_loop3A_523, %parallel_loop3A_524 : vector<16xf32>
        %parallel_loop3A_526 = arith.constant 0.000000e+00 : f32
        %parallel_loop3A_527 = vector.broadcast %parallel_loop3A_526 : f32 to vector<16xf32>
        %parallel_loop3A_528 = arith.maximumf %parallel_loop3A_525, %parallel_loop3A_527 : vector<16xf32>
        %parallel_loop3A_529 = arith.constant 1 : i32
        %parallel_loop3A_530 = arith.index_cast %parallel_loop3A_529 : i32 to index
        %parallel_loop3A_531 = arith.index_cast %parallel_loop3A_452 : i32 to index
        %parallel_loop3A_532 = arith.constant 32 : index
        %parallel_loop3A_533 = tpu.vector_load %arg13[%parallel_loop3A_530, %parallel_loop3A_531, %parallel_loop3A_532] {strides = array<i32>} : memref<3x56x128xf32, #tpu.memory_space<vmem>>, vector<16xf32>,
        tpu.vector_store %arg13[%parallel_loop3A_530, %parallel_loop3A_531, %parallel_loop3A_532], %parallel_loop3A_528 {strides = array<i32>} : memref<3x56x128xf32, #tpu.memory_space<vmem>>, vector<16xf32>,
        %parallel_loop3A_534 = arith.constant 1 : i32
        %parallel_loop3A_535 = arith.index_cast %parallel_loop3A_534 : i32 to index
        %parallel_loop3A_536 = arith.index_cast %parallel_loop3A_452 : i32 to index
        %parallel_loop3A_537 = arith.constant 48 : index
        %parallel_loop3A_538 = tpu.vector_load %arg13[%parallel_loop3A_535, %parallel_loop3A_536, %parallel_loop3A_537] {strides = array<i32>} : memref<3x56x128xf32, #tpu.memory_space<vmem>>, vector<16xf32>,
        %parallel_loop3A_539 = arith.constant 1 : i32
        %parallel_loop3A_540 = arith.index_cast %parallel_loop3A_539 : i32 to index
        %parallel_loop3A_541 = arith.index_cast %parallel_loop3A_452 : i32 to index
        %parallel_loop3A_542 = arith.constant 48 : index
        %parallel_loop3A_543 = tpu.vector_load %arg14[%parallel_loop3A_540, %parallel_loop3A_541, %parallel_loop3A_542] {strides = array<i32>} : memref<3x56x128xf32, #tpu.memory_space<vmem>>, vector<16xf32>,
        %parallel_loop3A_544 = arith.addf %parallel_loop3A_538, %parallel_loop3A_543 : vector<16xf32>
        %parallel_loop3A_545 = arith.mulf %parallel_loop3A_461, %get3A_9 : vector<16xf32>
        %parallel_loop3A_546 = arith.addf %parallel_loop3A_544, %parallel_loop3A_545 : vector<16xf32>
        %parallel_loop3A_547 = arith.mulf %parallel_loop3A_464, %get3A_25 : vector<16xf32>
        %parallel_loop3A_548 = arith.addf %parallel_loop3A_546, %parallel_loop3A_547 : vector<16xf32>
        %parallel_loop3A_549 = arith.constant 0.000000e+00 : f32
        %parallel_loop3A_550 = vector.broadcast %parallel_loop3A_549 : f32 to vector<16xf32>
        %parallel_loop3A_551 = arith.maximumf %parallel_loop3A_548, %parallel_loop3A_550 : vector<16xf32>
        %parallel_loop3A_552 = arith.constant 1 : i32
        %parallel_loop3A_553 = arith.index_cast %parallel_loop3A_552 : i32 to index
        %parallel_loop3A_554 = arith.index_cast %parallel_loop3A_452 : i32 to index
        %parallel_loop3A_555 = arith.constant 48 : index
        %parallel_loop3A_556 = tpu.vector_load %arg13[%parallel_loop3A_553, %parallel_loop3A_554, %parallel_loop3A_555] {strides = array<i32>} : memref<3x56x128xf32, #tpu.memory_space<vmem>>, vector<16xf32>,
        tpu.vector_store %arg13[%parallel_loop3A_553, %parallel_loop3A_554, %parallel_loop3A_555], %parallel_loop3A_551 {strides = array<i32>} : memref<3x56x128xf32, #tpu.memory_space<vmem>>, vector<16xf32>,
        %parallel_loop3A_557 = arith.constant 1 : i32
        %parallel_loop3A_558 = arith.index_cast %parallel_loop3A_557 : i32 to index
        %parallel_loop3A_559 = arith.index_cast %parallel_loop3A_452 : i32 to index
        %parallel_loop3A_560 = arith.constant 64 : index
        %parallel_loop3A_561 = tpu.vector_load %arg13[%parallel_loop3A_558, %parallel_loop3A_559, %parallel_loop3A_560] {strides = array<i32>} : memref<3x56x128xf32, #tpu.memory_space<vmem>>, vector<16xf32>,
        %parallel_loop3A_562 = arith.constant 1 : i32
        %parallel_loop3A_563 = arith.index_cast %parallel_loop3A_562 : i32 to index
        %parallel_loop3A_564 = arith.index_cast %parallel_loop3A_452 : i32 to index
        %parallel_loop3A_565 = arith.constant 64 : index
        %parallel_loop3A_566 = tpu.vector_load %arg14[%parallel_loop3A_563, %parallel_loop3A_564, %parallel_loop3A_565] {strides = array<i32>} : memref<3x56x128xf32, #tpu.memory_space<vmem>>, vector<16xf32>,
        %parallel_loop3A_567 = arith.addf %parallel_loop3A_561, %parallel_loop3A_566 : vector<16xf32>
        %parallel_loop3A_568 = arith.mulf %parallel_loop3A_461, %get3A_11 : vector<16xf32>
        %parallel_loop3A_569 = arith.addf %parallel_loop3A_567, %parallel_loop3A_568 : vector<16xf32>
        %parallel_loop3A_570 = arith.mulf %parallel_loop3A_464, %get3A_27 : vector<16xf32>
        %parallel_loop3A_571 = arith.addf %parallel_loop3A_569, %parallel_loop3A_570 : vector<16xf32>
        %parallel_loop3A_572 = arith.constant 0.000000e+00 : f32
        %parallel_loop3A_573 = vector.broadcast %parallel_loop3A_572 : f32 to vector<16xf32>
        %parallel_loop3A_574 = arith.maximumf %parallel_loop3A_571, %parallel_loop3A_573 : vector<16xf32>
        %parallel_loop3A_575 = arith.constant 1 : i32
        %parallel_loop3A_576 = arith.index_cast %parallel_loop3A_575 : i32 to index
        %parallel_loop3A_577 = arith.index_cast %parallel_loop3A_452 : i32 to index
        %parallel_loop3A_578 = arith.constant 64 : index
        %parallel_loop3A_579 = tpu.vector_load %arg13[%parallel_loop3A_576, %parallel_loop3A_577, %parallel_loop3A_578] {strides = array<i32>} : memref<3x56x128xf32, #tpu.memory_space<vmem>>, vector<16xf32>,
        tpu.vector_store %arg13[%parallel_loop3A_576, %parallel_loop3A_577, %parallel_loop3A_578], %parallel_loop3A_574 {strides = array<i32>} : memref<3x56x128xf32, #tpu.memory_space<vmem>>, vector<16xf32>,
        %parallel_loop3A_580 = arith.constant 1 : i32
        %parallel_loop3A_581 = arith.index_cast %parallel_loop3A_580 : i32 to index
        %parallel_loop3A_582 = arith.index_cast %parallel_loop3A_452 : i32 to index
        %parallel_loop3A_583 = arith.constant 80 : index
        %parallel_loop3A_584 = tpu.vector_load %arg13[%parallel_loop3A_581, %parallel_loop3A_582, %parallel_loop3A_583] {strides = array<i32>} : memref<3x56x128xf32, #tpu.memory_space<vmem>>, vector<16xf32>,
        %parallel_loop3A_585 = arith.constant 1 : i32
        %parallel_loop3A_586 = arith.index_cast %parallel_loop3A_585 : i32 to index
        %parallel_loop3A_587 = arith.index_cast %parallel_loop3A_452 : i32 to index
        %parallel_loop3A_588 = arith.constant 80 : index
        %parallel_loop3A_589 = tpu.vector_load %arg14[%parallel_loop3A_586, %parallel_loop3A_587, %parallel_loop3A_588] {strides = array<i32>} : memref<3x56x128xf32, #tpu.memory_space<vmem>>, vector<16xf32>,
        %parallel_loop3A_590 = arith.addf %parallel_loop3A_584, %parallel_loop3A_589 : vector<16xf32>
        %parallel_loop3A_591 = arith.mulf %parallel_loop3A_461, %get3A_13 : vector<16xf32>
        %parallel_loop3A_592 = arith.addf %parallel_loop3A_590, %parallel_loop3A_591 : vector<16xf32>
        %parallel_loop3A_593 = arith.mulf %parallel_loop3A_464, %get3A_29 : vector<16xf32>
        %parallel_loop3A_594 = arith.addf %parallel_loop3A_592, %parallel_loop3A_593 : vector<16xf32>
        %parallel_loop3A_595 = arith.constant 0.000000e+00 : f32
        %parallel_loop3A_596 = vector.broadcast %parallel_loop3A_595 : f32 to vector<16xf32>
        %parallel_loop3A_597 = arith.maximumf %parallel_loop3A_594, %parallel_loop3A_596 : vector<16xf32>
        %parallel_loop3A_598 = arith.constant 1 : i32
        %parallel_loop3A_599 = arith.index_cast %parallel_loop3A_598 : i32 to index
        %parallel_loop3A_600 = arith.index_cast %parallel_loop3A_452 : i32 to index
        %parallel_loop3A_601 = arith.constant 80 : index
        %parallel_loop3A_602 = tpu.vector_load %arg13[%parallel_loop3A_599, %parallel_loop3A_600, %parallel_loop3A_601] {strides = array<i32>} : memref<3x56x128xf32, #tpu.memory_space<vmem>>, vector<16xf32>,
        tpu.vector_store %arg13[%parallel_loop3A_599, %parallel_loop3A_600, %parallel_loop3A_601], %parallel_loop3A_597 {strides = array<i32>} : memref<3x56x128xf32, #tpu.memory_space<vmem>>, vector<16xf32>,
        %parallel_loop3A_603 = arith.constant 1 : i32
        %parallel_loop3A_604 = arith.index_cast %parallel_loop3A_603 : i32 to index
        %parallel_loop3A_605 = arith.index_cast %parallel_loop3A_452 : i32 to index
        %parallel_loop3A_606 = arith.constant 96 : index
        %parallel_loop3A_607 = tpu.vector_load %arg13[%parallel_loop3A_604, %parallel_loop3A_605, %parallel_loop3A_606] {strides = array<i32>} : memref<3x56x128xf32, #tpu.memory_space<vmem>>, vector<16xf32>,
        %parallel_loop3A_608 = arith.constant 1 : i32
        %parallel_loop3A_609 = arith.index_cast %parallel_loop3A_608 : i32 to index
        %parallel_loop3A_610 = arith.index_cast %parallel_loop3A_452 : i32 to index
        %parallel_loop3A_611 = arith.constant 96 : index
        %parallel_loop3A_612 = tpu.vector_load %arg14[%parallel_loop3A_609, %parallel_loop3A_610, %parallel_loop3A_611] {strides = array<i32>} : memref<3x56x128xf32, #tpu.memory_space<vmem>>, vector<16xf32>,
        %parallel_loop3A_613 = arith.addf %parallel_loop3A_607, %parallel_loop3A_612 : vector<16xf32>
        %parallel_loop3A_614 = arith.mulf %parallel_loop3A_461, %get3A_15 : vector<16xf32>
        %parallel_loop3A_615 = arith.addf %parallel_loop3A_613, %parallel_loop3A_614 : vector<16xf32>
        %parallel_loop3A_616 = arith.mulf %parallel_loop3A_464, %get3A_31 : vector<16xf32>
        %parallel_loop3A_617 = arith.addf %parallel_loop3A_615, %parallel_loop3A_616 : vector<16xf32>
        %parallel_loop3A_618 = arith.constant 0.000000e+00 : f32
        %parallel_loop3A_619 = vector.broadcast %parallel_loop3A_618 : f32 to vector<16xf32>
        %parallel_loop3A_620 = arith.maximumf %parallel_loop3A_617, %parallel_loop3A_619 : vector<16xf32>
        %parallel_loop3A_621 = arith.constant 1 : i32
        %parallel_loop3A_622 = arith.index_cast %parallel_loop3A_621 : i32 to index
        %parallel_loop3A_623 = arith.index_cast %parallel_loop3A_452 : i32 to index
        %parallel_loop3A_624 = arith.constant 96 : index
        %parallel_loop3A_625 = tpu.vector_load %arg13[%parallel_loop3A_622, %parallel_loop3A_623, %parallel_loop3A_624] {strides = array<i32>} : memref<3x56x128xf32, #tpu.memory_space<vmem>>, vector<16xf32>,
        tpu.vector_store %arg13[%parallel_loop3A_622, %parallel_loop3A_623, %parallel_loop3A_624], %parallel_loop3A_620 {strides = array<i32>} : memref<3x56x128xf32, #tpu.memory_space<vmem>>, vector<16xf32>,
        %parallel_loop3A_626 = arith.constant 1 : i32
        %parallel_loop3A_627 = arith.index_cast %parallel_loop3A_626 : i32 to index
        %parallel_loop3A_628 = arith.index_cast %parallel_loop3A_452 : i32 to index
        %parallel_loop3A_629 = arith.constant 112 : index
        %parallel_loop3A_630 = tpu.vector_load %arg13[%parallel_loop3A_627, %parallel_loop3A_628, %parallel_loop3A_629] {strides = array<i32>} : memref<3x56x128xf32, #tpu.memory_space<vmem>>, vector<16xf32>,
        %parallel_loop3A_631 = arith.constant 1 : i32
        %parallel_loop3A_632 = arith.index_cast %parallel_loop3A_631 : i32 to index
        %parallel_loop3A_633 = arith.index_cast %parallel_loop3A_452 : i32 to index
        %parallel_loop3A_634 = arith.constant 112 : index
        %parallel_loop3A_635 = tpu.vector_load %arg14[%parallel_loop3A_632, %parallel_loop3A_633, %parallel_loop3A_634] {strides = array<i32>} : memref<3x56x128xf32, #tpu.memory_space<vmem>>, vector<16xf32>,
        %parallel_loop3A_636 = arith.addf %parallel_loop3A_630, %parallel_loop3A_635 : vector<16xf32>
        %parallel_loop3A_637 = arith.mulf %parallel_loop3A_461, %get3A_17 : vector<16xf32>
        %parallel_loop3A_638 = arith.addf %parallel_loop3A_636, %parallel_loop3A_637 : vector<16xf32>
        %parallel_loop3A_639 = arith.mulf %parallel_loop3A_464, %get3A_33 : vector<16xf32>
        %parallel_loop3A_640 = arith.addf %parallel_loop3A_638, %parallel_loop3A_639 : vector<16xf32>
        %parallel_loop3A_641 = arith.constant 0.000000e+00 : f32
        %parallel_loop3A_642 = vector.broadcast %parallel_loop3A_641 : f32 to vector<16xf32>
        %parallel_loop3A_643 = arith.maximumf %parallel_loop3A_640, %parallel_loop3A_642 : vector<16xf32>
        %parallel_loop3A_644 = arith.constant 1 : i32
        %parallel_loop3A_645 = arith.index_cast %parallel_loop3A_644 : i32 to index
        %parallel_loop3A_646 = arith.index_cast %parallel_loop3A_452 : i32 to index
        %parallel_loop3A_647 = arith.constant 112 : index
        %parallel_loop3A_648 = tpu.vector_load %arg13[%parallel_loop3A_645, %parallel_loop3A_646, %parallel_loop3A_647] {strides = array<i32>} : memref<3x56x128xf32, #tpu.memory_space<vmem>>, vector<16xf32>,
        tpu.vector_store %arg13[%parallel_loop3A_645, %parallel_loop3A_646, %parallel_loop3A_647], %parallel_loop3A_643 {strides = array<i32>} : memref<3x56x128xf32, #tpu.memory_space<vmem>>, vector<16xf32>,
      } {sc.loop_unroll_factor = 4 : i64, sc.parallel_access}
      %dma_start3A_354 = arith.constant 1 : i32
      %dma_start3A_355 = arith.constant 1 : i32
      %dma_start3A_356 = arith.constant 1 : i32
      %dma_start3A_357 = arith.constant 0 : i32
      %dma_start3A_358 = arith.constant 0 : i32
      %dma_start3A_359 = tpu.memref_slice %arg13[%dma_start3A_354, %dma_start3A_357, %dma_start3A_358] : memref<3x56x128xf32, #tpu.memory_space<vmem>> -> memref<1x56x128xf32, #tpu.memory_space<vmem>>
      %dma_start3A_360 = tpu.memref_squeeze %dma_start3A_359 : memref<1x56x128xf32, #tpu.memory_space<vmem>> -> memref<56x128xf32, #tpu.memory_space<vmem>>
      %dma_start3A_361 = arith.constant 0 : i32
      %dma_start3A_362 = tpu.memref_slice %arg11[%dma_start3A_355, %dma_start3A_361] : memref<3x56xi32, #tpu.memory_space<vmem>> -> memref<1x56xi32, #tpu.memory_space<vmem>>
      %dma_start3A_363 = tpu.memref_squeeze %dma_start3A_362 : memref<1x56xi32, #tpu.memory_space<vmem>> -> memref<56xi32, #tpu.memory_space<vmem>>
      %dma_start3A_364 = arith.constant 0 : i32
      %dma_start3A_365 = arith.constant 0 : i32
      %dma_start3A_366 = tpu.memref_slice %arg9[%dma_start3A_364, %dma_start3A_365] : memref<10112x128xf32, #tpu.memory_space<vmem_shared>> -> memref<10112x128xf32, #tpu.memory_space<vmem_shared>>
      %dma_start3A_367 = tpu.memref_slice %arg18[%dma_start3A_356] : memref<3x!tpu.dma_semaphore, #tpu.memory_space<semaphore_mem>> -> memref<1x!tpu.dma_semaphore, #tpu.memory_space<semaphore_mem>>
      %dma_start3A_368 = tpu.memref_squeeze %dma_start3A_367 : memref<1x!tpu.dma_semaphore, #tpu.memory_space<semaphore_mem>> -> memref<!tpu.dma_semaphore, #tpu.memory_space<semaphore_mem>>
      tpu.enqueue_indirect_dma source(%dma_start3A_360 : memref<56x128xf32, #tpu.memory_space<vmem>>) target(%dma_start3A_366 : memref<10112x128xf32, #tpu.memory_space<vmem_shared>>) offsets(%dma_start3A_363 : memref<56xi32, #tpu.memory_space<vmem>>) semaphore(%dma_start3A_368 : memref<!tpu.dma_semaphore, #tpu.memory_space<semaphore_mem>>) {add = true}
      %ge3A_369 = arith.constant 1 : i32
      %ge3A_370 = arith.cmpi sge, %add3A_313, %ge3A_369 : i32
      %convert_element_type3A_371 = arith.extui %ge3A_370 : i1 to i32
      %cond3A_372 = arith.constant 0 : i32
      %cond3A_373 = arith.cmpi ne, %convert_element_type3A_371, %cond3A_372 : i32
      scf.if %cond3A_373 {
        %dma_wait3A_452 = arith.constant 0 : i32
        %dma_wait3A_453 = arith.constant 0 : i32
        %dma_wait3A_454 = arith.constant 0 : i32
        %dma_wait3A_455 = arith.constant 0 : i32
        %dma_wait3A_456 = arith.constant 0 : i32
        %dma_wait3A_457 = tpu.memref_slice %arg13[%dma_wait3A_452, %dma_wait3A_455, %dma_wait3A_456] : memref<3x56x128xf32, #tpu.memory_space<vmem>> -> memref<1x56x128xf32, #tpu.memory_space<vmem>>
        %dma_wait3A_458 = tpu.memref_squeeze %dma_wait3A_457 : memref<1x56x128xf32, #tpu.memory_space<vmem>> -> memref<56x128xf32, #tpu.memory_space<vmem>>
        %dma_wait3A_459 = arith.constant 0 : i32
        %dma_wait3A_460 = tpu.memref_slice %arg11[%dma_wait3A_453, %dma_wait3A_459] : memref<3x56xi32, #tpu.memory_space<vmem>> -> memref<1x56xi32, #tpu.memory_space<vmem>>
        %dma_wait3A_461 = tpu.memref_squeeze %dma_wait3A_460 : memref<1x56xi32, #tpu.memory_space<vmem>> -> memref<56xi32, #tpu.memory_space<vmem>>
        %dma_wait3A_462 = arith.constant 0 : i32
        %dma_wait3A_463 = arith.constant 0 : i32
        %dma_wait3A_464 = tpu.memref_slice %arg9[%dma_wait3A_462, %dma_wait3A_463] : memref<10112x128xf32, #tpu.memory_space<vmem_shared>> -> memref<10112x128xf32, #tpu.memory_space<vmem_shared>>
        %dma_wait3A_465 = tpu.memref_slice %arg18[%dma_wait3A_454] : memref<3x!tpu.dma_semaphore, #tpu.memory_space<semaphore_mem>> -> memref<1x!tpu.dma_semaphore, #tpu.memory_space<semaphore_mem>>
        %dma_wait3A_466 = tpu.memref_squeeze %dma_wait3A_465 : memref<1x!tpu.dma_semaphore, #tpu.memory_space<semaphore_mem>> -> memref<!tpu.dma_semaphore, #tpu.memory_space<semaphore_mem>>
        tpu.wait_indirect_dma semaphore(%dma_wait3A_466 : memref<!tpu.dma_semaphore, #tpu.memory_space<semaphore_mem>>) src(%dma_wait3A_458 : memref<56x128xf32, #tpu.memory_space<vmem>>) dst(%dma_wait3A_464 : memref<10112x128xf32, #tpu.memory_space<vmem_shared>>)
      } else {
      }
      %add3A_374 = arith.constant 2 : i32
      %add3A_375 = arith.addi %add3A_313, %add3A_374 : i32
      %lt3A_376 = arith.constant 180 : i32
      %lt3A_377 = arith.cmpi slt, %add3A_375, %lt3A_376 : i32
      %convert_element_type3A_378 = arith.extui %lt3A_377 : i1 to i32
      %cond3A_379 = arith.constant 0 : i32
      %cond3A_380 = arith.cmpi ne, %convert_element_type3A_378, %cond3A_379 : i32
      scf.if %cond3A_380 {
        %add3A_452 = arith.constant 2 : i32
        %add3A_453 = arith.addi %add3A_313, %add3A_452 : i32
        %mul3A_454 = arith.constant 56 : i32
        %mul3A_455 = arith.muli %add3A_453, %mul3A_454 : i32
        %add3A_456 = arith.addi %add3A, %mul3A_455 : i32
        %dma_start3A_457 = arith.constant 0 : i32
        %dma_start3A_458 = arith.constant 0 : i32
        %dma_start3A_459 = arith.constant 0 : i32
        %dma_start3A_460 = tpu.memref_slice %arg10[%dma_start3A_457, %dma_start3A_459] : memref<3x56xi32, #tpu.memory_space<vmem>> -> memref<1x56xi32, #tpu.memory_space<vmem>>
        %dma_start3A_461 = tpu.memref_squeeze %dma_start3A_460 : memref<1x56xi32, #tpu.memory_space<vmem>> -> memref<56xi32, #tpu.memory_space<vmem>>
        %dma_start3A_462 = tpu.memref_slice %arg5[%add3A_456] : memref<322560xi32, #tpu.memory_space<hbm>> -> memref<56xi32, #tpu.memory_space<hbm>>
        %dma_start3A_463 = tpu.memref_slice %arg16[%dma_start3A_458] : memref<3x!tpu.dma_semaphore, #tpu.memory_space<semaphore_mem>> -> memref<1x!tpu.dma_semaphore, #tpu.memory_space<semaphore_mem>>
        %dma_start3A_464 = tpu.memref_squeeze %dma_start3A_463 : memref<1x!tpu.dma_semaphore, #tpu.memory_space<semaphore_mem>> -> memref<!tpu.dma_semaphore, #tpu.memory_space<semaphore_mem>>
        %dma_start3A_465 = arith.constant 0 : i32
        %dma_start3A_466 = tpu.memref_slice %arg10[%dma_start3A_457, %dma_start3A_465] : memref<3x56xi32, #tpu.memory_space<vmem>> -> memref<1x56xi32, #tpu.memory_space<vmem>>
        %dma_start3A_467 = tpu.memref_squeeze %dma_start3A_466 : memref<1x56xi32, #tpu.memory_space<vmem>> -> memref<56xi32, #tpu.memory_space<vmem>>
        %dma_start3A_468 = tpu.memref_slice %arg5[%add3A_456] : memref<322560xi32, #tpu.memory_space<hbm>> -> memref<56xi32, #tpu.memory_space<hbm>>
        tpu.enqueue_dma source(%dma_start3A_468 : memref<56xi32, #tpu.memory_space<hbm>>) target(%dma_start3A_467 : memref<56xi32, #tpu.memory_space<vmem>>) target_semaphore(%dma_start3A_464 : memref<!tpu.dma_semaphore, #tpu.memory_space<semaphore_mem>>)
        %dma_start3A_469 = arith.constant 0 : i32
        %dma_start3A_470 = arith.constant 0 : i32
        %dma_start3A_471 = arith.constant 0 : i32
        %dma_start3A_472 = tpu.memref_slice %arg11[%dma_start3A_469, %dma_start3A_471] : memref<3x56xi32, #tpu.memory_space<vmem>> -> memref<1x56xi32, #tpu.memory_space<vmem>>
        %dma_start3A_473 = tpu.memref_squeeze %dma_start3A_472 : memref<1x56xi32, #tpu.memory_space<vmem>> -> memref<56xi32, #tpu.memory_space<vmem>>
        %dma_start3A_474 = tpu.memref_slice %arg6[%add3A_456] : memref<322560xi32, #tpu.memory_space<hbm>> -> memref<56xi32, #tpu.memory_space<hbm>>
        %dma_start3A_475 = tpu.memref_slice %arg16[%dma_start3A_470] : memref<3x!tpu.dma_semaphore, #tpu.memory_space<semaphore_mem>> -> memref<1x!tpu.dma_semaphore, #tpu.memory_space<semaphore_mem>>
        %dma_start3A_476 = tpu.memref_squeeze %dma_start3A_475 : memref<1x!tpu.dma_semaphore, #tpu.memory_space<semaphore_mem>> -> memref<!tpu.dma_semaphore, #tpu.memory_space<semaphore_mem>>
        %dma_start3A_477 = arith.constant 0 : i32
        %dma_start3A_478 = tpu.memref_slice %arg11[%dma_start3A_469, %dma_start3A_477] : memref<3x56xi32, #tpu.memory_space<vmem>> -> memref<1x56xi32, #tpu.memory_space<vmem>>
        %dma_start3A_479 = tpu.memref_squeeze %dma_start3A_478 : memref<1x56xi32, #tpu.memory_space<vmem>> -> memref<56xi32, #tpu.memory_space<vmem>>
        %dma_start3A_480 = tpu.memref_slice %arg6[%add3A_456] : memref<322560xi32, #tpu.memory_space<hbm>> -> memref<56xi32, #tpu.memory_space<hbm>>
        tpu.enqueue_dma source(%dma_start3A_480 : memref<56xi32, #tpu.memory_space<hbm>>) target(%dma_start3A_479 : memref<56xi32, #tpu.memory_space<vmem>>) target_semaphore(%dma_start3A_476 : memref<!tpu.dma_semaphore, #tpu.memory_space<semaphore_mem>>)
        %dma_start3A_481 = arith.constant 0 : i32
        %dma_start3A_482 = arith.constant 0 : i32
        %dma_start3A_483 = arith.constant 0 : i32
        %dma_start3A_484 = tpu.memref_slice %arg12[%dma_start3A_481, %dma_start3A_483] : memref<3x56xf32, #tpu.memory_space<vmem>> -> memref<1x56xf32, #tpu.memory_space<vmem>>
        %dma_start3A_485 = tpu.memref_squeeze %dma_start3A_484 : memref<1x56xf32, #tpu.memory_space<vmem>> -> memref<56xf32, #tpu.memory_space<vmem>>
        %dma_start3A_486 = tpu.memref_slice %arg7[%add3A_456] : memref<322560xf32, #tpu.memory_space<hbm>> -> memref<56xf32, #tpu.memory_space<hbm>>
        %dma_start3A_487 = tpu.memref_slice %arg16[%dma_start3A_482] : memref<3x!tpu.dma_semaphore, #tpu.memory_space<semaphore_mem>> -> memref<1x!tpu.dma_semaphore, #tpu.memory_space<semaphore_mem>>
        %dma_start3A_488 = tpu.memref_squeeze %dma_start3A_487 : memref<1x!tpu.dma_semaphore, #tpu.memory_space<semaphore_mem>> -> memref<!tpu.dma_semaphore, #tpu.memory_space<semaphore_mem>>
        %dma_start3A_489 = arith.constant 0 : i32
        %dma_start3A_490 = tpu.memref_slice %arg12[%dma_start3A_481, %dma_start3A_489] : memref<3x56xf32, #tpu.memory_space<vmem>> -> memref<1x56xf32, #tpu.memory_space<vmem>>
        %dma_start3A_491 = tpu.memref_squeeze %dma_start3A_490 : memref<1x56xf32, #tpu.memory_space<vmem>> -> memref<56xf32, #tpu.memory_space<vmem>>
        %dma_start3A_492 = tpu.memref_slice %arg7[%add3A_456] : memref<322560xf32, #tpu.memory_space<hbm>> -> memref<56xf32, #tpu.memory_space<hbm>>
        tpu.enqueue_dma source(%dma_start3A_492 : memref<56xf32, #tpu.memory_space<hbm>>) target(%dma_start3A_491 : memref<56xf32, #tpu.memory_space<vmem>>) target_semaphore(%dma_start3A_488 : memref<!tpu.dma_semaphore, #tpu.memory_space<semaphore_mem>>)
      } else {
      }
      %mul3A_381 = arith.constant 3 : i32
      %mul3A_382 = arith.muli %add3A_243, %mul3A_381 : i32
      %add3A_383 = arith.constant 2 : i32
      %add3A_384 = arith.addi %mul3A_382, %add3A_383 : i32
      %add3A_385 = arith.constant 1 : i32
      %add3A_386 = arith.addi %add3A_384, %add3A_385 : i32
      %lt3A_387 = arith.constant 180 : i32
      %lt3A_388 = arith.cmpi slt, %add3A_386, %lt3A_387 : i32
      %convert_element_type3A_389 = arith.extui %lt3A_388 : i1 to i32
      %cond3A_390 = arith.constant 0 : i32
      %cond3A_391 = arith.cmpi ne, %convert_element_type3A_389, %cond3A_390 : i32
      scf.if %cond3A_391 {
        %add3A_452 = arith.constant 1 : i32
        %add3A_453 = arith.addi %add3A_384, %add3A_452 : i32
        %mul3A_454 = arith.constant 56 : i32
        %mul3A_455 = arith.muli %add3A_453, %mul3A_454 : i32
        %add3A_456 = arith.addi %add3A, %mul3A_455 : i32
        %dma_wait3A_457 = arith.constant 0 : i32
        %dma_wait3A_458 = arith.constant 0 : i32
        %dma_wait3A_459 = arith.constant 0 : i32
        %dma_wait3A_460 = tpu.memref_slice %arg10[%dma_wait3A_457, %dma_wait3A_459] : memref<3x56xi32, #tpu.memory_space<vmem>> -> memref<1x56xi32, #tpu.memory_space<vmem>>
        %dma_wait3A_461 = tpu.memref_squeeze %dma_wait3A_460 : memref<1x56xi32, #tpu.memory_space<vmem>> -> memref<56xi32, #tpu.memory_space<vmem>>
        %dma_wait3A_462 = tpu.memref_slice %arg5[%add3A_456] : memref<322560xi32, #tpu.memory_space<hbm>> -> memref<56xi32, #tpu.memory_space<hbm>>
        %dma_wait3A_463 = tpu.memref_slice %arg16[%dma_wait3A_458] : memref<3x!tpu.dma_semaphore, #tpu.memory_space<semaphore_mem>> -> memref<1x!tpu.dma_semaphore, #tpu.memory_space<semaphore_mem>>
        %dma_wait3A_464 = tpu.memref_squeeze %dma_wait3A_463 : memref<1x!tpu.dma_semaphore, #tpu.memory_space<semaphore_mem>> -> memref<!tpu.dma_semaphore, #tpu.memory_space<semaphore_mem>>
        %dma_wait3A_465 = arith.constant 0 : i32
        %dma_wait3A_466 = tpu.memref_slice %arg10[%dma_wait3A_457, %dma_wait3A_465] : memref<3x56xi32, #tpu.memory_space<vmem>> -> memref<1x56xi32, #tpu.memory_space<vmem>>
        %dma_wait3A_467 = tpu.memref_squeeze %dma_wait3A_466 : memref<1x56xi32, #tpu.memory_space<vmem>> -> memref<56xi32, #tpu.memory_space<vmem>>
        %dma_wait3A_468 = tpu.memref_slice %arg5[%add3A_456] : memref<322560xi32, #tpu.memory_space<hbm>> -> memref<56xi32, #tpu.memory_space<hbm>>
        tpu.wait_dma2 semaphore(%dma_wait3A_464 : memref<!tpu.dma_semaphore, #tpu.memory_space<semaphore_mem>>) src(%dma_wait3A_468 : memref<56xi32, #tpu.memory_space<hbm>>) dst(%dma_wait3A_467 : memref<56xi32, #tpu.memory_space<vmem>>)
        %dma_wait3A_469 = arith.constant 0 : i32
        %dma_wait3A_470 = arith.constant 0 : i32
        %dma_wait3A_471 = arith.constant 0 : i32
        %dma_wait3A_472 = tpu.memref_slice %arg11[%dma_wait3A_469, %dma_wait3A_471] : memref<3x56xi32, #tpu.memory_space<vmem>> -> memref<1x56xi32, #tpu.memory_space<vmem>>
        %dma_wait3A_473 = tpu.memref_squeeze %dma_wait3A_472 : memref<1x56xi32, #tpu.memory_space<vmem>> -> memref<56xi32, #tpu.memory_space<vmem>>
        %dma_wait3A_474 = tpu.memref_slice %arg6[%add3A_456] : memref<322560xi32, #tpu.memory_space<hbm>> -> memref<56xi32, #tpu.memory_space<hbm>>
        %dma_wait3A_475 = tpu.memref_slice %arg16[%dma_wait3A_470] : memref<3x!tpu.dma_semaphore, #tpu.memory_space<semaphore_mem>> -> memref<1x!tpu.dma_semaphore, #tpu.memory_space<semaphore_mem>>
        %dma_wait3A_476 = tpu.memref_squeeze %dma_wait3A_475 : memref<1x!tpu.dma_semaphore, #tpu.memory_space<semaphore_mem>> -> memref<!tpu.dma_semaphore, #tpu.memory_space<semaphore_mem>>
        %dma_wait3A_477 = arith.constant 0 : i32
        %dma_wait3A_478 = tpu.memref_slice %arg11[%dma_wait3A_469, %dma_wait3A_477] : memref<3x56xi32, #tpu.memory_space<vmem>> -> memref<1x56xi32, #tpu.memory_space<vmem>>
        %dma_wait3A_479 = tpu.memref_squeeze %dma_wait3A_478 : memref<1x56xi32, #tpu.memory_space<vmem>> -> memref<56xi32, #tpu.memory_space<vmem>>
        %dma_wait3A_480 = tpu.memref_slice %arg6[%add3A_456] : memref<322560xi32, #tpu.memory_space<hbm>> -> memref<56xi32, #tpu.memory_space<hbm>>
        tpu.wait_dma2 semaphore(%dma_wait3A_476 : memref<!tpu.dma_semaphore, #tpu.memory_space<semaphore_mem>>) src(%dma_wait3A_480 : memref<56xi32, #tpu.memory_space<hbm>>) dst(%dma_wait3A_479 : memref<56xi32, #tpu.memory_space<vmem>>)
        %dma_wait3A_481 = arith.constant 0 : i32
        %dma_wait3A_482 = arith.constant 0 : i32
        %dma_wait3A_483 = arith.constant 0 : i32
        %dma_wait3A_484 = tpu.memref_slice %arg12[%dma_wait3A_481, %dma_wait3A_483] : memref<3x56xf32, #tpu.memory_space<vmem>> -> memref<1x56xf32, #tpu.memory_space<vmem>>
        %dma_wait3A_485 = tpu.memref_squeeze %dma_wait3A_484 : memref<1x56xf32, #tpu.memory_space<vmem>> -> memref<56xf32, #tpu.memory_space<vmem>>
        %dma_wait3A_486 = tpu.memref_slice %arg7[%add3A_456] : memref<322560xf32, #tpu.memory_space<hbm>> -> memref<56xf32, #tpu.memory_space<hbm>>
        %dma_wait3A_487 = tpu.memref_slice %arg16[%dma_wait3A_482] : memref<3x!tpu.dma_semaphore, #tpu.memory_space<semaphore_mem>> -> memref<1x!tpu.dma_semaphore, #tpu.memory_space<semaphore_mem>>
        %dma_wait3A_488 = tpu.memref_squeeze %dma_wait3A_487 : memref<1x!tpu.dma_semaphore, #tpu.memory_space<semaphore_mem>> -> memref<!tpu.dma_semaphore, #tpu.memory_space<semaphore_mem>>
        %dma_wait3A_489 = arith.constant 0 : i32
        %dma_wait3A_490 = tpu.memref_slice %arg12[%dma_wait3A_481, %dma_wait3A_489] : memref<3x56xf32, #tpu.memory_space<vmem>> -> memref<1x56xf32, #tpu.memory_space<vmem>>
        %dma_wait3A_491 = tpu.memref_squeeze %dma_wait3A_490 : memref<1x56xf32, #tpu.memory_space<vmem>> -> memref<56xf32, #tpu.memory_space<vmem>>
        %dma_wait3A_492 = tpu.memref_slice %arg7[%add3A_456] : memref<322560xf32, #tpu.memory_space<hbm>> -> memref<56xf32, #tpu.memory_space<hbm>>
        tpu.wait_dma2 semaphore(%dma_wait3A_488 : memref<!tpu.dma_semaphore, #tpu.memory_space<semaphore_mem>>) src(%dma_wait3A_492 : memref<56xf32, #tpu.memory_space<hbm>>) dst(%dma_wait3A_491 : memref<56xf32, #tpu.memory_space<vmem>>)
        %dma_start3A_493 = arith.constant 0 : i32
        %dma_start3A_494 = arith.constant 0 : i32
        %dma_start3A_495 = arith.constant 0 : i32
        %dma_start3A_496 = arith.constant 0 : i32
        %dma_start3A_497 = arith.constant 0 : i32
        %dma_start3A_498 = tpu.memref_slice %arg13[%dma_start3A_494, %dma_start3A_496, %dma_start3A_497] : memref<3x56x128xf32, #tpu.memory_space<vmem>> -> memref<1x56x128xf32, #tpu.memory_space<vmem>>
        %dma_start3A_499 = tpu.memref_squeeze %dma_start3A_498 : memref<1x56x128xf32, #tpu.memory_space<vmem>> -> memref<56x128xf32, #tpu.memory_space<vmem>>
        %dma_start3A_500 = arith.constant 0 : i32
        %dma_start3A_501 = tpu.memref_slice %arg10[%dma_start3A_493, %dma_start3A_500] : memref<3x56xi32, #tpu.memory_space<vmem>> -> memref<1x56xi32, #tpu.memory_space<vmem>>
        %dma_start3A_502 = tpu.memref_squeeze %dma_start3A_501 : memref<1x56xi32, #tpu.memory_space<vmem>> -> memref<56xi32, #tpu.memory_space<vmem>>
        %dma_start3A_503 = arith.constant 0 : i32
        %dma_start3A_504 = arith.constant 0 : i32
        %dma_start3A_505 = tpu.memref_slice %arg2[%dma_start3A_503, %dma_start3A_504] : memref<10000x128xf32, #tpu.memory_space<hbm>> -> memref<10000x128xf32, #tpu.memory_space<hbm>>
        %dma_start3A_506 = tpu.memref_slice %arg17[%dma_start3A_495] : memref<3x!tpu.dma_semaphore, #tpu.memory_space<semaphore_mem>> -> memref<1x!tpu.dma_semaphore, #tpu.memory_space<semaphore_mem>>
        %dma_start3A_507 = tpu.memref_squeeze %dma_start3A_506 : memref<1x!tpu.dma_semaphore, #tpu.memory_space<semaphore_mem>> -> memref<!tpu.dma_semaphore, #tpu.memory_space<semaphore_mem>>
        tpu.enqueue_indirect_dma source(%dma_start3A_505 : memref<10000x128xf32, #tpu.memory_space<hbm>>) target(%dma_start3A_499 : memref<56x128xf32, #tpu.memory_space<vmem>>) offsets(%dma_start3A_502 : memref<56xi32, #tpu.memory_space<vmem>>) semaphore(%dma_start3A_507 : memref<!tpu.dma_semaphore, #tpu.memory_space<semaphore_mem>>)
        %dma_start3A_508 = arith.constant 0 : i32
        %dma_start3A_509 = arith.constant 0 : i32
        %dma_start3A_510 = arith.constant 0 : i32
        %dma_start3A_511 = arith.constant 0 : i32
        %dma_start3A_512 = arith.constant 0 : i32
        %dma_start3A_513 = tpu.memref_slice %arg14[%dma_start3A_509, %dma_start3A_511, %dma_start3A_512] : memref<3x56x128xf32, #tpu.memory_space<vmem>> -> memref<1x56x128xf32, #tpu.memory_space<vmem>>
        %dma_start3A_514 = tpu.memref_squeeze %dma_start3A_513 : memref<1x56x128xf32, #tpu.memory_space<vmem>> -> memref<56x128xf32, #tpu.memory_space<vmem>>
        %dma_start3A_515 = arith.constant 0 : i32
        %dma_start3A_516 = tpu.memref_slice %arg11[%dma_start3A_508, %dma_start3A_515] : memref<3x56xi32, #tpu.memory_space<vmem>> -> memref<1x56xi32, #tpu.memory_space<vmem>>
        %dma_start3A_517 = tpu.memref_squeeze %dma_start3A_516 : memref<1x56xi32, #tpu.memory_space<vmem>> -> memref<56xi32, #tpu.memory_space<vmem>>
        %dma_start3A_518 = arith.constant 0 : i32
        %dma_start3A_519 = arith.constant 0 : i32
        %dma_start3A_520 = tpu.memref_slice %arg3[%dma_start3A_518, %dma_start3A_519] : memref<10000x128xf32, #tpu.memory_space<hbm>> -> memref<10000x128xf32, #tpu.memory_space<hbm>>
        %dma_start3A_521 = tpu.memref_slice %arg17[%dma_start3A_510] : memref<3x!tpu.dma_semaphore, #tpu.memory_space<semaphore_mem>> -> memref<1x!tpu.dma_semaphore, #tpu.memory_space<semaphore_mem>>
        %dma_start3A_522 = tpu.memref_squeeze %dma_start3A_521 : memref<1x!tpu.dma_semaphore, #tpu.memory_space<semaphore_mem>> -> memref<!tpu.dma_semaphore, #tpu.memory_space<semaphore_mem>>
        tpu.enqueue_indirect_dma source(%dma_start3A_520 : memref<10000x128xf32, #tpu.memory_space<hbm>>) target(%dma_start3A_514 : memref<56x128xf32, #tpu.memory_space<vmem>>) offsets(%dma_start3A_517 : memref<56xi32, #tpu.memory_space<vmem>>) semaphore(%dma_start3A_522 : memref<!tpu.dma_semaphore, #tpu.memory_space<semaphore_mem>>)
      } else {
      }
      %dma_wait3A_392 = arith.constant 2 : i32
      %dma_wait3A_393 = arith.constant 2 : i32
      %dma_wait3A_394 = arith.constant 2 : i32
      %dma_wait3A_395 = arith.constant 0 : i32
      %dma_wait3A_396 = arith.constant 0 : i32
      %dma_wait3A_397 = tpu.memref_slice %arg13[%dma_wait3A_393, %dma_wait3A_395, %dma_wait3A_396] : memref<3x56x128xf32, #tpu.memory_space<vmem>> -> memref<1x56x128xf32, #tpu.memory_space<vmem>>
      %dma_wait3A_398 = tpu.memref_squeeze %dma_wait3A_397 : memref<1x56x128xf32, #tpu.memory_space<vmem>> -> memref<56x128xf32, #tpu.memory_space<vmem>>
      %dma_wait3A_399 = arith.constant 0 : i32
      %dma_wait3A_400 = tpu.memref_slice %arg10[%dma_wait3A_392, %dma_wait3A_399] : memref<3x56xi32, #tpu.memory_space<vmem>> -> memref<1x56xi32, #tpu.memory_space<vmem>>
      %dma_wait3A_401 = tpu.memref_squeeze %dma_wait3A_400 : memref<1x56xi32, #tpu.memory_space<vmem>> -> memref<56xi32, #tpu.memory_space<vmem>>
      %dma_wait3A_402 = arith.constant 0 : i32
      %dma_wait3A_403 = arith.constant 0 : i32
      %dma_wait3A_404 = tpu.memref_slice %arg2[%dma_wait3A_402, %dma_wait3A_403] : memref<10000x128xf32, #tpu.memory_space<hbm>> -> memref<10000x128xf32, #tpu.memory_space<hbm>>
      %dma_wait3A_405 = tpu.memref_slice %arg17[%dma_wait3A_394] : memref<3x!tpu.dma_semaphore, #tpu.memory_space<semaphore_mem>> -> memref<1x!tpu.dma_semaphore, #tpu.memory_space<semaphore_mem>>
      %dma_wait3A_406 = tpu.memref_squeeze %dma_wait3A_405 : memref<1x!tpu.dma_semaphore, #tpu.memory_space<semaphore_mem>> -> memref<!tpu.dma_semaphore, #tpu.memory_space<semaphore_mem>>
      tpu.wait_indirect_dma semaphore(%dma_wait3A_406 : memref<!tpu.dma_semaphore, #tpu.memory_space<semaphore_mem>>) src(%dma_wait3A_404 : memref<10000x128xf32, #tpu.memory_space<hbm>>) dst(%dma_wait3A_398 : memref<56x128xf32, #tpu.memory_space<vmem>>)
      %dma_wait3A_407 = arith.constant 2 : i32
      %dma_wait3A_408 = arith.constant 2 : i32
      %dma_wait3A_409 = arith.constant 2 : i32
      %dma_wait3A_410 = arith.constant 0 : i32
      %dma_wait3A_411 = arith.constant 0 : i32
      %dma_wait3A_412 = tpu.memref_slice %arg14[%dma_wait3A_408, %dma_wait3A_410, %dma_wait3A_411] : memref<3x56x128xf32, #tpu.memory_space<vmem>> -> memref<1x56x128xf32, #tpu.memory_space<vmem>>
      %dma_wait3A_413 = tpu.memref_squeeze %dma_wait3A_412 : memref<1x56x128xf32, #tpu.memory_space<vmem>> -> memref<56x128xf32, #tpu.memory_space<vmem>>
      %dma_wait3A_414 = arith.constant 0 : i32
      %dma_wait3A_415 = tpu.memref_slice %arg11[%dma_wait3A_407, %dma_wait3A_414] : memref<3x56xi32, #tpu.memory_space<vmem>> -> memref<1x56xi32, #tpu.memory_space<vmem>>
      %dma_wait3A_416 = tpu.memref_squeeze %dma_wait3A_415 : memref<1x56xi32, #tpu.memory_space<vmem>> -> memref<56xi32, #tpu.memory_space<vmem>>
      %dma_wait3A_417 = arith.constant 0 : i32
      %dma_wait3A_418 = arith.constant 0 : i32
      %dma_wait3A_419 = tpu.memref_slice %arg3[%dma_wait3A_417, %dma_wait3A_418] : memref<10000x128xf32, #tpu.memory_space<hbm>> -> memref<10000x128xf32, #tpu.memory_space<hbm>>
      %dma_wait3A_420 = tpu.memref_slice %arg17[%dma_wait3A_409] : memref<3x!tpu.dma_semaphore, #tpu.memory_space<semaphore_mem>> -> memref<1x!tpu.dma_semaphore, #tpu.memory_space<semaphore_mem>>
      %dma_wait3A_421 = tpu.memref_squeeze %dma_wait3A_420 : memref<1x!tpu.dma_semaphore, #tpu.memory_space<semaphore_mem>> -> memref<!tpu.dma_semaphore, #tpu.memory_space<semaphore_mem>>
      tpu.wait_indirect_dma semaphore(%dma_wait3A_421 : memref<!tpu.dma_semaphore, #tpu.memory_space<semaphore_mem>>) src(%dma_wait3A_419 : memref<10000x128xf32, #tpu.memory_space<hbm>>) dst(%dma_wait3A_413 : memref<56x128xf32, #tpu.memory_space<vmem>>)
      %parallel_loop3A_422 = arith.constant 0 : i32
      %parallel_loop3A_423 = arith.constant 56 : i32
      %parallel_loop3A_424 = arith.constant 1 : i32
      scf.for %parallel_loop3A_452 = %parallel_loop3A_422 to %parallel_loop3A_423 step %parallel_loop3A_424  : i32 {
        %parallel_loop3A_453 = vector.broadcast %parallel_loop3A_452 : i32 to vector<16xi32>
        %parallel_loop3A_454 = arith.constant 2 : i32
        %parallel_loop3A_455 = arith.constant 0 : i32
        %parallel_loop3A_456 = tpu.memref_slice %arg12[%parallel_loop3A_454, %parallel_loop3A_455] : memref<3x56xf32, #tpu.memory_space<vmem>> -> memref<1x56xf32, #tpu.memory_space<vmem>>
        %parallel_loop3A_457 = tpu.memref_squeeze %parallel_loop3A_456 : memref<1x56xf32, #tpu.memory_space<vmem>> -> memref<56xf32, #tpu.memory_space<vmem>>
        %parallel_loop3A_458 = tpu.vector_load_idx %parallel_loop3A_457[%parallel_loop3A_453] : memref<56xf32, #tpu.memory_space<vmem>>[vector<16xi32>], vector<16xf32>,
        %parallel_loop3A_459 = arith.constant 0.000000e+00 : f32
        %parallel_loop3A_460 = vector.broadcast %parallel_loop3A_459 : f32 to vector<16xf32>
        %parallel_loop3A_461 = arith.maximumf %parallel_loop3A_458, %parallel_loop3A_460 : vector<16xf32>
        %parallel_loop3A_462 = arith.constant 0.000000e+00 : f32
        %parallel_loop3A_463 = vector.broadcast %parallel_loop3A_462 : f32 to vector<16xf32>
        %parallel_loop3A_464 = arith.minimumf %parallel_loop3A_458, %parallel_loop3A_463 : vector<16xf32>
        %parallel_loop3A_465 = arith.constant 2 : i32
        %parallel_loop3A_466 = arith.index_cast %parallel_loop3A_465 : i32 to index
        %parallel_loop3A_467 = arith.index_cast %parallel_loop3A_452 : i32 to index
        %parallel_loop3A_468 = arith.constant 0 : index
        %parallel_loop3A_469 = tpu.vector_load %arg13[%parallel_loop3A_466, %parallel_loop3A_467, %parallel_loop3A_468] {strides = array<i32>} : memref<3x56x128xf32, #tpu.memory_space<vmem>>, vector<16xf32>,
        %parallel_loop3A_470 = arith.constant 2 : i32
        %parallel_loop3A_471 = arith.index_cast %parallel_loop3A_470 : i32 to index
        %parallel_loop3A_472 = arith.index_cast %parallel_loop3A_452 : i32 to index
        %parallel_loop3A_473 = arith.constant 0 : index
        %parallel_loop3A_474 = tpu.vector_load %arg14[%parallel_loop3A_471, %parallel_loop3A_472, %parallel_loop3A_473] {strides = array<i32>} : memref<3x56x128xf32, #tpu.memory_space<vmem>>, vector<16xf32>,
        %parallel_loop3A_475 = arith.addf %parallel_loop3A_469, %parallel_loop3A_474 : vector<16xf32>
        %parallel_loop3A_476 = arith.mulf %parallel_loop3A_461, %get3A_3 : vector<16xf32>
        %parallel_loop3A_477 = arith.addf %parallel_loop3A_475, %parallel_loop3A_476 : vector<16xf32>
        %parallel_loop3A_478 = arith.mulf %parallel_loop3A_464, %get3A_19 : vector<16xf32>
        %parallel_loop3A_479 = arith.addf %parallel_loop3A_477, %parallel_loop3A_478 : vector<16xf32>
        %parallel_loop3A_480 = arith.constant 0.000000e+00 : f32
        %parallel_loop3A_481 = vector.broadcast %parallel_loop3A_480 : f32 to vector<16xf32>
        %parallel_loop3A_482 = arith.maximumf %parallel_loop3A_479, %parallel_loop3A_481 : vector<16xf32>
        %parallel_loop3A_483 = arith.constant 2 : i32
        %parallel_loop3A_484 = arith.index_cast %parallel_loop3A_483 : i32 to index
        %parallel_loop3A_485 = arith.index_cast %parallel_loop3A_452 : i32 to index
        %parallel_loop3A_486 = arith.constant 0 : index
        %parallel_loop3A_487 = tpu.vector_load %arg13[%parallel_loop3A_484, %parallel_loop3A_485, %parallel_loop3A_486] {strides = array<i32>} : memref<3x56x128xf32, #tpu.memory_space<vmem>>, vector<16xf32>,
        tpu.vector_store %arg13[%parallel_loop3A_484, %parallel_loop3A_485, %parallel_loop3A_486], %parallel_loop3A_482 {strides = array<i32>} : memref<3x56x128xf32, #tpu.memory_space<vmem>>, vector<16xf32>,
        %parallel_loop3A_488 = arith.constant 2 : i32
        %parallel_loop3A_489 = arith.index_cast %parallel_loop3A_488 : i32 to index
        %parallel_loop3A_490 = arith.index_cast %parallel_loop3A_452 : i32 to index
        %parallel_loop3A_491 = arith.constant 16 : index
        %parallel_loop3A_492 = tpu.vector_load %arg13[%parallel_loop3A_489, %parallel_loop3A_490, %parallel_loop3A_491] {strides = array<i32>} : memref<3x56x128xf32, #tpu.memory_space<vmem>>, vector<16xf32>,
        %parallel_loop3A_493 = arith.constant 2 : i32
        %parallel_loop3A_494 = arith.index_cast %parallel_loop3A_493 : i32 to index
        %parallel_loop3A_495 = arith.index_cast %parallel_loop3A_452 : i32 to index
        %parallel_loop3A_496 = arith.constant 16 : index
        %parallel_loop3A_497 = tpu.vector_load %arg14[%parallel_loop3A_494, %parallel_loop3A_495, %parallel_loop3A_496] {strides = array<i32>} : memref<3x56x128xf32, #tpu.memory_space<vmem>>, vector<16xf32>,
        %parallel_loop3A_498 = arith.addf %parallel_loop3A_492, %parallel_loop3A_497 : vector<16xf32>
        %parallel_loop3A_499 = arith.mulf %parallel_loop3A_461, %get3A_5 : vector<16xf32>
        %parallel_loop3A_500 = arith.addf %parallel_loop3A_498, %parallel_loop3A_499 : vector<16xf32>
        %parallel_loop3A_501 = arith.mulf %parallel_loop3A_464, %get3A_21 : vector<16xf32>
        %parallel_loop3A_502 = arith.addf %parallel_loop3A_500, %parallel_loop3A_501 : vector<16xf32>
        %parallel_loop3A_503 = arith.constant 0.000000e+00 : f32
        %parallel_loop3A_504 = vector.broadcast %parallel_loop3A_503 : f32 to vector<16xf32>
        %parallel_loop3A_505 = arith.maximumf %parallel_loop3A_502, %parallel_loop3A_504 : vector<16xf32>
        %parallel_loop3A_506 = arith.constant 2 : i32
        %parallel_loop3A_507 = arith.index_cast %parallel_loop3A_506 : i32 to index
        %parallel_loop3A_508 = arith.index_cast %parallel_loop3A_452 : i32 to index
        %parallel_loop3A_509 = arith.constant 16 : index
        %parallel_loop3A_510 = tpu.vector_load %arg13[%parallel_loop3A_507, %parallel_loop3A_508, %parallel_loop3A_509] {strides = array<i32>} : memref<3x56x128xf32, #tpu.memory_space<vmem>>, vector<16xf32>,
        tpu.vector_store %arg13[%parallel_loop3A_507, %parallel_loop3A_508, %parallel_loop3A_509], %parallel_loop3A_505 {strides = array<i32>} : memref<3x56x128xf32, #tpu.memory_space<vmem>>, vector<16xf32>,
        %parallel_loop3A_511 = arith.constant 2 : i32
        %parallel_loop3A_512 = arith.index_cast %parallel_loop3A_511 : i32 to index
        %parallel_loop3A_513 = arith.index_cast %parallel_loop3A_452 : i32 to index
        %parallel_loop3A_514 = arith.constant 32 : index
        %parallel_loop3A_515 = tpu.vector_load %arg13[%parallel_loop3A_512, %parallel_loop3A_513, %parallel_loop3A_514] {strides = array<i32>} : memref<3x56x128xf32, #tpu.memory_space<vmem>>, vector<16xf32>,
        %parallel_loop3A_516 = arith.constant 2 : i32
        %parallel_loop3A_517 = arith.index_cast %parallel_loop3A_516 : i32 to index
        %parallel_loop3A_518 = arith.index_cast %parallel_loop3A_452 : i32 to index
        %parallel_loop3A_519 = arith.constant 32 : index
        %parallel_loop3A_520 = tpu.vector_load %arg14[%parallel_loop3A_517, %parallel_loop3A_518, %parallel_loop3A_519] {strides = array<i32>} : memref<3x56x128xf32, #tpu.memory_space<vmem>>, vector<16xf32>,
        %parallel_loop3A_521 = arith.addf %parallel_loop3A_515, %parallel_loop3A_520 : vector<16xf32>
        %parallel_loop3A_522 = arith.mulf %parallel_loop3A_461, %get3A_7 : vector<16xf32>
        %parallel_loop3A_523 = arith.addf %parallel_loop3A_521, %parallel_loop3A_522 : vector<16xf32>
        %parallel_loop3A_524 = arith.mulf %parallel_loop3A_464, %get3A_23 : vector<16xf32>
        %parallel_loop3A_525 = arith.addf %parallel_loop3A_523, %parallel_loop3A_524 : vector<16xf32>
        %parallel_loop3A_526 = arith.constant 0.000000e+00 : f32
        %parallel_loop3A_527 = vector.broadcast %parallel_loop3A_526 : f32 to vector<16xf32>
        %parallel_loop3A_528 = arith.maximumf %parallel_loop3A_525, %parallel_loop3A_527 : vector<16xf32>
        %parallel_loop3A_529 = arith.constant 2 : i32
        %parallel_loop3A_530 = arith.index_cast %parallel_loop3A_529 : i32 to index
        %parallel_loop3A_531 = arith.index_cast %parallel_loop3A_452 : i32 to index
        %parallel_loop3A_532 = arith.constant 32 : index
        %parallel_loop3A_533 = tpu.vector_load %arg13[%parallel_loop3A_530, %parallel_loop3A_531, %parallel_loop3A_532] {strides = array<i32>} : memref<3x56x128xf32, #tpu.memory_space<vmem>>, vector<16xf32>,
        tpu.vector_store %arg13[%parallel_loop3A_530, %parallel_loop3A_531, %parallel_loop3A_532], %parallel_loop3A_528 {strides = array<i32>} : memref<3x56x128xf32, #tpu.memory_space<vmem>>, vector<16xf32>,
        %parallel_loop3A_534 = arith.constant 2 : i32
        %parallel_loop3A_535 = arith.index_cast %parallel_loop3A_534 : i32 to index
        %parallel_loop3A_536 = arith.index_cast %parallel_loop3A_452 : i32 to index
        %parallel_loop3A_537 = arith.constant 48 : index
        %parallel_loop3A_538 = tpu.vector_load %arg13[%parallel_loop3A_535, %parallel_loop3A_536, %parallel_loop3A_537] {strides = array<i32>} : memref<3x56x128xf32, #tpu.memory_space<vmem>>, vector<16xf32>,
        %parallel_loop3A_539 = arith.constant 2 : i32
        %parallel_loop3A_540 = arith.index_cast %parallel_loop3A_539 : i32 to index
        %parallel_loop3A_541 = arith.index_cast %parallel_loop3A_452 : i32 to index
        %parallel_loop3A_542 = arith.constant 48 : index
        %parallel_loop3A_543 = tpu.vector_load %arg14[%parallel_loop3A_540, %parallel_loop3A_541, %parallel_loop3A_542] {strides = array<i32>} : memref<3x56x128xf32, #tpu.memory_space<vmem>>, vector<16xf32>,
        %parallel_loop3A_544 = arith.addf %parallel_loop3A_538, %parallel_loop3A_543 : vector<16xf32>
        %parallel_loop3A_545 = arith.mulf %parallel_loop3A_461, %get3A_9 : vector<16xf32>
        %parallel_loop3A_546 = arith.addf %parallel_loop3A_544, %parallel_loop3A_545 : vector<16xf32>
        %parallel_loop3A_547 = arith.mulf %parallel_loop3A_464, %get3A_25 : vector<16xf32>
        %parallel_loop3A_548 = arith.addf %parallel_loop3A_546, %parallel_loop3A_547 : vector<16xf32>
        %parallel_loop3A_549 = arith.constant 0.000000e+00 : f32
        %parallel_loop3A_550 = vector.broadcast %parallel_loop3A_549 : f32 to vector<16xf32>
        %parallel_loop3A_551 = arith.maximumf %parallel_loop3A_548, %parallel_loop3A_550 : vector<16xf32>
        %parallel_loop3A_552 = arith.constant 2 : i32
        %parallel_loop3A_553 = arith.index_cast %parallel_loop3A_552 : i32 to index
        %parallel_loop3A_554 = arith.index_cast %parallel_loop3A_452 : i32 to index
        %parallel_loop3A_555 = arith.constant 48 : index
        %parallel_loop3A_556 = tpu.vector_load %arg13[%parallel_loop3A_553, %parallel_loop3A_554, %parallel_loop3A_555] {strides = array<i32>} : memref<3x56x128xf32, #tpu.memory_space<vmem>>, vector<16xf32>,
        tpu.vector_store %arg13[%parallel_loop3A_553, %parallel_loop3A_554, %parallel_loop3A_555], %parallel_loop3A_551 {strides = array<i32>} : memref<3x56x128xf32, #tpu.memory_space<vmem>>, vector<16xf32>,
        %parallel_loop3A_557 = arith.constant 2 : i32
        %parallel_loop3A_558 = arith.index_cast %parallel_loop3A_557 : i32 to index
        %parallel_loop3A_559 = arith.index_cast %parallel_loop3A_452 : i32 to index
        %parallel_loop3A_560 = arith.constant 64 : index
        %parallel_loop3A_561 = tpu.vector_load %arg13[%parallel_loop3A_558, %parallel_loop3A_559, %parallel_loop3A_560] {strides = array<i32>} : memref<3x56x128xf32, #tpu.memory_space<vmem>>, vector<16xf32>,
        %parallel_loop3A_562 = arith.constant 2 : i32
        %parallel_loop3A_563 = arith.index_cast %parallel_loop3A_562 : i32 to index
        %parallel_loop3A_564 = arith.index_cast %parallel_loop3A_452 : i32 to index
        %parallel_loop3A_565 = arith.constant 64 : index
        %parallel_loop3A_566 = tpu.vector_load %arg14[%parallel_loop3A_563, %parallel_loop3A_564, %parallel_loop3A_565] {strides = array<i32>} : memref<3x56x128xf32, #tpu.memory_space<vmem>>, vector<16xf32>,
        %parallel_loop3A_567 = arith.addf %parallel_loop3A_561, %parallel_loop3A_566 : vector<16xf32>
        %parallel_loop3A_568 = arith.mulf %parallel_loop3A_461, %get3A_11 : vector<16xf32>
        %parallel_loop3A_569 = arith.addf %parallel_loop3A_567, %parallel_loop3A_568 : vector<16xf32>
        %parallel_loop3A_570 = arith.mulf %parallel_loop3A_464, %get3A_27 : vector<16xf32>
        %parallel_loop3A_571 = arith.addf %parallel_loop3A_569, %parallel_loop3A_570 : vector<16xf32>
        %parallel_loop3A_572 = arith.constant 0.000000e+00 : f32
        %parallel_loop3A_573 = vector.broadcast %parallel_loop3A_572 : f32 to vector<16xf32>
        %parallel_loop3A_574 = arith.maximumf %parallel_loop3A_571, %parallel_loop3A_573 : vector<16xf32>
        %parallel_loop3A_575 = arith.constant 2 : i32
        %parallel_loop3A_576 = arith.index_cast %parallel_loop3A_575 : i32 to index
        %parallel_loop3A_577 = arith.index_cast %parallel_loop3A_452 : i32 to index
        %parallel_loop3A_578 = arith.constant 64 : index
        %parallel_loop3A_579 = tpu.vector_load %arg13[%parallel_loop3A_576, %parallel_loop3A_577, %parallel_loop3A_578] {strides = array<i32>} : memref<3x56x128xf32, #tpu.memory_space<vmem>>, vector<16xf32>,
        tpu.vector_store %arg13[%parallel_loop3A_576, %parallel_loop3A_577, %parallel_loop3A_578], %parallel_loop3A_574 {strides = array<i32>} : memref<3x56x128xf32, #tpu.memory_space<vmem>>, vector<16xf32>,
        %parallel_loop3A_580 = arith.constant 2 : i32
        %parallel_loop3A_581 = arith.index_cast %parallel_loop3A_580 : i32 to index
        %parallel_loop3A_582 = arith.index_cast %parallel_loop3A_452 : i32 to index
        %parallel_loop3A_583 = arith.constant 80 : index
        %parallel_loop3A_584 = tpu.vector_load %arg13[%parallel_loop3A_581, %parallel_loop3A_582, %parallel_loop3A_583] {strides = array<i32>} : memref<3x56x128xf32, #tpu.memory_space<vmem>>, vector<16xf32>,
        %parallel_loop3A_585 = arith.constant 2 : i32
        %parallel_loop3A_586 = arith.index_cast %parallel_loop3A_585 : i32 to index
        %parallel_loop3A_587 = arith.index_cast %parallel_loop3A_452 : i32 to index
        %parallel_loop3A_588 = arith.constant 80 : index
        %parallel_loop3A_589 = tpu.vector_load %arg14[%parallel_loop3A_586, %parallel_loop3A_587, %parallel_loop3A_588] {strides = array<i32>} : memref<3x56x128xf32, #tpu.memory_space<vmem>>, vector<16xf32>,
        %parallel_loop3A_590 = arith.addf %parallel_loop3A_584, %parallel_loop3A_589 : vector<16xf32>
        %parallel_loop3A_591 = arith.mulf %parallel_loop3A_461, %get3A_13 : vector<16xf32>
        %parallel_loop3A_592 = arith.addf %parallel_loop3A_590, %parallel_loop3A_591 : vector<16xf32>
        %parallel_loop3A_593 = arith.mulf %parallel_loop3A_464, %get3A_29 : vector<16xf32>
        %parallel_loop3A_594 = arith.addf %parallel_loop3A_592, %parallel_loop3A_593 : vector<16xf32>
        %parallel_loop3A_595 = arith.constant 0.000000e+00 : f32
        %parallel_loop3A_596 = vector.broadcast %parallel_loop3A_595 : f32 to vector<16xf32>
        %parallel_loop3A_597 = arith.maximumf %parallel_loop3A_594, %parallel_loop3A_596 : vector<16xf32>
        %parallel_loop3A_598 = arith.constant 2 : i32
        %parallel_loop3A_599 = arith.index_cast %parallel_loop3A_598 : i32 to index
        %parallel_loop3A_600 = arith.index_cast %parallel_loop3A_452 : i32 to index
        %parallel_loop3A_601 = arith.constant 80 : index
        %parallel_loop3A_602 = tpu.vector_load %arg13[%parallel_loop3A_599, %parallel_loop3A_600, %parallel_loop3A_601] {strides = array<i32>} : memref<3x56x128xf32, #tpu.memory_space<vmem>>, vector<16xf32>,
        tpu.vector_store %arg13[%parallel_loop3A_599, %parallel_loop3A_600, %parallel_loop3A_601], %parallel_loop3A_597 {strides = array<i32>} : memref<3x56x128xf32, #tpu.memory_space<vmem>>, vector<16xf32>,
        %parallel_loop3A_603 = arith.constant 2 : i32
        %parallel_loop3A_604 = arith.index_cast %parallel_loop3A_603 : i32 to index
        %parallel_loop3A_605 = arith.index_cast %parallel_loop3A_452 : i32 to index
        %parallel_loop3A_606 = arith.constant 96 : index
        %parallel_loop3A_607 = tpu.vector_load %arg13[%parallel_loop3A_604, %parallel_loop3A_605, %parallel_loop3A_606] {strides = array<i32>} : memref<3x56x128xf32, #tpu.memory_space<vmem>>, vector<16xf32>,
        %parallel_loop3A_608 = arith.constant 2 : i32
        %parallel_loop3A_609 = arith.index_cast %parallel_loop3A_608 : i32 to index
        %parallel_loop3A_610 = arith.index_cast %parallel_loop3A_452 : i32 to index
        %parallel_loop3A_611 = arith.constant 96 : index
        %parallel_loop3A_612 = tpu.vector_load %arg14[%parallel_loop3A_609, %parallel_loop3A_610, %parallel_loop3A_611] {strides = array<i32>} : memref<3x56x128xf32, #tpu.memory_space<vmem>>, vector<16xf32>,
        %parallel_loop3A_613 = arith.addf %parallel_loop3A_607, %parallel_loop3A_612 : vector<16xf32>
        %parallel_loop3A_614 = arith.mulf %parallel_loop3A_461, %get3A_15 : vector<16xf32>
        %parallel_loop3A_615 = arith.addf %parallel_loop3A_613, %parallel_loop3A_614 : vector<16xf32>
        %parallel_loop3A_616 = arith.mulf %parallel_loop3A_464, %get3A_31 : vector<16xf32>
        %parallel_loop3A_617 = arith.addf %parallel_loop3A_615, %parallel_loop3A_616 : vector<16xf32>
        %parallel_loop3A_618 = arith.constant 0.000000e+00 : f32
        %parallel_loop3A_619 = vector.broadcast %parallel_loop3A_618 : f32 to vector<16xf32>
        %parallel_loop3A_620 = arith.maximumf %parallel_loop3A_617, %parallel_loop3A_619 : vector<16xf32>
        %parallel_loop3A_621 = arith.constant 2 : i32
        %parallel_loop3A_622 = arith.index_cast %parallel_loop3A_621 : i32 to index
        %parallel_loop3A_623 = arith.index_cast %parallel_loop3A_452 : i32 to index
        %parallel_loop3A_624 = arith.constant 96 : index
        %parallel_loop3A_625 = tpu.vector_load %arg13[%parallel_loop3A_622, %parallel_loop3A_623, %parallel_loop3A_624] {strides = array<i32>} : memref<3x56x128xf32, #tpu.memory_space<vmem>>, vector<16xf32>,
        tpu.vector_store %arg13[%parallel_loop3A_622, %parallel_loop3A_623, %parallel_loop3A_624], %parallel_loop3A_620 {strides = array<i32>} : memref<3x56x128xf32, #tpu.memory_space<vmem>>, vector<16xf32>,
        %parallel_loop3A_626 = arith.constant 2 : i32
        %parallel_loop3A_627 = arith.index_cast %parallel_loop3A_626 : i32 to index
        %parallel_loop3A_628 = arith.index_cast %parallel_loop3A_452 : i32 to index
        %parallel_loop3A_629 = arith.constant 112 : index
        %parallel_loop3A_630 = tpu.vector_load %arg13[%parallel_loop3A_627, %parallel_loop3A_628, %parallel_loop3A_629] {strides = array<i32>} : memref<3x56x128xf32, #tpu.memory_space<vmem>>, vector<16xf32>,
        %parallel_loop3A_631 = arith.constant 2 : i32
        %parallel_loop3A_632 = arith.index_cast %parallel_loop3A_631 : i32 to index
        %parallel_loop3A_633 = arith.index_cast %parallel_loop3A_452 : i32 to index
        %parallel_loop3A_634 = arith.constant 112 : index
        %parallel_loop3A_635 = tpu.vector_load %arg14[%parallel_loop3A_632, %parallel_loop3A_633, %parallel_loop3A_634] {strides = array<i32>} : memref<3x56x128xf32, #tpu.memory_space<vmem>>, vector<16xf32>,
        %parallel_loop3A_636 = arith.addf %parallel_loop3A_630, %parallel_loop3A_635 : vector<16xf32>
        %parallel_loop3A_637 = arith.mulf %parallel_loop3A_461, %get3A_17 : vector<16xf32>
        %parallel_loop3A_638 = arith.addf %parallel_loop3A_636, %parallel_loop3A_637 : vector<16xf32>
        %parallel_loop3A_639 = arith.mulf %parallel_loop3A_464, %get3A_33 : vector<16xf32>
        %parallel_loop3A_640 = arith.addf %parallel_loop3A_638, %parallel_loop3A_639 : vector<16xf32>
        %parallel_loop3A_641 = arith.constant 0.000000e+00 : f32
        %parallel_loop3A_642 = vector.broadcast %parallel_loop3A_641 : f32 to vector<16xf32>
        %parallel_loop3A_643 = arith.maximumf %parallel_loop3A_640, %parallel_loop3A_642 : vector<16xf32>
        %parallel_loop3A_644 = arith.constant 2 : i32
        %parallel_loop3A_645 = arith.index_cast %parallel_loop3A_644 : i32 to index
        %parallel_loop3A_646 = arith.index_cast %parallel_loop3A_452 : i32 to index
        %parallel_loop3A_647 = arith.constant 112 : index
        %parallel_loop3A_648 = tpu.vector_load %arg13[%parallel_loop3A_645, %parallel_loop3A_646, %parallel_loop3A_647] {strides = array<i32>} : memref<3x56x128xf32, #tpu.memory_space<vmem>>, vector<16xf32>,
        tpu.vector_store %arg13[%parallel_loop3A_645, %parallel_loop3A_646, %parallel_loop3A_647], %parallel_loop3A_643 {strides = array<i32>} : memref<3x56x128xf32, #tpu.memory_space<vmem>>, vector<16xf32>,
      } {sc.loop_unroll_factor = 4 : i64, sc.parallel_access}
      %dma_start3A_425 = arith.constant 2 : i32
      %dma_start3A_426 = arith.constant 2 : i32
      %dma_start3A_427 = arith.constant 2 : i32
      %dma_start3A_428 = arith.constant 0 : i32
      %dma_start3A_429 = arith.constant 0 : i32
      %dma_start3A_430 = tpu.memref_slice %arg13[%dma_start3A_425, %dma_start3A_428, %dma_start3A_429] : memref<3x56x128xf32, #tpu.memory_space<vmem>> -> memref<1x56x128xf32, #tpu.memory_space<vmem>>
      %dma_start3A_431 = tpu.memref_squeeze %dma_start3A_430 : memref<1x56x128xf32, #tpu.memory_space<vmem>> -> memref<56x128xf32, #tpu.memory_space<vmem>>
      %dma_start3A_432 = arith.constant 0 : i32
      %dma_start3A_433 = tpu.memref_slice %arg11[%dma_start3A_426, %dma_start3A_432] : memref<3x56xi32, #tpu.memory_space<vmem>> -> memref<1x56xi32, #tpu.memory_space<vmem>>
      %dma_start3A_434 = tpu.memref_squeeze %dma_start3A_433 : memref<1x56xi32, #tpu.memory_space<vmem>> -> memref<56xi32, #tpu.memory_space<vmem>>
      %dma_start3A_435 = arith.constant 0 : i32
      %dma_start3A_436 = arith.constant 0 : i32
      %dma_start3A_437 = tpu.memref_slice %arg9[%dma_start3A_435, %dma_start3A_436] : memref<10112x128xf32, #tpu.memory_space<vmem_shared>> -> memref<10112x128xf32, #tpu.memory_space<vmem_shared>>
      %dma_start3A_438 = tpu.memref_slice %arg18[%dma_start3A_427] : memref<3x!tpu.dma_semaphore, #tpu.memory_space<semaphore_mem>> -> memref<1x!tpu.dma_semaphore, #tpu.memory_space<semaphore_mem>>
      %dma_start3A_439 = tpu.memref_squeeze %dma_start3A_438 : memref<1x!tpu.dma_semaphore, #tpu.memory_space<semaphore_mem>> -> memref<!tpu.dma_semaphore, #tpu.memory_space<semaphore_mem>>
      tpu.enqueue_indirect_dma source(%dma_start3A_431 : memref<56x128xf32, #tpu.memory_space<vmem>>) target(%dma_start3A_437 : memref<10112x128xf32, #tpu.memory_space<vmem_shared>>) offsets(%dma_start3A_434 : memref<56xi32, #tpu.memory_space<vmem>>) semaphore(%dma_start3A_439 : memref<!tpu.dma_semaphore, #tpu.memory_space<semaphore_mem>>) {add = true}
      %ge3A_440 = arith.constant 1 : i32
      %ge3A_441 = arith.cmpi sge, %add3A_384, %ge3A_440 : i32
      %convert_element_type3A_442 = arith.extui %ge3A_441 : i1 to i32
      %cond3A_443 = arith.constant 0 : i32
      %cond3A_444 = arith.cmpi ne, %convert_element_type3A_442, %cond3A_443 : i32
      scf.if %cond3A_444 {
        %dma_wait3A_452 = arith.constant 1 : i32
        %dma_wait3A_453 = arith.constant 1 : i32
        %dma_wait3A_454 = arith.constant 1 : i32
        %dma_wait3A_455 = arith.constant 0 : i32
        %dma_wait3A_456 = arith.constant 0 : i32
        %dma_wait3A_457 = tpu.memref_slice %arg13[%dma_wait3A_452, %dma_wait3A_455, %dma_wait3A_456] : memref<3x56x128xf32, #tpu.memory_space<vmem>> -> memref<1x56x128xf32, #tpu.memory_space<vmem>>
        %dma_wait3A_458 = tpu.memref_squeeze %dma_wait3A_457 : memref<1x56x128xf32, #tpu.memory_space<vmem>> -> memref<56x128xf32, #tpu.memory_space<vmem>>
        %dma_wait3A_459 = arith.constant 0 : i32
        %dma_wait3A_460 = tpu.memref_slice %arg11[%dma_wait3A_453, %dma_wait3A_459] : memref<3x56xi32, #tpu.memory_space<vmem>> -> memref<1x56xi32, #tpu.memory_space<vmem>>
        %dma_wait3A_461 = tpu.memref_squeeze %dma_wait3A_460 : memref<1x56xi32, #tpu.memory_space<vmem>> -> memref<56xi32, #tpu.memory_space<vmem>>
        %dma_wait3A_462 = arith.constant 0 : i32
        %dma_wait3A_463 = arith.constant 0 : i32
        %dma_wait3A_464 = tpu.memref_slice %arg9[%dma_wait3A_462, %dma_wait3A_463] : memref<10112x128xf32, #tpu.memory_space<vmem_shared>> -> memref<10112x128xf32, #tpu.memory_space<vmem_shared>>
        %dma_wait3A_465 = tpu.memref_slice %arg18[%dma_wait3A_454] : memref<3x!tpu.dma_semaphore, #tpu.memory_space<semaphore_mem>> -> memref<1x!tpu.dma_semaphore, #tpu.memory_space<semaphore_mem>>
        %dma_wait3A_466 = tpu.memref_squeeze %dma_wait3A_465 : memref<1x!tpu.dma_semaphore, #tpu.memory_space<semaphore_mem>> -> memref<!tpu.dma_semaphore, #tpu.memory_space<semaphore_mem>>
        tpu.wait_indirect_dma semaphore(%dma_wait3A_466 : memref<!tpu.dma_semaphore, #tpu.memory_space<semaphore_mem>>) src(%dma_wait3A_458 : memref<56x128xf32, #tpu.memory_space<vmem>>) dst(%dma_wait3A_464 : memref<10112x128xf32, #tpu.memory_space<vmem_shared>>)
      } else {
      }
      %add3A_445 = arith.constant 2 : i32
      %add3A_446 = arith.addi %add3A_384, %add3A_445 : i32
      %lt3A_447 = arith.constant 180 : i32
      %lt3A_448 = arith.cmpi slt, %add3A_446, %lt3A_447 : i32
      %convert_element_type3A_449 = arith.extui %lt3A_448 : i1 to i32
      %cond3A_450 = arith.constant 0 : i32
      %cond3A_451 = arith.cmpi ne, %convert_element_type3A_449, %cond3A_450 : i32
      scf.if %cond3A_451 {
        %add3A_452 = arith.constant 2 : i32
        %add3A_453 = arith.addi %add3A_384, %add3A_452 : i32
        %mul3A_454 = arith.constant 56 : i32
        %mul3A_455 = arith.muli %add3A_453, %mul3A_454 : i32
        %add3A_456 = arith.addi %add3A, %mul3A_455 : i32
        %dma_start3A_457 = arith.constant 1 : i32
        %dma_start3A_458 = arith.constant 1 : i32
        %dma_start3A_459 = arith.constant 0 : i32
        %dma_start3A_460 = tpu.memref_slice %arg10[%dma_start3A_457, %dma_start3A_459] : memref<3x56xi32, #tpu.memory_space<vmem>> -> memref<1x56xi32, #tpu.memory_space<vmem>>
        %dma_start3A_461 = tpu.memref_squeeze %dma_start3A_460 : memref<1x56xi32, #tpu.memory_space<vmem>> -> memref<56xi32, #tpu.memory_space<vmem>>
        %dma_start3A_462 = tpu.memref_slice %arg5[%add3A_456] : memref<322560xi32, #tpu.memory_space<hbm>> -> memref<56xi32, #tpu.memory_space<hbm>>
        %dma_start3A_463 = tpu.memref_slice %arg16[%dma_start3A_458] : memref<3x!tpu.dma_semaphore, #tpu.memory_space<semaphore_mem>> -> memref<1x!tpu.dma_semaphore, #tpu.memory_space<semaphore_mem>>
        %dma_start3A_464 = tpu.memref_squeeze %dma_start3A_463 : memref<1x!tpu.dma_semaphore, #tpu.memory_space<semaphore_mem>> -> memref<!tpu.dma_semaphore, #tpu.memory_space<semaphore_mem>>
        %dma_start3A_465 = arith.constant 0 : i32
        %dma_start3A_466 = tpu.memref_slice %arg10[%dma_start3A_457, %dma_start3A_465] : memref<3x56xi32, #tpu.memory_space<vmem>> -> memref<1x56xi32, #tpu.memory_space<vmem>>
        %dma_start3A_467 = tpu.memref_squeeze %dma_start3A_466 : memref<1x56xi32, #tpu.memory_space<vmem>> -> memref<56xi32, #tpu.memory_space<vmem>>
        %dma_start3A_468 = tpu.memref_slice %arg5[%add3A_456] : memref<322560xi32, #tpu.memory_space<hbm>> -> memref<56xi32, #tpu.memory_space<hbm>>
        tpu.enqueue_dma source(%dma_start3A_468 : memref<56xi32, #tpu.memory_space<hbm>>) target(%dma_start3A_467 : memref<56xi32, #tpu.memory_space<vmem>>) target_semaphore(%dma_start3A_464 : memref<!tpu.dma_semaphore, #tpu.memory_space<semaphore_mem>>)
        %dma_start3A_469 = arith.constant 1 : i32
        %dma_start3A_470 = arith.constant 1 : i32
        %dma_start3A_471 = arith.constant 0 : i32
        %dma_start3A_472 = tpu.memref_slice %arg11[%dma_start3A_469, %dma_start3A_471] : memref<3x56xi32, #tpu.memory_space<vmem>> -> memref<1x56xi32, #tpu.memory_space<vmem>>
        %dma_start3A_473 = tpu.memref_squeeze %dma_start3A_472 : memref<1x56xi32, #tpu.memory_space<vmem>> -> memref<56xi32, #tpu.memory_space<vmem>>
        %dma_start3A_474 = tpu.memref_slice %arg6[%add3A_456] : memref<322560xi32, #tpu.memory_space<hbm>> -> memref<56xi32, #tpu.memory_space<hbm>>
        %dma_start3A_475 = tpu.memref_slice %arg16[%dma_start3A_470] : memref<3x!tpu.dma_semaphore, #tpu.memory_space<semaphore_mem>> -> memref<1x!tpu.dma_semaphore, #tpu.memory_space<semaphore_mem>>
        %dma_start3A_476 = tpu.memref_squeeze %dma_start3A_475 : memref<1x!tpu.dma_semaphore, #tpu.memory_space<semaphore_mem>> -> memref<!tpu.dma_semaphore, #tpu.memory_space<semaphore_mem>>
        %dma_start3A_477 = arith.constant 0 : i32
        %dma_start3A_478 = tpu.memref_slice %arg11[%dma_start3A_469, %dma_start3A_477] : memref<3x56xi32, #tpu.memory_space<vmem>> -> memref<1x56xi32, #tpu.memory_space<vmem>>
        %dma_start3A_479 = tpu.memref_squeeze %dma_start3A_478 : memref<1x56xi32, #tpu.memory_space<vmem>> -> memref<56xi32, #tpu.memory_space<vmem>>
        %dma_start3A_480 = tpu.memref_slice %arg6[%add3A_456] : memref<322560xi32, #tpu.memory_space<hbm>> -> memref<56xi32, #tpu.memory_space<hbm>>
        tpu.enqueue_dma source(%dma_start3A_480 : memref<56xi32, #tpu.memory_space<hbm>>) target(%dma_start3A_479 : memref<56xi32, #tpu.memory_space<vmem>>) target_semaphore(%dma_start3A_476 : memref<!tpu.dma_semaphore, #tpu.memory_space<semaphore_mem>>)
        %dma_start3A_481 = arith.constant 1 : i32
        %dma_start3A_482 = arith.constant 1 : i32
        %dma_start3A_483 = arith.constant 0 : i32
        %dma_start3A_484 = tpu.memref_slice %arg12[%dma_start3A_481, %dma_start3A_483] : memref<3x56xf32, #tpu.memory_space<vmem>> -> memref<1x56xf32, #tpu.memory_space<vmem>>
        %dma_start3A_485 = tpu.memref_squeeze %dma_start3A_484 : memref<1x56xf32, #tpu.memory_space<vmem>> -> memref<56xf32, #tpu.memory_space<vmem>>
        %dma_start3A_486 = tpu.memref_slice %arg7[%add3A_456] : memref<322560xf32, #tpu.memory_space<hbm>> -> memref<56xf32, #tpu.memory_space<hbm>>
        %dma_start3A_487 = tpu.memref_slice %arg16[%dma_start3A_482] : memref<3x!tpu.dma_semaphore, #tpu.memory_space<semaphore_mem>> -> memref<1x!tpu.dma_semaphore, #tpu.memory_space<semaphore_mem>>
        %dma_start3A_488 = tpu.memref_squeeze %dma_start3A_487 : memref<1x!tpu.dma_semaphore, #tpu.memory_space<semaphore_mem>> -> memref<!tpu.dma_semaphore, #tpu.memory_space<semaphore_mem>>
        %dma_start3A_489 = arith.constant 0 : i32
        %dma_start3A_490 = tpu.memref_slice %arg12[%dma_start3A_481, %dma_start3A_489] : memref<3x56xf32, #tpu.memory_space<vmem>> -> memref<1x56xf32, #tpu.memory_space<vmem>>
        %dma_start3A_491 = tpu.memref_squeeze %dma_start3A_490 : memref<1x56xf32, #tpu.memory_space<vmem>> -> memref<56xf32, #tpu.memory_space<vmem>>
        %dma_start3A_492 = tpu.memref_slice %arg7[%add3A_456] : memref<322560xf32, #tpu.memory_space<hbm>> -> memref<56xf32, #tpu.memory_space<hbm>>
        tpu.enqueue_dma source(%dma_start3A_492 : memref<56xf32, #tpu.memory_space<hbm>>) target(%dma_start3A_491 : memref<56xf32, #tpu.memory_space<vmem>>) target_semaphore(%dma_start3A_488 : memref<!tpu.dma_semaphore, #tpu.memory_space<semaphore_mem>>)
      } else {
      }
    }
    %scan3A_222 = arith.constant 60 : i32
    %dma_wait3A_223 = arith.constant 2 : i32
    %dma_wait3A_224 = arith.constant 2 : i32
    %dma_wait3A_225 = arith.constant 2 : i32
    %dma_wait3A_226 = arith.constant 0 : i32
    %dma_wait3A_227 = arith.constant 0 : i32
    %dma_wait3A_228 = tpu.memref_slice %arg13[%dma_wait3A_223, %dma_wait3A_226, %dma_wait3A_227] : memref<3x56x128xf32, #tpu.memory_space<vmem>> -> memref<1x56x128xf32, #tpu.memory_space<vmem>>
    %dma_wait3A_229 = tpu.memref_squeeze %dma_wait3A_228 : memref<1x56x128xf32, #tpu.memory_space<vmem>> -> memref<56x128xf32, #tpu.memory_space<vmem>>
    %dma_wait3A_230 = arith.constant 0 : i32
    %dma_wait3A_231 = tpu.memref_slice %arg11[%dma_wait3A_224, %dma_wait3A_230] : memref<3x56xi32, #tpu.memory_space<vmem>> -> memref<1x56xi32, #tpu.memory_space<vmem>>
    %dma_wait3A_232 = tpu.memref_squeeze %dma_wait3A_231 : memref<1x56xi32, #tpu.memory_space<vmem>> -> memref<56xi32, #tpu.memory_space<vmem>>
    %dma_wait3A_233 = arith.constant 0 : i32
    %dma_wait3A_234 = arith.constant 0 : i32
    %dma_wait3A_235 = tpu.memref_slice %arg9[%dma_wait3A_233, %dma_wait3A_234] : memref<10112x128xf32, #tpu.memory_space<vmem_shared>> -> memref<10112x128xf32, #tpu.memory_space<vmem_shared>>
    %dma_wait3A_236 = tpu.memref_slice %arg18[%dma_wait3A_225] : memref<3x!tpu.dma_semaphore, #tpu.memory_space<semaphore_mem>> -> memref<1x!tpu.dma_semaphore, #tpu.memory_space<semaphore_mem>>
    %dma_wait3A_237 = tpu.memref_squeeze %dma_wait3A_236 : memref<1x!tpu.dma_semaphore, #tpu.memory_space<semaphore_mem>> -> memref<!tpu.dma_semaphore, #tpu.memory_space<semaphore_mem>>
    tpu.wait_indirect_dma semaphore(%dma_wait3A_237 : memref<!tpu.dma_semaphore, #tpu.memory_space<semaphore_mem>>) src(%dma_wait3A_229 : memref<56x128xf32, #tpu.memory_space<vmem>>) dst(%dma_wait3A_235 : memref<10112x128xf32, #tpu.memory_space<vmem_shared>>)
    %barrier3A_238 = arith.constant 0 : index
    tpu.barrier barrier_id(%barrier3A_238)
    "tpu.region"() ({
      %run_scoped3A_239 = tpu.sem_alloc : memref<!tpu.dma_semaphore, #tpu.memory_space<semaphore_mem>>
      %dma_start3A_240 = arith.constant 0 : i32
      %dma_start3A_241 = tpu.memref_slice %arg8[%arg0, %mul3A_40, %dma_start3A_240] : memref<2x10112x128xf32, #tpu.memory_space<hbm>> -> memref<1x632x128xf32, #tpu.memory_space<hbm>>
      %dma_start3A_242 = tpu.memref_squeeze %dma_start3A_241 : memref<1x632x128xf32, #tpu.memory_space<hbm>> -> memref<632x128xf32, #tpu.memory_space<hbm>>
      %dma_start3A_243 = arith.constant 0 : i32
      %dma_start3A_244 = tpu.memref_slice %arg9[%mul3A_40, %dma_start3A_243] : memref<10112x128xf32, #tpu.memory_space<vmem_shared>> -> memref<632x128xf32, #tpu.memory_space<vmem_shared>>
      tpu.enqueue_dma source(%dma_start3A_244 : memref<632x128xf32, #tpu.memory_space<vmem_shared>>) target(%dma_start3A_242 : memref<632x128xf32, #tpu.memory_space<hbm>>) target_semaphore(%run_scoped3A_239 : memref<!tpu.dma_semaphore, #tpu.memory_space<semaphore_mem>>)
      %dma_wait3A_245 = arith.constant 0 : i32
      %dma_wait3A_246 = tpu.memref_slice %arg8[%arg0, %mul3A_40, %dma_wait3A_245] : memref<2x10112x128xf32, #tpu.memory_space<hbm>> -> memref<1x632x128xf32, #tpu.memory_space<hbm>>
      %dma_wait3A_247 = tpu.memref_squeeze %dma_wait3A_246 : memref<1x632x128xf32, #tpu.memory_space<hbm>> -> memref<632x128xf32, #tpu.memory_space<hbm>>
      %dma_wait3A_248 = arith.constant 0 : i32
      %dma_wait3A_249 = tpu.memref_slice %arg9[%mul3A_40, %dma_wait3A_248] : memref<10112x128xf32, #tpu.memory_space<vmem_shared>> -> memref<632x128xf32, #tpu.memory_space<vmem_shared>>
      tpu.wait_dma2 semaphore(%run_scoped3A_239 : memref<!tpu.dma_semaphore, #tpu.memory_space<semaphore_mem>>) src(%dma_wait3A_249 : memref<632x128xf32, #tpu.memory_space<vmem_shared>>) dst(%dma_wait3A_247 : memref<632x128xf32, #tpu.memory_space<hbm>>)
      tpu.yield
    }) : () -> ()
    return
  }
}

module attributes {stable_mosaic.version = 14 : i64} {
  func.func @body(%arg0: i32, %arg1: memref<2000x1xf32, #tpu.memory_space<vmem>>, %arg2: memref<2000x128xf32, #tpu.memory_space<vmem>>, %arg3: memref<1x128xf32, #tpu.memory_space<vmem>>, %arg4: memref<128x128xf32, #tpu.memory_space<vmem>>, %arg5: memref<128x128xf32, #tpu.memory_space<vmem>>, %arg6: memref<128x128xf32, #tpu.memory_space<vmem>>, %arg7: memref<1x128xf32, #tpu.memory_space<vmem>>, %arg8: memref<128x128xf32, #tpu.memory_space<vmem>>, %arg9: memref<2000x128xf32, #tpu.memory_space<vmem>>, %arg10: memref<2000x128xf32, #tpu.memory_space<vmem>>, %arg11: memref<2000x128xf32, #tpu.memory_space<vmem>>, %arg12: memref<2x128xf32, #tpu.memory_space<vmem>>) attributes {dimension_semantics = [#tpu.dimension_semantics<arbitrary>], iteration_bounds = array<i64: 5>, scalar_prefetch = 0 : i64, scratch_operands = 0 : i64, tpu.core_type = #tpu.core_type<tc>, window_params = [{transform_indices = @transform_0, window_bounds = array<i64: 2000, 1>}, {transform_indices = @transform_1, window_bounds = array<i64: 2000, 128>}, {pipeline_mode = #tpu.pipeline_mode<synchronous>, transform_indices = @transform_2, window_bounds = array<i64: 1, 128>}, {pipeline_mode = #tpu.pipeline_mode<synchronous>, transform_indices = @transform_3, window_bounds = array<i64: 128, 128>}, {pipeline_mode = #tpu.pipeline_mode<synchronous>, transform_indices = @transform_4, window_bounds = array<i64: 128, 128>}, {pipeline_mode = #tpu.pipeline_mode<synchronous>, transform_indices = @transform_5, window_bounds = array<i64: 128, 128>}, {pipeline_mode = #tpu.pipeline_mode<synchronous>, transform_indices = @transform_6, window_bounds = array<i64: 1, 128>}, {pipeline_mode = #tpu.pipeline_mode<synchronous>, transform_indices = @transform_7, window_bounds = array<i64: 128, 128>}, {transform_indices = @transform_8, window_bounds = array<i64: 2000, 128>}, {transform_indices = @transform_9, window_bounds = array<i64: 2000, 128>}, {transform_indices = @transform_10, window_bounds = array<i64: 2000, 128>}, {pipeline_mode = #tpu.pipeline_mode<synchronous>, transform_indices = @transform_11, window_bounds = array<i64: 2, 128>}]} {
    %get3A = arith.constant 0 : index
    %get3A_0 = arith.constant 0 : index
    %get3A_1 = vector.load %arg1[%get3A, %get3A_0] : memref<2000x1xf32, #tpu.memory_space<vmem>>, vector<2000x1xf32>
    %get3A_2 = arith.constant 0 : index
    %get3A_3 = arith.constant 0 : index
    %get3A_4 = vector.load %arg3[%get3A_2, %get3A_3] : memref<1x128xf32, #tpu.memory_space<vmem>>, vector<1x128xf32>
    %mul3A = vector.broadcast %get3A_1 : vector<2000x1xf32> to vector<2000x128xf32>
    %mul3A_5 = vector.broadcast %get3A_4 : vector<1x128xf32> to vector<2000x128xf32>
    %mul3A_6 = arith.mulf %mul3A, %mul3A_5 : vector<2000x128xf32>
    %get3A_7 = arith.constant 0 : index
    %get3A_8 = arith.constant 0 : index
    %get3A_9 = vector.load %arg2[%get3A_7, %get3A_8] : memref<2000x128xf32, #tpu.memory_space<vmem>>, vector<2000x128xf32>
    %get3A_10 = arith.constant 0 : index
    %get3A_11 = arith.constant 0 : index
    %get3A_12 = vector.load %arg4[%get3A_10, %get3A_11] : memref<128x128xf32, #tpu.memory_space<vmem>>, vector<128x128xf32>
    %dot_general3A = arith.constant dense<0.000000e+00> : vector<2000x128xf32>
    %dot_general3A_13 = tpu.matmul %get3A_9, %get3A_12, %dot_general3A {dimension_numbers = #tpu.dot_dimension_numbers<[1], [0], [0], [1], [0, 0, 1, 1], [], []>, precision = #tpu.contract_precision<fp32>, transpose_lhs_hint = false} : vector<2000x128xf32>, vector<128x128xf32>, vector<2000x128xf32> -> vector<2000x128xf32>
    %add3A = arith.addf %mul3A_6, %dot_general3A_13 : vector<2000x128xf32>
    %max3A = arith.constant 0.000000e+00 : f32
    %max3A_14 = vector.broadcast %max3A : f32 to vector<2000x128xf32>
    %max3A_15 = arith.maximumf %add3A, %max3A_14 : vector<2000x128xf32>
    %swap3A = arith.constant 0 : index
    %swap3A_16 = arith.constant 0 : index
    %swap3A_17 = vector.load %arg9[%swap3A, %swap3A_16] : memref<2000x128xf32, #tpu.memory_space<vmem>>, vector<2000x128xf32>
    tpu.vector_store %arg9[%swap3A, %swap3A_16], %max3A_15 {strides = array<i32>} : memref<2000x128xf32, #tpu.memory_space<vmem>>, vector<2000x128xf32>,
    %get3A_18 = arith.constant 0 : index
    %get3A_19 = arith.constant 0 : index
    %get3A_20 = vector.load %arg5[%get3A_18, %get3A_19] : memref<128x128xf32, #tpu.memory_space<vmem>>, vector<128x128xf32>
    %dot_general3A_21 = arith.constant dense<0.000000e+00> : vector<2000x128xf32>
    %dot_general3A_22 = tpu.matmul %max3A_15, %get3A_20, %dot_general3A_21 {dimension_numbers = #tpu.dot_dimension_numbers<[1], [0], [0], [1], [0, 0, 1, 1], [], []>, precision = #tpu.contract_precision<fp32>, transpose_lhs_hint = false} : vector<2000x128xf32>, vector<128x128xf32>, vector<2000x128xf32> -> vector<2000x128xf32>
    %swap3A_23 = arith.constant 0 : index
    %swap3A_24 = arith.constant 0 : index
    %swap3A_25 = vector.load %arg10[%swap3A_23, %swap3A_24] : memref<2000x128xf32, #tpu.memory_space<vmem>>, vector<2000x128xf32>
    tpu.vector_store %arg10[%swap3A_23, %swap3A_24], %dot_general3A_22 {strides = array<i32>} : memref<2000x128xf32, #tpu.memory_space<vmem>>, vector<2000x128xf32>,
    %get3A_26 = arith.constant 0 : index
    %get3A_27 = arith.constant 0 : index
    %get3A_28 = vector.load %arg6[%get3A_26, %get3A_27] : memref<128x128xf32, #tpu.memory_space<vmem>>, vector<128x128xf32>
    %dot_general3A_29 = arith.constant dense<0.000000e+00> : vector<2000x128xf32>
    %dot_general3A_30 = tpu.matmul %max3A_15, %get3A_28, %dot_general3A_29 {dimension_numbers = #tpu.dot_dimension_numbers<[1], [0], [0], [1], [0, 0, 1, 1], [], []>, precision = #tpu.contract_precision<fp32>, transpose_lhs_hint = false} : vector<2000x128xf32>, vector<128x128xf32>, vector<2000x128xf32> -> vector<2000x128xf32>
    %swap3A_31 = arith.constant 0 : index
    %swap3A_32 = arith.constant 0 : index
    %swap3A_33 = vector.load %arg11[%swap3A_31, %swap3A_32] : memref<2000x128xf32, #tpu.memory_space<vmem>>, vector<2000x128xf32>
    tpu.vector_store %arg11[%swap3A_31, %swap3A_32], %dot_general3A_30 {strides = array<i32>} : memref<2000x128xf32, #tpu.memory_space<vmem>>, vector<2000x128xf32>,
    %get3A_34 = arith.constant 0 : index
    %get3A_35 = arith.constant 0 : index
    %get3A_36 = vector.load %arg7[%get3A_34, %get3A_35] : memref<1x128xf32, #tpu.memory_space<vmem>>, vector<1x128xf32>
    %max3A_37 = arith.constant 0.000000e+00 : f32
    %max3A_38 = vector.broadcast %max3A_37 : f32 to vector<1x128xf32>
    %max3A_39 = arith.maximumf %get3A_36, %max3A_38 : vector<1x128xf32>
    %min3A = arith.constant 0.000000e+00 : f32
    %min3A_40 = vector.broadcast %min3A : f32 to vector<1x128xf32>
    %min3A_41 = arith.minimumf %get3A_36, %min3A_40 : vector<1x128xf32>
    %concatenate3A = tpu.concatenate %max3A_39, %min3A_41 in 0 : vector<1x128xf32>, vector<1x128xf32> -> vector<2x128xf32>
    %get3A_42 = arith.constant 0 : index
    %get3A_43 = arith.constant 0 : index
    %get3A_44 = vector.load %arg8[%get3A_42, %get3A_43] : memref<128x128xf32, #tpu.memory_space<vmem>>, vector<128x128xf32>
    %dot_general3A_45 = arith.constant dense<0.000000e+00> : vector<2x128xf32>
    %dot_general3A_46 = tpu.matmul %concatenate3A, %get3A_44, %dot_general3A_45 {dimension_numbers = #tpu.dot_dimension_numbers<[1], [0], [0], [1], [0, 0, 1, 1], [], []>, precision = #tpu.contract_precision<fp32>, transpose_lhs_hint = false} : vector<2x128xf32>, vector<128x128xf32>, vector<2x128xf32> -> vector<2x128xf32>
    %swap3A_47 = arith.constant 0 : index
    %swap3A_48 = arith.constant 0 : index
    %swap3A_49 = vector.load %arg12[%swap3A_47, %swap3A_48] : memref<2x128xf32, #tpu.memory_space<vmem>>, vector<2x128xf32>
    tpu.vector_store %arg12[%swap3A_47, %swap3A_48], %dot_general3A_46 {strides = array<i32>} : memref<2x128xf32, #tpu.memory_space<vmem>>, vector<2x128xf32>,
    return
  }
  func.func @transform_0(%arg0: i32) -> (i32, i32) {
    %c0_i32 = arith.constant 0 : i32
    %c0_i32_0 = arith.constant 0 : i32
    return %arg0, %c0_i32 : i32, i32
  }
  func.func @transform_1(%arg0: i32) -> (i32, i32) {
    %c0_i32 = arith.constant 0 : i32
    %c0_i32_0 = arith.constant 0 : i32
    return %arg0, %c0_i32 : i32, i32
  }
  func.func @transform_2(%arg0: i32) -> (i32, i32) {
    %c0_i32 = arith.constant 0 : i32
    %c0_i32_0 = arith.constant 0 : i32
    %c0_i32_1 = arith.constant 0 : i32
    return %c0_i32, %c0_i32_0 : i32, i32
  }
  func.func @transform_3(%arg0: i32) -> (i32, i32) {
    %c0_i32 = arith.constant 0 : i32
    %c0_i32_0 = arith.constant 0 : i32
    %c0_i32_1 = arith.constant 0 : i32
    return %c0_i32, %c0_i32_0 : i32, i32
  }
  func.func @transform_4(%arg0: i32) -> (i32, i32) {
    %c0_i32 = arith.constant 0 : i32
    %c0_i32_0 = arith.constant 0 : i32
    %c0_i32_1 = arith.constant 0 : i32
    return %c0_i32, %c0_i32_0 : i32, i32
  }
  func.func @transform_5(%arg0: i32) -> (i32, i32) {
    %c0_i32 = arith.constant 0 : i32
    %c0_i32_0 = arith.constant 0 : i32
    %c0_i32_1 = arith.constant 0 : i32
    return %c0_i32, %c0_i32_0 : i32, i32
  }
  func.func @transform_6(%arg0: i32) -> (i32, i32) {
    %c0_i32 = arith.constant 0 : i32
    %c0_i32_0 = arith.constant 0 : i32
    %c0_i32_1 = arith.constant 0 : i32
    return %c0_i32, %c0_i32_0 : i32, i32
  }
  func.func @transform_7(%arg0: i32) -> (i32, i32) {
    %c0_i32 = arith.constant 0 : i32
    %c0_i32_0 = arith.constant 0 : i32
    %c0_i32_1 = arith.constant 0 : i32
    return %c0_i32, %c0_i32_0 : i32, i32
  }
  func.func @transform_8(%arg0: i32) -> (i32, i32) {
    %c0_i32 = arith.constant 0 : i32
    %c0_i32_0 = arith.constant 0 : i32
    return %arg0, %c0_i32 : i32, i32
  }
  func.func @transform_9(%arg0: i32) -> (i32, i32) {
    %c0_i32 = arith.constant 0 : i32
    %c0_i32_0 = arith.constant 0 : i32
    return %arg0, %c0_i32 : i32, i32
  }
  func.func @transform_10(%arg0: i32) -> (i32, i32) {
    %c0_i32 = arith.constant 0 : i32
    %c0_i32_0 = arith.constant 0 : i32
    return %arg0, %c0_i32 : i32, i32
  }
  func.func @transform_11(%arg0: i32) -> (i32, i32) {
    %c0_i32 = arith.constant 0 : i32
    %c0_i32_0 = arith.constant 0 : i32
    %c0_i32_1 = arith.constant 0 : i32
    return %c0_i32, %c0_i32_0 : i32, i32
  }
}

module attributes {stable_mosaic.version = 14 : i64} {
  func.func @body(%arg0: i32, %arg1: memref<2x2000x128xf32, #tpu.memory_space<vmem>>, %arg2: memref<2000x128xf32, #tpu.memory_space<vmem>>, %arg3: memref<128x128xf32, #tpu.memory_space<vmem>>, %arg4: memref<128x128xf32, #tpu.memory_space<vmem>>, %arg5: memref<128x128xf32, #tpu.memory_space<vmem>>, %arg6: memref<128x128xf32, #tpu.memory_space<vmem>>, %arg7: memref<128x1xf32, #tpu.memory_space<vmem>>, %arg8: memref<2000x1xf32, #tpu.memory_space<vmem>>) attributes {dimension_semantics = [#tpu.dimension_semantics<arbitrary>], iteration_bounds = array<i64: 5>, scalar_prefetch = 0 : i64, scratch_operands = 0 : i64, tpu.core_type = #tpu.core_type<tc>, window_params = [{transform_indices = @transform_0, window_bounds = array<i64: 2, 2000, 128>}, {transform_indices = @transform_1, window_bounds = array<i64: 2000, 128>}, {pipeline_mode = #tpu.pipeline_mode<synchronous>, transform_indices = @transform_2, window_bounds = array<i64: 128, 128>}, {pipeline_mode = #tpu.pipeline_mode<synchronous>, transform_indices = @transform_3, window_bounds = array<i64: 128, 128>}, {pipeline_mode = #tpu.pipeline_mode<synchronous>, transform_indices = @transform_4, window_bounds = array<i64: 128, 128>}, {pipeline_mode = #tpu.pipeline_mode<synchronous>, transform_indices = @transform_5, window_bounds = array<i64: 128, 128>}, {pipeline_mode = #tpu.pipeline_mode<synchronous>, transform_indices = @transform_6, window_bounds = array<i64: 128, 1>}, {transform_indices = @transform_7, window_bounds = array<i64: 2000, 1>}]} {
    %get3A = arith.constant 0 : index
    %get3A_0 = arith.constant 0 : index
    %get3A_1 = arith.constant 0 : index
    %get3A_2 = vector.load %arg1[%get3A, %get3A_0, %get3A_1] : memref<2x2000x128xf32, #tpu.memory_space<vmem>>, vector<1x2000x128xf32>
    %get3A_3 = vector.shape_cast %get3A_2 : vector<1x2000x128xf32> to vector<2000x128xf32>
    %get3A_4 = arith.constant 1 : index
    %get3A_5 = arith.constant 0 : index
    %get3A_6 = arith.constant 0 : index
    %get3A_7 = vector.load %arg1[%get3A_4, %get3A_5, %get3A_6] : memref<2x2000x128xf32, #tpu.memory_space<vmem>>, vector<1x2000x128xf32>
    %get3A_8 = vector.shape_cast %get3A_7 : vector<1x2000x128xf32> to vector<2000x128xf32>
    %add3A = arith.addf %get3A_3, %get3A_8 : vector<2000x128xf32>
    %get3A_9 = arith.constant 0 : index
    %get3A_10 = arith.constant 0 : index
    %get3A_11 = vector.load %arg2[%get3A_9, %get3A_10] : memref<2000x128xf32, #tpu.memory_space<vmem>>, vector<2000x128xf32>
    %get3A_12 = arith.constant 0 : index
    %get3A_13 = arith.constant 0 : index
    %get3A_14 = vector.load %arg3[%get3A_12, %get3A_13] : memref<128x128xf32, #tpu.memory_space<vmem>>, vector<128x128xf32>
    %dot_general3A = arith.constant dense<0.000000e+00> : vector<2000x128xf32>
    %dot_general3A_15 = tpu.matmul %get3A_11, %get3A_14, %dot_general3A {dimension_numbers = #tpu.dot_dimension_numbers<[1], [0], [0], [1], [0, 0, 1, 1], [], []>, precision = #tpu.contract_precision<fp32>, transpose_lhs_hint = false} : vector<2000x128xf32>, vector<128x128xf32>, vector<2000x128xf32> -> vector<2000x128xf32>
    %get3A_16 = arith.constant 0 : index
    %get3A_17 = arith.constant 0 : index
    %get3A_18 = vector.load %arg4[%get3A_16, %get3A_17] : memref<128x128xf32, #tpu.memory_space<vmem>>, vector<128x128xf32>
    %dot_general3A_19 = arith.constant dense<0.000000e+00> : vector<2000x128xf32>
    %dot_general3A_20 = tpu.matmul %add3A, %get3A_18, %dot_general3A_19 {dimension_numbers = #tpu.dot_dimension_numbers<[1], [0], [0], [1], [0, 0, 1, 1], [], []>, precision = #tpu.contract_precision<fp32>, transpose_lhs_hint = false} : vector<2000x128xf32>, vector<128x128xf32>, vector<2000x128xf32> -> vector<2000x128xf32>
    %add3A_21 = arith.addf %dot_general3A_15, %dot_general3A_20 : vector<2000x128xf32>
    %max3A = arith.constant 0.000000e+00 : f32
    %max3A_22 = vector.broadcast %max3A : f32 to vector<2000x128xf32>
    %max3A_23 = arith.maximumf %add3A_21, %max3A_22 : vector<2000x128xf32>
    %get3A_24 = arith.constant 0 : index
    %get3A_25 = arith.constant 0 : index
    %get3A_26 = vector.load %arg5[%get3A_24, %get3A_25] : memref<128x128xf32, #tpu.memory_space<vmem>>, vector<128x128xf32>
    %dot_general3A_27 = arith.constant dense<0.000000e+00> : vector<2000x128xf32>
    %dot_general3A_28 = tpu.matmul %get3A_11, %get3A_26, %dot_general3A_27 {dimension_numbers = #tpu.dot_dimension_numbers<[1], [0], [0], [1], [0, 0, 1, 1], [], []>, precision = #tpu.contract_precision<fp32>, transpose_lhs_hint = false} : vector<2000x128xf32>, vector<128x128xf32>, vector<2000x128xf32> -> vector<2000x128xf32>
    %get3A_29 = arith.constant 0 : index
    %get3A_30 = arith.constant 0 : index
    %get3A_31 = vector.load %arg6[%get3A_29, %get3A_30] : memref<128x128xf32, #tpu.memory_space<vmem>>, vector<128x128xf32>
    %dot_general3A_32 = arith.constant dense<0.000000e+00> : vector<2000x128xf32>
    %dot_general3A_33 = tpu.matmul %max3A_23, %get3A_31, %dot_general3A_32 {dimension_numbers = #tpu.dot_dimension_numbers<[1], [0], [0], [1], [0, 0, 1, 1], [], []>, precision = #tpu.contract_precision<fp32>, transpose_lhs_hint = false} : vector<2000x128xf32>, vector<128x128xf32>, vector<2000x128xf32> -> vector<2000x128xf32>
    %add3A_34 = arith.addf %dot_general3A_28, %dot_general3A_33 : vector<2000x128xf32>
    %max3A_35 = arith.constant 0.000000e+00 : f32
    %max3A_36 = vector.broadcast %max3A_35 : f32 to vector<2000x128xf32>
    %max3A_37 = arith.maximumf %add3A_34, %max3A_36 : vector<2000x128xf32>
    %get3A_38 = arith.constant 0 : index
    %get3A_39 = arith.constant 0 : index
    %get3A_40 = vector.load %arg7[%get3A_38, %get3A_39] : memref<128x1xf32, #tpu.memory_space<vmem>>, vector<128x1xf32>
    %dot_general3A_41 = arith.constant dense<0.000000e+00> : vector<2000x1xf32>
    %dot_general3A_42 = tpu.matmul %max3A_37, %get3A_40, %dot_general3A_41 {dimension_numbers = #tpu.dot_dimension_numbers<[1], [0], [0], [1], [0, 0, 1, 1], [], []>, precision = #tpu.contract_precision<fp32>, transpose_lhs_hint = false} : vector<2000x128xf32>, vector<128x1xf32>, vector<2000x1xf32> -> vector<2000x1xf32>
    %swap3A = arith.constant 0 : index
    %swap3A_43 = arith.constant 0 : index
    %swap3A_44 = vector.load %arg8[%swap3A, %swap3A_43] : memref<2000x1xf32, #tpu.memory_space<vmem>>, vector<2000x1xf32>
    tpu.vector_store %arg8[%swap3A, %swap3A_43], %dot_general3A_42 {strides = array<i32>} : memref<2000x1xf32, #tpu.memory_space<vmem>>, vector<2000x1xf32>,
    return
  }
  func.func @transform_0(%arg0: i32) -> (i32, i32, i32) {
    %c0_i32 = arith.constant 0 : i32
    %c0_i32_0 = arith.constant 0 : i32
    %c0_i32_1 = arith.constant 0 : i32
    return %c0_i32, %arg0, %c0_i32_0 : i32, i32, i32
  }
  func.func @transform_1(%arg0: i32) -> (i32, i32) {
    %c0_i32 = arith.constant 0 : i32
    %c0_i32_0 = arith.constant 0 : i32
    return %arg0, %c0_i32 : i32, i32
  }
  func.func @transform_2(%arg0: i32) -> (i32, i32) {
    %c0_i32 = arith.constant 0 : i32
    %c0_i32_0 = arith.constant 0 : i32
    %c0_i32_1 = arith.constant 0 : i32
    return %c0_i32, %c0_i32_0 : i32, i32
  }
  func.func @transform_3(%arg0: i32) -> (i32, i32) {
    %c0_i32 = arith.constant 0 : i32
    %c0_i32_0 = arith.constant 0 : i32
    %c0_i32_1 = arith.constant 0 : i32
    return %c0_i32, %c0_i32_0 : i32, i32
  }
  func.func @transform_4(%arg0: i32) -> (i32, i32) {
    %c0_i32 = arith.constant 0 : i32
    %c0_i32_0 = arith.constant 0 : i32
    %c0_i32_1 = arith.constant 0 : i32
    return %c0_i32, %c0_i32_0 : i32, i32
  }
  func.func @transform_5(%arg0: i32) -> (i32, i32) {
    %c0_i32 = arith.constant 0 : i32
    %c0_i32_0 = arith.constant 0 : i32
    %c0_i32_1 = arith.constant 0 : i32
    return %c0_i32, %c0_i32_0 : i32, i32
  }
  func.func @transform_6(%arg0: i32) -> (i32, i32) {
    %c0_i32 = arith.constant 0 : i32
    %c0_i32_0 = arith.constant 0 : i32
    %c0_i32_1 = arith.constant 0 : i32
    return %c0_i32, %c0_i32_0 : i32, i32
  }
  func.func @transform_7(%arg0: i32) -> (i32, i32) {
    %c0_i32 = arith.constant 0 : i32
    %c0_i32_0 = arith.constant 0 : i32
    return %arg0, %c0_i32 : i32, i32
  }
}

</mosaic_0001>

<sc_bundles>
// kernel: kernel.5.cloned.1.call-start
scs
__scs_entry_jumppad:
0x0: {  	(pc) =	sbr.rel $0x88, $3  }
0x1: {  	(tag) =	ssettag $0x0;
	lr =	simm.s32 $0x1  }
0x2: {  	[smem:$0x3F97] =	sst lr;
	_ =	strace $0xD0000000  }
0x3: {  	_ = 	snop  }
0x4: {  	_ = 	snop  }
0x5: {  	_ = 	snop  }
0x6: {  	_ = 	snop  }
0x7: {  	_ = 	snop  }
__scs_overlays_trampoline_lowered:
0x8: {  	[smem:$0x3FA6] =	sst s0  }
0x9: {  	[smem:$0x3FA7] =	sst s1  }
0xa: {  	[smem:$0x3FA8] =	sst s2  }
0xb: {  	[smem:$0x3FA9] =	sst s3  }
0xc: {  	[smem:$0x3FAA] =	sst s4  }
0xd: {  	[smem:$0x3FAB] =	sst s5  }
0xe: {  	[smem:$0x3FAC] =	sst s6  }
0xf: {  	[smem:$0x3FAD] =	sst s7  }
0x10: {  	[smem:$0x3FAE] =	sst s8  }
0x11: {  	[smem:$0x3FAF] =	sst s9;
	s0 =	simm.s32 @!p0 $0x0  }
0x12: {  	s1 =	sld [smem:$0x3F95];
	s0 =	simm.s32 @p0 $0x1  }
0x13: {  	[smem:$0x3FB0] =	sst s0;
	s0 =	simm.s32 @!p1 $0x0  }
0x14: {  	s2 =	sld [smem:$0x3F94];
	s0 =	simm.s32 @p1 $0x1  }
0x15: {  	[smem:$0x3FB1] =	sst s0;
	s0 =	simm.s32 @!p2 $0x0  }
0x16: {  	s3 =	sld [smem:$0x3FDB];
	s0 =	simm.s32 @p2 $0x1  }
0x17: {  	s4 =	simm.s32 $0x1BF5;
	[smem:$0x3FB3] =	sst s0  }
0x18: {  	s0 =	sld [smem:$0x3F96];
	_ =	swait.ge [sflag:s4], $0x0  }
0x19: {  	s7 =	sld [smem:$0x3F97]  }
0x1a: {  	s8 =	sadd.s32 $0xFFFFE003, lr  }
0x1b: {  	s9 =	sadd.s32 $0xFFFFFEF7, lr;
	s5 =	simm.s32 $0xFFFFFFFF;
	p2 =	slt.u32 s8, $0xFFFFF086  }
0x1c: {  	p1 =	slt.u32 s9, $0xF7A;
	s5 =	simm.s32 @!p2 $0x0  }
0x1d: {  	s5 =	simm.s32 @p1 $0x1;
	p0 =	seq.s32 s7, s2  }
0x1e: {  	s7 =	smul.u32 @!p0 $0xF7A, s2;
	p2 =	seq.s32 @!p0 s5, $0x0  }
0x1f: {  	s9 =	smul.u32 $0xF7A, s1;
	s8 =	simm.s32 @!p0 $0x1BF5;
	p2 =	por !p2, p0  }
0x20: {  	[sflag:s8] =	ssyncset.s32 @!p0 $0xFFFFF086;
	s6 =	sadd.s32 @!p0 s3, s7;
	s7 =	simm.s32 @!p0 $0x108  }
0x21: {  	s3 =	sadd.s32 s3, s9;
	s6 =	sadd.s32 @!p0 $0x88, s6;
	s7 =	simm.s32 @p2 $0x1082  }
0x22: {  	[simem:s7], [sflag:s8] =	dma.local @!p0 [hbm:s6], $0xF7A  }
0x23: {  	s9 =	sor.u32 $0xD0000000, s2;
	s6 =	simm.s32 $0x108;
	_ =	swait.ge @!p0 [sflag:s8], $0x0  }
0x24: {  	s3 =	sadd.s32 $0x88, s3;
	s6 =	simm.s32 @!p1 $0x1082;
	[sflag:s4] =	ssyncset.s32 $0xFFFFF086  }
0x25: {  	[simem:s6], [sflag:s4] =	dma.local [hbm:s3], $0xF7A  }
0x26: {  	[smem:$0x3F97] =	sst s1;
	(tag) =	ssettag s2;
	_ =	strace s9  }
0x27: {  	s1 =	sld [smem:$0x3FA7]  }
0x28: {  	s2 =	sld [smem:$0x3FA8]  }
0x29: {  	s4 =	sld [smem:$0x3FAA]  }
0x2a: {  	p0 =	seq.s32 s5, $0x0;
	s5 =	sld [smem:$0x3FAB]  }
0x2b: {  	s6 =	sld [smem:$0x3FAC]  }
0x2c: {  	s7 =	sld [smem:$0x3FAD]  }
0x2d: {  	s3 =	simm.s32 $0x108;
	s8 =	sld [smem:$0x3FAE]  }
0x2e: {  	s3 =	simm.s32 @!p0 $0x1082;
	s9 =	sld [smem:$0x3FAF]  }
0x2f: {  	lr =	sadd.s32 s0, s3;
	s0 =	sld [smem:$0x3FA6]  }
0x30: {  	s3 =	sld [smem:$0x3FA9]  }
0x31: {  	[smem:$0x3FB2] =	sst s10  }
0x32: {  	s10 =	sld [smem:$0x3FB0];
	_ =	sdelay $0x3  }
0x33: {  	p0 =	seq.s32 s10, $0x1;
	s10 =	sld [smem:$0x3FB2];
	_ =	sdelay $0x3  }
0x34: {  	[smem:$0x3FB2] =	sst s10  }
0x35: {  	s10 =	sld [smem:$0x3FB1];
	_ =	sdelay $0x3  }
0x36: {  	p1 =	seq.s32 s10, $0x1;
	s10 =	sld [smem:$0x3FB2];
	_ =	sdelay $0x3  }
0x37: {  	[smem:$0x3FB2] =	sst s10  }
0x38: {  	s10 =	sld [smem:$0x3FB3]  }
0x39: {  	_ = 	snop;
	(pc) =	sbr.ind lr, $3  }
0x3a: {  	_ = 	snop  }
0x3b: {  	_ = 	snop  }
0x3c: {  	p2 =	seq.s32 s10, $0x1;
	s10 =	sld [smem:$0x3FB2]  }
0x3d: {  	_ =	shalt  }
0x3e: {  	_ =	shalt  }
0x3f: {  	_ =	shalt  }
0x40: {  	_ =	shalt  }
0x41: {  	_ =	shalt  }
0x42: {  	_ =	shalt  }
0x43: {  	_ =	shalt  }
0x44: {  	_ =	shalt  }
0x45: {  	_ =	shalt  }
0x46: {  	_ =	shalt  }
0x47: {  	_ =	shalt  }
0x48: {  	_ =	shalt  }
0x49: {  	_ =	shalt  }
0x4a: {  	_ =	shalt  }
0x4b: {  	_ =	shalt  }
0x4c: {  	_ =	shalt  }
0x4d: {  	_ =	shalt  }
0x4e: {  	_ =	shalt  }
0x4f: {  	_ =	shalt  }
0x50: {  	_ =	shalt  }
0x51: {  	_ =	shalt  }
0x52: {  	_ =	shalt  }
0x53: {  	_ =	shalt  }
0x54: {  	_ =	shalt  }
0x55: {  	_ =	shalt  }
0x56: {  	_ =	shalt  }
0x57: {  	_ =	shalt  }
0x58: {  	_ =	shalt  }
0x59: {  	_ =	shalt  }
0x5a: {  	_ =	shalt  }
0x5b: {  	_ =	shalt  }
0x5c: {  	_ =	shalt  }
0x5d: {  	_ =	shalt  }
0x5e: {  	_ =	shalt  }
0x5f: {  	_ =	shalt  }
0x60: {  	_ =	shalt  }
0x61: {  	_ =	shalt  }
0x62: {  	_ =	shalt  }
0x63: {  	_ =	shalt  }
0x64: {  	_ =	shalt  }
0x65: {  	_ =	shalt  }
0x66: {  	_ =	shalt  }
0x67: {  	_ =	shalt  }
0x68: {  	_ =	shalt  }
0x69: {  	_ =	shalt  }
0x6a: {  	_ =	shalt  }
0x6b: {  	_ =	shalt  }
0x6c: {  	_ =	shalt  }
0x6d: {  	_ =	shalt  }
0x6e: {  	_ =	shalt  }
0x6f: {  	_ =	shalt  }
0x70: {  	_ =	shalt  }
0x71: {  	_ =	shalt  }
0x72: {  	_ =	shalt  }
0x73: {  	_ =	shalt  }
0x74: {  	_ =	shalt  }
0x75: {  	_ =	shalt  }
0x76: {  	_ =	shalt  }
0x77: {  	_ =	shalt  }
0x78: {  	_ =	shalt  }
0x79: {  	_ =	shalt  }
0x7a: {  	_ =	shalt  }
0x7b: {  	_ =	shalt  }
0x7c: {  	_ =	shalt  }
0x7d: {  	_ =	shalt  }
0x7e: {  	_ =	shalt  }
0x7f: {  	_ =	shalt  }
0x80: {  	_ =	shalt  }
0x81: {  	_ =	shalt  }
0x82: {  	_ =	shalt  }
0x83: {  	_ =	shalt  }
0x84: {  	_ =	shalt  }
0x85: {  	_ =	shalt  }
0x86: {  	_ =	shalt  }
0x87: {  	_ =	shalt  }
.Lfunc_end0:
.L_simem_size_0:
called_computation_lowered:
.L_overlay_start_0:
0x88: {  	s2 =	sld [smem:$0x3FD9]  }
0x89: {  	s3 =	sld [smem:$0x3FFE];
	_ =	sdelay $0x1  }
0x8a: {  	s1 =	srdreg.scid  }
0x8b: {  	s0 =	sand.u32 $0x1, s1  }
0x8c: {  	s17 =	sshll.u32 s0, $0xA;
	s2 =	sadd.s32 s3, s2  }
0x8d: {  	s2 =	sadd.s32 s2, s17  }
0x8e: {  	[smem:$0x3FBE] =	sst s2  }
0x8f: {  	_ = 	snop  }
0x90: {  	s2 =	sld [smem:$0x3FD0];
	(tm) =	ssettm $0x1  }
0x91: {  	s18 =	sld [smem:$0x3FFB];
	_ =	sdelay $0x3  }
0x92: {  	_ =	strace s18  }
0x93: {  	s3 =	sld [smem:$0x3FFC];
	_ =	sdelay $0x3  }
0x94: {  	_ =	strace s3  }
0x95: {  	s3 =	sld [smem:$0x3FFD];
	_ =	sdelay $0x3  }
0x96: {  	_ =	strace s3  }
0x97: {  	_ =	strace $0x8FFFFFFF  }
0x98: {  	s19 =	sld [smem:$0x3FDB];
	_ =	sdelay $0x1  }
0x99: {  	s4 =	simm.s32 $_scs_section_size  }
0x9a: {  	s5 =	simm.s32 $_size__tile_overlayer_lowered;
	s6 =	simm.s32 $_tile_overlayer_lowered  }
0x9b: {  	s22 =	simm.s32 $0x1BFF;
	s21 =	sshll.u32 s6, $0x1;
	s3 =	sadd.s32 s4, s19  }
0x9c: {  	s7 =	simm.s32 $0x0;
	s20 =	sshll.u32 s5, $0x1;
	s5 =	sadd.s32 s21, s3  }
0x9d: {  	[timem:s7], [sflag:s22] =	dma.local [hbm:s5], s20  }
0x9e: {  	_ =	swait.ge [sflag:s22], s20  }
0x9f: {  	s4 =	ssub.s32 $0x0, s20;
	[sflag:s22] =	ssyncset.done $0x0  }
0xa0: {  	[sflag:s22] =	ssyncadd.s32 s4;
	_ =	sdelay $0x1  }
0xa1: {  	s23 =	simm.s32 $0x1B8B  }
0xa2: {  	_ =	swait.ge [sflag:s23], $0x1  }
0xa3: {  	[sflag:s23] =	ssyncset.done $0x0  }
0xa4: {  	s25 =	simm.s32 $0x1B8E;
	s24 =	sld [smem:$0x3FFE];
	[sflag:s23] =	ssyncadd.s32 $0xFFFFFFFF  }
0xa5: {  	s26 =	simm.s32 $execute0_lowered;
	[smem:$0x3FD2] =	sst s25  }
0xa6: {  	s5 =	sshll.u32 s26, $0x1;
	_ =	strace $0x80000046;
	[dreg:$0x1] =	wrdreg $0xFFFFFFFF  }
0xa7: {  	s28 =	simm.s32 $_size_execute0_lowered;
	s3 =	sadd.s32 s3, s5;
	[dreg:$0x0] =	wrdreg $0x0  }
0xa8: {  	s5 =	sshll.u32 s28, $0x1;
	[dreg:$0x2] =	wrdreg s3  }
0xa9: {  	[dreg:$0x3] =	wrdreg s5  }
0xaa: {  	[dreg:$0x4] =	wrdreg $0xC0  }
0xab: {  	_ =	task [dreg:s7], $0x5FFFF  }
0xac: {  	[dreg:$0x1] =	wrdreg $0xFFFFFFFF  }
0xad: {  	[dreg:$0x0] =	wrdreg $0x60  }
0xae: {  	[dreg:$0x2] =	wrdreg s24  }
0xaf: {  	[dreg:$0x3] =	wrdreg s2  }
0xb0: {  	[dreg:$0x4] =	wrdreg $0x0  }
0xb1: {  	[dreg:$0x5] =	wrdreg $0x9  }
0xb2: {  	_ =	task.clear_ibuf [dreg:s7], $0x6FFFF;
	_ =	strace $0x90000046  }
0xb3: {  	s29 =	simm.s32 $0x9;
	_ =	strace $0x80000048  }
0xb4: {  	_ =	swait.ge [sflag:s29], $0x1  }
0xb5: {  	[sflag:s29] =	ssyncadd.s32 $0xFFFFFFFF  }
0xb6: {  	_ =	strace $0x90000048  }
0xb7: {  	_ =	sfence  }
0xb8: {  	s30 =	sld [smem:$0x0];
	_ =	sdelay $0x2  }
0xb9: {  	s31 =	sshll.u32 s1, $0xD;
	s1 =	sshrl.u32 s1, $0x2  }
0xba: {  	s3 =	sand.u32 $0x4000, s31;
	s1 =	sadd.s32 s1, s30  }
0xbb: {  	s0 =	sor.u32 s3, s0;
	s1 =	sshll.u32 s1, $0x11  }
0xbc: {  	s0 =	sor.u32 s1, s0  }
0xbd: {  	s0 =	sadd.s32 $0x8F2B, s0  }
0xbe: {  	[sflag:s0] =	ssyncadd.remote.s32 $0x1  }
0xbf: {  	_ =	sfence.sel $0xFFFF  }
0xc0: {  	[dreg:$0x0] =	wrdreg $0xFFFFFFFF;
	(pc) =	sbr.abs _section_cstart, $3  }
0xc1: {  	[dreg:$0x1] =	wrdreg $0xFFFFFFFF  }
0xc2: {  	_ =	task.clear_ibuf [dreg:s7], $0x2FFFF;
	_ =	strace $0x9FFFFFFF  }
0xc3: {  	(tm) =	ssettm $0x7FFFFFFF  }
tec
execute0_lowered:
.L_overlay_start_1:
0x0: {  	(tag) =	ssettag $0x1  }
0x1: {  	s0 =	rddreg [dreg:$0x0]  }
0x2: {  	s2 =	rddreg [dreg:$0x2];
	s14 =	stileid.u32  }
0x3: {  	s1 =	srdreg.scid;
	s3 =	smul.u32 $0x13C00, s14  }
0x4: {  	s4 =	simm.s32 $0x0;
	s1 =	sand.u32 $0x1, s1;
	s12 =	smul.u32 $0x4F000, s14  }
0x5: {  	s28 =	simm.s32 $0x3;
	[smem:$0x7FF] =	sst s4;
	s10 =	smul.u32 $0x13C000, s1  }
0x6: {  	s5 =	sadd.s32 $0x1F000, s0;
	s11 =	smul.u32 $0x27600, s1;
	s1 =	ssub.s32 $0x2, s1  }
0x7: {  	s6 =	sadd.s32 $0x46200, s0;
	s13 =	sshrl.u32 s1, $0x1;
	s25 =	sshrl.u32 s12, $0x2  }
0x8: {  	s1 =	ssub.s32 s1, s13;
	s13 =	sadd.s32 s3, s2;
	s26 =	sadd.s32 s25, s2  }
0x9: {  	_ =	strace $0x80000047;
	s29 =	sadd.s32 $0x3800, s26;
	[dreg:$0x4] =	wrdreg s13  }
0xa: {  	s7 =	sadd.s32 $0xB400, s0;
	s30 =	sadd.s32 $0x5400, s26;
	[dreg:$0x6] =	wrdreg s29  }
0xb: {  	s14 =	smul.u32 $0x2760, s14;
	s31 =	sadd.s32 $0x7000, s26;
	[dreg:$0x7] =	wrdreg s30  }
0xc: {  	s8 =	sadd.s32 $0x1600, s0;
	s12 =	sadd.s32 $0x8C00, s26;
	[dreg:$0x8] =	wrdreg s31  }
0xd: {  	s11 =	sadd.s32 s14, s11;
	s14 =	sadd.s32 $0xA800, s26;
	[dreg:$0x9] =	wrdreg s12  }
0xe: {  	s9 =	sadd.s32 $0x15200, s0;
	s15 =	sadd.s32 $0xC400, s26;
	[dreg:$0xa] =	wrdreg s14  }
0xf: {  	s10 =	sadd.s32 s3, s10;
	s16 =	sadd.s32 $0xE000, s26;
	[dreg:$0xb] =	wrdreg s15  }
0x10: {  	s10 =	sshrl.u32 s10, $0x3;
	s17 =	sadd.s32 $0xFC00, s26;
	[dreg:$0xc] =	wrdreg s16  }
0x11: {  	s18 =	sadd.s32 $0x11800, s26;
	s19 =	sshrl.u32 s11, $0x3;
	[dreg:$0xd] =	wrdreg s17  }
0x12: {  	s20 =	sadd.s32 $0x38, s11;
	s3 =	sadd.s32 $0x13400, s26;
	[dreg:$0xe] =	wrdreg s18  }
0x13: {  	s0 =	sadd.s32 s10, s0;
	s10 =	sadd.s32 $0x1C00, s26;
	[dreg:$0xf] =	wrdreg s3  }
0x14: {  	s21 =	sshrl.u32 s20, $0x3;
	s22 =	sadd.s32 s7, s19;
	s23 =	sadd.s32 s8, s19  }
0x15: {  	s26 =	sadd.s32 $0x70, s11;
	s29 =	sadd.s32 $0xA8, s11;
	[dreg:$0x5] =	wrdreg s10  }
0x16: {  	s30 =	sadd.s32 $0xE0, s11;
	s31 =	smax.u32 s1, $0x1;
	[dreg:$0x10] =	wrdreg s22  }
0x17: {  	s12 =	simm.s32 $0xB;
	s14 =	simm.s32 $0x13D50;
	[dreg:$0x11] =	wrdreg s23  }
0x18: {  	s15 =	simm.s32 $0x13C38;
	s16 =	simm.s32 $0x13CE0;
	[dreg:$0x16] =	wrdreg s26  }
0x19: {  	s17 =	simm.s32 $0x13D88;
	s20 =	simm.s32 $0x2;
	[dreg:$0x17] =	wrdreg s29  }
0x1a: {  	s18 =	simm.s32 $0x6;
	s11 =	simm.s32 $0x0;
	[dreg:$0x18] =	wrdreg s30  }
0x1b: {  	s10 =	sadd.s32 s9, s19;
	s24 =	sadd.s32 s7, s21;
	[dreg:$0x1a] =	wrdreg s31  }
0x1c: {  	s25 =	sadd.s32 s8, s21;
	s3 =	sadd.s32 s9, s21;
	[dreg:$0x12] =	wrdreg s10  }
.Ltmp0:
0x1d: {  	s0 =	sadd.s32 $0x6D400, s0;
	[dreg:$0x13] =	wrdreg s24;
	(pc) =	sbr.rel .LBB2_1-.Ltmp0, $4  }
0x1e: {  	s19 =	simm.s32 $0x38;
	s23 =	simm.s32 $0x4;
	[dreg:$0x14] =	wrdreg s25  }
0x1f: {  	s26 =	simm.s32 $0x13DC0;
	s22 =	simm.s32 $0x8;
	[dreg:$0x15] =	wrdreg s3  }
0x20: {  	[dreg:$0x19] =	wrdreg s0;
	s24 =	simm.s32 $0x13C70;
	s25 =	simm.s32 $0x13D18  }
0x21: {  	v0 =	vimm.f32 $0.0e+00;
	s0 =	simm.s32 $0x175F8;
	s3 =	simm.s32 $0x5;
	s10 =	simm.s32 $0x7  }
.LBB2_12:
0x22: {  	s1 =	simm.s32 $0x9  }
0x23: {  	_ =	swait.ge [sflag:s1], $0x1C00  }
0x24: {  	[sflag:s1] =	ssyncset.done $0x0  }
0x25: {  	[sflag:s1] =	ssyncadd.s32 $0xFFFFE400  }
0x26: {  	s29 =	stileid.u32;
	[bflag:$0x0] =	sbarrier.arrive $0xFFFF  }
0x27: {  	s1 =	sshll.u32 s29, $0x6;
	s13 =	rddreg [dreg:$0x4]  }
0x28: {  	s1 =	sor.u32 $0x1C0B, s1;
	s12 =	rddreg [dreg:$0x19];
	s11 =	sshrl.u32 s13, $0x3  }
0x29: {  	[hbm:s12], [sflag:s1] =	dma.local [spmem:s11], $0x2780  }
0x2a: {  	s12 =	simm.s32 $0xB  }
0x2b: {  	_ =	swait.ge [sflag:s12], $0x2780  }
0x2c: {  	s30 =	rddreg [dreg:$0x1b]  }
0x2d: {  	s31 =	rddreg [dreg:$0x1a];
	s11 =	sadd.s32 $0x1, s30  }
0x2e: {  	p0 =	sne.s32 s11, s31  }
.Ltmp1:
0x2f: {  	_ = 	snop;
	(pc) =	sbr.rel @!p0 .LBB2_13-.Ltmp1, $3  }
0x30: {  	_ =	sdelay $0x1  }
0x31: {  	[sflag:s12] =	ssyncset.done $0x0  }
0x32: {  	s15 =	simm.s32 $0x13C38;
	v0 =	vimm.f32 $0.0e+00;
	[sflag:s12] =	ssyncadd.s32 $0xFFFFD880  }
.LBB2_1:
0x33: {  	[dreg:$0x1b] =	wrdreg s11  }
0x34: {  	s1 =	rddreg [dreg:$0x1];
	s30 =	simm.s32 $0x1E5F8;
	s31 =	simm.s32 $0xA  }
0x35: {  	[tilespmem:s30], [sflag:$0xA] =	stream.linear.gather [hbm4b:s1+s4], $0x100, $0x38;
	[tilespmem:$0x1E6F8] =	vst v63  }
0x36: {  	_ =	swait.ge [sflag:s31], $0x100  }
0x37: {  	[sflag:s31] =	ssyncset.done $0x0  }
0x38: {  	[sflag:s31] =	ssyncadd.s32 $0xFFFFFF00  }
0x39: {  	v62 =	vld [tilespmem:$0x1E5F8]  }
0x3a: {  	v3 =	vld [tilespmem:$0x1E608]  }
0x3b: {  	v4 =	vld [tilespmem:$0x1E618]  }
0x3c: {  	v5 =	vld [tilespmem:$0x1E628]  }
0x3d: {  	v63 =	vld [tilespmem:$0x1E638]  }
0x3e: {  	v6 =	vld [tilespmem:$0x1E648]  }
0x3f: {  	v7 =	vld [tilespmem:$0x1E658]  }
0x40: {  	v8 =	vld [tilespmem:$0x1E668]  }
0x41: {  	v9 =	vld [tilespmem:$0x1E678]  }
0x42: {  	v10 =	vld [tilespmem:$0x1E688]  }
0x43: {  	v11 =	vld [tilespmem:$0x1E698]  }
0x44: {  	v12 =	vld [tilespmem:$0x1E6A8]  }
0x45: {  	v13 =	vld [tilespmem:$0x1E6B8]  }
0x46: {  	v14 =	vld [tilespmem:$0x1E6C8]  }
0x47: {  	v16 =	vld [tilespmem:$0x1E6E8]  }
0x48: {  	s11 =	simm.s32 $0x200;
	s1 =	simm.s32 $0x0;
	v15 =	vld [tilespmem:$0x1E6D8]  }
.LBB2_2:
0x49: {  	p0 =	sne.s32 s11, $0x6E00;
	[tilespmem:s1+$0x13E68] =	vst v0  }
0x4a: {  	[tilespmem:s1+$0x13DF8] =	vst v0  }
0x4b: {  	[tilespmem:s1+$0x13E08] =	vst v0  }
.Ltmp2:
0x4c: {  	[tilespmem:s1+$0x13E18] =	vst v0;
	(pc) =	sbr.rel @p0 .LBB2_2-.Ltmp2, $4  }
0x4d: {  	[tilespmem:s1+$0x13E28] =	vst v0  }
0x4e: {  	[tilespmem:s1+$0x13E38] =	vst v0  }
0x4f: {  	[tilespmem:s1+$0x13E48] =	vst v0  }
0x50: {  	[tilespmem:s1+$0x13E58] =	vst v0;
	s1 =	sshra.s32 s11, $0x2;
	s11 =	sadd.s32 $0x200, s11  }
0x51: {  	[tilespmem:s1+$0x13E68] =	vst v0  }
0x52: {  	[tilespmem:s1+$0x13DF8] =	vst v0  }
0x53: {  	[tilespmem:s1+$0x13E08] =	vst v0  }
0x54: {  	[tilespmem:s1+$0x13E18] =	vst v0  }
0x55: {  	[tilespmem:s1+$0x13E28] =	vst v0  }
0x56: {  	[tilespmem:s1+$0x13E38] =	vst v0  }
0x57: {  	[tilespmem:s1+$0x13E48] =	vst v0  }
0x58: {  	[tilespmem:s1+$0x13E58] =	vst v0;
	s11 =	simm.s32 $0x13DF8  }
0x59: {  	[spmem:s13] =	stream.linear.scatter [tilespmem:s11], [sflag:$0xB], $0x1C00, $0x38;
	[tilespmem:$0x1E6F8] =	vst v63  }
0x5a: {  	_ =	swait.ge [sflag:s12], $0x1C00  }
0x5b: {  	[sflag:s12] =	ssyncset.done $0x0  }
0x5c: {  	s29 =	rddreg [dreg:$0x5];
	[sflag:s12] =	ssyncadd.s32 $0xFFFFE400  }
0x5d: {  	[spmem:s29] =	stream.linear.scatter [tilespmem:s11], [sflag:$0xB], $0x1C00, $0x38;
	[tilespmem:$0x1E6F8] =	vst v63  }
0x5e: {  	_ =	swait.ge [sflag:s12], $0x1C00  }
0x5f: {  	[sflag:s12] =	ssyncset.done $0x0  }
0x60: {  	s30 =	rddreg [dreg:$0x6];
	[sflag:s12] =	ssyncadd.s32 $0xFFFFE400  }
0x61: {  	[spmem:s30] =	stream.linear.scatter [tilespmem:s11], [sflag:$0xB], $0x1C00, $0x38;
	[tilespmem:$0x1E6F8] =	vst v63  }
0x62: {  	_ =	swait.ge [sflag:s12], $0x1C00  }
0x63: {  	[sflag:s12] =	ssyncset.done $0x0  }
0x64: {  	s31 =	rddreg [dreg:$0x7];
	[sflag:s12] =	ssyncadd.s32 $0xFFFFE400  }
0x65: {  	[spmem:s31] =	stream.linear.scatter [tilespmem:s11], [sflag:$0xB], $0x1C00, $0x38;
	[tilespmem:$0x1E6F8] =	vst v63  }
0x66: {  	_ =	swait.ge [sflag:s12], $0x1C00  }
0x67: {  	[sflag:s12] =	ssyncset.done $0x0  }
0x68: {  	s13 =	rddreg [dreg:$0x8];
	[sflag:s12] =	ssyncadd.s32 $0xFFFFE400  }
0x69: {  	[spmem:s13] =	stream.linear.scatter [tilespmem:s11], [sflag:$0xB], $0x1C00, $0x38;
	[tilespmem:$0x1E6F8] =	vst v63  }
0x6a: {  	_ =	swait.ge [sflag:s12], $0x1C00  }
0x6b: {  	[sflag:s12] =	ssyncset.done $0x0  }
0x6c: {  	s21 =	rddreg [dreg:$0x9];
	[sflag:s12] =	ssyncadd.s32 $0xFFFFE400  }
0x6d: {  	[spmem:s21] =	stream.linear.scatter [tilespmem:s11], [sflag:$0xB], $0x1C00, $0x38;
	[tilespmem:$0x1E6F8] =	vst v63  }
0x6e: {  	_ =	swait.ge [sflag:s12], $0x1C00  }
0x6f: {  	[sflag:s12] =	ssyncset.done $0x0  }
0x70: {  	s29 =	rddreg [dreg:$0xa];
	[sflag:s12] =	ssyncadd.s32 $0xFFFFE400  }
0x71: {  	[spmem:s29] =	stream.linear.scatter [tilespmem:s11], [sflag:$0xB], $0x1C00, $0x38;
	[tilespmem:$0x1E6F8] =	vst v63  }
0x72: {  	_ =	swait.ge [sflag:s12], $0x1C00  }
0x73: {  	[sflag:s12] =	ssyncset.done $0x0  }
0x74: {  	s30 =	rddreg [dreg:$0xb];
	[sflag:s12] =	ssyncadd.s32 $0xFFFFE400  }
0x75: {  	[spmem:s30] =	stream.linear.scatter [tilespmem:s11], [sflag:$0xB], $0x1C00, $0x38;
	[tilespmem:$0x1E6F8] =	vst v63  }
0x76: {  	_ =	swait.ge [sflag:s12], $0x1C00  }
0x77: {  	[sflag:s12] =	ssyncset.done $0x0  }
0x78: {  	s31 =	rddreg [dreg:$0xc];
	[sflag:s12] =	ssyncadd.s32 $0xFFFFE400  }
0x79: {  	[spmem:s31] =	stream.linear.scatter [tilespmem:s11], [sflag:$0xB], $0x1C00, $0x38;
	[tilespmem:$0x1E6F8] =	vst v63  }
0x7a: {  	_ =	swait.ge [sflag:s12], $0x1C00  }
0x7b: {  	[sflag:s12] =	ssyncset.done $0x0  }
0x7c: {  	s13 =	rddreg [dreg:$0xd];
	[sflag:s12] =	ssyncadd.s32 $0xFFFFE400  }
0x7d: {  	[spmem:s13] =	stream.linear.scatter [tilespmem:s11], [sflag:$0xB], $0x1C00, $0x38;
	[tilespmem:$0x1E6F8] =	vst v63  }
0x7e: {  	_ =	swait.ge [sflag:s12], $0x1C00  }
0x7f: {  	[sflag:s12] =	ssyncset.done $0x0  }
0x80: {  	s21 =	rddreg [dreg:$0xe];
	[sflag:s12] =	ssyncadd.s32 $0xFFFFE400  }
0x81: {  	[spmem:s21] =	stream.linear.scatter [tilespmem:s11], [sflag:$0xB], $0x1C00, $0x38;
	[tilespmem:$0x1E6F8] =	vst v63  }
0x82: {  	_ =	swait.ge [sflag:s12], $0x1C00  }
0x83: {  	[sflag:s12] =	ssyncset.done $0x0  }
0x84: {  	s29 =	rddreg [dreg:$0xf];
	[sflag:s12] =	ssyncadd.s32 $0xFFFFE400  }
0x85: {  	[spmem:s29] =	stream.linear.scatter [tilespmem:s11], [sflag:$0xB], $0x800, $0x38;
	[tilespmem:$0x1E6F8] =	vst v63  }
0x86: {  	_ =	swait.ge [sflag:s12], $0x800  }
0x87: {  	[sflag:s12] =	ssyncset.done $0x0  }
0x88: {  	[sflag:s12] =	ssyncadd.s32 $0xFFFFF800  }
0x89: {  	[bflag:$0x0] =	sbarrier.arrive $0xFFFF  }
0x8a: {  	s21 =	simm.s32 $0x0;
	s12 =	simm.s32 $0x13C00;
	s30 =	rddreg [dreg:$0x10]  }
0x8b: {  	[tilespmem:s12], [sflag:$0x1] =	stream.linear.gather [hbm4b:s30+s21], $0x38, $0x38;
	[tilespmem:$0x1E6F8] =	vst v63  }
0x8c: {  	s13 =	simm.s32 $0x13CA8;
	s31 =	rddreg [dreg:$0x11]  }
0x8d: {  	[tilespmem:s13], [sflag:$0x1] =	stream.linear.gather [hbm4b:s31+s21], $0x38, $0x38;
	[tilespmem:$0x1E6F8] =	vst v63  }
0x8e: {  	s29 =	rddreg [dreg:$0x12]  }
0x8f: {  	[tilespmem:s14], [sflag:$0x1] =	stream.linear.gather [hbm4b:s29+s21], $0x38, $0x38;
	[tilespmem:$0x1E6F8] =	vst v63  }
0x90: {  	s30 =	rddreg [dreg:$0x13]  }
0x91: {  	[tilespmem:s15], [sflag:$0x2] =	stream.linear.gather [hbm4b:s30+s21], $0x38, $0x38;
	[tilespmem:$0x1E6F8] =	vst v63  }
0x92: {  	s31 =	rddreg [dreg:$0x14]  }
0x93: {  	[tilespmem:s16], [sflag:$0x2] =	stream.linear.gather [hbm4b:s31+s21], $0x38, $0x38;
	[tilespmem:$0x1E6F8] =	vst v63  }
0x94: {  	s29 =	rddreg [dreg:$0x15];
	s30 =	simm.s32 $0x1  }
0x95: {  	[tilespmem:s17], [sflag:$0x2] =	stream.linear.gather [hbm4b:s29+s21], $0x38, $0x38;
	[tilespmem:$0x1E6F8] =	vst v63  }
0x96: {  	_ =	swait.ge [sflag:s30], $0x38  }
0x97: {  	[sflag:s30] =	ssyncset.done $0x0  }
0x98: {  	[sflag:s30] =	ssyncadd.s32 $0xFFFFFFC8  }
0x99: {  	_ =	swait.ge [sflag:s30], $0x38  }
0x9a: {  	[sflag:s30] =	ssyncset.done $0x0  }
0x9b: {  	[sflag:s30] =	ssyncadd.s32 $0xFFFFFFC8  }
0x9c: {  	_ =	swait.ge [sflag:s30], $0x38  }
0x9d: {  	[sflag:s30] =	ssyncset.done $0x0  }
0x9e: {  	[tilespmem:$0x1FFD0] =	vst v62;
	[sflag:s30] =	ssyncadd.s32 $0xFFFFFFC8  }
0x9f: {  	[tilespmem:s11], [sflag:$0x4] =	stream.indirect.gather [hbm4b:s5+s19], $0x80, s12, s19, $0xb8;
	[tilespmem:$0x1E6F8] =	vst v63  }
0xa0: {  	s31 =	simm.s32 $0x191F8;
	[tilespmem:$0x1FFE0] =	vst v63  }
0xa1: {  	[tilespmem:s31], [sflag:$0x4] =	stream.indirect.gather [hbm4b:s6+s19], $0x80, s13, s19, $0xb8;
	[tilespmem:$0x1E6F8] =	vst v63  }
0xa2: {  	[tilespmem:$0x1FFF0] =	vst v3;
	s13 =	simm.s32 $0x0  }
.LBB2_4:
0xa3: {  	_ =	swait.ge [sflag:s20], $0x38  }
0xa4: {  	[sflag:s20] =	ssyncset.done $0x0  }
0xa5: {  	[sflag:s20] =	ssyncadd.s32 $0xFFFFFFC8  }
0xa6: {  	_ =	swait.ge [sflag:s20], $0x38  }
0xa7: {  	[sflag:s20] =	ssyncset.done $0x0  }
0xa8: {  	[sflag:s20] =	ssyncadd.s32 $0xFFFFFFC8  }
0xa9: {  	_ =	swait.ge [sflag:s20], $0x38  }
0xaa: {  	[sflag:s20] =	ssyncset.done $0x0  }
0xab: {  	s1 =	simm.s32 $0x159F8;
	s12 =	simm.s32 $0x2;
	[sflag:s20] =	ssyncadd.s32 $0xFFFFFFC8  }
0xac: {  	[tilespmem:s1], [sflag:$0x5] =	stream.indirect.gather [hbm4b:s5+s19], $0x80, s15, s19, $0xb8;
	[tilespmem:$0x1E6F8] =	vst v63  }
0xad: {  	v17 =	vmov s12;
	s15 =	simm.s32 $0x1ADF8  }
0xae: {  	v17 =	vand.u32 $0xFFFFFFFE, v17;
	[tilespmem:s15], [sflag:$0x5] =	stream.indirect.gather [hbm4b:s6+s19], $0x80, s16, s19, $0xb8;
	[tilespmem:$0x1E6F8] =	vst v63  }
0xaf: {  	v17 =	vbroadcast v17, $0x0;
	_ =	swait.ge [sflag:s23], $0x1C00  }
0xb0: {  	[sflag:s23] =	ssyncset.done $0x0  }
0xb1: {  	[sflag:s23] =	ssyncadd.s32 $0xFFFFE400  }
0xb2: {  	_ =	swait.ge [sflag:s23], $0x1C00  }
0xb3: {  	s30 =	simm.s32 $0x1;
	[sflag:s23] =	ssyncset.done $0x0  }
0xb4: {  	v20 =	vmov s30;
	[sflag:s23] =	ssyncadd.s32 $0xFFFFE400  }
0xb5: {  	s21 =	simm.s32 $0x0;
	s12 =	simm.s32 $0x13EF8;
	v20 =	vand.u32 $0xFFFFFFFD, v20;
	v17 =	vld.idx.msk [tilespmem:v17+s14+$0x0], $0xffff  }
0xb6: {  	s11 =	simm.s32 $0x192F8;
	v18 =	vmov s21;
	v20 =	vbroadcast v20, $0x0;
	v19 =	vld [tilespmem:s12+$0x0]  }
0xb7: {  	v18 =	vand.u32 $0xFFFFFFFC, v18;
	v21 =	vld [tilespmem:s11+$0x0]  }
0xb8: {  	v18 =	vbroadcast v18, $0x0;
	_ =	sdelay $0x2  }
0xb9: {  	v31 =	vmax.f32 v17, $0.0e+00  }
0xba: {  	v20 =	vld.idx.msk [tilespmem:v20+s14+$0x0], $0xffff;
	v19 =	vadd.f32 v21, v19;
	v21 =	vmul.f32 v31, v62  }
0xbb: {  	v22 =	vld [tilespmem:s11+$0xFFFFFF00];
	v30 =	vmin.f32 v17, $0.0e+00  }
0xbc: {  	v17 =	vld.idx.msk [tilespmem:v18+s14+$0x0], $0xffff;
	v18 =	vadd.f32 v19, v21;
	v19 =	vmul.f32 v30, v9  }
0xbd: {  	v23 =	vld [tilespmem:s12+$0xFFFFFF80]  }
0xbe: {  	s15 =	simm.s32 $0x3;
	v21 =	vld [tilespmem:s12+$0xFFFFFF00];
	v18 =	vadd.f32 v18, v19  }
0xbf: {  	v24 =	vld [tilespmem:s11+$0xFFFFFF80];
	v19 =	vmov s15  }
0xc0: {  	v18 =	vmax.f32 v18, $0.0e+00  }
0xc1: {  	v25 =	vld [tilespmem:s12+$0x10];
	[tilespmem:s12+$0x0] =	vst v18  }
0xc2: {  	v32 =	vmax.f32 v17, $0.0e+00;
	v26 =	vld [tilespmem:s11+$0x10]  }
0xc3: {  	v27 =	vld [tilespmem:s12+$0x80];
	v18 =	vadd.f32 v22, v21;
	v22 =	vmul.f32 v32, v62;
	v21 =	vmax.f32 v20, $0.0e+00  }
0xc4: {  	v23 =	vadd.f32 v24, v23;
	v24 =	vmul.f32 v21, v62;
	v19 =	vld.idx.msk [tilespmem:v19+s14+$0x0], $0xffff  }
0xc5: {  	v36 =	vmin.f32 v17, $0.0e+00;
	v17 =	vld [tilespmem:s11+$0x80];
	v22 =	vadd.f32 v18, v22;
	v18 =	vmin.f32 v20, $0.0e+00  }
0xc6: {  	v28 =	vmul.f32 v36, v9;
	v23 =	vadd.f32 v23, v24;
	v24 =	vmul.f32 v18, v9  }
0xc7: {  	v20 =	vadd.f32 v26, v25;
	v25 =	vmul.f32 v31, v3  }
0xc8: {  	v22 =	vadd.f32 v22, v28;
	v23 =	vadd.f32 v23, v24  }
0xc9: {  	v38 =	vmax.f32 v19, $0.0e+00;
	v20 =	vadd.f32 v20, v25;
	v25 =	vmul.f32 v30, v10  }
0xca: {  	v29 =	vld [tilespmem:s12+$0xFFFFFF90];
	v24 =	vadd.f32 v17, v27;
	v22 =	vmax.f32 v22, $0.0e+00;
	v27 =	vmul.f32 v38, v62  }
0xcb: {  	v26 =	vld [tilespmem:s12+$0xFFFFFF10];
	v17 =	vmin.f32 v19, $0.0e+00;
	[tilespmem:s12+$0xFFFFFF00] =	vst v22;
	v19 =	vmax.f32 v23, $0.0e+00;
	v20 =	vadd.f32 v20, v25  }
0xcc: {  	[tilespmem:s12+$0xFFFFFF80] =	vst v19;
	v23 =	vadd.f32 v24, v27;
	v24 =	vmul.f32 v17, v9;
	v25 =	vld [tilespmem:s11+$0xFFFFFF10]  }
0xcd: {  	v19 =	vmax.f32 v20, $0.0e+00;
	v20 =	vld [tilespmem:s11+$0xFFFFFF90]  }
0xce: {  	[tilespmem:s12+$0x10] =	vst v19;
	v19 =	vadd.f32 v23, v24;
	v23 =	vld [tilespmem:s12+$0x20]  }
0xcf: {  	v24 =	vld [tilespmem:s11+$0x20];
	_ =	sdelay $0x1  }
0xd0: {  	v19 =	vmax.f32 v19, $0.0e+00  }
0xd1: {  	v28 =	vld [tilespmem:s12+$0x90];
	[tilespmem:s12+$0x80] =	vst v19;
	v19 =	vadd.f32 v25, v26;
	v25 =	vmul.f32 v32, v3  }
0xd2: {  	v26 =	vld [tilespmem:s11+$0x90];
	v20 =	vadd.f32 v20, v29;
	v29 =	vmul.f32 v21, v3  }
0xd3: {  	v19 =	vadd.f32 v19, v25;
	v25 =	vmul.f32 v36, v10;
	v23 =	vadd.f32 v24, v23  }
0xd4: {  	v24 =	vmul.f32 v31, v4;
	v20 =	vadd.f32 v20, v29;
	v29 =	vmul.f32 v18, v10  }
0xd5: {  	v19 =	vadd.f32 v19, v25  }
0xd6: {  	v23 =	vadd.f32 v23, v24;
	v24 =	vmul.f32 v30, v11;
	v20 =	vadd.f32 v20, v29  }
0xd7: {  	v33 =	vld [tilespmem:s12+$0xFFFFFF20];
	v26 =	vadd.f32 v26, v28;
	v28 =	vmul.f32 v38, v3;
	v19 =	vmax.f32 v19, $0.0e+00  }
0xd8: {  	v22 =	vld [tilespmem:s12+$0xFFFFFFA0];
	v23 =	vadd.f32 v23, v24;
	[tilespmem:s12+$0xFFFFFF10] =	vst v19;
	v19 =	vmax.f32 v20, $0.0e+00  }
0xd9: {  	v24 =	vadd.f32 v26, v28;
	v26 =	vmul.f32 v17, v10;
	v28 =	vld [tilespmem:s11+$0xFFFFFF20];
	[tilespmem:s12+$0xFFFFFF90] =	vst v19  }
0xda: {  	v19 =	vmax.f32 v23, $0.0e+00;
	v23 =	vld [tilespmem:s11+$0xFFFFFFA0]  }
0xdb: {  	[tilespmem:s12+$0x20] =	vst v19;
	v19 =	vadd.f32 v24, v26;
	v24 =	vld [tilespmem:s12+$0x30]  }
0xdc: {  	v26 =	vld [tilespmem:s11+$0x30]  }
0xdd: {  	v19 =	vmax.f32 v19, $0.0e+00  }
0xde: {  	v27 =	vld [tilespmem:s12+$0xA0];
	[tilespmem:s12+$0x90] =	vst v19;
	v19 =	vadd.f32 v28, v33;
	v28 =	vmul.f32 v32, v4  }
0xdf: {  	v29 =	vld [tilespmem:s11+$0xA0];
	v22 =	vadd.f32 v23, v22;
	v23 =	vmul.f32 v21, v4  }
0xe0: {  	v53 =	vmul.f32 v18, v11;
	v19 =	vadd.f32 v19, v28;
	v28 =	vmul.f32 v36, v11  }
0xe1: {  	v22 =	vadd.f32 v22, v23;
	v23 =	vadd.f32 v26, v24;
	v24 =	vmul.f32 v31, v5  }
0xe2: {  	v19 =	vadd.f32 v19, v28  }
0xe3: {  	v26 =	vmul.f32 v38, v4;
	v22 =	vadd.f32 v22, v53;
	v23 =	vadd.f32 v23, v24  }
0xe4: {  	v24 =	vmul.f32 v30, v12;
	v27 =	vadd.f32 v29, v27;
	v19 =	vmax.f32 v19, $0.0e+00  }
0xe5: {  	v34 =	vld [tilespmem:s12+$0xFFFFFF30];
	[tilespmem:s12+$0xFFFFFF20] =	vst v19;
	v19 =	vmax.f32 v22, $0.0e+00  }
0xe6: {  	v40 =	vld [tilespmem:s12+$0xFFFFFFB0];
	v22 =	vadd.f32 v23, v24;
	v24 =	vmul.f32 v17, v11;
	v23 =	vadd.f32 v27, v26  }
0xe7: {  	v26 =	vld [tilespmem:s11+$0xFFFFFF30];
	[tilespmem:s12+$0xFFFFFFA0] =	vst v19  }
0xe8: {  	v19 =	vld [tilespmem:s11+$0xFFFFFFB0];
	v22 =	vmax.f32 v22, $0.0e+00;
	v23 =	vadd.f32 v23, v24  }
0xe9: {  	[tilespmem:s12+$0x30] =	vst v22;
	v22 =	vld [tilespmem:s12+$0x40]  }
0xea: {  	v24 =	vld [tilespmem:s11+$0x40];
	v23 =	vmax.f32 v23, $0.0e+00  }
0xeb: {  	v25 =	vld [tilespmem:s12+$0xB0];
	[tilespmem:s12+$0xA0] =	vst v23  }
0xec: {  	v23 =	vadd.f32 v26, v34;
	v26 =	vmul.f32 v32, v5;
	v27 =	vld [tilespmem:s11+$0xB0]  }
0xed: {  	v41 =	vld [tilespmem:s12+$0xFFFFFF40];
	v43 =	vmul.f32 v17, v12;
	v28 =	vmul.f32 v36, v12  }
0xee: {  	v42 =	vld [tilespmem:s12+$0xC0];
	v29 =	vmul.f32 v21, v5;
	v19 =	vadd.f32 v19, v40;
	v23 =	vadd.f32 v23, v26  }
0xef: {  	v37 =	vld [tilespmem:s12+$0xFFFFFF50];
	v26 =	vmul.f32 v38, v5;
	v22 =	vadd.f32 v24, v22;
	v24 =	vmul.f32 v31, v63  }
0xf0: {  	v35 =	vld [tilespmem:s12+$0xFFFFFFD0];
	v19 =	vadd.f32 v19, v29;
	v29 =	vmul.f32 v18, v12;
	v23 =	vadd.f32 v23, v28  }
0xf1: {  	s31 =	simm.s32 $0x140F8;
	s21 =	simm.s32 $0x6;
	v39 =	vld [tilespmem:s12+$0xE0];
	v22 =	vadd.f32 v22, v24;
	v24 =	vmul.f32 v30, v13;
	v25 =	vadd.f32 v27, v25  }
0xf2: {  	s1 =	simm.s32 $0x194F8;
	v44 =	vld [tilespmem:s31+$0x0];
	v19 =	vadd.f32 v19, v29;
	v23 =	vmax.f32 v23, $0.0e+00;
	v27 =	vmov s21  }
0xf3: {  	v47 =	vld [tilespmem:s1+$0x0];
	v22 =	vadd.f32 v22, v24;
	v24 =	vand.u32 $0xFFFFFFFE, v27;
	v25 =	vadd.f32 v25, v26  }
0xf4: {  	v57 =	vld [tilespmem:s31+$0xFFFFFF00];
	[tilespmem:s12+$0xFFFFFF30] =	vst v23;
	v19 =	vmax.f32 v19, $0.0e+00;
	v23 =	vbroadcast v24, $0x0  }
0xf5: {  	s30 =	simm.s32 $0x4;
	v20 =	vld [tilespmem:s12+$0xFFFFFFC0];
	[tilespmem:s12+$0xFFFFFFB0] =	vst v19;
	v19 =	vadd.f32 v25, v43  }
0xf6: {  	v27 =	vld [tilespmem:s12+$0x50];
	v22 =	vmax.f32 v22, $0.0e+00;
	v25 =	vmov s30  }
0xf7: {  	s15 =	simm.s32 $0x5;
	v24 =	vld [tilespmem:s11+$0xFFFFFF40];
	[tilespmem:s12+$0x40] =	vst v22;
	v22 =	vand.u32 $0xFFFFFFFC, v25;
	v19 =	vmax.f32 v19, $0.0e+00  }
0xf8: {  	v25 =	vmov s15;
	v22 =	vbroadcast v22, $0x0;
	[tilespmem:s12+$0xB0] =	vst v19;
	v19 =	vld [tilespmem:s11+$0x50]  }
0xf9: {  	v26 =	vld [tilespmem:s11+$0xFFFFFFC0];
	v25 =	vand.u32 $0xFFFFFFFD, v25  }
0xfa: {  	v25 =	vbroadcast v25, $0x0;
	v23 =	vld.idx.msk [tilespmem:v23+s14+$0x0], $0xffff  }
0xfb: {  	v51 =	vld [tilespmem:s1+$0xFFFFFF00];
	v44 =	vadd.f32 v47, v44;
	s21 =	simm.s32 $0x7  }
0xfc: {  	v46 =	vld [tilespmem:s12+$0xFFFFFFE0];
	v49 =	vmul.f32 v30, v14;
	v48 =	vmul.f32 v32, v63;
	v54 =	vmov s21  }
0xfd: {  	v24 =	vadd.f32 v24, v41;
	v55 =	vld [tilespmem:s11+$0xC0];
	v19 =	vadd.f32 v19, v27;
	v27 =	vmul.f32 v31, v6  }
0xfe: {  	v56 =	vmul.f32 v36, v13;
	v50 =	vmul.f32 v21, v63;
	v20 =	vadd.f32 v26, v20;
	v22 =	vld.idx.msk [tilespmem:v22+s14+$0x0], $0xffff  }
0xff: {  	v59 =	vld [tilespmem:s31+$0xFFFFFF80];
	v24 =	vadd.f32 v24, v48;
	v19 =	vadd.f32 v19, v27;
	v27 =	vmax.f32 v23, $0.0e+00  }
0x100: {  	v61 =	vadd.f32 v51, v57;
	v52 =	vmul.f32 v38, v63;
	v25 =	vld.idx.msk [tilespmem:v25+s14+$0x0], $0xffff;
	v58 =	vmul.f32 v27, v62  }
0x101: {  	v50 =	vadd.f32 v20, v50;
	v24 =	vadd.f32 v24, v56;
	v26 =	vmin.f32 v23, $0.0e+00;
	v23 =	vld [tilespmem:s1+$0xFFFFFF80]  }
0x102: {  	v40 =	vld.idx.msk [tilespmem:v54+s14+$0x0], $0xffff;
	v60 =	vmul.f32 v26, v9;
	v19 =	vadd.f32 v19, v49;
	v44 =	vadd.f32 v44, v58  }
0x103: {  	v53 =	vld [tilespmem:s12+$0x60];
	v42 =	vadd.f32 v55, v42;
	v24 =	vmax.f32 v24, $0.0e+00;
	v20 =	vmax.f32 v22, $0.0e+00  }
0x104: {  	v43 =	vld [tilespmem:s31+$0x80];
	[tilespmem:s12+$0xFFFFFF40] =	vst v24;
	v22 =	vmin.f32 v22, $0.0e+00;
	v19 =	vmax.f32 v19, $0.0e+00;
	v44 =	vadd.f32 v44, v60  }
0x105: {  	v54 =	vld [tilespmem:s1+$0x80];
	v24 =	vmax.f32 v25, $0.0e+00;
	v25 =	vmin.f32 v25, $0.0e+00;
	[tilespmem:s12+$0x50] =	vst v19;
	v60 =	vmul.f32 v20, v62  }
0x106: {  	v41 =	vadd.f32 v23, v59;
	v56 =	vmul.f32 v24, v62;
	v48 =	vld [tilespmem:s11+$0x60];
	v44 =	vmax.f32 v44, $0.0e+00  }
0x107: {  	v45 =	vld [tilespmem:s12+$0xFFFFFF70];
	v19 =	vmin.f32 v40, $0.0e+00;
	[tilespmem:s31+$0x0] =	vst v44;
	v44 =	vadd.f32 v61, v60;
	v61 =	vmul.f32 v22, v9  }
0x108: {  	v51 =	vld [tilespmem:s31+$0x10];
	v23 =	vmax.f32 v40, $0.0e+00;
	v40 =	vadd.f32 v41, v56;
	v60 =	vmul.f32 v25, v9  }
0x109: {  	v42 =	vadd.f32 v42, v52;
	v56 =	vld [tilespmem:s1+$0x10];
	v44 =	vadd.f32 v44, v61  }
0x10a: {  	v57 =	vld [tilespmem:s31+$0xFFFFFF10];
	v59 =	vadd.f32 v54, v43;
	v40 =	vadd.f32 v40, v60;
	v60 =	vmul.f32 v23, v62  }
0x10b: {  	v33 =	vld [tilespmem:s12+$0xD0];
	v58 =	vmul.f32 v31, v7;
	v61 =	vadd.f32 v48, v53;
	v44 =	vmax.f32 v44, $0.0e+00  }
0x10c: {  	v55 =	vld [tilespmem:s11+$0xFFFFFF50];
	v49 =	vmul.f32 v18, v13;
	v43 =	vmul.f32 v19, v9;
	v41 =	vadd.f32 v59, v60;
	[tilespmem:s31+$0xFFFFFF00] =	vst v44  }
0x10d: {  	v40 =	vmax.f32 v40, $0.0e+00;
	v47 =	vadd.f32 v61, v58;
	v61 =	vmul.f32 v30, v15;
	v58 =	vld [tilespmem:s1+$0xFFFFFF10]  }
0x10e: {  	v53 =	vld [tilespmem:s31+$0xFFFFFF90];
	v59 =	vmul.f32 v27, v3;
	[tilespmem:s31+$0xFFFFFF80] =	vst v40;
	v56 =	vadd.f32 v56, v51;
	v41 =	vadd.f32 v41, v43  }
0x10f: {  	v31 =	vmul.f32 v31, v8;
	v60 =	vmul.f32 v17, v13;
	v40 =	vadd.f32 v47, v61;
	v61 =	vld [tilespmem:s1+$0xFFFFFF90]  }
0x110: {  	v34 =	vld [tilespmem:s12+$0xFFFFFF60];
	v47 =	vadd.f32 v56, v59;
	v56 =	vmul.f32 v26, v10;
	v59 =	vmax.f32 v41, $0.0e+00  }
0x111: {  	v49 =	vadd.f32 v50, v49;
	v43 =	vld [tilespmem:s31+$0x90];
	v42 =	vadd.f32 v42, v60;
	v60 =	vmul.f32 v20, v3;
	[tilespmem:s31+$0x80] =	vst v59  }
0x112: {  	v40 =	vmax.f32 v40, $0.0e+00;
	v41 =	vadd.f32 v47, v56;
	v56 =	vld [tilespmem:s1+$0x90];
	v48 =	vadd.f32 v58, v57  }
0x113: {  	v37 =	vadd.f32 v55, v37;
	v51 =	vld [tilespmem:s12+$0x70];
	v59 =	vmul.f32 v22, v10;
	[tilespmem:s12+$0x60] =	vst v40;
	v47 =	vmul.f32 v32, v6  }
0x114: {  	v40 =	vld [tilespmem:s11+$0x70];
	v52 =	vadd.f32 v61, v53;
	v61 =	vmul.f32 v24, v3;
	v58 =	vadd.f32 v48, v60  }
0x115: {  	v28 =	vld [tilespmem:s12+$0xFFFFFFF0];
	v41 =	vmax.f32 v41, $0.0e+00;
	v37 =	vadd.f32 v37, v47;
	v60 =	vmul.f32 v36, v14  }
0x116: {  	v55 =	vld [tilespmem:s31+$0x20];
	[tilespmem:s31+$0x10] =	vst v41;
	v52 =	vadd.f32 v52, v61;
	v61 =	vmul.f32 v25, v10;
	v47 =	vadd.f32 v58, v59  }
0x117: {  	v49 =	vmax.f32 v49, $0.0e+00;
	v48 =	vld [tilespmem:s1+$0x20];
	v37 =	vadd.f32 v37, v60;
	v43 =	vadd.f32 v56, v43  }
0x118: {  	s30 =	simm.s32 $0x8;
	v54 =	vld [tilespmem:s31+$0xFFFFFF20];
	v60 =	vadd.f32 v52, v61;
	v61 =	vmul.f32 v23, v3;
	v56 =	vmax.f32 v47, $0.0e+00  }
0x119: {  	v44 =	vld [tilespmem:s31+$0xFFFFFFA0];
	v30 =	vmul.f32 v30, v16;
	v53 =	vmov s30;
	v51 =	vadd.f32 v40, v51;
	[tilespmem:s31+$0xFFFFFF10] =	vst v56  }
0x11a: {  	[tilespmem:s12+$0xFFFFFFC0] =	vst v49;
	v52 =	vmul.f32 v19, v10;
	v56 =	vmax.f32 v60, $0.0e+00;
	v43 =	vadd.f32 v43, v61;
	v60 =	vld [tilespmem:s1+$0xFFFFFF20]  }
0x11b: {  	v53 =	vand.u32 $0xFFFFFFFC, v53;
	v58 =	vmax.f32 v42, $0.0e+00;
	v31 =	vadd.f32 v51, v31;
	v51 =	vld [tilespmem:s11+$0xFFFFFFD0];
	[tilespmem:s31+$0xFFFFFF90] =	vst v56  }
0x11c: {  	s21 =	simm.s32 $0xB;
	s30 =	simm.s32 $0x9;
	v48 =	vadd.f32 v48, v55;
	v55 =	vmul.f32 v27, v4;
	v56 =	vld [tilespmem:s1+$0xFFFFFFA0];
	v43 =	vadd.f32 v43, v52  }
0x11d: {  	v29 =	vld [tilespmem:s12+$0xF0];
	v49 =	vmov s30;
	v42 =	vmov s21;
	[tilespmem:s12+$0xC0] =	vst v58;
	v58 =	vmul.f32 v24, v4  }
0x11e: {  	v50 =	vld [tilespmem:s31+$0xA0];
	v52 =	vmul.f32 v26, v11;
	v48 =	vadd.f32 v48, v55;
	v43 =	vmax.f32 v43, $0.0e+00  }
0x11f: {  	v37 =	vmax.f32 v37, $0.0e+00;
	v55 =	vadd.f32 v31, v30;
	[tilespmem:s31+$0x90] =	vst v43;
	v43 =	vadd.f32 v60, v54;
	v54 =	vld [tilespmem:s11+$0xD0]  }
0x120: {  	v48 =	vadd.f32 v48, v52;
	v52 =	vmul.f32 v22, v11;
	v60 =	vmul.f32 v20, v4;
	v30 =	vld [tilespmem:s1+$0xA0]  }
0x121: {  	v57 =	vld [tilespmem:s31+$0xFFFFFF30];
	v35 =	vadd.f32 v51, v35;
	v51 =	vmul.f32 v21, v6;
	v31 =	vadd.f32 v56, v44  }
0x122: {  	v41 =	vld [tilespmem:s31+$0xFFFFFFC0];
	v48 =	vmax.f32 v48, $0.0e+00;
	v56 =	vmul.f32 v17, v14;
	v43 =	vadd.f32 v43, v60  }
0x123: {  	v35 =	vadd.f32 v35, v51;
	[tilespmem:s31+$0x20] =	vst v48;
	v60 =	vmul.f32 v25, v11;
	v48 =	vld [tilespmem:s31+$0x30];
	v31 =	vadd.f32 v31, v58  }
0x124: {  	[tilespmem:s12+$0xFFFFFF50] =	vst v37;
	v58 =	vmul.f32 v38, v6;
	v43 =	vadd.f32 v43, v52;
	v33 =	vadd.f32 v54, v33;
	v54 =	vld [tilespmem:s1+$0x30]  }
0x125: {  	v31 =	vadd.f32 v31, v60;
	v60 =	vmul.f32 v23, v4;
	v30 =	vadd.f32 v30, v50;
	v50 =	vld [tilespmem:s11+$0xFFFFFF60]  }
0x126: {  	v59 =	vld [tilespmem:s31+$0xFFFFFFB0];
	v52 =	vmul.f32 v18, v14;
	v51 =	vadd.f32 v33, v58;
	v58 =	vmax.f32 v43, $0.0e+00  }
0x127: {  	v40 =	vld [tilespmem:s31+$0xC0];
	v31 =	vmax.f32 v31, $0.0e+00;
	v30 =	vadd.f32 v30, v60;
	v60 =	vmul.f32 v19, v11;
	[tilespmem:s31+$0xFFFFFF20] =	vst v58  }
0x128: {  	v43 =	vbroadcast v53, $0x0;
	[tilespmem:s31+$0xFFFFFFA0] =	vst v31;
	v31 =	vand.u32 $0xFFFFFFFD, v49;
	v49 =	vadd.f32 v35, v52;
	v52 =	vld [tilespmem:s1+$0xFFFFFF30]  }
0x129: {  	v44 =	vbroadcast v31, $0x0;
	v31 =	vadd.f32 v51, v56;
	v51 =	vld [tilespmem:s1+$0xFFFFFFB0];
	v30 =	vadd.f32 v30, v60  }
0x12a: {  	v47 =	vld [tilespmem:s31+$0xFFFFFF40];
	v60 =	vmul.f32 v27, v5;
	v48 =	vadd.f32 v54, v48;
	v34 =	vadd.f32 v50, v34  }
0x12b: {  	v61 =	vld [tilespmem:s31+$0xB0];
	v50 =	vmul.f32 v32, v7;
	v49 =	vmax.f32 v49, $0.0e+00;
	v54 =	vmul.f32 v20, v5  }
0x12c: {  	v37 =	vld [tilespmem:s31+$0xFFFFFF50];
	v58 =	vmax.f32 v30, $0.0e+00;
	[tilespmem:s12+$0xFFFFFFD0] =	vst v49;
	v31 =	vmax.f32 v31, $0.0e+00;
	v48 =	vadd.f32 v48, v60  }
0x12d: {  	v60 =	vmul.f32 v26, v12;
	[tilespmem:s31+$0xA0] =	vst v58;
	v53 =	vld [tilespmem:s11+$0xFFFFFFE0];
	v34 =	vadd.f32 v34, v50;
	v50 =	vmul.f32 v36, v15  }
0x12e: {  	[tilespmem:s12+$0xD0] =	vst v31;
	v58 =	vmul.f32 v17, v15;
	v56 =	vld [tilespmem:s1+$0xB0];
	v52 =	vadd.f32 v52, v57;
	v31 =	vadd.f32 v51, v59  }
0x12f: {  	v33 =	vld [tilespmem:s31+$0xFFFFFFD0];
	v59 =	vmul.f32 v24, v5;
	v48 =	vadd.f32 v48, v60;
	v50 =	vadd.f32 v34, v50  }
0x130: {  	v35 =	vld [tilespmem:s31+$0xD0];
	v60 =	vmul.f32 v22, v12;
	v57 =	vmul.f32 v25, v12;
	v52 =	vadd.f32 v52, v54  }
0x131: {  	v54 =	vld [tilespmem:s11+$0xE0];
	v51 =	vadd.f32 v31, v59;
	v31 =	vmax.f32 v48, $0.0e+00;
	v50 =	vmax.f32 v50, $0.0e+00  }
0x132: {  	v30 =	vld [tilespmem:s31+$0xE0];
	v48 =	vmul.f32 v18, v15;
	v46 =	vadd.f32 v53, v46;
	v49 =	vadd.f32 v52, v60  }
0x133: {  	[tilespmem:s31+$0x30] =	vst v31;
	v60 =	vmul.f32 v21, v7;
	v52 =	vmul.f32 v23, v5;
	v53 =	vadd.f32 v56, v61;
	v56 =	vld [tilespmem:s31+$0x40]  }
0x134: {  	[tilespmem:s12+$0xFFFFFF60] =	vst v50;
	v50 =	vmul.f32 v36, v16;
	v51 =	vadd.f32 v51, v57;
	v57 =	vld [tilespmem:s1+$0x40];
	v61 =	vmul.f32 v38, v7  }
0x135: {  	v34 =	vld [tilespmem:s31+$0xFFFFFF60];
	v46 =	vadd.f32 v46, v60;
	v60 =	vmax.f32 v49, $0.0e+00;
	v49 =	vadd.f32 v53, v52  }
0x136: {  	v53 =	vld [tilespmem:s11+$0xFFFFFF70];
	v51 =	vmax.f32 v51, $0.0e+00;
	v54 =	vadd.f32 v54, v39;
	[tilespmem:s31+$0xFFFFFF30] =	vst v60;
	v39 =	vmul.f32 v38, v8  }
0x137: {  	v38 =	vmul.f32 v19, v12;
	v46 =	vadd.f32 v46, v48;
	v48 =	vmax.f32 v55, $0.0e+00;
	v55 =	vld [tilespmem:s1+$0xFFFFFF40]  }
0x138: {  	v31 =	vld [tilespmem:s31+$0xFFFFFF70];
	v52 =	vmul.f32 v22, v13;
	v60 =	vmul.f32 v32, v8;
	v36 =	vadd.f32 v54, v61  }
0x139: {  	v32 =	vld [tilespmem:s31+$0xFFFFFFE0];
	v49 =	vadd.f32 v49, v38;
	v56 =	vadd.f32 v57, v56;
	v57 =	vmul.f32 v27, v63  }
0x13a: {  	[tilespmem:s31+$0xFFFFFFB0] =	vst v51;
	v51 =	vmul.f32 v25, v13;
	v54 =	vmul.f32 v20, v63;
	v38 =	vld [tilespmem:s31+$0xF0];
	v59 =	vadd.f32 v36, v58  }
0x13b: {  	[tilespmem:s12+$0x70] =	vst v48;
	v61 =	vadd.f32 v53, v45;
	v45 =	vadd.f32 v56, v57;
	v49 =	vmax.f32 v49, $0.0e+00;
	v56 =	vld [tilespmem:s1+$0xFFFFFFC0]  }
0x13c: {  	v46 =	vmax.f32 v46, $0.0e+00;
	v36 =	vld [tilespmem:s31+$0xFFFFFFF0];
	[tilespmem:s31+$0xB0] =	vst v49;
	v58 =	vadd.f32 v55, v47;
	v47 =	vmul.f32 v26, v13  }
0x13d: {  	s29 =	simm.s32 $0x140F8;
	s15 =	simm.s32 $0xC;
	s21 =	simm.s32 $0xA;
	[tilespmem:s12+$0xFFFFFFE0] =	vst v46;
	v59 =	vmax.f32 v59, $0.0e+00;
	v57 =	vadd.f32 v61, v60;
	v55 =	vmul.f32 v24, v63;
	v53 =	vld [tilespmem:s1+$0xC0]  }
.LBB2_5:
0x13e: {  	v46 =	vmov s21;
	v60 =	vld [tilespmem:s31+$0x50]  }
0x13f: {  	[tilespmem:s12+$0xE0] =	vst v59;
	v45 =	vadd.f32 v45, v47;
	v47 =	vld [tilespmem:s11+$0xFFFFFFF0];
	v46 =	vand.u32 $0xFFFFFFFE, v46;
	v48 =	vadd.f32 v58, v54  }
0x140: {  	v49 =	vadd.f32 v57, v50;
	v59 =	vld [tilespmem:s11+$0xF0];
	v46 =	vbroadcast v46, $0x0;
	v41 =	vadd.f32 v56, v41  }
0x141: {  	v44 =	vld.idx.msk [tilespmem:v44+s14+$0x0], $0xffff;
	v45 =	vmax.f32 v45, $0.0e+00;
	v48 =	vadd.f32 v48, v52  }
0x142: {  	v61 =	vmul.f32 v19, v13;
	v42 =	vld.idx.msk [tilespmem:v42+s14+$0x0], $0xffff;
	v49 =	vmax.f32 v49, $0.0e+00;
	[tilespmem:s31+$0x40] =	vst v45;
	v41 =	vadd.f32 v41, v55  }
0x143: {  	v57 =	vmul.f32 v23, v63;
	v40 =	vadd.f32 v53, v40;
	[tilespmem:s12+$0xFFFFFF70] =	vst v49;
	v56 =	vld [tilespmem:s1+$0x50];
	v48 =	vmax.f32 v48, $0.0e+00  }
0x144: {  	v43 =	vld.idx.msk [tilespmem:v43+s14+$0x0], $0xffff;
	v0 =	vadd.f32 v47, v28;
	[tilespmem:s31+$0xFFFFFF40] =	vst v48;
	v41 =	vadd.f32 v41, v51  }
0x145: {  	v58 =	vmul.f32 v21, v8;
	v21 =	vmovc v24;
	v40 =	vadd.f32 v40, v57;
	v29 =	vadd.f32 v59, v29;
	v59 =	vld [tilespmem:s1+$0xFFFFFF50]  }
0x146: {  	s11 =	smov.u32 s1;
	v50 =	vmul.f32 v18, v16;
	v18 =	vmovc v25;
	v53 =	vmul.f32 v17, v16;
	s1 =	sadd.s32 $0x200, s1;
	v25 =	vld.idx.msk [tilespmem:v46+s14+$0x0], $0xffff;
	v24 =	vmax.f32 v41, $0.0e+00  }
0x147: {  	v17 =	vmovc v19;
	v19 =	vmin.f32 v42, $0.0e+00;
	v52 =	vadd.f32 v40, v61;
	v61 =	vld [tilespmem:s1+$0x0];
	[tilespmem:s31+$0xFFFFFFC0] =	vst v24;
	v24 =	vadd.f32 v0, v58  }
0x148: {  	v48 =	vld [tilespmem:s1+$0xFFFFFF00];
	v45 =	vadd.f32 v56, v60;
	v60 =	vmul.f32 v27, v6;
	s31 =	sadd.s32 $0x200, s31;
	v0 =	vadd.f32 v29, v39  }
0x149: {  	v28 =	vmovc v36;
	v55 =	vmul.f32 v26, v14;
	v36 =	vmax.f32 v52, $0.0e+00;
	v54 =	vld [tilespmem:s31+$0x0];
	v24 =	vadd.f32 v24, v50  }
0x14a: {  	v56 =	vmul.f32 v20, v6;
	v63 =	vld [tilespmem:s31+$0xFFFFFF00];
	v45 =	vadd.f32 v45, v60;
	v39 =	vadd.f32 v0, v53  }
0x14b: {  	v41 =	vadd.f32 v59, v37;
	v37 =	vmax.f32 v42, $0.0e+00;
	v24 =	vmax.f32 v24, $0.0e+00  }
0x14c: {  	v50 =	vmax.f32 v25, $0.0e+00;
	v57 =	vadd.f32 v45, v55;
	[tilespmem:s12+$0xFFFFFFF0] =	vst v24;
	v24 =	vmax.f32 v39, $0.0e+00;
	v39 =	vld [tilespmem:s31+$0xFFFFFF80]  }
0x14d: {  	[tilespmem:s29+$0xC0] =	vst v36;
	v59 =	vmul.f32 v22, v14;
	v53 =	vmin.f32 v25, $0.0e+00;
	v60 =	vmul.f32 v50, v62;
	v58 =	vld [tilespmem:s1+$0xFFFFFF80]  }
0x14e: {  	v49 =	vld [tilespmem:s31+$0x80];
	v42 =	vmax.f32 v57, $0.0e+00;
	[tilespmem:s12+$0xF0] =	vst v24;
	s12 =	smov.u32 s29;
	v24 =	vadd.f32 v41, v56;
	v40 =	vadd.f32 v61, v54  }
0x14f: {  	v29 =	vmovc v38;
	v45 =	vmax.f32 v43, $0.0e+00;
	v38 =	vadd.f32 v48, v63;
	v63 =	vmul.f32 v53, v9;
	[tilespmem:s12+$0x50] =	vst v42;
	v61 =	vld [tilespmem:s12+$0x60]  }
0x150: {  	v25 =	vadd.f32 v24, v59;
	v40 =	vadd.f32 v40, v60;
	v54 =	vld [tilespmem:s11+$0x60];
	v24 =	vmax.f32 v44, $0.0e+00  }
0x151: {  	v36 =	vmin.f32 v43, $0.0e+00;
	v55 =	vmul.f32 v45, v62;
	v56 =	vld [tilespmem:s1+$0x80];
	v57 =	vmul.f32 v24, v62  }
0x152: {  	v25 =	vmax.f32 v25, $0.0e+00;
	v40 =	vadd.f32 v40, v63;
	v39 =	vadd.f32 v58, v39  }
0x153: {  	v38 =	vadd.f32 v38, v55;
	[tilespmem:s12+$0xFFFFFF50] =	vst v25;
	v58 =	vmul.f32 v36, v9;
	v25 =	vmin.f32 v44, $0.0e+00  }
0x154: {  	v51 =	vld [tilespmem:s31+$0xFFFFFF10];
	v59 =	vmul.f32 v25, v9;
	v40 =	vmax.f32 v40, $0.0e+00;
	v39 =	vadd.f32 v39, v57  }
0x155: {  	v60 =	vmul.f32 v27, v7;
	v38 =	vadd.f32 v38, v58;
	[tilespmem:s31+$0x0] =	vst v40;
	v40 =	vld [tilespmem:s31+$0x10];
	v41 =	vadd.f32 v54, v61  }
0x156: {  	v63 =	vmul.f32 v37, v62;
	v61 =	vadd.f32 v56, v49;
	v43 =	vld [tilespmem:s1+$0x10];
	v39 =	vadd.f32 v39, v59  }
0x157: {  	v47 =	vld [tilespmem:s31+$0x90];
	v57 =	vmul.f32 v26, v15;
	v38 =	vmax.f32 v38, $0.0e+00;
	v41 =	vadd.f32 v41, v60  }
0x158: {  	v44 =	vld [tilespmem:s31+$0xFFFFFF90];
	v59 =	vadd.f32 v61, v63;
	v60 =	vmul.f32 v19, v9;
	[tilespmem:s31+$0xFFFFFF00] =	vst v38;
	v58 =	vmax.f32 v39, $0.0e+00  }
0x159: {  	v48 =	vld [tilespmem:s1+$0xFFFFFF10];
	v61 =	vadd.f32 v41, v57;
	[tilespmem:s31+$0xFFFFFF80] =	vst v58  }
0x15a: {  	v62 =	vmov s15;
	v39 =	vadd.f32 v59, v60;
	v49 =	vld [tilespmem:s1+$0xFFFFFF90]  }
0x15b: {  	s30 =	sadd.s32 $0x3, s15;
	v52 =	vld [tilespmem:s31+$0xFFFFFFB0];
	v63 =	vmul.f32 v50, v3;
	v40 =	vadd.f32 v43, v40;
	v38 =	vmax.f32 v61, $0.0e+00  }
0x15c: {  	v42 =	vmov s30;
	s30 =	sadd.s32 $0x1, s15;
	v41 =	vand.u32 $0xFFFFFFFC, v62;
	v57 =	vld [tilespmem:s12+$0x70];
	v39 =	vmax.f32 v39, $0.0e+00;
	[tilespmem:s12+$0x60] =	vst v38  }
0x15d: {  	v60 =	vmov s30;
	[tilespmem:s31+$0x80] =	vst v39;
	v38 =	vadd.f32 v40, v63;
	v40 =	vmul.f32 v53, v10;
	v39 =	vld [tilespmem:s11+$0x70]  }
0x15e: {  	v61 =	vand.u32 $0xFFFFFFFD, v60;
	v63 =	vmul.f32 v45, v3;
	v58 =	vld [tilespmem:s1+$0x90];
	v62 =	vadd.f32 v48, v51  }
0x15f: {  	v2 =	vld [tilespmem:s31+$0xFFFFFFD0];
	v60 =	vmul.f32 v24, v3;
	v38 =	vadd.f32 v38, v40;
	v49 =	vadd.f32 v49, v44  }
0x160: {  	v55 =	vld [tilespmem:s31+$0xFFFFFFA0];
	v44 =	vbroadcast v61, $0x0;
	v61 =	vadd.f32 v62, v63;
	v62 =	vmul.f32 v36, v10  }
0x161: {  	v46 =	vld [tilespmem:s31+$0xFFFFFF40];
	v59 =	vmul.f32 v25, v10;
	v63 =	vadd.f32 v49, v60  }
0x162: {  	v54 =	vld [tilespmem:s31+$0xFFFFFF20];
	v60 =	vmax.f32 v38, $0.0e+00;
	v40 =	vadd.f32 v61, v62;
	v39 =	vadd.f32 v39, v57  }
0x163: {  	v49 =	vld [tilespmem:s31+$0x20];
	v61 =	vmul.f32 v27, v8;
	v47 =	vadd.f32 v58, v47;
	v62 =	vmul.f32 v37, v3;
	[tilespmem:s31+$0x10] =	vst v60  }
0x164: {  	v48 =	vadd.f32 v63, v59;
	v57 =	vld [tilespmem:s1+$0x20];
	v40 =	vmax.f32 v40, $0.0e+00  }
0x165: {  	v56 =	vld [tilespmem:s31+$0xA0];
	v39 =	vadd.f32 v39, v61;
	v61 =	vadd.f32 v47, v62;
	v62 =	vmul.f32 v19, v10  }
0x166: {  	v43 =	vbroadcast v41, $0x0;
	v41 =	vld [tilespmem:s31+$0xFFFFFFC0];
	v63 =	vmul.f32 v26, v16;
	[tilespmem:s31+$0xFFFFFF10] =	vst v40;
	v60 =	vmax.f32 v48, $0.0e+00  }
0x167: {  	v26 =	vmov v53;
	v58 =	vld [tilespmem:s1+$0xFFFFFF20];
	v53 =	vadd.f32 v61, v62;
	[tilespmem:s31+$0xFFFFFF90] =	vst v60  }
0x168: {  	v27 =	vmov v50;
	v50 =	vadd.f32 v39, v63;
	v59 =	vld [tilespmem:s1+$0xFFFFFFA0]  }
0x169: {  	v51 =	vld [tilespmem:s31+$0xFFFFFF30];
	v61 =	vmul.f32 v27, v4;
	v53 =	vmax.f32 v53, $0.0e+00;
	v57 =	vadd.f32 v57, v49  }
0x16a: {  	v39 =	vmul.f32 v23, v8;
	v50 =	vmax.f32 v50, $0.0e+00;
	v62 =	vld [tilespmem:s11+$0xFFFFFFD0];
	[tilespmem:s31+$0x90] =	vst v53  }
0x16b: {  	v48 =	vmul.f32 v23, v7;
	[tilespmem:s12+$0x70] =	vst v50;
	v50 =	vmul.f32 v23, v6;
	v63 =	vld [tilespmem:s11+$0xD0];
	v57 =	vadd.f32 v57, v61  }
0x16c: {  	v23 =	vmovc v37;
	v0 =	vld [tilespmem:s1+$0xA0];
	v61 =	vmul.f32 v26, v11;
	v54 =	vadd.f32 v58, v54;
	v58 =	vmul.f32 v45, v4  }
0x16d: {  	v38 =	vld [tilespmem:s31+$0xB0];
	v1 =	vmul.f32 v23, v4;
	v55 =	vadd.f32 v59, v55;
	v59 =	vmul.f32 v24, v4  }
0x16e: {  	v40 =	vld [tilespmem:s31+$0xC0];
	v57 =	vadd.f32 v57, v61;
	v54 =	vadd.f32 v54, v58;
	v58 =	vmul.f32 v36, v11  }
0x16f: {  	v37 =	vld [tilespmem:s31+$0xFFFFFF50];
	v61 =	vmul.f32 v25, v11;
	v33 =	vadd.f32 v62, v33;
	v55 =	vadd.f32 v55, v59  }
0x170: {  	v62 =	vld [tilespmem:s11+$0xFFFFFF60];
	v57 =	vmax.f32 v57, $0.0e+00;
	v54 =	vadd.f32 v54, v58;
	v58 =	vmul.f32 v21, v6  }
0x171: {  	v59 =	vld [tilespmem:s31+$0xD0];
	v35 =	vadd.f32 v63, v35;
	v0 =	vadd.f32 v0, v56;
	v56 =	vmul.f32 v18, v14  }
0x172: {  	[tilespmem:s31+$0x20] =	vst v57;
	v57 =	vld [tilespmem:s31+$0x30];
	v55 =	vadd.f32 v55, v61;
	v54 =	vmax.f32 v54, $0.0e+00;
	v58 =	vadd.f32 v33, v58  }
0x173: {  	v61 =	vld [tilespmem:s1+$0x30];
	v35 =	vadd.f32 v35, v50;
	v0 =	vadd.f32 v0, v1;
	v1 =	vmul.f32 v19, v11  }
0x174: {  	v60 =	vmul.f32 v17, v14;
	v33 =	vmov v2;
	[tilespmem:s31+$0xFFFFFF20] =	vst v54;
	v54 =	vld [tilespmem:s31+$0xFFFFFF60];
	v63 =	vmax.f32 v55, $0.0e+00  }
0x175: {  	v50 =	vmul.f32 v22, v16;
	v2 =	vld [tilespmem:s1+$0xFFFFFF30];
	v55 =	vadd.f32 v58, v56;
	v0 =	vadd.f32 v0, v1;
	[tilespmem:s31+$0xFFFFFFA0] =	vst v63  }
0x176: {  	v62 =	vadd.f32 v62, v34;
	v56 =	vadd.f32 v35, v60;
	v1 =	vmul.f32 v20, v7;
	v58 =	vld [tilespmem:s1+$0xFFFFFFB0]  }
0x177: {  	v60 =	vmul.f32 v22, v15;
	v22 =	vmovc v36;
	v63 =	vld [tilespmem:s31+$0xFFFFFFE0];
	v55 =	vmax.f32 v55, $0.0e+00;
	v35 =	vmovc v59;
	v0 =	vmax.f32 v0, $0.0e+00  }
0x178: {  	v59 =	vld [tilespmem:s31+$0xE0];
	v1 =	vadd.f32 v62, v1;
	v36 =	vadd.f32 v61, v57;
	v57 =	vmul.f32 v27, v5;
	[tilespmem:s12+$0xFFFFFFD0] =	vst v55  }
0x179: {  	v47 =	vmul.f32 v17, v15;
	v34 =	vmul.f32 v26, v12;
	v55 =	vmax.f32 v56, $0.0e+00;
	[tilespmem:s31+$0xA0] =	vst v0;
	v0 =	vld [tilespmem:s11+$0xFFFFFFE0]  }
0x17a: {  	v61 =	vld [tilespmem:s1+$0xB0];
	[tilespmem:s12+$0xD0] =	vst v55;
	v55 =	vmul.f32 v24, v5;
	v1 =	vadd.f32 v1, v60;
	v36 =	vadd.f32 v36, v57  }
0x17b: {  	v62 =	vld [tilespmem:s31+$0xFFFFFF70];
	v2 =	vadd.f32 v2, v51;
	v51 =	vmul.f32 v45, v5;
	v52 =	vadd.f32 v58, v52  }
0x17c: {  	v49 =	vmul.f32 v19, v12;
	v56 =	vmul.f32 v22, v12;
	v57 =	vadd.f32 v36, v34;
	v58 =	vld [tilespmem:s11+$0xE0]  }
0x17d: {  	v1 =	vmax.f32 v1, $0.0e+00;
	v34 =	vmovc v54;
	v2 =	vadd.f32 v2, v51;
	v52 =	vadd.f32 v52, v55;
	v55 =	vld [tilespmem:s31+$0x40]  }
0x17e: {  	v54 =	vmul.f32 v25, v12;
	[tilespmem:s12+$0xFFFFFF60] =	vst v1;
	v60 =	vmax.f32 v57, $0.0e+00;
	v0 =	vadd.f32 v0, v32;
	v32 =	vmovc v63;
	v63 =	vld [tilespmem:$0x1FFE0]  }
0x17f: {  	v53 =	vmul.f32 v23, v5;
	v51 =	vmul.f32 v21, v7;
	v2 =	vadd.f32 v2, v56;
	[tilespmem:s31+$0x30] =	vst v60;
	v60 =	vld [tilespmem:s11+$0xFFFFFF70]  }
0x180: {  	v1 =	vmul.f32 v18, v15;
	v38 =	vadd.f32 v61, v38;
	v52 =	vadd.f32 v52, v54;
	v57 =	vld [tilespmem:s1+$0x40]  }
0x181: {  	v2 =	vmax.f32 v2, $0.0e+00;
	v0 =	vadd.f32 v0, v51;
	v51 =	vadd.f32 v58, v30  }
0x182: {  	v61 =	vmul.f32 v20, v8;
	v53 =	vadd.f32 v38, v53;
	[tilespmem:s31+$0xFFFFFF30] =	vst v2;
	v2 =	vmax.f32 v52, $0.0e+00  }
0x183: {  	p0 =	slt.u32 s15, $0x34;
	v20 =	vmovc v45;
	v58 =	vld [tilespmem:s1+$0xFFFFFF40];
	v52 =	vmul.f32 v22, v13;
	v0 =	vadd.f32 v0, v1;
	v1 =	vadd.f32 v51, v48  }
.Ltmp3:
0x184: {  	v36 =	vld [tilespmem:s31+$0xFFFFFFF0];
	[tilespmem:s31+$0xFFFFFFB0] =	vst v2;
	v54 =	vmul.f32 v20, v63;
	v51 =	vmul.f32 v25, v13;
	v2 =	vadd.f32 v53, v49;
	(pc) =	sbr.rel @p0 .LBB2_5-.Ltmp3, $4  }
0x185: {  	v38 =	vld [tilespmem:s31+$0xF0];
	v30 =	vmovc v59;
	v59 =	vmul.f32 v27, v63;
	v49 =	vadd.f32 v60, v31;
	v57 =	vadd.f32 v57, v55  }
0x186: {  	v56 =	vld [tilespmem:s1+$0xFFFFFFC0];
	v0 =	vmax.f32 v0, $0.0e+00;
	v31 =	vmovc v62;
	v1 =	vadd.f32 v1, v47;
	v2 =	vmax.f32 v2, $0.0e+00  }
0x187: {  	v62 =	vld [tilespmem:$0x1FFD0];
	v47 =	vmul.f32 v26, v13;
	v55 =	vmul.f32 v24, v63;
	[tilespmem:s31+$0xB0] =	vst v2;
	v45 =	vadd.f32 v57, v59  }
0x188: {  	s21 =	sadd.s32 $0x2, s15;
	s29 =	smov.u32 s31;
	s15 =	sadd.s32 $0x4, s15;
	[tilespmem:s12+$0xFFFFFFE0] =	vst v0;
	v59 =	vmax.f32 v1, $0.0e+00;
	v58 =	vadd.f32 v58, v46;
	v53 =	vld [tilespmem:s1+$0xC0];
	v57 =	vadd.f32 v49, v61  }
0x189: {  	v0 =	vmov s21  }
0x18a: {  	v0 =	vand.u32 $0xFFFFFFFE, v0  }
0x18b: {  	v0 =	vbroadcast v0, $0x0;
	_ =	sdelay $0x3  }
0x18c: {  	v60 =	vld.idx.msk [tilespmem:v42+s14+$0x0], $0xffff  }
0x18d: {  	v1 =	vld.idx.msk [tilespmem:v43+s14+$0x0], $0xffff  }
0x18e: {  	v0 =	vld.idx.msk [tilespmem:v0+s14+$0x0], $0xffff  }
0x18f: {  	s30 =	sadd.s32 $0x200, s31;
	v46 =	vld.idx.msk [tilespmem:v44+s14+$0x0], $0xffff  }
0x190: {  	s15 =	sadd.s32 $0x200, s1;
	v42 =	vld [tilespmem:s30+$0x0]  }
0x191: {  	v43 =	vld [tilespmem:s15+$0x0]  }
0x192: {  	v48 =	vld [tilespmem:s30+$0xFFFFFF00]  }
0x193: {  	v49 =	vld [tilespmem:s15+$0xFFFFFF00];
	v2 =	vmax.f32 v0, $0.0e+00  }
0x194: {  	v44 =	vadd.f32 v45, v47;
	v45 =	vld [tilespmem:s30+$0xFFFFFF80];
	[tilespmem:$0x1FF70] =	vst v2  }
0x195: {  	v0 =	vmin.f32 v0, $0.0e+00;
	v61 =	vld [tilespmem:s15+$0xFFFFFF80]  }
0x196: {  	v42 =	vadd.f32 v43, v42;
	v43 =	vmul.f32 v2, v62;
	v2 =	vmax.f32 v1, $0.0e+00;
	v63 =	vld [tilespmem:s30+$0x80];
	[tilespmem:$0x1FF80] =	vst v0  }
0x197: {  	v62 =	vmax.f32 v44, $0.0e+00;
	[tilespmem:$0x1FF90] =	vst v2  }
0x198: {  	[tilespmem:s31+$0x40] =	vst v62  }
0x199: {  	v43 =	vadd.f32 v42, v43;
	v42 =	vmul.f32 v0, v9;
	v0 =	vld [tilespmem:$0x1FFD0];
	_ =	sdelay $0x4  }
0x19a: {  	v49 =	vadd.f32 v49, v48;
	v48 =	vmul.f32 v2, v0  }
0x19b: {  	v47 =	vld [tilespmem:s15+$0x80]  }
0x19c: {  	v44 =	vld [tilespmem:s31+$0x50];
	v43 =	vadd.f32 v43, v42;
	v0 =	vmax.f32 v46, $0.0e+00  }
0x19d: {  	v1 =	vmin.f32 v1, $0.0e+00;
	v45 =	vadd.f32 v61, v45;
	v61 =	vld [tilespmem:$0x1FFD0];
	[tilespmem:$0x1FFA0] =	vst v0  }
0x19e: {  	v42 =	vld [tilespmem:s1+$0x50];
	v2 =	vadd.f32 v49, v48;
	v49 =	vmul.f32 v1, v9;
	[tilespmem:$0x1FFC0] =	vst v1;
	v48 =	vmovc v1;
	v1 =	vmax.f32 v43, $0.0e+00  }
0x19f: {  	[tilespmem:s30+$0x0] =	vst v1  }
0x1a0: {  	v47 =	vadd.f32 v47, v63;
	v63 =	vld [tilespmem:$0x1FFD0];
	_ =	sdelay $0x2  }
0x1a1: {  	v62 =	vmax.f32 v60, $0.0e+00;
	v61 =	vmul.f32 v0, v61  }
0x1a2: {  	v46 =	vmin.f32 v46, $0.0e+00;
	v0 =	vadd.f32 v2, v49;
	v2 =	vmin.f32 v60, $0.0e+00  }
0x1a3: {  	v60 =	vmul.f32 v46, v9;
	v45 =	vadd.f32 v45, v61;
	v43 =	vmul.f32 v62, v63;
	_ =	sdelay $0x1  }
0x1a4: {  	v45 =	vadd.f32 v45, v60;
	v63 =	vmul.f32 v2, v9;
	v47 =	vadd.f32 v47, v43  }
0x1a5: {  	v1 =	vld [tilespmem:s30+$0x10];
	[tilespmem:$0x1FFB0] =	vst v2;
	v0 =	vmax.f32 v0, $0.0e+00  }
0x1a6: {  	[tilespmem:s30+$0xFFFFFF00] =	vst v0;
	v45 =	vmax.f32 v45, $0.0e+00;
	v47 =	vadd.f32 v47, v63  }
0x1a7: {  	v61 =	vld [tilespmem:s15+$0x10];
	[tilespmem:s30+$0xFFFFFF80] =	vst v45  }
0x1a8: {  	v43 =	vld [tilespmem:$0x1FF70];
	v47 =	vmax.f32 v47, $0.0e+00  }
0x1a9: {  	v60 =	vld [tilespmem:s30+$0xFFFFFF10];
	[tilespmem:s30+$0x80] =	vst v47  }
0x1aa: {  	v2 =	vadd.f32 v42, v44;
	v42 =	vmul.f32 v27, v6;
	v44 =	vld [tilespmem:$0x1FF80]  }
0x1ab: {  	v0 =	vld [tilespmem:s15+$0xFFFFFF10]  }
0x1ac: {  	v49 =	vmov v46;
	v2 =	vadd.f32 v2, v42;
	v42 =	vmul.f32 v26, v14;
	v46 =	vld [tilespmem:$0x1FF90]  }
0x1ad: {  	v45 =	vld [tilespmem:s30+$0x90];
	v1 =	vadd.f32 v61, v1;
	v61 =	vmul.f32 v43, v3  }
0x1ae: {  	v63 =	vld [tilespmem:s30+$0xFFFFFF90];
	v2 =	vadd.f32 v2, v42  }
0x1af: {  	v47 =	vld [tilespmem:s15+$0xFFFFFF90];
	v1 =	vadd.f32 v1, v61;
	v42 =	vmul.f32 v44, v10  }
0x1b0: {  	v2 =	vmax.f32 v2, $0.0e+00;
	[tilespmem:s12+$0xE0] =	vst v59;
	v61 =	vld [tilespmem:s15+$0x90]  }
0x1b1: {  	v0 =	vadd.f32 v0, v60;
	[tilespmem:s29+$0x50] =	vst v2;
	v60 =	vmul.f32 v46, v3;
	v1 =	vadd.f32 v1, v42  }
0x1b2: {  	v54 =	vadd.f32 v58, v54;
	v58 =	vld [tilespmem:$0x1FFA0]  }
0x1b3: {  	v2 =	vmul.f32 v48, v10;
	v0 =	vadd.f32 v0, v60;
	v1 =	vmax.f32 v1, $0.0e+00  }
0x1b4: {  	v50 =	vadd.f32 v57, v50;
	v47 =	vadd.f32 v47, v63;
	v63 =	vld [tilespmem:$0x1FFE0];
	[tilespmem:s30+$0x10] =	vst v1  }
0x1b5: {  	v57 =	vmul.f32 v49, v10;
	v0 =	vadd.f32 v0, v2;
	v2 =	vadd.f32 v61, v45;
	v61 =	vmovc v49;
	v49 =	vld [tilespmem:$0x1FFB0]  }
0x1b6: {  	v40 =	vadd.f32 v53, v40;
	v53 =	vld [tilespmem:s30+$0xFFFFFFA0]  }
0x1b7: {  	v48 =	vld [tilespmem:s29+$0x60];
	v60 =	vmul.f32 v58, v3  }
0x1b8: {  	v42 =	vld [tilespmem:s11+$0xFFFFFFF0];
	v45 =	vmul.f32 v62, v3  }
0x1b9: {  	v47 =	vadd.f32 v47, v60;
	v60 =	vld [tilespmem:s1+$0x60]  }
0x1ba: {  	v1 =	vld [tilespmem:s30+$0x20];
	v2 =	vadd.f32 v2, v45;
	v45 =	vmul.f32 v49, v10  }
0x1bb: {  	v59 =	vld [tilespmem:s15+$0x20];
	v47 =	vadd.f32 v47, v57  }
0x1bc: {  	v41 =	vadd.f32 v56, v41;
	v56 =	vld [tilespmem:s11+$0xF0];
	v0 =	vmax.f32 v0, $0.0e+00;
	v2 =	vadd.f32 v2, v45  }
0x1bd: {  	v52 =	vadd.f32 v54, v52;
	[tilespmem:s30+$0xFFFFFF10] =	vst v0;
	v0 =	vld [tilespmem:s30+$0xFFFFFF20];
	v47 =	vmax.f32 v47, $0.0e+00  }
0x1be: {  	v54 =	vld [tilespmem:s15+$0xFFFFFF20];
	[tilespmem:s30+$0xFFFFFF90] =	vst v47;
	v2 =	vmax.f32 v2, $0.0e+00  }
0x1bf: {  	v28 =	vadd.f32 v42, v28;
	v42 =	vmax.f32 v52, $0.0e+00;
	v52 =	vmul.f32 v21, v8;
	v47 =	vld [tilespmem:s30+$0xA0];
	[tilespmem:s30+$0x90] =	vst v2  }
0x1c0: {  	v21 =	vadd.f32 v60, v48;
	v1 =	vadd.f32 v59, v1;
	v59 =	vmul.f32 v43, v4;
	v48 =	vld [tilespmem:$0x1FFC0]  }
0x1c1: {  	v18 =	vmul.f32 v18, v16;
	v41 =	vadd.f32 v41, v55;
	v2 =	vld [tilespmem:s15+$0xFFFFFFA0]  }
0x1c2: {  	v55 =	vmul.f32 v44, v11;
	v29 =	vadd.f32 v56, v29;
	v1 =	vadd.f32 v1, v59;
	v45 =	vld [tilespmem:s15+$0xA0]  }
0x1c3: {  	v41 =	vadd.f32 v41, v51;
	v56 =	vmul.f32 v46, v4;
	v0 =	vadd.f32 v54, v0  }
0x1c4: {  	v17 =	vmul.f32 v17, v16;
	v29 =	vadd.f32 v29, v39;
	v1 =	vadd.f32 v1, v55  }
0x1c5: {  	v57 =	vmul.f32 v23, v63;
	v0 =	vadd.f32 v0, v56;
	v59 =	vmul.f32 v48, v11  }
0x1c6: {  	v1 =	vmax.f32 v1, $0.0e+00;
	v2 =	vadd.f32 v2, v53;
	v53 =	vmul.f32 v58, v4  }
0x1c7: {  	v60 =	vmul.f32 v62, v4;
	[tilespmem:s30+$0x20] =	vst v1;
	v1 =	vld [tilespmem:s30+$0x30];
	v45 =	vadd.f32 v45, v47;
	v0 =	vadd.f32 v0, v59  }
0x1c8: {  	v28 =	vadd.f32 v28, v52;
	v51 =	vld [tilespmem:s15+$0x30];
	v2 =	vadd.f32 v2, v53;
	v59 =	vmul.f32 v61, v11  }
0x1c9: {  	v52 =	vld [tilespmem:s30+$0xFFFFFFB0];
	[tilespmem:s31+$0xFFFFFF40] =	vst v42;
	v45 =	vadd.f32 v45, v60;
	v60 =	vmul.f32 v49, v11;
	v0 =	vmax.f32 v0, $0.0e+00  }
0x1ca: {  	v17 =	vadd.f32 v29, v17;
	v42 =	vmul.f32 v27, v7;
	v2 =	vadd.f32 v2, v59;
	v59 =	vld [tilespmem:s30+$0xFFFFFF30];
	[tilespmem:s30+$0xFFFFFF20] =	vst v0  }
0x1cb: {  	v40 =	vadd.f32 v40, v57;
	v55 =	vmul.f32 v26, v15;
	v45 =	vadd.f32 v45, v60;
	v60 =	vld [tilespmem:s15+$0xFFFFFF30]  }
0x1cc: {  	v54 =	vld [tilespmem:s30+$0xB0];
	v42 =	vadd.f32 v21, v42;
	v0 =	vmul.f32 v19, v13;
	v2 =	vmax.f32 v2, $0.0e+00  }
0x1cd: {  	v53 =	vld [tilespmem:s1+$0xFFFFFF50];
	v1 =	vadd.f32 v51, v1;
	v45 =	vmax.f32 v45, $0.0e+00;
	[tilespmem:s30+$0xFFFFFFA0] =	vst v2;
	v2 =	vmul.f32 v43, v5  }
0x1ce: {  	v41 =	vmax.f32 v41, $0.0e+00;
	v57 =	vmovc v44;
	v18 =	vadd.f32 v28, v18;
	v0 =	vadd.f32 v40, v0;
	[tilespmem:s30+$0xA0] =	vst v45;
	v40 =	vld [tilespmem:s15+$0xFFFFFFB0]  }
0x1cf: {  	v42 =	vadd.f32 v42, v55;
	v45 =	vld [tilespmem:s15+$0xB0];
	v1 =	vadd.f32 v1, v2;
	v2 =	vmul.f32 v57, v12  }
0x1d0: {  	v21 =	vmax.f32 v50, $0.0e+00;
	v56 =	vadd.f32 v60, v59;
	v59 =	vmul.f32 v46, v5  }
0x1d1: {  	v39 =	vld [tilespmem:s29+$0x70];
	[tilespmem:s31+$0xFFFFFFC0] =	vst v41;
	v50 =	vmul.f32 v22, v14;
	v42 =	vmax.f32 v42, $0.0e+00;
	v1 =	vadd.f32 v1, v2  }
0x1d2: {  	v41 =	vld [tilespmem:s30+$0xFFFFFFC0];
	v55 =	vmul.f32 v20, v6;
	[tilespmem:s29+$0x60] =	vst v42;
	v60 =	vmul.f32 v48, v12;
	v42 =	vadd.f32 v56, v59  }
0x1d3: {  	v28 =	vld [tilespmem:s1+$0xFFFFFFD0];
	v40 =	vadd.f32 v40, v52;
	v56 =	vmul.f32 v58, v5;
	v1 =	vmax.f32 v1, $0.0e+00  }
0x1d4: {  	v37 =	vadd.f32 v53, v37;
	v52 =	vmul.f32 v62, v5;
	v45 =	vadd.f32 v45, v54;
	[tilespmem:s30+$0x30] =	vst v1;
	v1 =	vld [tilespmem:s30+$0x40]  }
0x1d5: {  	v59 =	vmul.f32 v61, v12;
	v42 =	vadd.f32 v42, v60;
	v40 =	vadd.f32 v40, v56;
	v53 =	vld [tilespmem:s15+$0x40]  }
0x1d6: {  	v47 =	vld [tilespmem:s30+$0xFFFFFF40];
	v0 =	vmax.f32 v0, $0.0e+00;
	v60 =	vmul.f32 v49, v12;
	v45 =	vadd.f32 v45, v52  }
0x1d7: {  	[tilespmem:s29+$0xC0] =	vst v0;
	v2 =	vadd.f32 v37, v55;
	v37 =	vld [tilespmem:s1+$0x70];
	v42 =	vmax.f32 v42, $0.0e+00;
	v40 =	vadd.f32 v40, v59  }
0x1d8: {  	v17 =	vmax.f32 v17, $0.0e+00;
	v56 =	vadd.f32 v45, v60;
	v59 =	vld [tilespmem:s1+$0xD0];
	[tilespmem:s30+$0xFFFFFF30] =	vst v42  }
0x1d9: {  	v44 =	vmul.f32 v46, v6;
	v0 =	vadd.f32 v2, v50;
	v2 =	vld [tilespmem:s15+$0xFFFFFF40];
	v40 =	vmax.f32 v40, $0.0e+00  }
0x1da: {  	v50 =	vmul.f32 v43, v63;
	v60 =	vld [tilespmem:s30+$0xC0];
	v42 =	vmax.f32 v56, $0.0e+00;
	[tilespmem:s30+$0xFFFFFFB0] =	vst v40;
	v1 =	vadd.f32 v53, v1  }
0x1db: {  	v27 =	vmul.f32 v27, v8;
	v28 =	vadd.f32 v28, v33;
	v51 =	vmul.f32 v57, v13;
	[tilespmem:s30+$0xB0] =	vst v42;
	v29 =	vld [tilespmem:s15+$0xFFFFFFC0]  }
0x1dc: {  	v55 =	vmul.f32 v58, v63;
	v54 =	vmul.f32 v48, v13;
	v42 =	vld [tilespmem:s15+$0xC0];
	v1 =	vadd.f32 v1, v50  }
0x1dd: {  	v0 =	vmax.f32 v0, $0.0e+00;
	v52 =	vmul.f32 v46, v63;
	v37 =	vadd.f32 v37, v39  }
0x1de: {  	[tilespmem:s29+$0xFFFFFF50] =	vst v0;
	v0 =	vmul.f32 v25, v14;
	v2 =	vadd.f32 v2, v47;
	v1 =	vadd.f32 v1, v51  }
0x1df: {  	v27 =	vadd.f32 v37, v27;
	v53 =	vmul.f32 v24, v6;
	v35 =	vadd.f32 v59, v35  }
0x1e0: {  	v33 =	vld [tilespmem:s1+$0xFFFFFF60];
	v2 =	vadd.f32 v2, v52;
	v29 =	vadd.f32 v29, v41;
	v1 =	vmax.f32 v1, $0.0e+00  }
0x1e1: {  	v59 =	vmul.f32 v62, v63;
	v28 =	vadd.f32 v28, v53;
	v56 =	vadd.f32 v42, v60;
	[tilespmem:s30+$0x40] =	vst v1;
	v1 =	vld [tilespmem:s30+$0x50]  }
0x1e2: {  	v60 =	vmul.f32 v61, v13;
	v2 =	vadd.f32 v2, v54;
	v29 =	vadd.f32 v29, v55;
	v50 =	vld [tilespmem:s15+$0x50]  }
0x1e3: {  	v51 =	vmul.f32 v49, v13;
	v0 =	vadd.f32 v28, v0;
	v52 =	vld [tilespmem:s30+$0xFFFFFF50];
	v39 =	vadd.f32 v56, v59  }
0x1e4: {  	v37 =	vmul.f32 v23, v6;
	v54 =	vld [tilespmem:s30+$0xFFFFFFD0];
	v2 =	vmax.f32 v2, $0.0e+00;
	v29 =	vadd.f32 v29, v60  }
0x1e5: {  	v26 =	vmul.f32 v26, v16;
	v0 =	vmax.f32 v0, $0.0e+00;
	v56 =	vld [tilespmem:s30+$0xD0];
	v53 =	vadd.f32 v39, v51;
	[tilespmem:s30+$0xFFFFFF40] =	vst v2  }
0x1e6: {  	v35 =	vadd.f32 v35, v37;
	[tilespmem:s29+$0xFFFFFFD0] =	vst v0;
	v2 =	vmul.f32 v19, v14;
	v28 =	vld [tilespmem:s15+$0xFFFFFF50];
	v29 =	vmax.f32 v29, $0.0e+00  }
0x1e7: {  	v47 =	vld [tilespmem:s1+$0xFFFFFFE0];
	v37 =	vmax.f32 v53, $0.0e+00;
	[tilespmem:s30+$0xFFFFFFC0] =	vst v29;
	v1 =	vadd.f32 v50, v1;
	v29 =	vmul.f32 v43, v6  }
0x1e8: {  	v26 =	vadd.f32 v27, v26;
	v33 =	vadd.f32 v33, v34;
	v55 =	vmul.f32 v20, v7;
	[tilespmem:s30+$0xC0] =	vst v37;
	v59 =	vld [tilespmem:s15+$0xFFFFFFD0]  }
0x1e9: {  	v45 =	vmul.f32 v19, v15;
	v2 =	vadd.f32 v35, v2;
	v1 =	vadd.f32 v1, v29;
	v29 =	vld [tilespmem:s15+$0xD0]  }
0x1ea: {  	v27 =	vmul.f32 v22, v15;
	v33 =	vadd.f32 v33, v55;
	v60 =	vmul.f32 v57, v14  }
0x1eb: {  	v51 =	vmul.f32 v58, v6;
	v0 =	vmax.f32 v2, $0.0e+00;
	v28 =	vadd.f32 v28, v52  }
0x1ec: {  	v53 =	vmul.f32 v62, v6;
	v2 =	vadd.f32 v33, v27;
	[tilespmem:s29+$0xD0] =	vst v0;
	v0 =	vadd.f32 v1, v60  }
0x1ed: {  	v50 =	vmul.f32 v48, v14;
	v1 =	vadd.f32 v28, v44;
	v28 =	vld [tilespmem:s1+$0xE0];
	v35 =	vadd.f32 v59, v54  }
0x1ee: {  	v32 =	vadd.f32 v47, v32;
	v52 =	vld [tilespmem:s30+$0xFFFFFF60];
	v0 =	vmax.f32 v0, $0.0e+00;
	v29 =	vadd.f32 v29, v56  }
0x1ef: {  	v2 =	vmax.f32 v2, $0.0e+00;
	v54 =	vmul.f32 v61, v14;
	[tilespmem:s30+$0x50] =	vst v0;
	v0 =	vld [tilespmem:s30+$0x60];
	v35 =	vadd.f32 v35, v51  }
0x1f0: {  	v55 =	vmul.f32 v49, v14;
	[tilespmem:s29+$0xFFFFFF60] =	vst v2;
	v1 =	vadd.f32 v1, v50;
	v2 =	vld [tilespmem:s15+$0x60];
	v29 =	vadd.f32 v29, v53  }
0x1f1: {  	v27 =	vmul.f32 v23, v7;
	v59 =	vld [tilespmem:s1+$0xFFFFFF70];
	v56 =	vmul.f32 v24, v7;
	v34 =	vadd.f32 v35, v54  }
0x1f2: {  	v60 =	vld [tilespmem:s30+$0xFFFFFFE0];
	v1 =	vmax.f32 v1, $0.0e+00;
	v28 =	vadd.f32 v28, v30;
	v29 =	vadd.f32 v29, v55  }
0x1f3: {  	v42 =	vmul.f32 v25, v15;
	v32 =	vadd.f32 v32, v56;
	v30 =	vld [tilespmem:s30+$0xE0];
	[tilespmem:s30+$0xFFFFFF50] =	vst v1;
	v1 =	vmax.f32 v34, $0.0e+00  }
0x1f4: {  	v22 =	vmul.f32 v22, v16;
	v27 =	vadd.f32 v28, v27;
	v28 =	vld [tilespmem:s15+$0xFFFFFF60];
	[tilespmem:s30+$0xFFFFFFD0] =	vst v1;
	v1 =	vmax.f32 v29, $0.0e+00  }
0x1f5: {  	v29 =	vadd.f32 v32, v42;
	v0 =	vadd.f32 v2, v0;
	v2 =	vmul.f32 v43, v7;
	v44 =	vld [tilespmem:s15+$0xFFFFFFE0];
	[tilespmem:s30+$0xD0] =	vst v1  }
0x1f6: {  	v1 =	vmul.f32 v20, v8;
	v20 =	vadd.f32 v27, v45;
	v27 =	vadd.f32 v59, v31;
	v31 =	vld [tilespmem:s15+$0xE0]  }
0x1f7: {  	v29 =	vmax.f32 v29, $0.0e+00;
	v0 =	vadd.f32 v0, v2;
	v2 =	vmul.f32 v57, v15  }
0x1f8: {  	v47 =	vmul.f32 v48, v15;
	[tilespmem:s29+$0xFFFFFFE0] =	vst v29;
	v20 =	vmax.f32 v20, $0.0e+00;
	v1 =	vadd.f32 v27, v1  }
0x1f9: {  	v27 =	vld [tilespmem:s1+$0xFFFFFFF0];
	v0 =	vadd.f32 v0, v2;
	v2 =	vmul.f32 v46, v7;
	[tilespmem:s29+$0xE0] =	vst v20;
	v20 =	vadd.f32 v28, v52  }
0x1fa: {  	v23 =	vmul.f32 v23, v8;
	v45 =	vmul.f32 v58, v7;
	v28 =	vld [tilespmem:s1+$0xF0];
	v32 =	vadd.f32 v44, v60  }
0x1fb: {  	v29 =	vmul.f32 v62, v7;
	v2 =	vadd.f32 v20, v2;
	v20 =	vadd.f32 v31, v30  }
0x1fc: {  	v50 =	vmul.f32 v49, v15;
	v51 =	vld [tilespmem:s30+$0xFFFFFFF0];
	v31 =	vmul.f32 v61, v15;
	v32 =	vadd.f32 v32, v45  }
0x1fd: {  	v52 =	vld [tilespmem:s30+$0xF0];
	v0 =	vmax.f32 v0, $0.0e+00;
	v2 =	vadd.f32 v2, v47;
	v20 =	vadd.f32 v20, v29  }
0x1fe: {  	v24 =	vmul.f32 v24, v8;
	[tilespmem:s30+$0x60] =	vst v0;
	v0 =	vld [tilespmem:s30+$0x70];
	v27 =	vadd.f32 v27, v36;
	v31 =	vadd.f32 v32, v31  }
0x1ff: {  	[tilespmem:s12+$0xF0] =	vst v17;
	v29 =	vld [tilespmem:s15+$0x70];
	v28 =	vadd.f32 v28, v38;
	v2 =	vmax.f32 v2, $0.0e+00;
	v20 =	vadd.f32 v20, v50  }
0x200: {  	v19 =	vmul.f32 v19, v16;
	v1 =	vadd.f32 v1, v22;
	v30 =	vld [tilespmem:s30+$0xFFFFFF70];
	[tilespmem:s30+$0xFFFFFF60] =	vst v2;
	v2 =	vmax.f32 v31, $0.0e+00  }
0x201: {  	v24 =	vadd.f32 v27, v24;
	v23 =	vadd.f32 v28, v23;
	v27 =	vld [tilespmem:s15+$0xFFFFFF70];
	v20 =	vmax.f32 v20, $0.0e+00;
	[tilespmem:s30+$0xFFFFFFE0] =	vst v2  }
0x202: {  	v17 =	vmul.f32 v62, v8;
	v25 =	vmul.f32 v25, v16;
	v22 =	vld [tilespmem:s15+$0xFFFFFFF0];
	[tilespmem:s30+$0xE0] =	vst v20  }
0x203: {  	v1 =	vmax.f32 v1, $0.0e+00;
	v2 =	vmax.f32 v18, $0.0e+00;
	v19 =	vadd.f32 v23, v19;
	v23 =	vld [tilespmem:s15+$0xF0]  }
0x204: {  	v18 =	vadd.f32 v24, v25;
	v0 =	vadd.f32 v29, v0;
	v20 =	vmul.f32 v43, v8  }
0x205: {  	v24 =	vmax.f32 v26, $0.0e+00;
	v25 =	vmul.f32 v58, v8;
	[tilespmem:s12+$0xFFFFFFF0] =	vst v2;
	v2 =	vmul.f32 v57, v16  }
0x206: {  	[tilespmem:s12+$0xFFFFFF70] =	vst v21;
	v0 =	vadd.f32 v0, v20;
	v20 =	vmul.f32 v46, v8;
	v21 =	vadd.f32 v27, v30  }
0x207: {  	v18 =	vmax.f32 v18, $0.0e+00;
	v62 =	vld [tilespmem:$0x1FFD0];
	[tilespmem:s29+$0x70] =	vst v24;
	v24 =	vmul.f32 v48, v16;
	v22 =	vadd.f32 v22, v51  }
0x208: {  	v19 =	vmax.f32 v19, $0.0e+00;
	v20 =	vadd.f32 v21, v20;
	v21 =	vadd.f32 v23, v52  }
0x209: {  	[tilespmem:s29+$0xFFFFFF70] =	vst v1;
	v0 =	vadd.f32 v0, v2;
	v2 =	vmul.f32 v61, v16;
	v1 =	vadd.f32 v22, v25  }
0x20a: {  	[tilespmem:s29+$0xFFFFFFF0] =	vst v18;
	v18 =	vadd.f32 v20, v24;
	v17 =	vadd.f32 v21, v17;
	v20 =	vmul.f32 v49, v16  }
0x20b: {  	[tilespmem:s29+$0xF0] =	vst v19;
	v0 =	vmax.f32 v0, $0.0e+00;
	v1 =	vadd.f32 v1, v2  }
0x20c: {  	[tilespmem:s30+$0x70] =	vst v0;
	v0 =	vmax.f32 v18, $0.0e+00;
	v2 =	vadd.f32 v17, v20  }
0x20d: {  	[tilespmem:s30+$0xFFFFFF70] =	vst v0;
	v0 =	vmax.f32 v1, $0.0e+00  }
0x20e: {  	p0 =	seq.s32 s13, $0x0;
	[tilespmem:s30+$0xFFFFFFF0] =	vst v0;
	v0 =	vmax.f32 v2, $0.0e+00  }
0x20f: {  	s11 =	simm.s32 $0x13DF8;
	s1 =	simm.s32 @!p0 $0x9;
	s12 =	simm.s32 $0x13CA8;
	[tilespmem:s30+$0xF0] =	vst v0  }
0x210: {  	[spmem:s2] =	stream.indirect.scatter.add.f32 [tilespmem:s11], [sflag:$0x7], $0x80, s12, s19, $0xb8;
	[tilespmem:$0x1E6F8] =	vst v63  }
0x211: {  	s12 =	smul.u32 $0xA8, s13;
	_ =	swait.ge @!p0 [sflag:s1], $0x1C00  }
0x212: {  	s15 =	rddreg [dreg:$0x16]  }
0x213: {  	s11 =	sadd.s32 s12, s15  }
0x214: {  	[sflag:s1] =	ssyncset.done @!p0 $0x0;
	s11 =	sshrl.u32 s11, $0x3  }
0x215: {  	[sflag:s1] =	ssyncadd.s32 @!p0 $0xFFFFE400;
	s15 =	simm.s32 $0x0;
	s21 =	sadd.s32 s7, s11  }
0x216: {  	[tilespmem:s24], [sflag:$0x3] =	stream.linear.gather [hbm4b:s21+s15], $0x38, $0x38;
	[tilespmem:$0x1E6F8] =	vst v63  }
0x217: {  	s21 =	sadd.s32 s8, s11  }
0x218: {  	[tilespmem:s25], [sflag:$0x3] =	stream.linear.gather [hbm4b:s21+s15], $0x38, $0x38;
	[tilespmem:$0x1E6F8] =	vst v63  }
0x219: {  	s11 =	sadd.s32 s9, s11  }
0x21a: {  	[tilespmem:s26], [sflag:$0x3] =	stream.linear.gather [hbm4b:s11+s15], $0x38, $0x38;
	[tilespmem:$0x1E6F8] =	vst v63  }
0x21b: {  	_ =	swait.ge [sflag:s28], $0x38  }
0x21c: {  	[sflag:s28] =	ssyncset.done $0x0  }
0x21d: {  	[sflag:s28] =	ssyncadd.s32 $0xFFFFFFC8  }
0x21e: {  	_ =	swait.ge [sflag:s28], $0x38  }
0x21f: {  	[sflag:s28] =	ssyncset.done $0x0  }
0x220: {  	[sflag:s28] =	ssyncadd.s32 $0xFFFFFFC8  }
0x221: {  	_ =	swait.ge [sflag:s28], $0x38  }
0x222: {  	[sflag:s28] =	ssyncset.done $0x0  }
0x223: {  	s21 =	simm.s32 $0x2;
	[sflag:s28] =	ssyncadd.s32 $0xFFFFFFC8  }
0x224: {  	[tilespmem:s0], [sflag:$0x6] =	stream.indirect.gather [hbm4b:s5+s19], $0x80, s24, s19, $0xb8;
	[tilespmem:$0x1E6F8] =	vst v63  }
0x225: {  	v0 =	vmov s21;
	s11 =	simm.s32 $0x1C9F8  }
0x226: {  	v0 =	vand.u32 $0xFFFFFFFE, v0;
	[tilespmem:s11], [sflag:$0x6] =	stream.indirect.gather [hbm4b:s6+s19], $0x80, s25, s19, $0xb8;
	[tilespmem:$0x1E6F8] =	vst v63  }
0x227: {  	v0 =	vbroadcast v0, $0x0;
	_ =	swait.ge [sflag:s3], $0x1C00  }
0x228: {  	[sflag:s3] =	ssyncset.done $0x0  }
0x229: {  	[sflag:s3] =	ssyncadd.s32 $0xFFFFE400  }
0x22a: {  	_ =	swait.ge [sflag:s3], $0x1C00  }
0x22b: {  	v1 =	vmov s15;
	s15 =	simm.s32 $0x1;
	[sflag:s3] =	ssyncset.done $0x0  }
0x22c: {  	v17 =	vmov s15;
	[sflag:s3] =	ssyncadd.s32 $0xFFFFE400  }
0x22d: {  	s1 =	simm.s32 $0x15BE8;
	v17 =	vand.u32 $0xFFFFFFFD, v17;
	v0 =	vld.idx.msk [tilespmem:v0+s17+$0x0], $0xffff  }
0x22e: {  	s31 =	simm.s32 $0x1AFE8;
	v17 =	vbroadcast v17, $0x0;
	v2 =	vld [tilespmem:s1+$0xFFFFFF10]  }
0x22f: {  	v1 =	vand.u32 $0xFFFFFFFC, v1;
	v18 =	vld [tilespmem:s31+$0xFFFFFF10]  }
0x230: {  	v1 =	vbroadcast v1, $0x0;
	_ =	sdelay $0x2  }
0x231: {  	v31 =	vmax.f32 v0, $0.0e+00  }
0x232: {  	v17 =	vld.idx.msk [tilespmem:v17+s17+$0x0], $0xffff;
	v2 =	vadd.f32 v18, v2;
	v18 =	vmul.f32 v31, v62  }
0x233: {  	v19 =	vld [tilespmem:s31+$0xFFFFFE10];
	v30 =	vmin.f32 v0, $0.0e+00  }
0x234: {  	v0 =	vld.idx.msk [tilespmem:v1+s17+$0x0], $0xffff;
	v1 =	vadd.f32 v2, v18;
	v2 =	vmul.f32 v30, v9  }
0x235: {  	v20 =	vld [tilespmem:s1+$0xFFFFFE90]  }
0x236: {  	s21 =	simm.s32 $0x3;
	v18 =	vld [tilespmem:s1+$0xFFFFFE10];
	v1 =	vadd.f32 v1, v2  }
0x237: {  	v22 =	vld [tilespmem:s31+$0xFFFFFE90];
	v2 =	vmov s21  }
0x238: {  	v1 =	vmax.f32 v1, $0.0e+00  }
0x239: {  	[tilespmem:s1+$0xFFFFFF10] =	vst v1;
	v1 =	vld [tilespmem:s1+$0xFFFFFF20]  }
0x23a: {  	v32 =	vmax.f32 v0, $0.0e+00;
	v23 =	vld [tilespmem:s31+$0xFFFFFF20]  }
0x23b: {  	v24 =	vld [tilespmem:s1+$0xFFFFFF90];
	v21 =	vmax.f32 v17, $0.0e+00;
	v18 =	vadd.f32 v19, v18;
	v19 =	vmul.f32 v32, v62  }
0x23c: {  	v20 =	vadd.f32 v22, v20;
	v22 =	vmul.f32 v21, v62;
	v2 =	vld.idx.msk [tilespmem:v2+s17+$0x0], $0xffff  }
0x23d: {  	v36 =	vmin.f32 v0, $0.0e+00;
	v0 =	vld [tilespmem:s31+$0xFFFFFF90];
	v19 =	vadd.f32 v18, v19;
	v18 =	vmin.f32 v17, $0.0e+00  }
0x23e: {  	v20 =	vadd.f32 v20, v22;
	v25 =	vmul.f32 v36, v9;
	v22 =	vmul.f32 v18, v9  }
0x23f: {  	v17 =	vmul.f32 v31, v3;
	v1 =	vadd.f32 v23, v1  }
0x240: {  	v19 =	vadd.f32 v19, v25;
	v20 =	vadd.f32 v20, v22  }
0x241: {  	v38 =	vmax.f32 v2, $0.0e+00;
	v1 =	vadd.f32 v1, v17;
	v17 =	vmul.f32 v30, v10  }
0x242: {  	v26 =	vld [tilespmem:s1+$0xFFFFFEA0];
	v0 =	vadd.f32 v0, v24;
	v19 =	vmax.f32 v19, $0.0e+00;
	v22 =	vmul.f32 v38, v62  }
0x243: {  	v23 =	vld [tilespmem:s1+$0xFFFFFE20];
	[tilespmem:s1+$0xFFFFFE10] =	vst v19;
	v1 =	vadd.f32 v1, v17;
	v17 =	vmin.f32 v2, $0.0e+00;
	v2 =	vmax.f32 v20, $0.0e+00  }
0x244: {  	v0 =	vadd.f32 v0, v22;
	v22 =	vld [tilespmem:s31+$0xFFFFFE20];
	[tilespmem:s1+$0xFFFFFE90] =	vst v2  }
0x245: {  	v20 =	vmul.f32 v17, v9;
	v1 =	vmax.f32 v1, $0.0e+00;
	v2 =	vld [tilespmem:s31+$0xFFFFFEA0]  }
0x246: {  	[tilespmem:s1+$0xFFFFFF20] =	vst v1;
	v1 =	vld [tilespmem:s1+$0xFFFFFF30]  }
0x247: {  	v0 =	vadd.f32 v0, v20;
	v20 =	vld [tilespmem:s31+$0xFFFFFF30];
	_ =	sdelay $0x1  }
0x248: {  	v0 =	vmax.f32 v0, $0.0e+00  }
0x249: {  	v25 =	vld [tilespmem:s1+$0xFFFFFFA0];
	[tilespmem:s1+$0xFFFFFF90] =	vst v0;
	v0 =	vadd.f32 v22, v23;
	v22 =	vmul.f32 v32, v3  }
0x24a: {  	v23 =	vld [tilespmem:s31+$0xFFFFFFA0];
	v2 =	vadd.f32 v2, v26;
	v26 =	vmul.f32 v21, v3  }
0x24b: {  	v0 =	vadd.f32 v0, v22;
	v22 =	vmul.f32 v36, v10;
	v1 =	vadd.f32 v20, v1  }
0x24c: {  	v20 =	vmul.f32 v31, v4;
	v2 =	vadd.f32 v2, v26;
	v26 =	vmul.f32 v18, v10  }
0x24d: {  	v0 =	vadd.f32 v0, v22  }
0x24e: {  	v1 =	vadd.f32 v1, v20;
	v20 =	vmul.f32 v30, v11;
	v2 =	vadd.f32 v2, v26  }
0x24f: {  	v24 =	vld [tilespmem:s1+$0xFFFFFE30];
	v23 =	vadd.f32 v23, v25;
	v25 =	vmul.f32 v38, v3;
	v0 =	vmax.f32 v0, $0.0e+00  }
0x250: {  	v19 =	vld [tilespmem:s1+$0xFFFFFEB0];
	v1 =	vadd.f32 v1, v20;
	[tilespmem:s1+$0xFFFFFE20] =	vst v0;
	v0 =	vmax.f32 v2, $0.0e+00  }
0x251: {  	v20 =	vadd.f32 v23, v25;
	v23 =	vmul.f32 v17, v10;
	v25 =	vld [tilespmem:s31+$0xFFFFFE30];
	[tilespmem:s1+$0xFFFFFEA0] =	vst v0  }
0x252: {  	v0 =	vmax.f32 v1, $0.0e+00;
	v1 =	vld [tilespmem:s31+$0xFFFFFEB0]  }
0x253: {  	[tilespmem:s1+$0xFFFFFF30] =	vst v0;
	v0 =	vadd.f32 v20, v23;
	v20 =	vld [tilespmem:s1+$0xFFFFFF40]  }
0x254: {  	v23 =	vld [tilespmem:s31+$0xFFFFFF40]  }
0x255: {  	v0 =	vmax.f32 v0, $0.0e+00  }
0x256: {  	v27 =	vld [tilespmem:s1+$0xFFFFFFB0];
	[tilespmem:s1+$0xFFFFFFA0] =	vst v0;
	v0 =	vadd.f32 v25, v24;
	v24 =	vmul.f32 v32, v4  }
0x257: {  	v25 =	vld [tilespmem:s31+$0xFFFFFFB0];
	v1 =	vadd.f32 v1, v19;
	v19 =	vmul.f32 v21, v4  }
0x258: {  	v54 =	vmul.f32 v18, v11;
	v0 =	vadd.f32 v0, v24;
	v24 =	vmul.f32 v36, v11  }
0x259: {  	v1 =	vadd.f32 v1, v19;
	v19 =	vadd.f32 v23, v20;
	v20 =	vmul.f32 v31, v5  }
0x25a: {  	v0 =	vadd.f32 v0, v24  }
0x25b: {  	v23 =	vmul.f32 v38, v4;
	v1 =	vadd.f32 v1, v54;
	v19 =	vadd.f32 v19, v20  }
0x25c: {  	v20 =	vmul.f32 v30, v12;
	v24 =	vadd.f32 v25, v27;
	v0 =	vmax.f32 v0, $0.0e+00  }
0x25d: {  	v28 =	vld [tilespmem:s1+$0xFFFFFE40];
	[tilespmem:s1+$0xFFFFFE30] =	vst v0;
	v0 =	vmax.f32 v1, $0.0e+00  }
0x25e: {  	v29 =	vld [tilespmem:s1+$0xFFFFFEC0];
	v1 =	vadd.f32 v19, v20;
	v20 =	vmul.f32 v17, v11;
	v19 =	vadd.f32 v24, v23  }
0x25f: {  	v23 =	vld [tilespmem:s31+$0xFFFFFE40];
	[tilespmem:s1+$0xFFFFFEB0] =	vst v0  }
0x260: {  	v0 =	vld [tilespmem:s31+$0xFFFFFEC0];
	v1 =	vmax.f32 v1, $0.0e+00;
	v19 =	vadd.f32 v19, v20  }
0x261: {  	[tilespmem:s1+$0xFFFFFF40] =	vst v1;
	v1 =	vld [tilespmem:s1+$0xFFFFFF50]  }
0x262: {  	v20 =	vld [tilespmem:s31+$0xFFFFFF50];
	v19 =	vmax.f32 v19, $0.0e+00  }
0x263: {  	v22 =	vld [tilespmem:s1+$0xFFFFFFC0];
	[tilespmem:s1+$0xFFFFFFB0] =	vst v19  }
0x264: {  	v19 =	vadd.f32 v23, v28;
	v23 =	vmul.f32 v32, v5;
	v24 =	vld [tilespmem:s31+$0xFFFFFFC0]  }
0x265: {  	v53 =	vld [tilespmem:s1+$0xFFFFFFD0];
	v25 =	vmul.f32 v17, v12;
	v27 =	vmul.f32 v36, v12  }
0x266: {  	s29 =	simm.s32 $0x15DE8;
	v37 =	vld [tilespmem:s1+$0xFFFFFE60];
	v28 =	vmul.f32 v21, v5;
	v0 =	vadd.f32 v0, v29;
	v19 =	vadd.f32 v19, v23  }
0x267: {  	s11 =	simm.s32 $0x1B1E8;
	v56 =	vld [tilespmem:s29+$0xFFFFFF10];
	v23 =	vmul.f32 v38, v5;
	v1 =	vadd.f32 v20, v1;
	v20 =	vmul.f32 v31, v63  }
0x268: {  	v57 =	vld [tilespmem:s11+$0xFFFFFF10];
	v0 =	vadd.f32 v0, v28;
	v28 =	vmul.f32 v18, v12;
	v19 =	vadd.f32 v19, v27  }
0x269: {  	s15 =	simm.s32 $0x6;
	v58 =	vld [tilespmem:s11+$0xFFFFFE10];
	v1 =	vadd.f32 v1, v20;
	v20 =	vmul.f32 v30, v13;
	v22 =	vadd.f32 v24, v22  }
0x26a: {  	v41 =	vld [tilespmem:s29+$0xFFFFFF90];
	v0 =	vadd.f32 v0, v28;
	v19 =	vmax.f32 v19, $0.0e+00;
	v24 =	vmov s15  }
0x26b: {  	v51 =	vld [tilespmem:s11+$0xFFFFFF90];
	v1 =	vadd.f32 v1, v20;
	v20 =	vand.u32 $0xFFFFFFFE, v24;
	v22 =	vadd.f32 v22, v23  }
0x26c: {  	s21 =	simm.s32 $0x4;
	v26 =	vld [tilespmem:s1+$0xFFFFFE50];
	[tilespmem:s1+$0xFFFFFE40] =	vst v19;
	v0 =	vmax.f32 v0, $0.0e+00;
	v19 =	vbroadcast v20, $0x0  }
0x26d: {  	v2 =	vld [tilespmem:s1+$0xFFFFFED0];
	s15 =	simm.s32 $0x5;
	[tilespmem:s1+$0xFFFFFEC0] =	vst v0;
	v1 =	vmax.f32 v1, $0.0e+00;
	v0 =	vadd.f32 v22, v25;
	v22 =	vmov s21  }
0x26e: {  	v24 =	vld [tilespmem:s1+$0xFFFFFF60];
	[tilespmem:s1+$0xFFFFFF50] =	vst v1;
	s21 =	simm.s32 $0x7;
	v1 =	vand.u32 $0xFFFFFFFC, v22;
	v22 =	vmov s15  }
0x26f: {  	v20 =	vld [tilespmem:s31+$0xFFFFFE50];
	v25 =	vmov s21;
	v0 =	vmax.f32 v0, $0.0e+00;
	v1 =	vbroadcast v1, $0x0  }
0x270: {  	v22 =	vand.u32 $0xFFFFFFFD, v22;
	[tilespmem:s1+$0xFFFFFFC0] =	vst v0;
	v0 =	vld [tilespmem:s31+$0xFFFFFF60]  }
0x271: {  	v23 =	vld [tilespmem:s31+$0xFFFFFED0];
	v22 =	vbroadcast v22, $0x0  }
0x272: {  	v55 =	vld [tilespmem:s31+$0xFFFFFFD0]  }
0x273: {  	v19 =	vld.idx.msk [tilespmem:v19+s17+$0x0], $0xffff  }
0x274: {  	v20 =	vadd.f32 v20, v26;
	v44 =	vld.idx.msk [tilespmem:v25+s17+$0x0], $0xffff;
	v25 =	vmul.f32 v32, v63  }
0x275: {  	v41 =	vadd.f32 v51, v41;
	v0 =	vadd.f32 v0, v24;
	v24 =	vmul.f32 v31, v6;
	v1 =	vld.idx.msk [tilespmem:v1+s17+$0x0], $0xffff  }
0x276: {  	v42 =	vmul.f32 v18, v13;
	v26 =	vmul.f32 v36, v13;
	v20 =	vadd.f32 v20, v25;
	v25 =	vld [tilespmem:s29+$0xFFFFFE10]  }
0x277: {  	v2 =	vadd.f32 v23, v2;
	v47 =	vld.idx.msk [tilespmem:v22+s17+$0x0], $0xffff;
	v22 =	vmul.f32 v30, v14;
	v0 =	vadd.f32 v0, v24  }
0x278: {  	v35 =	vld [tilespmem:s1+$0xFFFFFEE0];
	v27 =	vmax.f32 v19, $0.0e+00;
	v24 =	vmul.f32 v21, v63;
	v20 =	vadd.f32 v20, v26  }
0x279: {  	v60 =	vld [tilespmem:s11+$0xFFFFFE90];
	v59 =	vmul.f32 v27, v62;
	v0 =	vadd.f32 v0, v22;
	v22 =	vadd.f32 v57, v56  }
0x27a: {  	v23 =	vld [tilespmem:s29+$0xFFFFFE90];
	v40 =	vadd.f32 v55, v53;
	v26 =	vmin.f32 v19, $0.0e+00;
	v2 =	vadd.f32 v2, v24  }
0x27b: {  	v33 =	vld [tilespmem:s1+$0xFFFFFFE0];
	v24 =	vmax.f32 v20, $0.0e+00;
	v19 =	vadd.f32 v22, v59;
	v22 =	vmul.f32 v26, v9  }
0x27c: {  	v39 =	vld [tilespmem:s1+$0xFFFFFFF0];
	v20 =	vmax.f32 v1, $0.0e+00;
	v25 =	vadd.f32 v58, v25;
	[tilespmem:s1+$0xFFFFFE50] =	vst v24;
	v0 =	vmax.f32 v0, $0.0e+00  }
0x27d: {  	v49 =	vld [tilespmem:s1+$0xFFFFFF70];
	v61 =	vmul.f32 v20, v62;
	v24 =	vmax.f32 v47, $0.0e+00;
	[tilespmem:s1+$0xFFFFFF60] =	vst v0;
	v22 =	vadd.f32 v19, v22  }
0x27e: {  	v2 =	vadd.f32 v2, v42;
	v0 =	vmul.f32 v38, v63;
	v57 =	vmul.f32 v24, v62;
	v48 =	vld [tilespmem:s31+$0xFFFFFF70]  }
0x27f: {  	v34 =	vld [tilespmem:s1+$0xFFFFFE70];
	v56 =	vmax.f32 v22, $0.0e+00;
	v22 =	vmin.f32 v1, $0.0e+00;
	v1 =	vadd.f32 v60, v23  }
0x280: {  	v46 =	vld [tilespmem:s1+$0xFFFFFEF0];
	v50 =	vadd.f32 v25, v61;
	v25 =	vmin.f32 v47, $0.0e+00;
	v58 =	vmul.f32 v22, v9  }
0x281: {  	v47 =	vld [tilespmem:s29+$0xFFFFFF20];
	v59 =	vmul.f32 v25, v9;
	v23 =	vmax.f32 v44, $0.0e+00;
	[tilespmem:s29+$0xFFFFFF10] =	vst v56;
	v1 =	vadd.f32 v1, v57  }
0x282: {  	v19 =	vmin.f32 v44, $0.0e+00;
	v56 =	vmul.f32 v23, v62;
	v60 =	vld [tilespmem:s11+$0xFFFFFF20];
	v50 =	vadd.f32 v50, v58  }
0x283: {  	v52 =	vld [tilespmem:s29+$0xFFFFFEA0];
	v61 =	vmul.f32 v31, v7;
	v48 =	vadd.f32 v48, v49;
	v1 =	vadd.f32 v1, v59  }
0x284: {  	v54 =	vld [tilespmem:s29+$0xFFFFFE20];
	v41 =	vadd.f32 v41, v56;
	v58 =	vmul.f32 v19, v9;
	v50 =	vmax.f32 v50, $0.0e+00  }
0x285: {  	v53 =	vld [tilespmem:s31+$0xFFFFFE60];
	v57 =	vmul.f32 v30, v15;
	v48 =	vadd.f32 v48, v61;
	[tilespmem:s29+$0xFFFFFE10] =	vst v50;
	v1 =	vmax.f32 v1, $0.0e+00  }
0x286: {  	v2 =	vmax.f32 v2, $0.0e+00;
	v0 =	vadd.f32 v40, v0;
	v41 =	vadd.f32 v41, v58;
	v55 =	vld [tilespmem:s11+$0xFFFFFE20];
	[tilespmem:s29+$0xFFFFFE90] =	vst v1  }
0x287: {  	v59 =	vmul.f32 v27, v3;
	v1 =	vadd.f32 v48, v57;
	v44 =	vadd.f32 v60, v47;
	v40 =	vld [tilespmem:s11+$0xFFFFFEA0]  }
0x288: {  	v45 =	vld [tilespmem:s1+$0xFFFFFE80];
	v31 =	vmul.f32 v31, v8;
	v60 =	vmul.f32 v17, v13;
	v56 =	vmax.f32 v41, $0.0e+00  }
0x289: {  	v43 =	vld [tilespmem:s29+$0xFFFFFFA0];
	v61 =	vmul.f32 v26, v10;
	[tilespmem:s29+$0xFFFFFF90] =	vst v56;
	v1 =	vmax.f32 v1, $0.0e+00;
	v44 =	vadd.f32 v44, v59  }
0x28a: {  	v49 =	vld [tilespmem:s1+$0xFFFFFF80];
	v58 =	vmul.f32 v32, v6;
	v0 =	vadd.f32 v0, v60;
	[tilespmem:s1+$0xFFFFFF70] =	vst v1;
	v1 =	vadd.f32 v53, v37  }
0x28b: {  	v60 =	vmul.f32 v20, v3;
	v53 =	vld [tilespmem:s11+$0xFFFFFFA0];
	v57 =	vadd.f32 v44, v61;
	v59 =	vadd.f32 v55, v54  }
0x28c: {  	v37 =	vld [tilespmem:s31+$0xFFFFFF80];
	v61 =	vmul.f32 v24, v3;
	v1 =	vadd.f32 v1, v58;
	v40 =	vadd.f32 v40, v52  }
0x28d: {  	v51 =	vld [tilespmem:s29+$0xFFFFFE30];
	v58 =	vmul.f32 v22, v10;
	v41 =	vmax.f32 v57, $0.0e+00;
	v57 =	vadd.f32 v59, v60  }
0x28e: {  	v30 =	vmul.f32 v30, v16;
	v52 =	vld [tilespmem:s29+$0xFFFFFF30];
	[tilespmem:s29+$0xFFFFFF20] =	vst v41;
	v60 =	vmul.f32 v25, v10;
	v40 =	vadd.f32 v40, v61  }
0x28f: {  	v0 =	vmax.f32 v0, $0.0e+00;
	v59 =	vmul.f32 v36, v14;
	v44 =	vld [tilespmem:s11+$0xFFFFFF30];
	v42 =	vadd.f32 v57, v58  }
0x290: {  	v29 =	vld [tilespmem:s1+$0x0];
	v43 =	vadd.f32 v53, v43;
	v53 =	vmul.f32 v23, v3;
	v40 =	vadd.f32 v40, v60  }
0x291: {  	v28 =	vld [tilespmem:s1+$0xFFFFFF00];
	s15 =	simm.s32 $0x8;
	v1 =	vadd.f32 v1, v59;
	v37 =	vadd.f32 v37, v49;
	v61 =	vmax.f32 v42, $0.0e+00  }
0x292: {  	v50 =	vld [tilespmem:s29+$0xFFFFFEB0];
	v59 =	vmul.f32 v20, v4;
	v60 =	vmov s15;
	[tilespmem:s29+$0xFFFFFE20] =	vst v61;
	v40 =	vmax.f32 v40, $0.0e+00  }
0x293: {  	v43 =	vadd.f32 v43, v53;
	v1 =	vmax.f32 v1, $0.0e+00;
	v61 =	vmul.f32 v19, v10;
	v57 =	vld [tilespmem:s11+$0xFFFFFE30];
	[tilespmem:s29+$0xFFFFFEA0] =	vst v40  }
0x294: {  	s21 =	simm.s32 $0xB;
	[tilespmem:s1+$0xFFFFFED0] =	vst v2;
	v56 =	vand.u32 $0xFFFFFFFC, v60;
	v60 =	vmul.f32 v27, v4;
	v44 =	vadd.f32 v44, v52;
	v58 =	vld [tilespmem:s11+$0xFFFFFEB0]  }
0x295: {  	v48 =	vld [tilespmem:s29+$0xFFFFFFB0];
	[tilespmem:s1+$0xFFFFFFD0] =	vst v0;
	v42 =	vmov s21;
	s21 =	simm.s32 $0x9;
	v0 =	vadd.f32 v37, v31;
	v43 =	vadd.f32 v43, v61  }
0x296: {  	v37 =	vld [tilespmem:s31+$0xFFFFFEE0];
	v2 =	vmov s21;
	v61 =	vmul.f32 v26, v11;
	v44 =	vadd.f32 v44, v60  }
0x297: {  	[tilespmem:s1+$0xFFFFFE60] =	vst v1;
	v1 =	vmul.f32 v38, v6;
	v0 =	vadd.f32 v0, v30;
	v31 =	vmax.f32 v43, $0.0e+00;
	v43 =	vld [tilespmem:s31+$0xFFFFFFE0]  }
0x298: {  	v47 =	vld [tilespmem:s29+$0xFFFFFE50];
	v52 =	vmul.f32 v17, v14;
	v2 =	vand.u32 $0xFFFFFFFD, v2;
	[tilespmem:s29+$0xFFFFFFA0] =	vst v31;
	v44 =	vadd.f32 v44, v61  }
0x299: {  	v60 =	vmul.f32 v24, v4;
	v31 =	vadd.f32 v57, v51;
	v30 =	vld [tilespmem:s11+$0xFFFFFFB0];
	v50 =	vadd.f32 v58, v50  }
0x29a: {  	v54 =	vld [tilespmem:s29+$0xFFFFFE40];
	v0 =	vmax.f32 v0, $0.0e+00;
	v61 =	vmul.f32 v22, v11;
	v57 =	vmul.f32 v25, v11  }
0x29b: {  	v55 =	vld [tilespmem:s29+$0xFFFFFEC0];
	v44 =	vmax.f32 v44, $0.0e+00;
	v31 =	vadd.f32 v31, v59;
	v50 =	vadd.f32 v50, v60  }
0x29c: {  	v35 =	vadd.f32 v37, v35;
	v51 =	vld [tilespmem:s29+$0xFFFFFF40];
	v58 =	vmul.f32 v21, v6;
	[tilespmem:s29+$0xFFFFFF30] =	vst v44;
	v33 =	vadd.f32 v43, v33  }
0x29d: {  	v44 =	vbroadcast v2, $0x0;
	v31 =	vadd.f32 v31, v61;
	v59 =	vadd.f32 v50, v57;
	v50 =	vld [tilespmem:s11+$0xFFFFFF40]  }
0x29e: {  	v60 =	vmul.f32 v23, v4;
	v35 =	vadd.f32 v35, v58;
	v30 =	vadd.f32 v30, v48;
	v48 =	vld [tilespmem:s31+$0xFFFFFE70]  }
0x29f: {  	v41 =	vld [tilespmem:s29+$0xFFFFFED0];
	v61 =	vmul.f32 v18, v14;
	v1 =	vadd.f32 v33, v1;
	v31 =	vmax.f32 v31, $0.0e+00  }
0x2a0: {  	v49 =	vld [tilespmem:s29+$0xFFFFFFC0];
	[tilespmem:s29+$0xFFFFFE30] =	vst v31;
	v31 =	vmax.f32 v59, $0.0e+00;
	v30 =	vadd.f32 v30, v60;
	v60 =	vmul.f32 v19, v11  }
0x2a1: {  	v43 =	vbroadcast v56, $0x0;
	v56 =	vmul.f32 v27, v5;
	[tilespmem:s29+$0xFFFFFEB0] =	vst v31;
	v31 =	vadd.f32 v35, v61;
	v61 =	vld [tilespmem:s11+$0xFFFFFE40]  }
0x2a2: {  	v57 =	vmul.f32 v32, v7;
	v1 =	vadd.f32 v1, v52;
	v2 =	vld [tilespmem:s11+$0xFFFFFEC0];
	v30 =	vadd.f32 v30, v60  }
0x2a3: {  	v40 =	vld [tilespmem:s29+$0xFFFFFFD0];
	v50 =	vadd.f32 v50, v51;
	v34 =	vadd.f32 v48, v34;
	v31 =	vmax.f32 v31, $0.0e+00  }
0x2a4: {  	v37 =	vld [tilespmem:s29+$0xFFFFFE60];
	v59 =	vmul.f32 v26, v12;
	v1 =	vmax.f32 v1, $0.0e+00;
	v58 =	vmax.f32 v30, $0.0e+00;
	[tilespmem:s1+$0xFFFFFEE0] =	vst v31  }
0x2a5: {  	v31 =	vadd.f32 v50, v56;
	[tilespmem:s29+$0xFFFFFFB0] =	vst v58;
	v51 =	vld [tilespmem:s31+$0xFFFFFEF0];
	v34 =	vadd.f32 v34, v57;
	v57 =	vmul.f32 v36, v15  }
0x2a6: {  	[tilespmem:s1+$0xFFFFFFE0] =	vst v1;
	v58 =	vmul.f32 v24, v5;
	v60 =	vadd.f32 v61, v54;
	v61 =	vmul.f32 v20, v5;
	v1 =	vld [tilespmem:s11+$0xFFFFFFC0]  }
0x2a7: {  	v33 =	vld [tilespmem:s29+$0xFFFFFEE0];
	v54 =	vmul.f32 v38, v7;
	v2 =	vadd.f32 v2, v55;
	v31 =	vadd.f32 v31, v59  }
0x2a8: {  	v35 =	vld [tilespmem:s29+$0xFFFFFFE0];
	v59 =	vmul.f32 v22, v12;
	v48 =	vadd.f32 v34, v57;
	v57 =	vmul.f32 v25, v12  }
0x2a9: {  	v55 =	vmul.f32 v17, v15;
	v52 =	vadd.f32 v60, v61;
	v60 =	vld [tilespmem:s31+$0xFFFFFFF0];
	v61 =	vmul.f32 v18, v15  }
0x2aa: {  	v30 =	vld [tilespmem:s29+$0xFFFFFFF0];
	v2 =	vadd.f32 v2, v58;
	v31 =	vmax.f32 v31, $0.0e+00;
	v58 =	vmul.f32 v21, v7  }
0x2ab: {  	v48 =	vmax.f32 v48, $0.0e+00;
	[tilespmem:s29+$0xFFFFFF40] =	vst v31;
	v46 =	vadd.f32 v51, v46;
	v1 =	vadd.f32 v1, v49;
	v49 =	vld [tilespmem:s29+$0xFFFFFF50]  }
0x2ac: {  	v50 =	vadd.f32 v52, v59;
	v59 =	vmul.f32 v23, v5;
	[tilespmem:s1+$0xFFFFFE70] =	vst v48;
	v52 =	vmul.f32 v22, v13;
	v48 =	vld [tilespmem:s11+$0xFFFFFF50]  }
0x2ad: {  	v51 =	vmul.f32 v25, v13;
	v2 =	vadd.f32 v2, v57;
	v56 =	vld [tilespmem:s31+$0xFFFFFE80];
	v46 =	vadd.f32 v46, v58  }
0x2ae: {  	v34 =	vld [tilespmem:s29+$0xFFFFFE70];
	v53 =	vadd.f32 v60, v39;
	v60 =	vmax.f32 v50, $0.0e+00;
	v1 =	vadd.f32 v1, v59  }
0x2af: {  	v31 =	vld [tilespmem:s29+$0xFFFFFE80];
	v39 =	vmul.f32 v38, v8;
	[tilespmem:s29+$0xFFFFFE40] =	vst v60;
	v46 =	vadd.f32 v46, v61;
	v61 =	vmul.f32 v19, v12  }
0x2b0: {  	v50 =	vmul.f32 v36, v16;
	v2 =	vmax.f32 v2, $0.0e+00;
	v36 =	vadd.f32 v53, v54;
	v53 =	vld [tilespmem:s11+$0xFFFFFE50]  }
0x2b1: {  	[tilespmem:s1+$0xFFFFFF80] =	vst v0;
	v38 =	vld [tilespmem:s29+$0x0];
	v1 =	vadd.f32 v1, v61;
	v48 =	vadd.f32 v48, v49;
	v61 =	vmul.f32 v27, v63  }
0x2b2: {  	v60 =	vmul.f32 v32, v8;
	v32 =	vld [tilespmem:s29+$0xFFFFFEF0];
	[tilespmem:s29+$0xFFFFFEC0] =	vst v2;
	v0 =	vadd.f32 v56, v45;
	v55 =	vadd.f32 v36, v55  }
0x2b3: {  	v54 =	vmul.f32 v20, v63;
	v56 =	vld [tilespmem:s11+$0xFFFFFED0];
	v45 =	vadd.f32 v48, v61;
	v1 =	vmax.f32 v1, $0.0e+00  }
0x2b4: {  	v36 =	vld [tilespmem:s29+$0xFFFFFF00];
	v57 =	vadd.f32 v0, v60;
	[tilespmem:s29+$0xFFFFFFC0] =	vst v1;
	v1 =	vmax.f32 v46, $0.0e+00;
	v59 =	vmax.f32 v55, $0.0e+00  }
0x2b5: {  	s30 =	simm.s32 $0x15DE8;
	s15 =	simm.s32 $0xC;
	s21 =	simm.s32 $0xA;
	v55 =	vmul.f32 v24, v63;
	v58 =	vadd.f32 v53, v47;
	v47 =	vmul.f32 v26, v13;
	[tilespmem:s1+$0xFFFFFEF0] =	vst v1;
	v53 =	vld [tilespmem:s11+$0xFFFFFFD0]  }
.LBB2_7:
0x2b6: {  	v0 =	vmov s21  }
0x2b7: {  	[tilespmem:s1+$0xFFFFFFF0] =	vst v59;
	v48 =	vmul.f32 v19, v13;
	v44 =	vld.idx.msk [tilespmem:v44+s17+$0x0], $0xffff;
	v2 =	vadd.f32 v45, v47;
	v0 =	vand.u32 $0xFFFFFFFE, v0  }
0x2b8: {  	v60 =	vadd.f32 v58, v54;
	v46 =	vadd.f32 v57, v50;
	v61 =	vld [tilespmem:s31+$0x0];
	v0 =	vbroadcast v0, $0x0  }
0x2b9: {  	v57 =	vmul.f32 v18, v16;
	v2 =	vmax.f32 v2, $0.0e+00;
	v1 =	vadd.f32 v56, v41;
	v56 =	vld [tilespmem:s31+$0xFFFFFF00]  }
0x2ba: {  	v58 =	vmul.f32 v17, v16;
	[tilespmem:s29+$0xFFFFFF50] =	vst v2;
	v2 =	vld [tilespmem:s29+$0xFFFFFF60];
	v40 =	vadd.f32 v53, v40;
	v53 =	vmul.f32 v23, v63  }
0x2bb: {  	v45 =	vadd.f32 v60, v52;
	v46 =	vmax.f32 v46, $0.0e+00;
	v49 =	vld [tilespmem:s11+$0xFFFFFF60];
	v1 =	vadd.f32 v1, v55  }
0x2bc: {  	v42 =	vld.idx.msk [tilespmem:v42+s17+$0x0], $0xffff;
	[tilespmem:s1+$0xFFFFFE80] =	vst v46;
	v55 =	vmul.f32 v21, v8;
	v21 =	vmov v24;
	v24 =	vadd.f32 v40, v53  }
0x2bd: {  	v43 =	vld.idx.msk [tilespmem:v43+s17+$0x0], $0xffff;
	v45 =	vmax.f32 v45, $0.0e+00;
	v29 =	vadd.f32 v61, v29;
	v1 =	vadd.f32 v1, v51  }
0x2be: {  	[tilespmem:s29+$0xFFFFFE50] =	vst v45;
	v0 =	vld.idx.msk [tilespmem:v0+s17+$0x0], $0xffff;
	v24 =	vadd.f32 v24, v48;
	v54 =	vadd.f32 v56, v28  }
0x2bf: {  	v18 =	vmovc v25;
	v60 =	vmul.f32 v27, v6;
	s31 =	smov.u32 s11;
	v25 =	vadd.f32 v29, v39;
	v56 =	vld [tilespmem:s11+$0xFFFFFE60];
	s11 =	sadd.s32 $0x200, s11;
	v1 =	vmax.f32 v1, $0.0e+00  }
0x2c0: {  	v2 =	vadd.f32 v49, v2;
	v61 =	vld [tilespmem:s11+$0xFFFFFF10];
	v24 =	vmax.f32 v24, $0.0e+00;
	[tilespmem:s29+$0xFFFFFED0] =	vst v1;
	v1 =	vadd.f32 v54, v55  }
0x2c1: {  	v17 =	vmovc v19;
	v50 =	vmul.f32 v22, v14;
	v19 =	vmin.f32 v42, $0.0e+00;
	v25 =	vadd.f32 v25, v58;
	s29 =	sadd.s32 $0x200, s29;
	[tilespmem:s30+$0xFFFFFFD0] =	vst v24;
	v24 =	vld [tilespmem:s11+$0xFFFFFE10]  }
0x2c2: {  	v48 =	vmul.f32 v26, v14;
	v59 =	vld [tilespmem:s29+$0xFFFFFF10];
	v2 =	vadd.f32 v2, v60;
	v1 =	vadd.f32 v1, v57  }
0x2c3: {  	v28 =	vmovc v36;
	v49 =	vmul.f32 v20, v6;
	v36 =	vmin.f32 v43, $0.0e+00;
	v45 =	vmax.f32 v43, $0.0e+00;
	v63 =	vld [tilespmem:s29+$0xFFFFFE10]  }
0x2c4: {  	v43 =	vmul.f32 v45, v62;
	v52 =	vld [tilespmem:s29+$0xFFFFFF90];
	v2 =	vadd.f32 v2, v48;
	v1 =	vmax.f32 v1, $0.0e+00  }
0x2c5: {  	v47 =	vmax.f32 v0, $0.0e+00;
	v0 =	vmin.f32 v0, $0.0e+00;
	[tilespmem:s1+$0xFFFFFF00] =	vst v1;
	v1 =	vmax.f32 v25, $0.0e+00;
	v25 =	vld [tilespmem:s29+$0xFFFFFE90]  }
0x2c6: {  	v57 =	vmul.f32 v36, v9;
	v40 =	vadd.f32 v56, v37;
	v2 =	vmax.f32 v2, $0.0e+00;
	[tilespmem:s1+$0x0] =	vst v1;
	s1 =	smov.u32 s30;
	v1 =	vld [tilespmem:s11+$0xFFFFFE90]  }
0x2c7: {  	v37 =	vmax.f32 v42, $0.0e+00;
	v51 =	vmul.f32 v47, v62;
	v39 =	vadd.f32 v61, v59;
	[tilespmem:s1+$0xFFFFFF60] =	vst v2;
	v2 =	vld [tilespmem:s1+$0xFFFFFF70]  }
0x2c8: {  	v29 =	vmovc v38;
	v53 =	vmul.f32 v0, v9;
	v40 =	vadd.f32 v40, v49;
	v38 =	vadd.f32 v24, v63;
	v55 =	vld [tilespmem:s11+$0xFFFFFF90]  }
0x2c9: {  	v48 =	vmul.f32 v37, v62;
	v24 =	vmax.f32 v44, $0.0e+00;
	v39 =	vadd.f32 v39, v51;
	v54 =	vld [tilespmem:s31+$0xFFFFFF70]  }
0x2ca: {  	v40 =	vadd.f32 v40, v50;
	v56 =	vmul.f32 v24, v62;
	v38 =	vadd.f32 v38, v43  }
0x2cb: {  	v39 =	vadd.f32 v39, v53;
	v1 =	vadd.f32 v1, v25;
	v25 =	vmin.f32 v44, $0.0e+00  }
0x2cc: {  	v40 =	vmax.f32 v40, $0.0e+00;
	v38 =	vadd.f32 v38, v57;
	v58 =	vmul.f32 v25, v9  }
0x2cd: {  	v49 =	vld [tilespmem:s29+$0xFFFFFE20];
	[tilespmem:s1+$0xFFFFFE60] =	vst v40;
	v39 =	vmax.f32 v39, $0.0e+00;
	v63 =	vadd.f32 v55, v52;
	v1 =	vadd.f32 v1, v56  }
0x2ce: {  	v60 =	vmul.f32 v27, v7;
	v59 =	vld [tilespmem:s29+$0xFFFFFF20];
	v38 =	vmax.f32 v38, $0.0e+00;
	[tilespmem:s29+$0xFFFFFF10] =	vst v39;
	v2 =	vadd.f32 v54, v2  }
0x2cf: {  	[tilespmem:s29+$0xFFFFFE10] =	vst v38;
	v61 =	vld [tilespmem:s11+$0xFFFFFF20];
	v57 =	vadd.f32 v63, v48;
	v1 =	vadd.f32 v1, v58;
	v58 =	vmul.f32 v19, v9  }
0x2d0: {  	v51 =	vmul.f32 v26, v15;
	v46 =	vld [tilespmem:s11+$0xFFFFFE20];
	v2 =	vadd.f32 v2, v60  }
0x2d1: {  	s21 =	sadd.s32 $0x3, s15;
	v41 =	vld [tilespmem:s29+$0xFFFFFEA0];
	v1 =	vmax.f32 v1, $0.0e+00;
	v38 =	vadd.f32 v57, v58  }
0x2d2: {  	v42 =	vmov s21;
	s21 =	sadd.s32 $0x1, s15;
	v50 =	vld [tilespmem:s29+$0xFFFFFFA0];
	[tilespmem:s29+$0xFFFFFE90] =	vst v1;
	v1 =	vadd.f32 v2, v51  }
0x2d3: {  	v60 =	vmov s21;
	v2 =	vmov s15;
	v40 =	vld [tilespmem:s11+$0xFFFFFEA0];
	v38 =	vmax.f32 v38, $0.0e+00  }
0x2d4: {  	v53 =	vld [tilespmem:s29+$0xFFFFFE30];
	v39 =	vadd.f32 v61, v59;
	v59 =	vmul.f32 v47, v3;
	v1 =	vmax.f32 v1, $0.0e+00;
	[tilespmem:s29+$0xFFFFFF90] =	vst v38  }
0x2d5: {  	v57 =	vmul.f32 v45, v3;
	v2 =	vand.u32 $0xFFFFFFFC, v2;
	v46 =	vadd.f32 v46, v49;
	[tilespmem:s1+$0xFFFFFF70] =	vst v1;
	v1 =	vld [tilespmem:s1+$0xFFFFFF80]  }
0x2d6: {  	v61 =	vmul.f32 v0, v10;
	v43 =	vbroadcast v2, $0x0;
	v2 =	vadd.f32 v39, v59;
	v49 =	vld [tilespmem:s11+$0xFFFFFFA0]  }
0x2d7: {  	v63 =	vand.u32 $0xFFFFFFFD, v60;
	v60 =	vmul.f32 v36, v10;
	v59 =	vadd.f32 v46, v57;
	v62 =	vld [tilespmem:s31+$0xFFFFFF80]  }
0x2d8: {  	v55 =	vld [tilespmem:s29+$0xFFFFFFB0];
	v58 =	vmul.f32 v24, v3;
	v2 =	vadd.f32 v2, v61;
	v40 =	vadd.f32 v40, v41  }
0x2d9: {  	v52 =	vld [tilespmem:s29+$0xFFFFFEC0];
	v44 =	vbroadcast v63, $0x0;
	v39 =	vadd.f32 v59, v60  }
0x2da: {  	v54 =	vld [tilespmem:s29+$0xFFFFFEB0];
	v61 =	vmul.f32 v25, v10;
	v2 =	vmax.f32 v2, $0.0e+00;
	v40 =	vadd.f32 v40, v58  }
0x2db: {  	v39 =	vmax.f32 v39, $0.0e+00;
	[tilespmem:s29+$0xFFFFFF20] =	vst v2;
	v2 =	vld [tilespmem:s29+$0xFFFFFF30];
	v49 =	vadd.f32 v49, v50;
	v58 =	vmul.f32 v37, v3  }
0x2dc: {  	[tilespmem:s29+$0xFFFFFE20] =	vst v39;
	v1 =	vadd.f32 v62, v1;
	v62 =	vmul.f32 v27, v8;
	v63 =	vld [tilespmem:s11+$0xFFFFFF30];
	v40 =	vadd.f32 v40, v61  }
0x2dd: {  	v50 =	vld [tilespmem:s11+$0xFFFFFE30];
	v60 =	vadd.f32 v49, v58;
	v61 =	vmul.f32 v19, v10  }
0x2de: {  	v51 =	vld [tilespmem:s29+$0xFFFFFE40];
	v59 =	vmul.f32 v26, v16;
	v26 =	vmovc v0;
	v1 =	vadd.f32 v1, v62;
	v0 =	vmax.f32 v40, $0.0e+00  }
0x2df: {  	v38 =	vld [tilespmem:s29+$0xFFFFFFC0];
	v49 =	vadd.f32 v60, v61;
	[tilespmem:s29+$0xFFFFFEA0] =	vst v0  }
0x2e0: {  	v48 =	vmul.f32 v23, v7;
	v27 =	vmov v47;
	v0 =	vadd.f32 v1, v59;
	v1 =	vld [tilespmem:s11+$0xFFFFFEB0]  }
0x2e1: {  	v46 =	vld [tilespmem:s29+$0xFFFFFE50];
	v62 =	vmul.f32 v27, v4;
	v2 =	vadd.f32 v63, v2;
	v63 =	vmax.f32 v49, $0.0e+00  }
0x2e2: {  	v56 =	vmul.f32 v26, v11;
	v59 =	vld [tilespmem:s31+$0xFFFFFEE0];
	v50 =	vadd.f32 v50, v53;
	v53 =	vmul.f32 v45, v4;
	[tilespmem:s29+$0xFFFFFFA0] =	vst v63  }
0x2e3: {  	v39 =	vmul.f32 v23, v8;
	v0 =	vmax.f32 v0, $0.0e+00;
	v2 =	vadd.f32 v2, v62;
	v60 =	vld [tilespmem:s31+$0xFFFFFFE0]  }
0x2e4: {  	[tilespmem:s1+$0xFFFFFF80] =	vst v0;
	v0 =	vmul.f32 v23, v6;
	v61 =	vld [tilespmem:s11+$0xFFFFFFB0];
	v50 =	vadd.f32 v50, v53;
	v53 =	vmul.f32 v36, v11  }
0x2e5: {  	v41 =	vld [tilespmem:s29+$0xFFFFFED0];
	v23 =	vmovc v37;
	v2 =	vadd.f32 v2, v56;
	v1 =	vadd.f32 v1, v54;
	v54 =	vmul.f32 v24, v4  }
0x2e6: {  	v57 =	vmul.f32 v17, v14;
	v63 =	vld [tilespmem:s29+$0xFFFFFEE0];
	v62 =	vmul.f32 v23, v4  }
0x2e7: {  	v50 =	vadd.f32 v50, v53;
	v2 =	vmax.f32 v2, $0.0e+00;
	v1 =	vadd.f32 v1, v54;
	v54 =	vld [tilespmem:s29+$0xFFFFFFE0]  }
0x2e8: {  	v56 =	vmul.f32 v25, v11;
	v53 =	vmul.f32 v21, v6;
	[tilespmem:s29+$0xFFFFFF30] =	vst v2;
	v2 =	vld [tilespmem:s29+$0xFFFFFF40];
	v35 =	vadd.f32 v60, v35  }
0x2e9: {  	v33 =	vadd.f32 v59, v33;
	v50 =	vmax.f32 v50, $0.0e+00;
	v55 =	vadd.f32 v61, v55;
	v60 =	vld [tilespmem:s31+$0xFFFFFE70]  }
0x2ea: {  	v59 =	vmul.f32 v18, v14;
	[tilespmem:s29+$0xFFFFFE30] =	vst v50;
	v1 =	vadd.f32 v1, v56;
	v56 =	vld [tilespmem:s11+$0xFFFFFF40];
	v0 =	vadd.f32 v35, v0  }
0x2eb: {  	v53 =	vadd.f32 v33, v53;
	v35 =	vadd.f32 v55, v62;
	v55 =	vmul.f32 v19, v11;
	v62 =	vld [tilespmem:s11+$0xFFFFFE40]  }
0x2ec: {  	v40 =	vld [tilespmem:s29+$0xFFFFFFD0];
	v50 =	vmul.f32 v22, v16;
	v1 =	vmax.f32 v1, $0.0e+00;
	v0 =	vadd.f32 v0, v57  }
0x2ed: {  	v37 =	vld [tilespmem:s29+$0xFFFFFE60];
	v55 =	vadd.f32 v35, v55;
	v57 =	vmul.f32 v20, v7;
	[tilespmem:s29+$0xFFFFFEB0] =	vst v1;
	v1 =	vadd.f32 v53, v59  }
0x2ee: {  	v61 =	vld [tilespmem:s29+$0xFFFFFE70];
	v59 =	vmul.f32 v22, v15;
	v22 =	vmovc v36;
	v36 =	vmul.f32 v27, v5;
	v34 =	vadd.f32 v60, v34  }
0x2ef: {  	v33 =	vmovc v63;
	v63 =	vld [tilespmem:s29+$0xFFFFFEF0];
	v35 =	vmovc v54;
	v54 =	vmax.f32 v55, $0.0e+00;
	v2 =	vadd.f32 v56, v2;
	v1 =	vmax.f32 v1, $0.0e+00  }
0x2f0: {  	v53 =	vld [tilespmem:s11+$0xFFFFFEC0];
	[tilespmem:s29+$0xFFFFFFB0] =	vst v54;
	v51 =	vadd.f32 v62, v51;
	v56 =	vmul.f32 v45, v5;
	v57 =	vadd.f32 v34, v57  }
0x2f1: {  	[tilespmem:s1+$0xFFFFFEE0] =	vst v1;
	v1 =	vmul.f32 v22, v12;
	v60 =	vld [tilespmem:s11+$0xFFFFFFC0];
	v2 =	vadd.f32 v2, v36  }
0x2f2: {  	v55 =	vld [tilespmem:s29+$0xFFFFFFF0];
	v36 =	vmul.f32 v26, v12;
	v51 =	vadd.f32 v51, v56;
	v56 =	vadd.f32 v57, v59  }
0x2f3: {  	v0 =	vmax.f32 v0, $0.0e+00;
	v54 =	vld [tilespmem:s31+$0xFFFFFEF0]  }
0x2f4: {  	[tilespmem:s1+$0xFFFFFFE0] =	vst v0;
	v34 =	vmovc v61;
	v61 =	vld [tilespmem:s29+$0xFFFFFE80];
	v2 =	vadd.f32 v2, v36;
	v1 =	vadd.f32 v51, v1;
	v51 =	vmax.f32 v56, $0.0e+00  }
0x2f5: {  	v0 =	vadd.f32 v53, v52;
	v52 =	vmul.f32 v24, v5;
	v53 =	vld [tilespmem:s31+$0xFFFFFFF0];
	[tilespmem:s1+$0xFFFFFE70] =	vst v51  }
0x2f6: {  	v2 =	vmax.f32 v2, $0.0e+00;
	v38 =	vadd.f32 v60, v38;
	v60 =	vld [tilespmem:s31+$0xFFFFFE80]  }
0x2f7: {  	v47 =	vmul.f32 v17, v15;
	v59 =	vmul.f32 v25, v12;
	v0 =	vadd.f32 v0, v52;
	[tilespmem:s29+$0xFFFFFF40] =	vst v2;
	v2 =	vld [tilespmem:s29+$0xFFFFFF50]  }
0x2f8: {  	v58 =	vmul.f32 v23, v5;
	v57 =	vmul.f32 v21, v7;
	v54 =	vadd.f32 v54, v32;
	v32 =	vmovc v63;
	v63 =	vld [tilespmem:$0x1FFE0]  }
0x2f9: {  	v49 =	vmul.f32 v19, v12;
	v1 =	vmax.f32 v1, $0.0e+00;
	v0 =	vadd.f32 v0, v59;
	v59 =	vld [tilespmem:s11+$0xFFFFFF50]  }
0x2fa: {  	v51 =	vmul.f32 v18, v15;
	[tilespmem:s29+$0xFFFFFE40] =	vst v1;
	v1 =	vadd.f32 v38, v58;
	v54 =	vadd.f32 v54, v57  }
0x2fb: {  	v52 =	vmul.f32 v22, v13;
	v53 =	vadd.f32 v53, v30;
	v30 =	vmovc v55;
	v0 =	vmax.f32 v0, $0.0e+00  }
0x2fc: {  	p0 =	slt.u32 s15, $0x34;
	v57 =	vmul.f32 v20, v8;
	v55 =	vld [tilespmem:s11+$0xFFFFFE50];
	v1 =	vadd.f32 v1, v49;
	[tilespmem:s29+$0xFFFFFEC0] =	vst v0;
	v0 =	vadd.f32 v54, v51  }
.Ltmp4:
0x2fd: {  	v62 =	vld [tilespmem:$0x1FFD0];
	v20 =	vmovc v45;
	v45 =	vadd.f32 v53, v48;
	v51 =	vmul.f32 v25, v13;
	v60 =	vadd.f32 v60, v31;
	(pc) =	sbr.rel @p0 .LBB2_7-.Ltmp4, $4  }
0x2fe: {  	v36 =	vld [tilespmem:s29+$0xFFFFFF00];
	v54 =	vmul.f32 v20, v63;
	v58 =	vmul.f32 v27, v63;
	v2 =	vadd.f32 v59, v2  }
0x2ff: {  	v38 =	vld [tilespmem:s29+$0x0];
	v1 =	vmax.f32 v1, $0.0e+00;
	v59 =	vadd.f32 v45, v47;
	v0 =	vmax.f32 v0, $0.0e+00  }
0x300: {  	v56 =	vld [tilespmem:s11+$0xFFFFFED0];
	v47 =	vmul.f32 v26, v13;
	[tilespmem:s29+$0xFFFFFFC0] =	vst v1;
	v57 =	vadd.f32 v60, v57;
	v45 =	vadd.f32 v2, v58  }
0x301: {  	s30 =	smov.u32 s29;
	s21 =	sadd.s32 $0x2, s15;
	s15 =	sadd.s32 $0x4, s15;
	v31 =	vmovc v61;
	v53 =	vld [tilespmem:s11+$0xFFFFFFD0];
	[tilespmem:s1+$0xFFFFFEF0] =	vst v0;
	v59 =	vmax.f32 v59, $0.0e+00;
	v58 =	vadd.f32 v55, v46;
	v55 =	vmul.f32 v24, v63  }
0x302: {  	v0 =	vmov s21  }
0x303: {  	v0 =	vand.u32 $0xFFFFFFFE, v0  }
0x304: {  	v0 =	vbroadcast v0, $0x0;
	_ =	sdelay $0x3  }
0x305: {  	v60 =	vld.idx.msk [tilespmem:v42+s17+$0x0], $0xffff  }
0x306: {  	v1 =	vld.idx.msk [tilespmem:v43+s17+$0x0], $0xffff  }
0x307: {  	v0 =	vld.idx.msk [tilespmem:v0+s17+$0x0], $0xffff  }
0x308: {  	s15 =	sadd.s32 $0x200, s29;
	v46 =	vld.idx.msk [tilespmem:v44+s17+$0x0], $0xffff  }
0x309: {  	s21 =	sadd.s32 $0x200, s11;
	v42 =	vld [tilespmem:s15+$0xFFFFFF10]  }
0x30a: {  	v43 =	vld [tilespmem:s21+$0xFFFFFF10]  }
0x30b: {  	v48 =	vld [tilespmem:s15+$0xFFFFFE10]  }
0x30c: {  	v49 =	vld [tilespmem:s21+$0xFFFFFE10];
	v2 =	vmax.f32 v0, $0.0e+00  }
0x30d: {  	v44 =	vadd.f32 v45, v47;
	v45 =	vld [tilespmem:s15+$0xFFFFFE90];
	[tilespmem:$0x1FF10] =	vst v2  }
0x30e: {  	v0 =	vmin.f32 v0, $0.0e+00;
	v61 =	vld [tilespmem:s21+$0xFFFFFE90]  }
0x30f: {  	v42 =	vadd.f32 v43, v42;
	v43 =	vmul.f32 v2, v62;
	v2 =	vmax.f32 v1, $0.0e+00;
	v63 =	vld [tilespmem:s15+$0xFFFFFF90];
	[tilespmem:$0x1FF20] =	vst v0  }
0x310: {  	v62 =	vmax.f32 v44, $0.0e+00;
	[tilespmem:$0x1FF30] =	vst v2  }
0x311: {  	[tilespmem:s29+$0xFFFFFF50] =	vst v62  }
0x312: {  	v43 =	vadd.f32 v42, v43;
	v42 =	vmul.f32 v0, v9;
	v0 =	vld [tilespmem:$0x1FFD0];
	_ =	sdelay $0x4  }
0x313: {  	v49 =	vadd.f32 v49, v48;
	v48 =	vmul.f32 v2, v0  }
0x314: {  	v47 =	vld [tilespmem:s21+$0xFFFFFF90]  }
0x315: {  	v44 =	vld [tilespmem:s29+$0xFFFFFF60];
	v43 =	vadd.f32 v43, v42;
	v0 =	vmax.f32 v46, $0.0e+00  }
0x316: {  	v1 =	vmin.f32 v1, $0.0e+00;
	v45 =	vadd.f32 v61, v45;
	v61 =	vld [tilespmem:$0x1FFD0];
	[tilespmem:$0x1FF40] =	vst v0  }
0x317: {  	v42 =	vld [tilespmem:s11+$0xFFFFFF60];
	v2 =	vadd.f32 v49, v48;
	v49 =	vmul.f32 v1, v9;
	[tilespmem:$0x1FF60] =	vst v1;
	v48 =	vmovc v1;
	v1 =	vmax.f32 v43, $0.0e+00  }
0x318: {  	[tilespmem:s15+$0xFFFFFF10] =	vst v1  }
0x319: {  	v47 =	vadd.f32 v47, v63;
	v63 =	vld [tilespmem:$0x1FFD0];
	_ =	sdelay $0x2  }
0x31a: {  	v62 =	vmax.f32 v60, $0.0e+00;
	v61 =	vmul.f32 v0, v61  }
0x31b: {  	v46 =	vmin.f32 v46, $0.0e+00;
	v0 =	vadd.f32 v2, v49;
	v2 =	vmin.f32 v60, $0.0e+00  }
0x31c: {  	v60 =	vmul.f32 v46, v9;
	v45 =	vadd.f32 v45, v61;
	v43 =	vmul.f32 v62, v63;
	_ =	sdelay $0x1  }
0x31d: {  	v45 =	vadd.f32 v45, v60;
	v63 =	vmul.f32 v2, v9;
	v47 =	vadd.f32 v47, v43  }
0x31e: {  	v1 =	vld [tilespmem:s15+$0xFFFFFF20];
	[tilespmem:$0x1FF50] =	vst v2;
	v0 =	vmax.f32 v0, $0.0e+00  }
0x31f: {  	[tilespmem:s15+$0xFFFFFE10] =	vst v0;
	v45 =	vmax.f32 v45, $0.0e+00;
	v47 =	vadd.f32 v47, v63  }
0x320: {  	v61 =	vld [tilespmem:s21+$0xFFFFFF20];
	[tilespmem:s15+$0xFFFFFE90] =	vst v45  }
0x321: {  	v43 =	vld [tilespmem:$0x1FF10];
	v47 =	vmax.f32 v47, $0.0e+00  }
0x322: {  	v60 =	vld [tilespmem:s15+$0xFFFFFE20];
	[tilespmem:s15+$0xFFFFFF90] =	vst v47  }
0x323: {  	v2 =	vadd.f32 v42, v44;
	v42 =	vmul.f32 v27, v6;
	v44 =	vld [tilespmem:$0x1FF20]  }
0x324: {  	v0 =	vld [tilespmem:s21+$0xFFFFFE20]  }
0x325: {  	v49 =	vmov v46;
	v2 =	vadd.f32 v2, v42;
	v42 =	vmul.f32 v26, v14;
	v46 =	vld [tilespmem:$0x1FF30]  }
0x326: {  	v45 =	vld [tilespmem:s15+$0xFFFFFFA0];
	v1 =	vadd.f32 v61, v1;
	v61 =	vmul.f32 v43, v3  }
0x327: {  	v63 =	vld [tilespmem:s15+$0xFFFFFEA0];
	v2 =	vadd.f32 v2, v42  }
0x328: {  	v47 =	vld [tilespmem:s21+$0xFFFFFEA0];
	v1 =	vadd.f32 v1, v61;
	v42 =	vmul.f32 v44, v10  }
0x329: {  	v2 =	vmax.f32 v2, $0.0e+00;
	[tilespmem:s1+$0xFFFFFFF0] =	vst v59;
	v61 =	vld [tilespmem:s21+$0xFFFFFFA0]  }
0x32a: {  	v0 =	vadd.f32 v0, v60;
	[tilespmem:s30+$0xFFFFFF60] =	vst v2;
	v60 =	vmul.f32 v46, v3;
	v1 =	vadd.f32 v1, v42  }
0x32b: {  	v54 =	vadd.f32 v58, v54;
	v58 =	vld [tilespmem:$0x1FF40]  }
0x32c: {  	v2 =	vmul.f32 v48, v10;
	v0 =	vadd.f32 v0, v60;
	v1 =	vmax.f32 v1, $0.0e+00  }
0x32d: {  	v50 =	vadd.f32 v57, v50;
	v47 =	vadd.f32 v47, v63;
	v63 =	vld [tilespmem:$0x1FFE0];
	[tilespmem:s15+$0xFFFFFF20] =	vst v1  }
0x32e: {  	v57 =	vmul.f32 v49, v10;
	v0 =	vadd.f32 v0, v2;
	v2 =	vadd.f32 v61, v45;
	v61 =	vmovc v49;
	v49 =	vld [tilespmem:$0x1FF50]  }
0x32f: {  	v40 =	vadd.f32 v53, v40;
	v53 =	vld [tilespmem:s15+$0xFFFFFEB0]  }
0x330: {  	v48 =	vld [tilespmem:s30+$0xFFFFFF70];
	v60 =	vmul.f32 v58, v3  }
0x331: {  	v42 =	vld [tilespmem:s31+$0xFFFFFF00];
	v45 =	vmul.f32 v62, v3  }
0x332: {  	v47 =	vadd.f32 v47, v60;
	v60 =	vld [tilespmem:s11+$0xFFFFFF70]  }
0x333: {  	v1 =	vld [tilespmem:s15+$0xFFFFFF30];
	v2 =	vadd.f32 v2, v45;
	v45 =	vmul.f32 v49, v10  }
0x334: {  	v59 =	vld [tilespmem:s21+$0xFFFFFF30];
	v47 =	vadd.f32 v47, v57  }
0x335: {  	v41 =	vadd.f32 v56, v41;
	v56 =	vld [tilespmem:s31+$0x0];
	v0 =	vmax.f32 v0, $0.0e+00;
	v2 =	vadd.f32 v2, v45  }
0x336: {  	v52 =	vadd.f32 v54, v52;
	[tilespmem:s15+$0xFFFFFE20] =	vst v0;
	v0 =	vld [tilespmem:s15+$0xFFFFFE30];
	v47 =	vmax.f32 v47, $0.0e+00  }
0x337: {  	v54 =	vld [tilespmem:s21+$0xFFFFFE30];
	[tilespmem:s15+$0xFFFFFEA0] =	vst v47;
	v2 =	vmax.f32 v2, $0.0e+00  }
0x338: {  	v28 =	vadd.f32 v42, v28;
	v42 =	vmax.f32 v52, $0.0e+00;
	v52 =	vmul.f32 v21, v8;
	v47 =	vld [tilespmem:s15+$0xFFFFFFB0];
	[tilespmem:s15+$0xFFFFFFA0] =	vst v2  }
0x339: {  	v21 =	vadd.f32 v60, v48;
	v1 =	vadd.f32 v59, v1;
	v59 =	vmul.f32 v43, v4;
	v48 =	vld [tilespmem:$0x1FF60]  }
0x33a: {  	v18 =	vmul.f32 v18, v16;
	v41 =	vadd.f32 v41, v55;
	v2 =	vld [tilespmem:s21+$0xFFFFFEB0]  }
0x33b: {  	v55 =	vmul.f32 v44, v11;
	v29 =	vadd.f32 v56, v29;
	v1 =	vadd.f32 v1, v59;
	v45 =	vld [tilespmem:s21+$0xFFFFFFB0]  }
0x33c: {  	v41 =	vadd.f32 v41, v51;
	v56 =	vmul.f32 v46, v4;
	v0 =	vadd.f32 v54, v0  }
0x33d: {  	v17 =	vmul.f32 v17, v16;
	v29 =	vadd.f32 v29, v39;
	v1 =	vadd.f32 v1, v55  }
0x33e: {  	v57 =	vmul.f32 v23, v63;
	v0 =	vadd.f32 v0, v56;
	v59 =	vmul.f32 v48, v11  }
0x33f: {  	v1 =	vmax.f32 v1, $0.0e+00;
	v2 =	vadd.f32 v2, v53;
	v53 =	vmul.f32 v58, v4  }
0x340: {  	v60 =	vmul.f32 v62, v4;
	[tilespmem:s15+$0xFFFFFF30] =	vst v1;
	v1 =	vld [tilespmem:s15+$0xFFFFFF40];
	v45 =	vadd.f32 v45, v47;
	v0 =	vadd.f32 v0, v59  }
0x341: {  	v28 =	vadd.f32 v28, v52;
	v51 =	vld [tilespmem:s21+$0xFFFFFF40];
	v2 =	vadd.f32 v2, v53;
	v59 =	vmul.f32 v61, v11  }
0x342: {  	v52 =	vld [tilespmem:s15+$0xFFFFFEC0];
	[tilespmem:s29+$0xFFFFFE50] =	vst v42;
	v45 =	vadd.f32 v45, v60;
	v60 =	vmul.f32 v49, v11;
	v0 =	vmax.f32 v0, $0.0e+00  }
0x343: {  	v17 =	vadd.f32 v29, v17;
	v42 =	vmul.f32 v27, v7;
	v2 =	vadd.f32 v2, v59;
	v59 =	vld [tilespmem:s15+$0xFFFFFE40];
	[tilespmem:s15+$0xFFFFFE30] =	vst v0  }
0x344: {  	v40 =	vadd.f32 v40, v57;
	v55 =	vmul.f32 v26, v15;
	v45 =	vadd.f32 v45, v60;
	v60 =	vld [tilespmem:s21+$0xFFFFFE40]  }
0x345: {  	v54 =	vld [tilespmem:s15+$0xFFFFFFC0];
	v42 =	vadd.f32 v21, v42;
	v0 =	vmul.f32 v19, v13;
	v2 =	vmax.f32 v2, $0.0e+00  }
0x346: {  	v53 =	vld [tilespmem:s11+$0xFFFFFE60];
	v1 =	vadd.f32 v51, v1;
	v45 =	vmax.f32 v45, $0.0e+00;
	[tilespmem:s15+$0xFFFFFEB0] =	vst v2;
	v2 =	vmul.f32 v43, v5  }
0x347: {  	v41 =	vmax.f32 v41, $0.0e+00;
	v57 =	vmovc v44;
	v18 =	vadd.f32 v28, v18;
	v0 =	vadd.f32 v40, v0;
	[tilespmem:s15+$0xFFFFFFB0] =	vst v45;
	v40 =	vld [tilespmem:s21+$0xFFFFFEC0]  }
0x348: {  	v42 =	vadd.f32 v42, v55;
	v45 =	vld [tilespmem:s21+$0xFFFFFFC0];
	v1 =	vadd.f32 v1, v2;
	v2 =	vmul.f32 v57, v12  }
0x349: {  	v21 =	vmax.f32 v50, $0.0e+00;
	v56 =	vadd.f32 v60, v59;
	v59 =	vmul.f32 v46, v5  }
0x34a: {  	v39 =	vld [tilespmem:s30+$0xFFFFFF80];
	[tilespmem:s29+$0xFFFFFED0] =	vst v41;
	v50 =	vmul.f32 v22, v14;
	v42 =	vmax.f32 v42, $0.0e+00;
	v1 =	vadd.f32 v1, v2  }
0x34b: {  	v41 =	vld [tilespmem:s15+$0xFFFFFED0];
	v55 =	vmul.f32 v20, v6;
	[tilespmem:s30+$0xFFFFFF70] =	vst v42;
	v60 =	vmul.f32 v48, v12;
	v42 =	vadd.f32 v56, v59  }
0x34c: {  	v28 =	vld [tilespmem:s11+$0xFFFFFEE0];
	v40 =	vadd.f32 v40, v52;
	v56 =	vmul.f32 v58, v5;
	v1 =	vmax.f32 v1, $0.0e+00  }
0x34d: {  	v37 =	vadd.f32 v53, v37;
	v52 =	vmul.f32 v62, v5;
	v45 =	vadd.f32 v45, v54;
	[tilespmem:s15+$0xFFFFFF40] =	vst v1;
	v1 =	vld [tilespmem:s15+$0xFFFFFF50]  }
0x34e: {  	v59 =	vmul.f32 v61, v12;
	v42 =	vadd.f32 v42, v60;
	v40 =	vadd.f32 v40, v56;
	v53 =	vld [tilespmem:s21+$0xFFFFFF50]  }
0x34f: {  	v47 =	vld [tilespmem:s15+$0xFFFFFE50];
	v0 =	vmax.f32 v0, $0.0e+00;
	v60 =	vmul.f32 v49, v12;
	v45 =	vadd.f32 v45, v52  }
0x350: {  	[tilespmem:s30+$0xFFFFFFD0] =	vst v0;
	v2 =	vadd.f32 v37, v55;
	v37 =	vld [tilespmem:s11+$0xFFFFFF80];
	v42 =	vmax.f32 v42, $0.0e+00;
	v40 =	vadd.f32 v40, v59  }
0x351: {  	v17 =	vmax.f32 v17, $0.0e+00;
	v56 =	vadd.f32 v45, v60;
	v59 =	vld [tilespmem:s11+$0xFFFFFFE0];
	[tilespmem:s15+$0xFFFFFE40] =	vst v42  }
0x352: {  	v44 =	vmul.f32 v46, v6;
	v0 =	vadd.f32 v2, v50;
	v2 =	vld [tilespmem:s21+$0xFFFFFE50];
	v40 =	vmax.f32 v40, $0.0e+00  }
0x353: {  	v50 =	vmul.f32 v43, v63;
	v60 =	vld [tilespmem:s15+$0xFFFFFFD0];
	v42 =	vmax.f32 v56, $0.0e+00;
	[tilespmem:s15+$0xFFFFFEC0] =	vst v40;
	v1 =	vadd.f32 v53, v1  }
0x354: {  	v27 =	vmul.f32 v27, v8;
	v28 =	vadd.f32 v28, v33;
	v51 =	vmul.f32 v57, v13;
	[tilespmem:s15+$0xFFFFFFC0] =	vst v42;
	v29 =	vld [tilespmem:s21+$0xFFFFFED0]  }
0x355: {  	v55 =	vmul.f32 v58, v63;
	v54 =	vmul.f32 v48, v13;
	v42 =	vld [tilespmem:s21+$0xFFFFFFD0];
	v1 =	vadd.f32 v1, v50  }
0x356: {  	v0 =	vmax.f32 v0, $0.0e+00;
	v52 =	vmul.f32 v46, v63;
	v37 =	vadd.f32 v37, v39  }
0x357: {  	[tilespmem:s30+$0xFFFFFE60] =	vst v0;
	v0 =	vmul.f32 v25, v14;
	v2 =	vadd.f32 v2, v47;
	v1 =	vadd.f32 v1, v51  }
0x358: {  	v27 =	vadd.f32 v37, v27;
	v53 =	vmul.f32 v24, v6;
	v35 =	vadd.f32 v59, v35  }
0x359: {  	v33 =	vld [tilespmem:s11+$0xFFFFFE70];
	v2 =	vadd.f32 v2, v52;
	v29 =	vadd.f32 v29, v41;
	v1 =	vmax.f32 v1, $0.0e+00  }
0x35a: {  	v59 =	vmul.f32 v62, v63;
	v28 =	vadd.f32 v28, v53;
	v56 =	vadd.f32 v42, v60;
	[tilespmem:s15+$0xFFFFFF50] =	vst v1;
	v1 =	vld [tilespmem:s15+$0xFFFFFF60]  }
0x35b: {  	v60 =	vmul.f32 v61, v13;
	v2 =	vadd.f32 v2, v54;
	v29 =	vadd.f32 v29, v55;
	v50 =	vld [tilespmem:s21+$0xFFFFFF60]  }
0x35c: {  	v51 =	vmul.f32 v49, v13;
	v0 =	vadd.f32 v28, v0;
	v52 =	vld [tilespmem:s15+$0xFFFFFE60];
	v39 =	vadd.f32 v56, v59  }
0x35d: {  	v37 =	vmul.f32 v23, v6;
	v54 =	vld [tilespmem:s15+$0xFFFFFEE0];
	v2 =	vmax.f32 v2, $0.0e+00;
	v29 =	vadd.f32 v29, v60  }
0x35e: {  	v26 =	vmul.f32 v26, v16;
	v0 =	vmax.f32 v0, $0.0e+00;
	v56 =	vld [tilespmem:s15+$0xFFFFFFE0];
	v53 =	vadd.f32 v39, v51;
	[tilespmem:s15+$0xFFFFFE50] =	vst v2  }
0x35f: {  	v35 =	vadd.f32 v35, v37;
	[tilespmem:s30+$0xFFFFFEE0] =	vst v0;
	v2 =	vmul.f32 v19, v14;
	v28 =	vld [tilespmem:s21+$0xFFFFFE60];
	v29 =	vmax.f32 v29, $0.0e+00  }
0x360: {  	v47 =	vld [tilespmem:s11+$0xFFFFFEF0];
	v37 =	vmax.f32 v53, $0.0e+00;
	[tilespmem:s15+$0xFFFFFED0] =	vst v29;
	v1 =	vadd.f32 v50, v1;
	v29 =	vmul.f32 v43, v6  }
0x361: {  	v26 =	vadd.f32 v27, v26;
	v33 =	vadd.f32 v33, v34;
	v55 =	vmul.f32 v20, v7;
	[tilespmem:s15+$0xFFFFFFD0] =	vst v37;
	v59 =	vld [tilespmem:s21+$0xFFFFFEE0]  }
0x362: {  	v45 =	vmul.f32 v19, v15;
	v2 =	vadd.f32 v35, v2;
	v1 =	vadd.f32 v1, v29;
	v29 =	vld [tilespmem:s21+$0xFFFFFFE0]  }
0x363: {  	v27 =	vmul.f32 v22, v15;
	v33 =	vadd.f32 v33, v55;
	v60 =	vmul.f32 v57, v14  }
0x364: {  	v51 =	vmul.f32 v58, v6;
	v0 =	vmax.f32 v2, $0.0e+00;
	v28 =	vadd.f32 v28, v52  }
0x365: {  	v53 =	vmul.f32 v62, v6;
	v2 =	vadd.f32 v33, v27;
	[tilespmem:s30+$0xFFFFFFE0] =	vst v0;
	v0 =	vadd.f32 v1, v60  }
0x366: {  	v50 =	vmul.f32 v48, v14;
	v1 =	vadd.f32 v28, v44;
	v28 =	vld [tilespmem:s11+$0xFFFFFFF0];
	v35 =	vadd.f32 v59, v54  }
0x367: {  	v32 =	vadd.f32 v47, v32;
	v52 =	vld [tilespmem:s15+$0xFFFFFE70];
	v0 =	vmax.f32 v0, $0.0e+00;
	v29 =	vadd.f32 v29, v56  }
0x368: {  	v2 =	vmax.f32 v2, $0.0e+00;
	v54 =	vmul.f32 v61, v14;
	[tilespmem:s15+$0xFFFFFF60] =	vst v0;
	v0 =	vld [tilespmem:s15+$0xFFFFFF70];
	v35 =	vadd.f32 v35, v51  }
0x369: {  	v55 =	vmul.f32 v49, v14;
	[tilespmem:s30+$0xFFFFFE70] =	vst v2;
	v1 =	vadd.f32 v1, v50;
	v2 =	vld [tilespmem:s21+$0xFFFFFF70];
	v29 =	vadd.f32 v29, v53  }
0x36a: {  	v27 =	vmul.f32 v23, v7;
	v59 =	vld [tilespmem:s11+$0xFFFFFE80];
	v56 =	vmul.f32 v24, v7;
	v34 =	vadd.f32 v35, v54  }
0x36b: {  	v60 =	vld [tilespmem:s15+$0xFFFFFEF0];
	v1 =	vmax.f32 v1, $0.0e+00;
	v28 =	vadd.f32 v28, v30;
	v29 =	vadd.f32 v29, v55  }
0x36c: {  	v42 =	vmul.f32 v25, v15;
	v32 =	vadd.f32 v32, v56;
	v30 =	vld [tilespmem:s15+$0xFFFFFFF0];
	[tilespmem:s15+$0xFFFFFE60] =	vst v1;
	v1 =	vmax.f32 v34, $0.0e+00  }
0x36d: {  	v22 =	vmul.f32 v22, v16;
	v27 =	vadd.f32 v28, v27;
	v28 =	vld [tilespmem:s21+$0xFFFFFE70];
	[tilespmem:s15+$0xFFFFFEE0] =	vst v1;
	v1 =	vmax.f32 v29, $0.0e+00  }
0x36e: {  	v29 =	vadd.f32 v32, v42;
	v0 =	vadd.f32 v2, v0;
	v2 =	vmul.f32 v43, v7;
	v44 =	vld [tilespmem:s21+$0xFFFFFEF0];
	[tilespmem:s15+$0xFFFFFFE0] =	vst v1  }
0x36f: {  	v1 =	vmul.f32 v20, v8;
	v20 =	vadd.f32 v27, v45;
	v27 =	vadd.f32 v59, v31;
	v31 =	vld [tilespmem:s21+$0xFFFFFFF0]  }
0x370: {  	v29 =	vmax.f32 v29, $0.0e+00;
	v0 =	vadd.f32 v0, v2;
	v2 =	vmul.f32 v57, v15  }
0x371: {  	v47 =	vmul.f32 v48, v15;
	[tilespmem:s30+$0xFFFFFEF0] =	vst v29;
	v20 =	vmax.f32 v20, $0.0e+00;
	v1 =	vadd.f32 v27, v1  }
0x372: {  	v27 =	vld [tilespmem:s11+$0xFFFFFF00];
	v0 =	vadd.f32 v0, v2;
	v2 =	vmul.f32 v46, v7;
	[tilespmem:s30+$0xFFFFFFF0] =	vst v20;
	v20 =	vadd.f32 v28, v52  }
0x373: {  	v23 =	vmul.f32 v23, v8;
	v45 =	vmul.f32 v58, v7;
	v28 =	vld [tilespmem:s11+$0x0];
	v32 =	vadd.f32 v44, v60  }
0x374: {  	v29 =	vmul.f32 v62, v7;
	v2 =	vadd.f32 v20, v2;
	v20 =	vadd.f32 v31, v30  }
0x375: {  	v50 =	vmul.f32 v49, v15;
	v51 =	vld [tilespmem:s15+$0xFFFFFF00];
	v31 =	vmul.f32 v61, v15;
	v32 =	vadd.f32 v32, v45  }
0x376: {  	v52 =	vld [tilespmem:s15+$0x0];
	v0 =	vmax.f32 v0, $0.0e+00;
	v2 =	vadd.f32 v2, v47;
	v20 =	vadd.f32 v20, v29  }
0x377: {  	v24 =	vmul.f32 v24, v8;
	[tilespmem:s15+$0xFFFFFF70] =	vst v0;
	v0 =	vld [tilespmem:s15+$0xFFFFFF80];
	v27 =	vadd.f32 v27, v36;
	v31 =	vadd.f32 v32, v31  }
0x378: {  	[tilespmem:s1+$0x0] =	vst v17;
	v29 =	vld [tilespmem:s21+$0xFFFFFF80];
	v28 =	vadd.f32 v28, v38;
	v2 =	vmax.f32 v2, $0.0e+00;
	v20 =	vadd.f32 v20, v50  }
0x379: {  	v19 =	vmul.f32 v19, v16;
	v1 =	vadd.f32 v1, v22;
	v30 =	vld [tilespmem:s15+$0xFFFFFE80];
	[tilespmem:s15+$0xFFFFFE70] =	vst v2;
	v2 =	vmax.f32 v31, $0.0e+00  }
0x37a: {  	v24 =	vadd.f32 v27, v24;
	v23 =	vadd.f32 v28, v23;
	v27 =	vld [tilespmem:s21+$0xFFFFFE80];
	v20 =	vmax.f32 v20, $0.0e+00;
	[tilespmem:s15+$0xFFFFFEF0] =	vst v2  }
0x37b: {  	v17 =	vmul.f32 v62, v8;
	v25 =	vmul.f32 v25, v16;
	v22 =	vld [tilespmem:s21+$0xFFFFFF00];
	[tilespmem:s15+$0xFFFFFFF0] =	vst v20  }
0x37c: {  	v1 =	vmax.f32 v1, $0.0e+00;
	v2 =	vmax.f32 v18, $0.0e+00;
	v19 =	vadd.f32 v23, v19;
	v23 =	vld [tilespmem:s21+$0x0]  }
0x37d: {  	v18 =	vadd.f32 v24, v25;
	v0 =	vadd.f32 v29, v0;
	v20 =	vmul.f32 v43, v8  }
0x37e: {  	v24 =	vmax.f32 v26, $0.0e+00;
	v25 =	vmul.f32 v58, v8;
	[tilespmem:s1+$0xFFFFFF00] =	vst v2;
	v2 =	vmul.f32 v57, v16  }
0x37f: {  	[tilespmem:s1+$0xFFFFFE80] =	vst v21;
	v0 =	vadd.f32 v0, v20;
	v20 =	vmul.f32 v46, v8;
	v21 =	vadd.f32 v27, v30  }
0x380: {  	v18 =	vmax.f32 v18, $0.0e+00;
	v62 =	vld [tilespmem:$0x1FFD0];
	[tilespmem:s30+$0xFFFFFF80] =	vst v24;
	v24 =	vmul.f32 v48, v16;
	v22 =	vadd.f32 v22, v51  }
0x381: {  	v19 =	vmax.f32 v19, $0.0e+00;
	v20 =	vadd.f32 v21, v20;
	v21 =	vadd.f32 v23, v52  }
0x382: {  	[tilespmem:s30+$0xFFFFFE80] =	vst v1;
	v0 =	vadd.f32 v0, v2;
	v2 =	vmul.f32 v61, v16;
	v1 =	vadd.f32 v22, v25  }
0x383: {  	[tilespmem:s30+$0xFFFFFF00] =	vst v18;
	v18 =	vadd.f32 v20, v24;
	v17 =	vadd.f32 v21, v17;
	v20 =	vmul.f32 v49, v16  }
0x384: {  	[tilespmem:s30+$0x0] =	vst v19;
	v0 =	vmax.f32 v0, $0.0e+00;
	v1 =	vadd.f32 v1, v2  }
0x385: {  	[tilespmem:s15+$0xFFFFFF80] =	vst v0;
	v0 =	vmax.f32 v18, $0.0e+00;
	v2 =	vadd.f32 v17, v20  }
0x386: {  	[tilespmem:s15+$0xFFFFFE80] =	vst v0;
	v0 =	vmax.f32 v1, $0.0e+00  }
0x387: {  	[tilespmem:s15+$0xFFFFFF00] =	vst v0;
	v0 =	vmax.f32 v2, $0.0e+00  }
0x388: {  	[tilespmem:s15+$0x0] =	vst v0;
	s15 =	simm.s32 $0x159F8  }
0x389: {  	[spmem:s2] =	stream.indirect.scatter.add.f32 [tilespmem:s15], [sflag:$0x8], $0x80, s16, s19, $0xb8;
	[tilespmem:$0x1E6F8] =	vst v63  }
0x38a: {  	_ =	swait.ge [sflag:s10], $0x1C00  }
0x38b: {  	p0 =	seq.s32 s13, $0x3B;
	s1 =	rddreg [dreg:$0x17]  }
0x38c: {  	s1 =	sadd.s32 @!p0 s12, s1  }
0x38d: {  	s21 =	simm.s32 @!p0 $0x13C00;
	[sflag:s10] =	ssyncset.done $0x0;
	s1 =	sshrl.u32 @!p0 s1, $0x3  }
0x38e: {  	s15 =	simm.s32 @!p0 $0x0;
	[sflag:s10] =	ssyncadd.s32 $0xFFFFE400;
	s11 =	sadd.s32 @!p0 s7, s1  }
0x38f: {  	[tilespmem:s21], [sflag:$0x1] =	stream.linear.gather @!p0 [hbm4b:s11+s15], $0x38, $0x38;
	[tilespmem:$0x1E6F8] =	vst v63  }
0x390: {  	s29 =	simm.s32 @!p0 $0x13CA8;
	s11 =	sadd.s32 @!p0 s8, s1  }
0x391: {  	[tilespmem:s29], [sflag:$0x1] =	stream.linear.gather @!p0 [hbm4b:s11+s15], $0x38, $0x38;
	[tilespmem:$0x1E6F8] =	vst v63  }
0x392: {  	s1 =	sadd.s32 @!p0 s9, s1;
	s11 =	simm.s32 @!p0 $0x13D50  }
0x393: {  	[tilespmem:s11], [sflag:$0x1] =	stream.linear.gather @!p0 [hbm4b:s1+s15], $0x38, $0x38;
	[tilespmem:$0x1E6F8] =	vst v63  }
0x394: {  	s1 =	simm.s32 @!p0 $0x1  }
0x395: {  	_ =	swait.ge @!p0 [sflag:s1], $0x38  }
0x396: {  	[sflag:s1] =	ssyncset.done @!p0 $0x0  }
0x397: {  	[sflag:s1] =	ssyncadd.s32 @!p0 $0xFFFFFFC8  }
0x398: {  	_ =	swait.ge @!p0 [sflag:s1], $0x38  }
0x399: {  	[sflag:s1] =	ssyncset.done @!p0 $0x0  }
0x39a: {  	[sflag:s1] =	ssyncadd.s32 @!p0 $0xFFFFFFC8  }
0x39b: {  	_ =	swait.ge @!p0 [sflag:s1], $0x38  }
0x39c: {  	[sflag:s1] =	ssyncset.done @!p0 $0x0  }
0x39d: {  	s11 =	simm.s32 @!p0 $0x13DF8;
	[sflag:s1] =	ssyncadd.s32 @!p0 $0xFFFFFFC8;
	s1 =	simm.s32 @!p0 $0x38  }
0x39e: {  	[tilespmem:s11], [sflag:$0x4] =	stream.indirect.gather @!p0 [hbm4b:s5+s1], $0x80, s21, s1, $0xb8;
	[tilespmem:$0x1E6F8] =	vst v63  }
0x39f: {  	s21 =	simm.s32 $0x2  }
0x3a0: {  	s15 =	simm.s32 @!p0 $0x191F8;
	v0 =	vmov s21  }
0x3a1: {  	[tilespmem:s15], [sflag:$0x4] =	stream.indirect.gather @!p0 [hbm4b:s6+s1], $0x80, s29, s1, $0xb8;
	v0 =	vand.u32 $0xFFFFFFFE, v0;
	[tilespmem:$0x1E6F8] =	vst v63  }
0x3a2: {  	_ =	swait.ge [sflag:s18], $0x1C00;
	v0 =	vbroadcast v0, $0x0  }
0x3a3: {  	[sflag:s18] =	ssyncset.done $0x0  }
0x3a4: {  	[sflag:s18] =	ssyncadd.s32 $0xFFFFE400  }
0x3a5: {  	_ =	swait.ge [sflag:s18], $0x1C00  }
0x3a6: {  	[sflag:s18] =	ssyncset.done $0x0  }
0x3a7: {  	[sflag:s18] =	ssyncadd.s32 $0xFFFFE400  }
0x3a8: {  	s21 =	simm.s32 $0x0;
	s1 =	simm.s32 $0x177E8;
	v0 =	vld.idx.msk [tilespmem:v0+s26+$0x0], $0xffff  }
0x3a9: {  	s31 =	simm.s32 $0x1CBE8;
	v1 =	vmov s21;
	s15 =	simm.s32 $0x1;
	v2 =	vld [tilespmem:s1+$0xFFFFFF10]  }
0x3aa: {  	v1 =	vand.u32 $0xFFFFFFFC, v1;
	v17 =	vmov s15;
	v18 =	vld [tilespmem:s31+$0xFFFFFF10]  }
0x3ab: {  	v1 =	vbroadcast v1, $0x0;
	v17 =	vand.u32 $0xFFFFFFFD, v17  }
0x3ac: {  	v17 =	vbroadcast v17, $0x0;
	_ =	sdelay $0x1  }
0x3ad: {  	v31 =	vmax.f32 v0, $0.0e+00  }
0x3ae: {  	v19 =	vld [tilespmem:s31+$0xFFFFFE10];
	v2 =	vadd.f32 v18, v2;
	v18 =	vmul.f32 v31, v62  }
0x3af: {  	v20 =	vld [tilespmem:s1+$0xFFFFFE90];
	v30 =	vmin.f32 v0, $0.0e+00  }
0x3b0: {  	v0 =	vld.idx.msk [tilespmem:v1+s26+$0x0], $0xffff;
	v1 =	vadd.f32 v2, v18;
	v2 =	vmul.f32 v30, v9  }
0x3b1: {  	v17 =	vld.idx.msk [tilespmem:v17+s26+$0x0], $0xffff  }
0x3b2: {  	s21 =	simm.s32 $0x3;
	v18 =	vld [tilespmem:s1+$0xFFFFFE10];
	v1 =	vadd.f32 v1, v2  }
0x3b3: {  	v21 =	vld [tilespmem:s31+$0xFFFFFE90];
	v2 =	vmov s21  }
0x3b4: {  	v1 =	vmax.f32 v1, $0.0e+00  }
0x3b5: {  	[tilespmem:s1+$0xFFFFFF10] =	vst v1;
	v1 =	vld [tilespmem:s1+$0xFFFFFF20]  }
0x3b6: {  	v32 =	vmax.f32 v0, $0.0e+00;
	v23 =	vld [tilespmem:s31+$0xFFFFFF20]  }
0x3b7: {  	v24 =	vld [tilespmem:s1+$0xFFFFFF90];
	v22 =	vmax.f32 v17, $0.0e+00;
	v18 =	vadd.f32 v19, v18;
	v19 =	vmul.f32 v32, v62  }
0x3b8: {  	v20 =	vadd.f32 v21, v20;
	v21 =	vmul.f32 v22, v62;
	v2 =	vld.idx.msk [tilespmem:v2+s26+$0x0], $0xffff  }
0x3b9: {  	v36 =	vmin.f32 v0, $0.0e+00;
	v0 =	vld [tilespmem:s31+$0xFFFFFF90];
	v19 =	vadd.f32 v18, v19;
	v18 =	vmin.f32 v17, $0.0e+00  }
0x3ba: {  	v20 =	vadd.f32 v20, v21;
	v25 =	vmul.f32 v36, v9;
	v21 =	vmul.f32 v18, v9  }
0x3bb: {  	v17 =	vmul.f32 v31, v3;
	v1 =	vadd.f32 v23, v1  }
0x3bc: {  	v19 =	vadd.f32 v19, v25;
	v20 =	vadd.f32 v20, v21  }
0x3bd: {  	v38 =	vmax.f32 v2, $0.0e+00;
	v1 =	vadd.f32 v1, v17;
	v17 =	vmul.f32 v30, v10  }
0x3be: {  	v26 =	vld [tilespmem:s1+$0xFFFFFEA0];
	v0 =	vadd.f32 v0, v24;
	v19 =	vmax.f32 v19, $0.0e+00;
	v21 =	vmul.f32 v38, v62  }
0x3bf: {  	v23 =	vld [tilespmem:s1+$0xFFFFFE20];
	[tilespmem:s1+$0xFFFFFE10] =	vst v19;
	v1 =	vadd.f32 v1, v17;
	v17 =	vmin.f32 v2, $0.0e+00;
	v2 =	vmax.f32 v20, $0.0e+00  }
0x3c0: {  	v0 =	vadd.f32 v0, v21;
	v21 =	vld [tilespmem:s31+$0xFFFFFE20];
	[tilespmem:s1+$0xFFFFFE90] =	vst v2  }
0x3c1: {  	v20 =	vmul.f32 v17, v9;
	v1 =	vmax.f32 v1, $0.0e+00;
	v2 =	vld [tilespmem:s31+$0xFFFFFEA0]  }
0x3c2: {  	[tilespmem:s1+$0xFFFFFF20] =	vst v1;
	v1 =	vld [tilespmem:s1+$0xFFFFFF30]  }
0x3c3: {  	v0 =	vadd.f32 v0, v20;
	v20 =	vld [tilespmem:s31+$0xFFFFFF30];
	_ =	sdelay $0x1  }
0x3c4: {  	v0 =	vmax.f32 v0, $0.0e+00  }
0x3c5: {  	v25 =	vld [tilespmem:s1+$0xFFFFFFA0];
	[tilespmem:s1+$0xFFFFFF90] =	vst v0;
	v0 =	vadd.f32 v21, v23;
	v21 =	vmul.f32 v32, v3  }
0x3c6: {  	v23 =	vld [tilespmem:s31+$0xFFFFFFA0];
	v2 =	vadd.f32 v2, v26;
	v26 =	vmul.f32 v22, v3  }
0x3c7: {  	v0 =	vadd.f32 v0, v21;
	v21 =	vmul.f32 v36, v10;
	v1 =	vadd.f32 v20, v1  }
0x3c8: {  	v20 =	vmul.f32 v31, v4;
	v2 =	vadd.f32 v2, v26;
	v26 =	vmul.f32 v18, v10  }
0x3c9: {  	v0 =	vadd.f32 v0, v21  }
0x3ca: {  	v1 =	vadd.f32 v1, v20;
	v20 =	vmul.f32 v30, v11;
	v2 =	vadd.f32 v2, v26  }
0x3cb: {  	v24 =	vld [tilespmem:s1+$0xFFFFFE30];
	v23 =	vadd.f32 v23, v25;
	v25 =	vmul.f32 v38, v3;
	v0 =	vmax.f32 v0, $0.0e+00  }
0x3cc: {  	v19 =	vld [tilespmem:s1+$0xFFFFFEB0];
	v1 =	vadd.f32 v1, v20;
	[tilespmem:s1+$0xFFFFFE20] =	vst v0;
	v0 =	vmax.f32 v2, $0.0e+00  }
0x3cd: {  	v20 =	vadd.f32 v23, v25;
	v23 =	vmul.f32 v17, v10;
	v25 =	vld [tilespmem:s31+$0xFFFFFE30];
	[tilespmem:s1+$0xFFFFFEA0] =	vst v0  }
0x3ce: {  	v0 =	vmax.f32 v1, $0.0e+00;
	v1 =	vld [tilespmem:s31+$0xFFFFFEB0]  }
0x3cf: {  	[tilespmem:s1+$0xFFFFFF30] =	vst v0;
	v0 =	vadd.f32 v20, v23;
	v20 =	vld [tilespmem:s1+$0xFFFFFF40]  }
0x3d0: {  	v23 =	vld [tilespmem:s31+$0xFFFFFF40]  }
0x3d1: {  	v0 =	vmax.f32 v0, $0.0e+00  }
0x3d2: {  	v27 =	vld [tilespmem:s1+$0xFFFFFFB0];
	[tilespmem:s1+$0xFFFFFFA0] =	vst v0;
	v0 =	vadd.f32 v25, v24;
	v24 =	vmul.f32 v32, v4  }
0x3d3: {  	v25 =	vld [tilespmem:s31+$0xFFFFFFB0];
	v1 =	vadd.f32 v1, v19;
	v19 =	vmul.f32 v22, v4  }
0x3d4: {  	v54 =	vmul.f32 v18, v11;
	v0 =	vadd.f32 v0, v24;
	v24 =	vmul.f32 v36, v11  }
0x3d5: {  	v1 =	vadd.f32 v1, v19;
	v19 =	vadd.f32 v23, v20;
	v20 =	vmul.f32 v31, v5  }
0x3d6: {  	v0 =	vadd.f32 v0, v24  }
0x3d7: {  	v23 =	vmul.f32 v38, v4;
	v1 =	vadd.f32 v1, v54;
	v19 =	vadd.f32 v19, v20  }
0x3d8: {  	v20 =	vmul.f32 v30, v12;
	v24 =	vadd.f32 v25, v27;
	v0 =	vmax.f32 v0, $0.0e+00  }
0x3d9: {  	v28 =	vld [tilespmem:s1+$0xFFFFFE40];
	[tilespmem:s1+$0xFFFFFE30] =	vst v0;
	v0 =	vmax.f32 v1, $0.0e+00  }
0x3da: {  	v29 =	vld [tilespmem:s1+$0xFFFFFEC0];
	v1 =	vadd.f32 v19, v20;
	v20 =	vmul.f32 v17, v11;
	v19 =	vadd.f32 v24, v23  }
0x3db: {  	v23 =	vld [tilespmem:s31+$0xFFFFFE40];
	[tilespmem:s1+$0xFFFFFEB0] =	vst v0  }
0x3dc: {  	v0 =	vld [tilespmem:s31+$0xFFFFFEC0];
	v1 =	vmax.f32 v1, $0.0e+00;
	v19 =	vadd.f32 v19, v20  }
0x3dd: {  	[tilespmem:s1+$0xFFFFFF40] =	vst v1;
	v1 =	vld [tilespmem:s1+$0xFFFFFF50]  }
0x3de: {  	v20 =	vld [tilespmem:s31+$0xFFFFFF50];
	v19 =	vmax.f32 v19, $0.0e+00  }
0x3df: {  	v21 =	vld [tilespmem:s1+$0xFFFFFFC0];
	[tilespmem:s1+$0xFFFFFFB0] =	vst v19  }
0x3e0: {  	v19 =	vadd.f32 v23, v28;
	v23 =	vmul.f32 v32, v5;
	v24 =	vld [tilespmem:s31+$0xFFFFFFC0]  }
0x3e1: {  	v53 =	vld [tilespmem:s1+$0xFFFFFFD0];
	v25 =	vmul.f32 v17, v12;
	v27 =	vmul.f32 v36, v12  }
0x3e2: {  	s29 =	simm.s32 $0x179E8;
	v37 =	vld [tilespmem:s1+$0xFFFFFE60];
	v28 =	vmul.f32 v22, v5;
	v0 =	vadd.f32 v0, v29;
	v19 =	vadd.f32 v19, v23  }
0x3e3: {  	s11 =	simm.s32 $0x1CDE8;
	v56 =	vld [tilespmem:s29+$0xFFFFFF10];
	v23 =	vmul.f32 v38, v5;
	v1 =	vadd.f32 v20, v1;
	v20 =	vmul.f32 v31, v63  }
0x3e4: {  	v57 =	vld [tilespmem:s11+$0xFFFFFF10];
	v0 =	vadd.f32 v0, v28;
	v28 =	vmul.f32 v18, v12;
	v19 =	vadd.f32 v19, v27  }
0x3e5: {  	s15 =	simm.s32 $0x6;
	v58 =	vld [tilespmem:s11+$0xFFFFFE10];
	v1 =	vadd.f32 v1, v20;
	v20 =	vmul.f32 v30, v13;
	v21 =	vadd.f32 v24, v21  }
0x3e6: {  	v41 =	vld [tilespmem:s29+$0xFFFFFF90];
	v0 =	vadd.f32 v0, v28;
	v19 =	vmax.f32 v19, $0.0e+00;
	v24 =	vmov s15  }
0x3e7: {  	v51 =	vld [tilespmem:s11+$0xFFFFFF90];
	v1 =	vadd.f32 v1, v20;
	v20 =	vand.u32 $0xFFFFFFFE, v24;
	v21 =	vadd.f32 v21, v23  }
0x3e8: {  	s21 =	simm.s32 $0x4;
	v26 =	vld [tilespmem:s1+$0xFFFFFE50];
	[tilespmem:s1+$0xFFFFFE40] =	vst v19;
	v0 =	vmax.f32 v0, $0.0e+00;
	v19 =	vbroadcast v20, $0x0  }
0x3e9: {  	v2 =	vld [tilespmem:s1+$0xFFFFFED0];
	s15 =	simm.s32 $0x5;
	[tilespmem:s1+$0xFFFFFEC0] =	vst v0;
	v1 =	vmax.f32 v1, $0.0e+00;
	v0 =	vadd.f32 v21, v25;
	v21 =	vmov s21  }
0x3ea: {  	v24 =	vld [tilespmem:s1+$0xFFFFFF60];
	[tilespmem:s1+$0xFFFFFF50] =	vst v1;
	s21 =	simm.s32 $0x7;
	v1 =	vand.u32 $0xFFFFFFFC, v21;
	v21 =	vmov s15  }
0x3eb: {  	v20 =	vld [tilespmem:s31+$0xFFFFFE50];
	v25 =	vmov s21;
	v0 =	vmax.f32 v0, $0.0e+00;
	v1 =	vbroadcast v1, $0x0  }
0x3ec: {  	v21 =	vand.u32 $0xFFFFFFFD, v21;
	[tilespmem:s1+$0xFFFFFFC0] =	vst v0;
	v0 =	vld [tilespmem:s31+$0xFFFFFF60]  }
0x3ed: {  	v23 =	vld [tilespmem:s31+$0xFFFFFED0];
	v21 =	vbroadcast v21, $0x0  }
0x3ee: {  	v55 =	vld [tilespmem:s31+$0xFFFFFFD0]  }
0x3ef: {  	v19 =	vld.idx.msk [tilespmem:v19+s26+$0x0], $0xffff  }
0x3f0: {  	v20 =	vadd.f32 v20, v26;
	v44 =	vld.idx.msk [tilespmem:v25+s26+$0x0], $0xffff;
	v25 =	vmul.f32 v32, v63  }
0x3f1: {  	v41 =	vadd.f32 v51, v41;
	v0 =	vadd.f32 v0, v24;
	v24 =	vmul.f32 v31, v6;
	v1 =	vld.idx.msk [tilespmem:v1+s26+$0x0], $0xffff  }
0x3f2: {  	v42 =	vmul.f32 v18, v13;
	v26 =	vmul.f32 v36, v13;
	v20 =	vadd.f32 v20, v25;
	v25 =	vld [tilespmem:s29+$0xFFFFFE10]  }
0x3f3: {  	v2 =	vadd.f32 v23, v2;
	v47 =	vld.idx.msk [tilespmem:v21+s26+$0x0], $0xffff;
	v21 =	vmul.f32 v30, v14;
	v0 =	vadd.f32 v0, v24  }
0x3f4: {  	v35 =	vld [tilespmem:s1+$0xFFFFFEE0];
	v27 =	vmax.f32 v19, $0.0e+00;
	v24 =	vmul.f32 v22, v63;
	v20 =	vadd.f32 v20, v26  }
0x3f5: {  	v60 =	vld [tilespmem:s11+$0xFFFFFE90];
	v59 =	vmul.f32 v27, v62;
	v0 =	vadd.f32 v0, v21;
	v21 =	vadd.f32 v57, v56  }
0x3f6: {  	v23 =	vld [tilespmem:s29+$0xFFFFFE90];
	v40 =	vadd.f32 v55, v53;
	v26 =	vmin.f32 v19, $0.0e+00;
	v2 =	vadd.f32 v2, v24  }
0x3f7: {  	v33 =	vld [tilespmem:s1+$0xFFFFFFE0];
	v24 =	vmax.f32 v20, $0.0e+00;
	v19 =	vadd.f32 v21, v59;
	v21 =	vmul.f32 v26, v9  }
0x3f8: {  	v39 =	vld [tilespmem:s1+$0xFFFFFFF0];
	v20 =	vmax.f32 v1, $0.0e+00;
	v25 =	vadd.f32 v58, v25;
	[tilespmem:s1+$0xFFFFFE50] =	vst v24;
	v0 =	vmax.f32 v0, $0.0e+00  }
0x3f9: {  	v49 =	vld [tilespmem:s1+$0xFFFFFF70];
	v61 =	vmul.f32 v20, v62;
	v24 =	vmax.f32 v47, $0.0e+00;
	[tilespmem:s1+$0xFFFFFF60] =	vst v0;
	v21 =	vadd.f32 v19, v21  }
0x3fa: {  	v2 =	vadd.f32 v2, v42;
	v0 =	vmul.f32 v38, v63;
	v57 =	vmul.f32 v24, v62;
	v48 =	vld [tilespmem:s31+$0xFFFFFF70]  }
0x3fb: {  	v34 =	vld [tilespmem:s1+$0xFFFFFE70];
	v56 =	vmax.f32 v21, $0.0e+00;
	v21 =	vmin.f32 v1, $0.0e+00;
	v1 =	vadd.f32 v60, v23  }
0x3fc: {  	v46 =	vld [tilespmem:s1+$0xFFFFFEF0];
	v50 =	vadd.f32 v25, v61;
	v25 =	vmin.f32 v47, $0.0e+00;
	v58 =	vmul.f32 v21, v9  }
0x3fd: {  	v47 =	vld [tilespmem:s29+$0xFFFFFF20];
	v59 =	vmul.f32 v25, v9;
	v23 =	vmax.f32 v44, $0.0e+00;
	[tilespmem:s29+$0xFFFFFF10] =	vst v56;
	v1 =	vadd.f32 v1, v57  }
0x3fe: {  	v19 =	vmin.f32 v44, $0.0e+00;
	v56 =	vmul.f32 v23, v62;
	v60 =	vld [tilespmem:s11+$0xFFFFFF20];
	v50 =	vadd.f32 v50, v58  }
0x3ff: {  	v52 =	vld [tilespmem:s29+$0xFFFFFEA0];
	v61 =	vmul.f32 v31, v7;
	v48 =	vadd.f32 v48, v49;
	v1 =	vadd.f32 v1, v59  }
0x400: {  	v54 =	vld [tilespmem:s29+$0xFFFFFE20];
	v41 =	vadd.f32 v41, v56;
	v58 =	vmul.f32 v19, v9;
	v50 =	vmax.f32 v50, $0.0e+00  }
0x401: {  	v53 =	vld [tilespmem:s31+$0xFFFFFE60];
	v57 =	vmul.f32 v30, v15;
	v48 =	vadd.f32 v48, v61;
	[tilespmem:s29+$0xFFFFFE10] =	vst v50;
	v1 =	vmax.f32 v1, $0.0e+00  }
0x402: {  	v2 =	vmax.f32 v2, $0.0e+00;
	v0 =	vadd.f32 v40, v0;
	v41 =	vadd.f32 v41, v58;
	v55 =	vld [tilespmem:s11+$0xFFFFFE20];
	[tilespmem:s29+$0xFFFFFE90] =	vst v1  }
0x403: {  	v59 =	vmul.f32 v27, v3;
	v1 =	vadd.f32 v48, v57;
	v44 =	vadd.f32 v60, v47;
	v40 =	vld [tilespmem:s11+$0xFFFFFEA0]  }
0x404: {  	v45 =	vld [tilespmem:s1+$0xFFFFFE80];
	v31 =	vmul.f32 v31, v8;
	v60 =	vmul.f32 v17, v13;
	v56 =	vmax.f32 v41, $0.0e+00  }
0x405: {  	v43 =	vld [tilespmem:s29+$0xFFFFFFA0];
	v61 =	vmul.f32 v26, v10;
	[tilespmem:s29+$0xFFFFFF90] =	vst v56;
	v1 =	vmax.f32 v1, $0.0e+00;
	v44 =	vadd.f32 v44, v59  }
0x406: {  	v49 =	vld [tilespmem:s1+$0xFFFFFF80];
	v58 =	vmul.f32 v32, v6;
	v0 =	vadd.f32 v0, v60;
	[tilespmem:s1+$0xFFFFFF70] =	vst v1;
	v1 =	vadd.f32 v53, v37  }
0x407: {  	v60 =	vmul.f32 v20, v3;
	v53 =	vld [tilespmem:s11+$0xFFFFFFA0];
	v57 =	vadd.f32 v44, v61;
	v59 =	vadd.f32 v55, v54  }
0x408: {  	v37 =	vld [tilespmem:s31+$0xFFFFFF80];
	v61 =	vmul.f32 v24, v3;
	v1 =	vadd.f32 v1, v58;
	v40 =	vadd.f32 v40, v52  }
0x409: {  	v51 =	vld [tilespmem:s29+$0xFFFFFE30];
	v58 =	vmul.f32 v21, v10;
	v41 =	vmax.f32 v57, $0.0e+00;
	v57 =	vadd.f32 v59, v60  }
0x40a: {  	v30 =	vmul.f32 v30, v16;
	v52 =	vld [tilespmem:s29+$0xFFFFFF30];
	[tilespmem:s29+$0xFFFFFF20] =	vst v41;
	v60 =	vmul.f32 v25, v10;
	v40 =	vadd.f32 v40, v61  }
0x40b: {  	v0 =	vmax.f32 v0, $0.0e+00;
	v59 =	vmul.f32 v36, v14;
	v44 =	vld [tilespmem:s11+$0xFFFFFF30];
	v42 =	vadd.f32 v57, v58  }
0x40c: {  	v29 =	vld [tilespmem:s1+$0xFFFFFF00];
	v43 =	vadd.f32 v53, v43;
	v53 =	vmul.f32 v23, v3;
	v40 =	vadd.f32 v40, v60  }
0x40d: {  	v28 =	vld [tilespmem:s1+$0x0];
	s15 =	simm.s32 $0x8;
	v1 =	vadd.f32 v1, v59;
	v37 =	vadd.f32 v37, v49;
	v61 =	vmax.f32 v42, $0.0e+00  }
0x40e: {  	v50 =	vld [tilespmem:s29+$0xFFFFFEB0];
	v59 =	vmul.f32 v24, v4;
	v60 =	vmov s15;
	[tilespmem:s29+$0xFFFFFE20] =	vst v61;
	v40 =	vmax.f32 v40, $0.0e+00  }
0x40f: {  	v43 =	vadd.f32 v43, v53;
	v1 =	vmax.f32 v1, $0.0e+00;
	v61 =	vmul.f32 v19, v10;
	v57 =	vld [tilespmem:s11+$0xFFFFFE30];
	[tilespmem:s29+$0xFFFFFEA0] =	vst v40  }
0x410: {  	s21 =	simm.s32 $0xB;
	[tilespmem:s1+$0xFFFFFED0] =	vst v2;
	v56 =	vand.u32 $0xFFFFFFFC, v60;
	v60 =	vmul.f32 v27, v4;
	v44 =	vadd.f32 v44, v52;
	v58 =	vld [tilespmem:s11+$0xFFFFFEB0]  }
0x411: {  	v48 =	vld [tilespmem:s29+$0xFFFFFFB0];
	[tilespmem:s1+$0xFFFFFFD0] =	vst v0;
	v42 =	vmov s21;
	s21 =	simm.s32 $0x9;
	v0 =	vadd.f32 v37, v31;
	v43 =	vadd.f32 v43, v61  }
0x412: {  	v37 =	vld [tilespmem:s31+$0xFFFFFEE0];
	v2 =	vmov s21;
	v61 =	vmul.f32 v26, v11;
	v44 =	vadd.f32 v44, v60  }
0x413: {  	[tilespmem:s1+$0xFFFFFE60] =	vst v1;
	v1 =	vmul.f32 v38, v6;
	v0 =	vadd.f32 v0, v30;
	v31 =	vmax.f32 v43, $0.0e+00;
	v43 =	vld [tilespmem:s31+$0xFFFFFFE0]  }
0x414: {  	v47 =	vld [tilespmem:s29+$0xFFFFFE50];
	v52 =	vmul.f32 v17, v14;
	v2 =	vand.u32 $0xFFFFFFFD, v2;
	[tilespmem:s29+$0xFFFFFFA0] =	vst v31;
	v44 =	vadd.f32 v44, v61  }
0x415: {  	v31 =	vadd.f32 v57, v51;
	v57 =	vmul.f32 v20, v4;
	v30 =	vld [tilespmem:s11+$0xFFFFFFB0];
	v50 =	vadd.f32 v58, v50  }
0x416: {  	v54 =	vld [tilespmem:s29+$0xFFFFFE40];
	v60 =	vmul.f32 v21, v11;
	v0 =	vmax.f32 v0, $0.0e+00;
	v61 =	vmul.f32 v25, v11  }
0x417: {  	v55 =	vld [tilespmem:s29+$0xFFFFFEC0];
	v44 =	vmax.f32 v44, $0.0e+00;
	v31 =	vadd.f32 v31, v57;
	v50 =	vadd.f32 v50, v59  }
0x418: {  	v35 =	vadd.f32 v37, v35;
	v51 =	vld [tilespmem:s29+$0xFFFFFF40];
	[tilespmem:s29+$0xFFFFFF30] =	vst v44;
	v57 =	vmul.f32 v22, v6;
	v33 =	vadd.f32 v43, v33  }
0x419: {  	v44 =	vbroadcast v2, $0x0;
	v31 =	vadd.f32 v31, v60;
	v58 =	vadd.f32 v50, v61;
	v50 =	vld [tilespmem:s11+$0xFFFFFF40]  }
0x41a: {  	v59 =	vmul.f32 v23, v4;
	v35 =	vadd.f32 v35, v57;
	v30 =	vadd.f32 v30, v48;
	v48 =	vld [tilespmem:s31+$0xFFFFFE70]  }
0x41b: {  	v41 =	vld [tilespmem:s29+$0xFFFFFED0];
	v60 =	vmul.f32 v18, v14;
	v1 =	vadd.f32 v33, v1;
	v31 =	vmax.f32 v31, $0.0e+00  }
0x41c: {  	v49 =	vld [tilespmem:s29+$0xFFFFFFC0];
	v61 =	vmul.f32 v19, v11;
	[tilespmem:s29+$0xFFFFFE30] =	vst v31;
	v31 =	vmax.f32 v58, $0.0e+00;
	v30 =	vadd.f32 v30, v59  }
0x41d: {  	v43 =	vbroadcast v56, $0x0;
	v57 =	vmul.f32 v27, v5;
	[tilespmem:s29+$0xFFFFFEB0] =	vst v31;
	v31 =	vadd.f32 v35, v60;
	v56 =	vld [tilespmem:s11+$0xFFFFFE40]  }
0x41e: {  	v1 =	vadd.f32 v1, v52;
	v58 =	vmul.f32 v32, v7;
	v2 =	vld [tilespmem:s11+$0xFFFFFEC0];
	v30 =	vadd.f32 v30, v61  }
0x41f: {  	v40 =	vld [tilespmem:s29+$0xFFFFFFD0];
	v50 =	vadd.f32 v50, v51;
	v34 =	vadd.f32 v48, v34;
	v31 =	vmax.f32 v31, $0.0e+00  }
0x420: {  	v37 =	vld [tilespmem:s29+$0xFFFFFE60];
	v60 =	vmul.f32 v26, v12;
	v1 =	vmax.f32 v1, $0.0e+00;
	v59 =	vmax.f32 v30, $0.0e+00;
	[tilespmem:s1+$0xFFFFFEE0] =	vst v31  }
0x421: {  	v31 =	vadd.f32 v50, v57;
	[tilespmem:s29+$0xFFFFFFB0] =	vst v59;
	v51 =	vld [tilespmem:s31+$0xFFFFFEF0];
	v57 =	vmul.f32 v20, v5;
	v34 =	vadd.f32 v34, v58  }
0x422: {  	[tilespmem:s1+$0xFFFFFFE0] =	vst v1;
	v58 =	vmul.f32 v36, v15;
	v59 =	vmul.f32 v24, v5;
	v61 =	vadd.f32 v56, v54;
	v1 =	vld [tilespmem:s11+$0xFFFFFFC0]  }
0x423: {  	v33 =	vld [tilespmem:s29+$0xFFFFFEE0];
	v54 =	vmul.f32 v32, v8;
	v2 =	vadd.f32 v2, v55;
	v31 =	vadd.f32 v31, v60  }
0x424: {  	v35 =	vld [tilespmem:s29+$0xFFFFFFE0];
	v60 =	vmul.f32 v21, v12;
	v48 =	vadd.f32 v34, v58;
	v55 =	vmul.f32 v17, v15  }
0x425: {  	v58 =	vmul.f32 v22, v7;
	v52 =	vadd.f32 v61, v57;
	v61 =	vld [tilespmem:s31+$0xFFFFFFF0];
	v57 =	vmul.f32 v25, v12  }
0x426: {  	v30 =	vld [tilespmem:s29+$0xFFFFFFF0];
	v2 =	vadd.f32 v2, v59;
	v31 =	vmax.f32 v31, $0.0e+00;
	v59 =	vmul.f32 v23, v5  }
0x427: {  	v48 =	vmax.f32 v48, $0.0e+00;
	[tilespmem:s29+$0xFFFFFF40] =	vst v31;
	v46 =	vadd.f32 v51, v46;
	v1 =	vadd.f32 v1, v49;
	v49 =	vld [tilespmem:s29+$0xFFFFFF50]  }
0x428: {  	v50 =	vadd.f32 v52, v60;
	[tilespmem:s1+$0xFFFFFE70] =	vst v48;
	v60 =	vmul.f32 v18, v15;
	v52 =	vmul.f32 v21, v13;
	v48 =	vld [tilespmem:s11+$0xFFFFFF50]  }
0x429: {  	v51 =	vmul.f32 v25, v13;
	v2 =	vadd.f32 v2, v57;
	v56 =	vld [tilespmem:s31+$0xFFFFFE80];
	v46 =	vadd.f32 v46, v58  }
0x42a: {  	v32 =	vld [tilespmem:s29+$0xFFFFFEF0];
	v50 =	vmax.f32 v50, $0.0e+00;
	v53 =	vadd.f32 v61, v39;
	v61 =	vmul.f32 v38, v7  }
0x42b: {  	v34 =	vld [tilespmem:s29+$0xFFFFFE70];
	v58 =	vmul.f32 v19, v12;
	v1 =	vadd.f32 v1, v59;
	[tilespmem:s29+$0xFFFFFE40] =	vst v50;
	v39 =	vmul.f32 v38, v8  }
0x42c: {  	v50 =	vmul.f32 v36, v16;
	v2 =	vmax.f32 v2, $0.0e+00;
	v59 =	vadd.f32 v53, v61;
	v53 =	vld [tilespmem:s11+$0xFFFFFE50]  }
0x42d: {  	v31 =	vld [tilespmem:s29+$0xFFFFFE80];
	v46 =	vadd.f32 v46, v60;
	v60 =	vmul.f32 v27, v63;
	v1 =	vadd.f32 v1, v58  }
0x42e: {  	[tilespmem:s1+$0xFFFFFF80] =	vst v0;
	v36 =	vld [tilespmem:s29+$0xFFFFFF00];
	v48 =	vadd.f32 v48, v49;
	v0 =	vadd.f32 v56, v45;
	v56 =	vmul.f32 v24, v63  }
0x42f: {  	v38 =	vld [tilespmem:s29+$0x0];
	[tilespmem:s29+$0xFFFFFEC0] =	vst v2;
	v61 =	vadd.f32 v59, v55;
	v55 =	vmul.f32 v20, v63;
	v1 =	vmax.f32 v1, $0.0e+00  }
0x430: {  	v57 =	vld [tilespmem:s11+$0xFFFFFED0];
	v45 =	vadd.f32 v48, v60;
	[tilespmem:s29+$0xFFFFFFC0] =	vst v1;
	v1 =	vmax.f32 v46, $0.0e+00;
	v58 =	vadd.f32 v0, v54  }
0x431: {  	s30 =	simm.s32 $0x179E8;
	s15 =	simm.s32 $0xC;
	s21 =	simm.s32 $0xA;
	[tilespmem:s1+$0xFFFFFEF0] =	vst v1;
	v54 =	vld [tilespmem:s11+$0xFFFFFFD0];
	v59 =	vadd.f32 v53, v47;
	v47 =	vmul.f32 v26, v13;
	v53 =	vmax.f32 v61, $0.0e+00  }
.LBB2_9:
0x432: {  	[tilespmem:s1+$0xFFFFFFF0] =	vst v53;
	v44 =	vld.idx.msk [tilespmem:v44+s26+$0x0], $0xffff  }
0x433: {  	v0 =	vmov s21;
	v48 =	vmul.f32 v19, v13;
	v2 =	vadd.f32 v45, v47;
	v61 =	vld [tilespmem:s31+$0x0]  }
0x434: {  	v0 =	vand.u32 $0xFFFFFFFE, v0;
	v60 =	vadd.f32 v59, v55;
	v46 =	vadd.f32 v58, v50;
	v42 =	vld.idx.msk [tilespmem:v42+s26+$0x0], $0xffff  }
0x435: {  	v0 =	vbroadcast v0, $0x0;
	v2 =	vmax.f32 v2, $0.0e+00;
	v1 =	vadd.f32 v57, v41;
	v57 =	vld [tilespmem:s31+$0xFFFFFF00]  }
0x436: {  	v53 =	vmul.f32 v23, v63;
	v45 =	vadd.f32 v60, v52;
	[tilespmem:s29+$0xFFFFFF50] =	vst v2;
	v2 =	vld [tilespmem:s29+$0xFFFFFF60];
	v40 =	vadd.f32 v54, v40  }
0x437: {  	v55 =	vmul.f32 v22, v8;
	v46 =	vmax.f32 v46, $0.0e+00;
	v49 =	vld [tilespmem:s11+$0xFFFFFF60];
	v1 =	vadd.f32 v1, v56  }
0x438: {  	v22 =	vmovc v24;
	v58 =	vmul.f32 v17, v16;
	[tilespmem:s1+$0xFFFFFE80] =	vst v46;
	v45 =	vmax.f32 v45, $0.0e+00;
	v24 =	vadd.f32 v40, v53  }
0x439: {  	v50 =	vmul.f32 v21, v14;
	v43 =	vld.idx.msk [tilespmem:v43+s26+$0x0], $0xffff;
	[tilespmem:s29+$0xFFFFFE50] =	vst v45;
	v1 =	vadd.f32 v1, v51  }
0x43a: {  	v60 =	vmul.f32 v27, v6;
	v56 =	vld [tilespmem:s11+$0xFFFFFE60];
	v24 =	vadd.f32 v24, v48;
	v54 =	vadd.f32 v57, v29  }
0x43b: {  	s31 =	smov.u32 s11;
	v28 =	vadd.f32 v61, v28;
	s11 =	sadd.s32 $0x200, s11;
	v0 =	vld.idx.msk [tilespmem:v0+s26+$0x0], $0xffff;
	v57 =	vmul.f32 v18, v16;
	v1 =	vmax.f32 v1, $0.0e+00  }
0x43c: {  	v17 =	vmovc v19;
	v61 =	vld [tilespmem:s11+$0xFFFFFF10];
	v2 =	vadd.f32 v49, v2;
	v24 =	vmax.f32 v24, $0.0e+00;
	[tilespmem:s29+$0xFFFFFED0] =	vst v1;
	v1 =	vadd.f32 v54, v55  }
0x43d: {  	v19 =	vmin.f32 v42, $0.0e+00;
	v48 =	vmul.f32 v26, v14;
	v18 =	vmovc v25;
	v25 =	vadd.f32 v28, v39;
	s29 =	sadd.s32 $0x200, s29;
	[tilespmem:s30+$0xFFFFFFD0] =	vst v24;
	v24 =	vld [tilespmem:s11+$0xFFFFFE10]  }
0x43e: {  	v49 =	vmul.f32 v20, v6;
	v59 =	vld [tilespmem:s29+$0xFFFFFF10];
	v2 =	vadd.f32 v2, v60;
	v1 =	vadd.f32 v1, v57  }
0x43f: {  	v29 =	vmovc v36;
	v36 =	vmin.f32 v43, $0.0e+00;
	v45 =	vmax.f32 v43, $0.0e+00;
	v25 =	vadd.f32 v25, v58;
	v63 =	vld [tilespmem:s29+$0xFFFFFE10]  }
0x440: {  	v43 =	vmul.f32 v45, v62;
	v52 =	vld [tilespmem:s29+$0xFFFFFF90];
	v2 =	vadd.f32 v2, v48;
	v1 =	vmax.f32 v1, $0.0e+00  }
0x441: {  	v40 =	vadd.f32 v56, v37;
	v37 =	vmax.f32 v42, $0.0e+00;
	[tilespmem:s1+$0xFFFFFF00] =	vst v1;
	v1 =	vmax.f32 v25, $0.0e+00;
	v25 =	vld [tilespmem:s29+$0xFFFFFE90]  }
0x442: {  	v60 =	vmul.f32 v27, v7;
	v47 =	vmax.f32 v0, $0.0e+00;
	v2 =	vmax.f32 v2, $0.0e+00;
	[tilespmem:s1+$0x0] =	vst v1;
	s1 =	smov.u32 s30;
	v1 =	vld [tilespmem:s11+$0xFFFFFE90]  }
0x443: {  	v0 =	vmin.f32 v0, $0.0e+00;
	v51 =	vmul.f32 v47, v62;
	v39 =	vadd.f32 v61, v59;
	[tilespmem:s1+$0xFFFFFF60] =	vst v2;
	v2 =	vld [tilespmem:s1+$0xFFFFFF70]  }
0x444: {  	v28 =	vmovc v38;
	v57 =	vmul.f32 v36, v9;
	v40 =	vadd.f32 v40, v49;
	v38 =	vadd.f32 v24, v63;
	v55 =	vld [tilespmem:s11+$0xFFFFFF90]  }
0x445: {  	v53 =	vmul.f32 v0, v9;
	v24 =	vmax.f32 v44, $0.0e+00;
	v39 =	vadd.f32 v39, v51;
	v54 =	vld [tilespmem:s31+$0xFFFFFF70]  }
0x446: {  	v48 =	vmul.f32 v37, v62;
	v56 =	vmul.f32 v24, v62;
	v38 =	vadd.f32 v38, v43  }
0x447: {  	v39 =	vadd.f32 v39, v53;
	v1 =	vadd.f32 v1, v25;
	v25 =	vmin.f32 v44, $0.0e+00  }
0x448: {  	v40 =	vadd.f32 v40, v50;
	v38 =	vadd.f32 v38, v57;
	v58 =	vmul.f32 v25, v9  }
0x449: {  	v41 =	vld [tilespmem:s29+$0xFFFFFEA0];
	v39 =	vmax.f32 v39, $0.0e+00;
	v63 =	vadd.f32 v55, v52;
	v1 =	vadd.f32 v1, v56  }
0x44a: {  	v59 =	vld [tilespmem:s29+$0xFFFFFF20];
	v40 =	vmax.f32 v40, $0.0e+00;
	v38 =	vmax.f32 v38, $0.0e+00;
	[tilespmem:s29+$0xFFFFFF10] =	vst v39;
	v2 =	vadd.f32 v54, v2  }
0x44b: {  	[tilespmem:s1+$0xFFFFFE60] =	vst v40;
	v61 =	vld [tilespmem:s11+$0xFFFFFF20];
	v57 =	vadd.f32 v63, v48;
	v1 =	vadd.f32 v1, v58;
	v58 =	vmul.f32 v19, v9  }
0x44c: {  	v49 =	vld [tilespmem:s29+$0xFFFFFE20];
	v51 =	vmul.f32 v26, v15;
	[tilespmem:s29+$0xFFFFFE10] =	vst v38;
	v2 =	vadd.f32 v2, v60  }
0x44d: {  	s21 =	sadd.s32 $0x3, s15;
	v46 =	vld [tilespmem:s11+$0xFFFFFE20];
	v1 =	vmax.f32 v1, $0.0e+00;
	v38 =	vadd.f32 v57, v58  }
0x44e: {  	v42 =	vmov s21;
	s21 =	sadd.s32 $0x1, s15;
	v50 =	vld [tilespmem:s29+$0xFFFFFFA0];
	[tilespmem:s29+$0xFFFFFE90] =	vst v1;
	v1 =	vadd.f32 v2, v51  }
0x44f: {  	v53 =	vld [tilespmem:s29+$0xFFFFFE30];
	v60 =	vmov s21;
	v2 =	vmov s15;
	v38 =	vmax.f32 v38, $0.0e+00  }
0x450: {  	v40 =	vld [tilespmem:s11+$0xFFFFFEA0];
	v39 =	vadd.f32 v61, v59;
	v59 =	vmul.f32 v47, v3;
	v1 =	vmax.f32 v1, $0.0e+00;
	[tilespmem:s29+$0xFFFFFF90] =	vst v38  }
0x451: {  	v57 =	vmul.f32 v45, v3;
	v2 =	vand.u32 $0xFFFFFFFC, v2;
	v61 =	vmul.f32 v0, v10;
	[tilespmem:s1+$0xFFFFFF70] =	vst v1;
	v1 =	vld [tilespmem:s1+$0xFFFFFF80]  }
0x452: {  	v46 =	vadd.f32 v46, v49;
	v43 =	vbroadcast v2, $0x0;
	v2 =	vadd.f32 v39, v59;
	v49 =	vld [tilespmem:s11+$0xFFFFFFA0]  }
0x453: {  	v63 =	vand.u32 $0xFFFFFFFD, v60;
	v62 =	vld [tilespmem:s31+$0xFFFFFF80]  }
0x454: {  	v55 =	vld [tilespmem:s29+$0xFFFFFFB0];
	v60 =	vmul.f32 v36, v10;
	v59 =	vadd.f32 v46, v57;
	v2 =	vadd.f32 v2, v61  }
0x455: {  	v52 =	vld [tilespmem:s29+$0xFFFFFEC0];
	v58 =	vmul.f32 v24, v3;
	v44 =	vbroadcast v63, $0x0;
	v40 =	vadd.f32 v40, v41  }
0x456: {  	v54 =	vld [tilespmem:s29+$0xFFFFFEB0];
	v61 =	vmul.f32 v25, v10;
	v39 =	vadd.f32 v59, v60;
	v2 =	vmax.f32 v2, $0.0e+00  }
0x457: {  	v40 =	vadd.f32 v40, v58;
	[tilespmem:s29+$0xFFFFFF20] =	vst v2;
	v2 =	vld [tilespmem:s29+$0xFFFFFF30];
	v49 =	vadd.f32 v49, v50;
	v58 =	vmul.f32 v37, v3  }
0x458: {  	v39 =	vmax.f32 v39, $0.0e+00;
	v1 =	vadd.f32 v62, v1;
	v62 =	vmul.f32 v27, v8;
	v63 =	vld [tilespmem:s11+$0xFFFFFF30]  }
0x459: {  	v51 =	vld [tilespmem:s29+$0xFFFFFE40];
	[tilespmem:s29+$0xFFFFFE20] =	vst v39;
	v40 =	vadd.f32 v40, v61;
	v60 =	vadd.f32 v49, v58;
	v61 =	vmul.f32 v19, v10  }
0x45a: {  	v59 =	vmul.f32 v26, v16;
	v50 =	vld [tilespmem:s11+$0xFFFFFE30]  }
0x45b: {  	v38 =	vld [tilespmem:s29+$0xFFFFFFC0];
	v26 =	vmovc v0;
	v1 =	vadd.f32 v1, v62;
	v0 =	vmax.f32 v40, $0.0e+00;
	v49 =	vadd.f32 v60, v61  }
0x45c: {  	v48 =	vmul.f32 v23, v7;
	v46 =	vld [tilespmem:s29+$0xFFFFFE50];
	v57 =	vmul.f32 v17, v14;
	[tilespmem:s29+$0xFFFFFEA0] =	vst v0  }
0x45d: {  	v27 =	vmovc v47;
	v0 =	vadd.f32 v1, v59;
	v1 =	vld [tilespmem:s11+$0xFFFFFEB0];
	v2 =	vadd.f32 v63, v2;
	v63 =	vmax.f32 v49, $0.0e+00  }
0x45e: {  	v56 =	vmul.f32 v26, v11;
	v62 =	vmul.f32 v27, v4;
	v59 =	vld [tilespmem:s31+$0xFFFFFEE0];
	[tilespmem:s29+$0xFFFFFFA0] =	vst v63  }
0x45f: {  	v50 =	vadd.f32 v50, v53;
	v53 =	vmul.f32 v45, v4;
	v0 =	vmax.f32 v0, $0.0e+00;
	v60 =	vld [tilespmem:s31+$0xFFFFFFE0]  }
0x460: {  	v39 =	vmul.f32 v23, v8;
	[tilespmem:s1+$0xFFFFFF80] =	vst v0;
	v0 =	vmul.f32 v23, v6;
	v61 =	vld [tilespmem:s11+$0xFFFFFFB0]  }
0x461: {  	v41 =	vld [tilespmem:s29+$0xFFFFFED0];
	v23 =	vmovc v37;
	v2 =	vadd.f32 v2, v62;
	v50 =	vadd.f32 v50, v53;
	v53 =	vmul.f32 v36, v11  }
0x462: {  	v40 =	vld [tilespmem:s29+$0xFFFFFFD0];
	v62 =	vmul.f32 v23, v4;
	v1 =	vadd.f32 v1, v54;
	v54 =	vmul.f32 v24, v4  }
0x463: {  	v63 =	vld [tilespmem:s29+$0xFFFFFEE0];
	v2 =	vadd.f32 v2, v56;
	v56 =	vmul.f32 v25, v11;
	v50 =	vadd.f32 v50, v53  }
0x464: {  	v53 =	vmul.f32 v22, v6;
	v33 =	vadd.f32 v59, v33;
	v1 =	vadd.f32 v1, v54;
	v54 =	vld [tilespmem:s29+$0xFFFFFFE0]  }
0x465: {  	v2 =	vmax.f32 v2, $0.0e+00;
	v35 =	vadd.f32 v60, v35;
	v55 =	vadd.f32 v61, v55;
	v60 =	vld [tilespmem:s31+$0xFFFFFE70]  }
0x466: {  	v59 =	vmul.f32 v18, v14;
	v50 =	vmax.f32 v50, $0.0e+00;
	[tilespmem:s29+$0xFFFFFF30] =	vst v2;
	v2 =	vld [tilespmem:s29+$0xFFFFFF40];
	v1 =	vadd.f32 v1, v56  }
0x467: {  	[tilespmem:s29+$0xFFFFFE30] =	vst v50;
	v56 =	vld [tilespmem:s11+$0xFFFFFF40];
	v0 =	vadd.f32 v35, v0;
	v35 =	vadd.f32 v55, v62;
	v55 =	vmul.f32 v19, v11  }
0x468: {  	v53 =	vadd.f32 v33, v53;
	v50 =	vmul.f32 v21, v16;
	v62 =	vld [tilespmem:s11+$0xFFFFFE40];
	v1 =	vmax.f32 v1, $0.0e+00  }
0x469: {  	v37 =	vld [tilespmem:s29+$0xFFFFFE60];
	v0 =	vadd.f32 v0, v57;
	v55 =	vadd.f32 v35, v55;
	v57 =	vmul.f32 v20, v7;
	[tilespmem:s29+$0xFFFFFEB0] =	vst v1  }
0x46a: {  	v1 =	vadd.f32 v53, v59;
	v59 =	vmul.f32 v21, v15;
	v34 =	vadd.f32 v60, v34;
	v53 =	vld [tilespmem:s11+$0xFFFFFEC0]  }
0x46b: {  	v61 =	vld [tilespmem:s29+$0xFFFFFE70];
	v21 =	vmovc v36;
	v36 =	vmul.f32 v27, v5;
	v35 =	vmovc v54;
	v54 =	vmax.f32 v55, $0.0e+00;
	v0 =	vmax.f32 v0, $0.0e+00  }
0x46c: {  	v33 =	vmovc v63;
	v63 =	vld [tilespmem:s29+$0xFFFFFEF0];
	v2 =	vadd.f32 v56, v2;
	v1 =	vmax.f32 v1, $0.0e+00;
	[tilespmem:s29+$0xFFFFFFB0] =	vst v54;
	v57 =	vadd.f32 v34, v57  }
0x46d: {  	v51 =	vadd.f32 v62, v51;
	v56 =	vmul.f32 v45, v5;
	[tilespmem:s1+$0xFFFFFEE0] =	vst v1;
	v1 =	vmul.f32 v21, v12;
	v60 =	vld [tilespmem:s11+$0xFFFFFFC0]  }
0x46e: {  	v2 =	vadd.f32 v2, v36;
	v36 =	vmul.f32 v26, v12;
	v54 =	vld [tilespmem:s31+$0xFFFFFEF0];
	v57 =	vadd.f32 v57, v59  }
0x46f: {  	v55 =	vld [tilespmem:s29+$0xFFFFFFF0];
	[tilespmem:s1+$0xFFFFFFE0] =	vst v0;
	v51 =	vadd.f32 v51, v56;
	v0 =	vadd.f32 v53, v52;
	v52 =	vmul.f32 v24, v5  }
0x470: {  	v56 =	vld [tilespmem:s29+$0xFFFFFE80];
	v2 =	vadd.f32 v2, v36;
	v57 =	vmax.f32 v57, $0.0e+00  }
0x471: {  	v47 =	vmul.f32 v17, v15;
	v53 =	vld [tilespmem:s31+$0xFFFFFFF0];
	v1 =	vadd.f32 v51, v1;
	[tilespmem:s1+$0xFFFFFE70] =	vst v57;
	v0 =	vadd.f32 v0, v52  }
0x472: {  	v52 =	vmul.f32 v25, v12;
	v2 =	vmax.f32 v2, $0.0e+00;
	v38 =	vadd.f32 v60, v38;
	v60 =	vld [tilespmem:s31+$0xFFFFFE80]  }
0x473: {  	v58 =	vmul.f32 v23, v5;
	v59 =	vmul.f32 v22, v7;
	[tilespmem:s29+$0xFFFFFF40] =	vst v2;
	v2 =	vld [tilespmem:s29+$0xFFFFFF50];
	v54 =	vadd.f32 v54, v32  }
0x474: {  	v49 =	vmul.f32 v19, v12;
	v34 =	vmovc v61;
	v1 =	vmax.f32 v1, $0.0e+00;
	v32 =	vmovc v63;
	v63 =	vld [tilespmem:$0x1FFE0];
	v0 =	vadd.f32 v0, v52  }
0x475: {  	v51 =	vmul.f32 v18, v15;
	[tilespmem:s29+$0xFFFFFE40] =	vst v1;
	v61 =	vld [tilespmem:s11+$0xFFFFFF50];
	v1 =	vadd.f32 v38, v58;
	v54 =	vadd.f32 v54, v59  }
0x476: {  	v58 =	vmul.f32 v20, v8;
	v53 =	vadd.f32 v53, v30;
	v0 =	vmax.f32 v0, $0.0e+00  }
0x477: {  	p1 =	slt.u32 s15, $0x34;
	v52 =	vmul.f32 v21, v13;
	v59 =	vld [tilespmem:s11+$0xFFFFFE50];
	v1 =	vadd.f32 v1, v49;
	[tilespmem:s29+$0xFFFFFEC0] =	vst v0;
	v0 =	vadd.f32 v54, v51  }
.Ltmp5:
0x478: {  	v62 =	vld [tilespmem:$0x1FFD0];
	v20 =	vmovc v45;
	v45 =	vadd.f32 v53, v48;
	v51 =	vmul.f32 v25, v13;
	v60 =	vadd.f32 v60, v31;
	(pc) =	sbr.rel @p1 .LBB2_9-.Ltmp5, $4  }
0x479: {  	v36 =	vld [tilespmem:s29+$0xFFFFFF00];
	v30 =	vmovc v55;
	v55 =	vmul.f32 v20, v63;
	v53 =	vmul.f32 v27, v63;
	v1 =	vmax.f32 v1, $0.0e+00  }
0x47a: {  	v38 =	vld [tilespmem:s29+$0x0];
	v31 =	vmovc v56;
	v56 =	vmul.f32 v24, v63;
	v2 =	vadd.f32 v61, v2;
	v54 =	vadd.f32 v45, v47  }
0x47b: {  	v57 =	vld [tilespmem:s11+$0xFFFFFED0];
	v0 =	vmax.f32 v0, $0.0e+00;
	v47 =	vmul.f32 v26, v13;
	[tilespmem:s29+$0xFFFFFFC0] =	vst v1;
	v58 =	vadd.f32 v60, v58  }
0x47c: {  	s30 =	smov.u32 s29;
	s21 =	sadd.s32 $0x2, s15;
	s15 =	sadd.s32 $0x4, s15;
	v59 =	vadd.f32 v59, v46;
	[tilespmem:s1+$0xFFFFFEF0] =	vst v0;
	v45 =	vadd.f32 v2, v53;
	v53 =	vmax.f32 v54, $0.0e+00;
	v54 =	vld [tilespmem:s11+$0xFFFFFFD0]  }
0x47d: {  	v0 =	vmov s21  }
0x47e: {  	v0 =	vand.u32 $0xFFFFFFFE, v0  }
0x47f: {  	v0 =	vbroadcast v0, $0x0;
	_ =	sdelay $0x3  }
0x480: {  	v60 =	vld.idx.msk [tilespmem:v42+s26+$0x0], $0xffff  }
0x481: {  	v2 =	vld.idx.msk [tilespmem:v43+s26+$0x0], $0xffff  }
0x482: {  	v0 =	vld.idx.msk [tilespmem:v0+s26+$0x0], $0xffff  }
0x483: {  	s15 =	sadd.s32 $0x200, s29;
	v46 =	vld.idx.msk [tilespmem:v44+s26+$0x0], $0xffff  }
0x484: {  	s21 =	sadd.s32 $0x200, s11;
	v42 =	vld [tilespmem:s15+$0xFFFFFF10]  }
0x485: {  	v43 =	vld [tilespmem:s21+$0xFFFFFF10]  }
0x486: {  	v48 =	vld [tilespmem:s15+$0xFFFFFE10]  }
0x487: {  	v49 =	vld [tilespmem:s21+$0xFFFFFE10];
	v1 =	vmax.f32 v0, $0.0e+00  }
0x488: {  	v63 =	vld [tilespmem:s15+$0xFFFFFE90];
	[tilespmem:$0x1FEB0] =	vst v1  }
0x489: {  	v44 =	vadd.f32 v45, v47;
	v45 =	vld [tilespmem:s15+$0xFFFFFF90];
	_ =	sdelay $0x2  }
0x48a: {  	v42 =	vadd.f32 v43, v42;
	v0 =	vmin.f32 v0, $0.0e+00;
	v47 =	vmul.f32 v1, v62;
	v61 =	vld [tilespmem:s21+$0xFFFFFE90]  }
0x48b: {  	v43 =	vmax.f32 v44, $0.0e+00;
	[tilespmem:$0x1FEC0] =	vst v0  }
0x48c: {  	v44 =	vmax.f32 v2, $0.0e+00;
	[tilespmem:$0x1FEA0] =	vst v45;
	v45 =	vadd.f32 v42, v47;
	v42 =	vmul.f32 v0, v9  }
0x48d: {  	v49 =	vadd.f32 v49, v48;
	v48 =	vmul.f32 v44, v62;
	[tilespmem:$0x1FED0] =	vst v44  }
0x48e: {  	v1 =	vmin.f32 v2, $0.0e+00;
	v0 =	vmax.f32 v46, $0.0e+00;
	v47 =	vld [tilespmem:s21+$0xFFFFFF90];
	[tilespmem:s29+$0xFFFFFF50] =	vst v43;
	v42 =	vadd.f32 v45, v42  }
0x48f: {  	v44 =	vld [tilespmem:s29+$0xFFFFFF60];
	[tilespmem:$0x1FEE0] =	vst v0;
	v45 =	vadd.f32 v61, v63;
	v63 =	vadd.f32 v49, v48;
	v49 =	vmul.f32 v1, v9  }
0x490: {  	v61 =	vmul.f32 v0, v62;
	v0 =	vmin.f32 v46, $0.0e+00;
	v43 =	vld [tilespmem:s11+$0xFFFFFF60];
	[tilespmem:$0x1FF00] =	vst v1;
	v46 =	vmax.f32 v42, $0.0e+00  }
0x491: {  	[tilespmem:s15+$0xFFFFFF10] =	vst v46  }
0x492: {  	v42 =	vadd.f32 v63, v49;
	v63 =	vld [tilespmem:$0x1FEA0];
	_ =	sdelay $0x4  }
0x493: {  	v2 =	vmax.f32 v60, $0.0e+00;
	v45 =	vadd.f32 v45, v61;
	v47 =	vadd.f32 v47, v63  }
0x494: {  	v49 =	vmovc v2;
	v63 =	vmul.f32 v2, v62;
	v2 =	vmin.f32 v60, $0.0e+00;
	v60 =	vmul.f32 v0, v9;
	_ =	sdelay $0x1  }
0x495: {  	v45 =	vadd.f32 v45, v60  }
0x496: {  	v48 =	vmov v1;
	v1 =	vld [tilespmem:s15+$0xFFFFFF20];
	v46 =	vmov v0;
	v0 =	vmax.f32 v42, $0.0e+00;
	[tilespmem:$0x1FEF0] =	vst v2  }
0x497: {  	[tilespmem:s15+$0xFFFFFE10] =	vst v0;
	v45 =	vmax.f32 v45, $0.0e+00  }
0x498: {  	v61 =	vld [tilespmem:s21+$0xFFFFFF20];
	[tilespmem:s15+$0xFFFFFE90] =	vst v45  }
0x499: {  	v47 =	vadd.f32 v47, v63;
	v63 =	vmul.f32 v2, v9;
	v62 =	vld [tilespmem:$0x1FEB0];
	_ =	sdelay $0x1  }
0x49a: {  	v47 =	vadd.f32 v47, v63;
	_ =	sdelay $0x1  }
0x49b: {  	v60 =	vld [tilespmem:s15+$0xFFFFFE20];
	v47 =	vmax.f32 v47, $0.0e+00  }
0x49c: {  	v2 =	vadd.f32 v43, v44;
	v0 =	vld [tilespmem:s21+$0xFFFFFE20];
	v1 =	vadd.f32 v61, v1;
	[tilespmem:s15+$0xFFFFFF90] =	vst v47;
	v43 =	vmul.f32 v62, v3  }
0x49d: {  	v42 =	vmul.f32 v27, v6;
	v44 =	vld [tilespmem:$0x1FED0]  }
0x49e: {  	v1 =	vadd.f32 v1, v43;
	v43 =	vld [tilespmem:$0x1FEC0]  }
0x49f: {  	v2 =	vadd.f32 v2, v42;
	v42 =	vmul.f32 v26, v14  }
0x4a0: {  	v63 =	vld [tilespmem:s15+$0xFFFFFEA0]  }
0x4a1: {  	v45 =	vld [tilespmem:s15+$0xFFFFFFA0];
	v2 =	vadd.f32 v2, v42  }
0x4a2: {  	v61 =	vld [tilespmem:s21+$0xFFFFFFA0];
	v0 =	vadd.f32 v0, v60;
	v60 =	vmul.f32 v44, v3  }
0x4a3: {  	v47 =	vld [tilespmem:s21+$0xFFFFFEA0];
	v2 =	vmax.f32 v2, $0.0e+00;
	v42 =	vmul.f32 v43, v10  }
0x4a4: {  	[tilespmem:s30+$0xFFFFFF60] =	vst v2;
	v2 =	vmul.f32 v48, v10;
	v0 =	vadd.f32 v0, v60  }
0x4a5: {  	v1 =	vadd.f32 v1, v42  }
0x4a6: {  	v48 =	vld [tilespmem:$0x1FEE0];
	v0 =	vadd.f32 v0, v2  }
0x4a7: {  	v2 =	vadd.f32 v61, v45;
	v61 =	vmul.f32 v49, v3;
	v1 =	vmax.f32 v1, $0.0e+00  }
0x4a8: {  	v47 =	vadd.f32 v47, v63;
	v63 =	vld [tilespmem:$0x1FFE0];
	[tilespmem:s15+$0xFFFFFF20] =	vst v1  }
0x4a9: {  	v2 =	vadd.f32 v2, v61;
	v61 =	vld [tilespmem:$0x1FEF0]  }
0x4aa: {  	v41 =	vadd.f32 v57, v41;
	v57 =	vld [tilespmem:s30+$0xFFFFFF70]  }
0x4ab: {  	v40 =	vadd.f32 v54, v40;
	v54 =	vld [tilespmem:s15+$0xFFFFFEB0];
	v42 =	vadd.f32 v59, v55;
	v59 =	vmul.f32 v48, v3  }
0x4ac: {  	v50 =	vadd.f32 v58, v50;
	v1 =	vld [tilespmem:s15+$0xFFFFFF30]  }
0x4ad: {  	v58 =	vmul.f32 v46, v10;
	v0 =	vmax.f32 v0, $0.0e+00;
	v47 =	vadd.f32 v47, v59;
	v59 =	vld [tilespmem:s21+$0xFFFFFF30]  }
0x4ae: {  	[tilespmem:s15+$0xFFFFFE20] =	vst v0;
	v0 =	vld [tilespmem:s15+$0xFFFFFE30];
	v45 =	vmul.f32 v61, v10  }
0x4af: {  	v42 =	vadd.f32 v42, v52;
	v47 =	vadd.f32 v47, v58;
	v52 =	vld [tilespmem:s21+$0xFFFFFE30]  }
0x4b0: {  	v41 =	vadd.f32 v41, v56;
	v60 =	vmov v49;
	v49 =	vld [tilespmem:s11+$0xFFFFFF70];
	v2 =	vadd.f32 v2, v45  }
0x4b1: {  	v55 =	vld [tilespmem:s31+$0xFFFFFF00];
	[tilespmem:s1+$0xFFFFFFF0] =	vst v53;
	v47 =	vmax.f32 v47, $0.0e+00  }
0x4b2: {  	v41 =	vadd.f32 v41, v51;
	[tilespmem:s15+$0xFFFFFEA0] =	vst v47;
	v47 =	vld [tilespmem:s15+$0xFFFFFFB0];
	v2 =	vmax.f32 v2, $0.0e+00  }
0x4b3: {  	v56 =	vmul.f32 v62, v4;
	v51 =	vld [tilespmem:s21+$0xFFFFFEB0];
	v1 =	vadd.f32 v59, v1;
	v45 =	vmul.f32 v23, v63;
	[tilespmem:s15+$0xFFFFFFA0] =	vst v2  }
0x4b4: {  	v59 =	vmovc v62;
	v62 =	vmov v44;
	v0 =	vadd.f32 v52, v0;
	v52 =	vmul.f32 v44, v4;
	v44 =	vld [tilespmem:$0x1FF00]  }
0x4b5: {  	v1 =	vadd.f32 v1, v56;
	v2 =	vadd.f32 v40, v45;
	v40 =	vmul.f32 v43, v11;
	v45 =	vld [tilespmem:s21+$0xFFFFFFB0]  }
0x4b6: {  	v18 =	vmul.f32 v18, v16;
	v42 =	vmax.f32 v42, $0.0e+00;
	v29 =	vadd.f32 v55, v29  }
0x4b7: {  	v55 =	vmul.f32 v19, v13;
	v56 =	vmul.f32 v22, v8;
	v1 =	vadd.f32 v1, v40  }
0x4b8: {  	v22 =	vadd.f32 v49, v57;
	v49 =	vmul.f32 v48, v4;
	v0 =	vadd.f32 v0, v52  }
0x4b9: {  	v52 =	vld [tilespmem:s31+$0x0];
	v51 =	vadd.f32 v51, v54;
	v1 =	vmax.f32 v1, $0.0e+00;
	v58 =	vmul.f32 v44, v11  }
0x4ba: {  	v54 =	vmul.f32 v60, v4;
	v29 =	vadd.f32 v29, v56;
	[tilespmem:s15+$0xFFFFFF30] =	vst v1;
	v1 =	vld [tilespmem:s15+$0xFFFFFF40];
	v57 =	vadd.f32 v45, v47  }
0x4bb: {  	[tilespmem:s29+$0xFFFFFE50] =	vst v42;
	v45 =	vmul.f32 v46, v11;
	v47 =	vadd.f32 v51, v49;
	v51 =	vld [tilespmem:s21+$0xFFFFFF40];
	v0 =	vadd.f32 v0, v58  }
0x4bc: {  	v53 =	vld [tilespmem:s11+$0xFFFFFE60];
	v58 =	vmul.f32 v27, v7;
	v40 =	vadd.f32 v57, v54;
	v54 =	vmul.f32 v61, v11  }
0x4bd: {  	v18 =	vadd.f32 v29, v18;
	v49 =	vmul.f32 v26, v15;
	v45 =	vadd.f32 v47, v45;
	v47 =	vld [tilespmem:s15+$0xFFFFFEC0]  }
0x4be: {  	v0 =	vmax.f32 v0, $0.0e+00;
	v42 =	vadd.f32 v22, v58;
	v58 =	vld [tilespmem:s15+$0xFFFFFE40];
	v40 =	vadd.f32 v40, v54  }
0x4bf: {  	v57 =	vmul.f32 v59, v5;
	v22 =	vmax.f32 v50, $0.0e+00;
	v45 =	vmax.f32 v45, $0.0e+00;
	v50 =	vld [tilespmem:s15+$0xFFFFFFC0];
	[tilespmem:s15+$0xFFFFFE30] =	vst v0  }
0x4c0: {  	v0 =	vadd.f32 v52, v28;
	[tilespmem:s15+$0xFFFFFEB0] =	vst v45;
	v1 =	vadd.f32 v51, v1;
	v28 =	vld [tilespmem:s21+$0xFFFFFE40];
	v40 =	vmax.f32 v40, $0.0e+00  }
0x4c1: {  	v41 =	vmax.f32 v41, $0.0e+00;
	v56 =	vmul.f32 v43, v12;
	v2 =	vadd.f32 v2, v55;
	v51 =	vld [tilespmem:s21+$0xFFFFFEC0];
	[tilespmem:s15+$0xFFFFFFB0] =	vst v40  }
0x4c2: {  	v18 =	vmax.f32 v18, $0.0e+00;
	v42 =	vadd.f32 v42, v49;
	v1 =	vadd.f32 v1, v57;
	v45 =	vld [tilespmem:s21+$0xFFFFFFC0]  }
0x4c3: {  	v37 =	vadd.f32 v53, v37;
	v53 =	vmul.f32 v60, v5;
	v57 =	vmul.f32 v20, v6  }
0x4c4: {  	[tilespmem:s29+$0xFFFFFED0] =	vst v41;
	v41 =	vld [tilespmem:s15+$0xFFFFFED0];
	v0 =	vadd.f32 v0, v39;
	v49 =	vmax.f32 v42, $0.0e+00;
	v1 =	vadd.f32 v1, v56  }
0x4c5: {  	v29 =	vld [tilespmem:s11+$0xFFFFFEE0];
	[tilespmem:s30+$0xFFFFFF70] =	vst v49;
	v49 =	vmul.f32 v62, v5;
	v37 =	vadd.f32 v37, v57;
	v28 =	vadd.f32 v28, v58  }
0x4c6: {  	v39 =	vld [tilespmem:s30+$0xFFFFFF80];
	v57 =	vmul.f32 v48, v5;
	v47 =	vadd.f32 v51, v47;
	v1 =	vmax.f32 v1, $0.0e+00  }
0x4c7: {  	v56 =	vmul.f32 v44, v12;
	[tilespmem:s15+$0xFFFFFF40] =	vst v1;
	v1 =	vld [tilespmem:s15+$0xFFFFFF50];
	v28 =	vadd.f32 v28, v49;
	v45 =	vadd.f32 v45, v50  }
0x4c8: {  	v2 =	vmax.f32 v2, $0.0e+00;
	v58 =	vmul.f32 v46, v12;
	v47 =	vadd.f32 v47, v57;
	v52 =	vld [tilespmem:s21+$0xFFFFFF50]  }
0x4c9: {  	[tilespmem:s1+$0xFFFFFF00] =	vst v18;
	v42 =	vld [tilespmem:s11+$0xFFFFFF80];
	v57 =	vmul.f32 v61, v12;
	v28 =	vadd.f32 v28, v56;
	v45 =	vadd.f32 v45, v53  }
0x4ca: {  	v17 =	vmul.f32 v17, v16;
	v18 =	vmul.f32 v43, v16;
	[tilespmem:s30+$0xFFFFFFD0] =	vst v2;
	v40 =	vld [tilespmem:s15+$0xFFFFFE50];
	v47 =	vadd.f32 v47, v58  }
0x4cb: {  	v51 =	vld [tilespmem:s11+$0xFFFFFFE0];
	v50 =	vmul.f32 v21, v14;
	v28 =	vmax.f32 v28, $0.0e+00;
	v49 =	vadd.f32 v45, v57  }
0x4cc: {  	v29 =	vadd.f32 v29, v33;
	v54 =	vmul.f32 v59, v63;
	v53 =	vmax.f32 v47, $0.0e+00;
	v47 =	vld [tilespmem:s15+$0xFFFFFFD0];
	[tilespmem:s15+$0xFFFFFE40] =	vst v28  }
0x4cd: {  	v58 =	vadd.f32 v37, v50;
	[tilespmem:s15+$0xFFFFFEC0] =	vst v53;
	v1 =	vadd.f32 v52, v1;
	v28 =	vld [tilespmem:s21+$0xFFFFFE50];
	v37 =	vmax.f32 v49, $0.0e+00  }
0x4ce: {  	v17 =	vadd.f32 v0, v17;
	v39 =	vadd.f32 v42, v39;
	v50 =	vmul.f32 v27, v8;
	v56 =	vld [tilespmem:s21+$0xFFFFFED0];
	[tilespmem:s15+$0xFFFFFFC0] =	vst v37  }
0x4cf: {  	v55 =	vmax.f32 v58, $0.0e+00;
	v57 =	vmul.f32 v43, v13;
	v1 =	vadd.f32 v1, v54;
	v58 =	vld [tilespmem:s21+$0xFFFFFFD0]  }
0x4d0: {  	v35 =	vadd.f32 v51, v35;
	v51 =	vmul.f32 v25, v14;
	v2 =	vadd.f32 v39, v50  }
0x4d1: {  	v50 =	vmul.f32 v24, v6;
	v45 =	vmul.f32 v43, v14;
	[tilespmem:s30+$0xFFFFFE60] =	vst v55;
	v1 =	vadd.f32 v1, v57  }
0x4d2: {  	v52 =	vmul.f32 v44, v13;
	v49 =	vmul.f32 v62, v63;
	v33 =	vld [tilespmem:s11+$0xFFFFFE70];
	v28 =	vadd.f32 v28, v40  }
0x4d3: {  	v53 =	vmul.f32 v48, v63;
	v27 =	vadd.f32 v56, v41;
	v1 =	vmax.f32 v1, $0.0e+00  }
0x4d4: {  	v55 =	vmul.f32 v60, v63;
	[tilespmem:s15+$0xFFFFFF50] =	vst v1;
	v1 =	vld [tilespmem:s15+$0xFFFFFF60];
	v28 =	vadd.f32 v28, v49;
	v54 =	vadd.f32 v58, v47  }
0x4d5: {  	v29 =	vadd.f32 v29, v50;
	v56 =	vmul.f32 v46, v13;
	v27 =	vadd.f32 v27, v53;
	v57 =	vld [tilespmem:s21+$0xFFFFFF60]  }
0x4d6: {  	v58 =	vmul.f32 v61, v13;
	v28 =	vadd.f32 v28, v52;
	v39 =	vadd.f32 v54, v55  }
0x4d7: {  	v37 =	vmul.f32 v23, v6;
	v33 =	vadd.f32 v33, v34;
	v34 =	vld [tilespmem:s15+$0xFFFFFFE0];
	v27 =	vadd.f32 v27, v56  }
0x4d8: {  	v0 =	vadd.f32 v29, v51;
	v49 =	vld [tilespmem:s15+$0xFFFFFE60];
	v28 =	vmax.f32 v28, $0.0e+00;
	v52 =	vadd.f32 v39, v58  }
0x4d9: {  	v35 =	vadd.f32 v35, v37;
	v53 =	vmul.f32 v20, v7;
	v39 =	vld [tilespmem:s15+$0xFFFFFEE0];
	v27 =	vmax.f32 v27, $0.0e+00;
	[tilespmem:s15+$0xFFFFFE50] =	vst v28  }
0x4da: {  	v54 =	vmul.f32 v59, v6;
	[tilespmem:s15+$0xFFFFFED0] =	vst v27;
	v1 =	vadd.f32 v57, v1;
	v51 =	vld [tilespmem:s21+$0xFFFFFE60];
	v37 =	vmax.f32 v52, $0.0e+00  }
0x4db: {  	v50 =	vmul.f32 v19, v14;
	v47 =	vmul.f32 v26, v16;
	v57 =	vld [tilespmem:s21+$0xFFFFFEE0];
	[tilespmem:s15+$0xFFFFFFD0] =	vst v37  }
0x4dc: {  	v56 =	vmul.f32 v21, v15;
	v33 =	vadd.f32 v33, v53;
	v1 =	vadd.f32 v1, v54;
	v58 =	vld [tilespmem:s21+$0xFFFFFFE0]  }
0x4dd: {  	v0 =	vmax.f32 v0, $0.0e+00;
	v2 =	vadd.f32 v2, v47;
	v55 =	vadd.f32 v35, v50  }
0x4de: {  	v47 =	vmul.f32 v62, v6;
	v50 =	vadd.f32 v33, v56;
	v52 =	vadd.f32 v1, v45  }
0x4df: {  	[tilespmem:s30+$0xFFFFFEE0] =	vst v0;
	v40 =	vld [tilespmem:s15+$0xFFFFFE70];
	v56 =	vmul.f32 v48, v6;
	v29 =	vadd.f32 v51, v49;
	v49 =	vmax.f32 v55, $0.0e+00  }
0x4e0: {  	v51 =	vld [tilespmem:s11+$0xFFFFFEF0];
	v55 =	vmul.f32 v44, v14;
	v35 =	vadd.f32 v57, v39;
	v0 =	vmax.f32 v52, $0.0e+00;
	[tilespmem:s30+$0xFFFFFFE0] =	vst v49  }
0x4e1: {  	v57 =	vmul.f32 v60, v6;
	v53 =	vadd.f32 v29, v47;
	v54 =	vld [tilespmem:s11+$0xFFFFFFF0];
	v27 =	vadd.f32 v58, v34  }
0x4e2: {  	v26 =	vmax.f32 v50, $0.0e+00;
	v45 =	vmul.f32 v46, v14;
	[tilespmem:s15+$0xFFFFFF60] =	vst v0;
	v58 =	vld [tilespmem:s15+$0xFFFFFF70];
	v35 =	vadd.f32 v35, v56  }
0x4e3: {  	v49 =	vmul.f32 v61, v14;
	v47 =	vld [tilespmem:s21+$0xFFFFFF70];
	v1 =	vadd.f32 v53, v55;
	v27 =	vadd.f32 v27, v57  }
0x4e4: {  	v17 =	vmax.f32 v17, $0.0e+00;
	v41 =	vmul.f32 v19, v15;
	[tilespmem:s30+$0xFFFFFE70] =	vst v26;
	v34 =	vadd.f32 v35, v45;
	v35 =	vld [tilespmem:s15+$0xFFFFFEF0]  }
0x4e5: {  	v32 =	vadd.f32 v51, v32;
	v51 =	vld [tilespmem:s11+$0xFFFFFE80];
	v1 =	vmax.f32 v1, $0.0e+00;
	v27 =	vadd.f32 v27, v49  }
0x4e6: {  	v50 =	vmul.f32 v24, v7;
	v53 =	vmax.f32 v34, $0.0e+00;
	v29 =	vadd.f32 v54, v30;
	v30 =	vld [tilespmem:s15+$0xFFFFFFF0];
	[tilespmem:s15+$0xFFFFFE60] =	vst v1  }
0x4e7: {  	v28 =	vmul.f32 v23, v7;
	v37 =	vmul.f32 v20, v8;
	[tilespmem:s15+$0xFFFFFEE0] =	vst v53;
	v54 =	vld [tilespmem:s21+$0xFFFFFE70];
	v55 =	vmax.f32 v27, $0.0e+00  }
0x4e8: {  	v52 =	vmul.f32 v25, v15;
	v32 =	vadd.f32 v32, v50;
	v0 =	vadd.f32 v47, v58;
	v58 =	vld [tilespmem:s21+$0xFFFFFEF0];
	[tilespmem:s15+$0xFFFFFFE0] =	vst v55  }
0x4e9: {  	v57 =	vmul.f32 v59, v7;
	v45 =	vmul.f32 v43, v15;
	v28 =	vadd.f32 v29, v28;
	v42 =	vld [tilespmem:s21+$0xFFFFFFF0]  }
0x4ea: {  	v47 =	vmul.f32 v62, v7;
	v53 =	vmul.f32 v44, v15;
	v56 =	vadd.f32 v32, v52  }
0x4eb: {  	v0 =	vadd.f32 v0, v57;
	v52 =	vmul.f32 v48, v7;
	v39 =	vadd.f32 v28, v41  }
0x4ec: {  	v41 =	vadd.f32 v51, v31;
	v27 =	vmax.f32 v56, $0.0e+00;
	v49 =	vadd.f32 v54, v40  }
0x4ed: {  	v55 =	vld [tilespmem:s15+$0xFFFFFE80];
	v0 =	vadd.f32 v0, v45;
	[tilespmem:s30+$0xFFFFFEF0] =	vst v27;
	v20 =	vmax.f32 v39, $0.0e+00;
	v32 =	vadd.f32 v58, v35  }
0x4ee: {  	v57 =	vld [tilespmem:s15+$0xFFFFFF80];
	v51 =	vmul.f32 v60, v7;
	[tilespmem:s30+$0xFFFFFFF0] =	vst v20;
	v20 =	vadd.f32 v49, v47;
	v54 =	vadd.f32 v42, v30  }
0x4ef: {  	v56 =	vmul.f32 v46, v15;
	v27 =	vld [tilespmem:s11+$0xFFFFFF00];
	v0 =	vmax.f32 v0, $0.0e+00;
	v32 =	vadd.f32 v32, v52  }
0x4f0: {  	[tilespmem:s1+$0x0] =	vst v17;
	v58 =	vmul.f32 v61, v15;
	v39 =	vld [tilespmem:s15+$0xFFFFFF00];
	v20 =	vadd.f32 v20, v53;
	v26 =	vadd.f32 v54, v51  }
0x4f1: {  	v17 =	vmul.f32 v60, v8;
	v19 =	vmul.f32 v19, v16;
	[tilespmem:s15+$0xFFFFFF70] =	vst v0;
	v50 =	vld [tilespmem:s11+$0x0];
	v31 =	vadd.f32 v32, v56  }
0x4f2: {  	v1 =	vadd.f32 v41, v37;
	v37 =	vld [tilespmem:s21+$0xFFFFFF80];
	v20 =	vmax.f32 v20, $0.0e+00;
	v26 =	vadd.f32 v26, v58  }
0x4f3: {  	v21 =	vmul.f32 v21, v16;
	v2 =	vmax.f32 v2, $0.0e+00;
	v40 =	vld [tilespmem:s15+$0x0];
	v42 =	vmax.f32 v31, $0.0e+00;
	[tilespmem:s15+$0xFFFFFE70] =	vst v20  }
0x4f4: {  	v27 =	vadd.f32 v27, v36;
	v36 =	vmul.f32 v24, v8;
	[tilespmem:s15+$0xFFFFFEF0] =	vst v42;
	v45 =	vld [tilespmem:s21+$0xFFFFFE80];
	v26 =	vmax.f32 v26, $0.0e+00  }
0x4f5: {  	v23 =	vmul.f32 v23, v8;
	v41 =	vmul.f32 v25, v16;
	v1 =	vadd.f32 v1, v21;
	v49 =	vld [tilespmem:s21+$0xFFFFFF00];
	[tilespmem:s15+$0xFFFFFFF0] =	vst v26  }
0x4f6: {  	v52 =	vmul.f32 v62, v8;
	v28 =	vadd.f32 v50, v38;
	v24 =	vadd.f32 v27, v36;
	v51 =	vld [tilespmem:s21+$0x0]  }
0x4f7: {  	v1 =	vmax.f32 v1, $0.0e+00;
	v0 =	vadd.f32 v37, v57;
	v50 =	vmul.f32 v59, v8  }
0x4f8: {  	v54 =	vmul.f32 v48, v8;
	v23 =	vadd.f32 v28, v23;
	v47 =	vadd.f32 v24, v41  }
0x4f9: {  	v58 =	vmul.f32 v61, v16;
	v0 =	vadd.f32 v0, v50;
	v53 =	vadd.f32 v45, v55  }
0x4fa: {  	[tilespmem:s1+$0xFFFFFE80] =	vst v22;
	v19 =	vadd.f32 v23, v19;
	v20 =	vmax.f32 v47, $0.0e+00;
	v21 =	vadd.f32 v49, v39  }
0x4fb: {  	[tilespmem:s30+$0xFFFFFF80] =	vst v2;
	v55 =	vmul.f32 v44, v16;
	v22 =	vadd.f32 v53, v52;
	v56 =	vadd.f32 v51, v40  }
0x4fc: {  	[tilespmem:s30+$0xFFFFFE80] =	vst v1;
	v0 =	vadd.f32 v0, v18;
	v18 =	vmul.f32 v46, v16;
	v57 =	vadd.f32 v21, v54  }
0x4fd: {  	[tilespmem:s30+$0xFFFFFF00] =	vst v20;
	v19 =	vmax.f32 v19, $0.0e+00;
	v2 =	vadd.f32 v22, v55;
	v17 =	vadd.f32 v56, v17  }
0x4fe: {  	v0 =	vmax.f32 v0, $0.0e+00;
	[tilespmem:s30+$0x0] =	vst v19;
	v1 =	vadd.f32 v57, v18  }
0x4ff: {  	[tilespmem:s15+$0xFFFFFF80] =	vst v0;
	v59 =	vmax.f32 v2, $0.0e+00;
	v60 =	vadd.f32 v17, v58  }
0x500: {  	v61 =	vmax.f32 v1, $0.0e+00;
	[tilespmem:s15+$0xFFFFFE80] =	vst v59  }
0x501: {  	[tilespmem:s15+$0xFFFFFF00] =	vst v61;
	v62 =	vmax.f32 v60, $0.0e+00  }
.Ltmp6:
0x502: {  	[tilespmem:s15+$0x0] =	vst v62;
	(pc) =	sbr.rel @p0 .LBB2_12-.Ltmp6, $4  }
0x503: {  	[spmem:s2] =	stream.indirect.scatter.add.f32 [tilespmem:s0], [sflag:$0x9], $0x80, s25, s19, $0xb8;
	[tilespmem:$0x1E6F8] =	vst v63  }
0x504: {  	_ =	swait.ge [sflag:s22], $0x1C00  }
0x505: {  	[sflag:s22] =	ssyncset.done $0x0  }
0x506: {  	[sflag:s22] =	ssyncadd.s32 $0xFFFFE400  }
0x507: {  	s1 =	rddreg [dreg:$0x18]  }
0x508: {  	s1 =	sadd.s32 s12, s1  }
0x509: {  	s1 =	sshrl.u32 s1, $0x3  }
0x50a: {  	s15 =	simm.s32 $0x13C38;
	s11 =	sadd.s32 s7, s1  }
0x50b: {  	[tilespmem:s15], [sflag:$0x2] =	stream.linear.gather [hbm4b:s11+s4], $0x38, $0x38;
	[tilespmem:$0x1E6F8] =	vst v63  }
.Ltmp7:
0x50c: {  	_ = 	snop;
	(pc) =	sbr.rel .LBB2_4-.Ltmp7, $4  }
0x50d: {  	s31 =	sadd.s32 s8, s1  }
0x50e: {  	[tilespmem:s16], [sflag:$0x2] =	stream.linear.gather [hbm4b:s31+s4], $0x38, $0x38;
	[tilespmem:$0x1E6F8] =	vst v63  }
0x50f: {  	s13 =	sadd.s32 $0x1, s13;
	v62 =	vld [tilespmem:$0x1FFD0];
	s1 =	sadd.s32 s9, s1  }
0x510: {  	v3 =	vld [tilespmem:$0x1FFF0];
	[tilespmem:s17], [sflag:$0x2] =	stream.linear.gather [hbm4b:s1+s4], $0x38, $0x38  }
.LBB2_13:
0x511: {  	_ =	sfence.sel $0x180000  }
0x512: {  	[bflag:$0x0] =	sbarrier.arrive $0xFFFF  }
0x513: {  	_ =	strace $0x90000047  }
0x514: {  	s0 =	stileid.u32;
	[bflag:$0x2] =	sbarrier.arrive $0xFFFF  }
0x515: {  	p0 =	sne.s32 s0, $0x0;
	s0 =	rddreg [dreg:$0x3]  }
0x516: {  	s0 =	sadd.s32 @!p0 $0x100000, s0  }
0x517: {  	[sflag:s0] =	ssyncadd.tile.s32 @!p0 $0x1;
	_ =	shalt  }
.Lfunc_end2:
_tile_overlayer_lowered:
.L_overlay_start_2:
0x518: {  	(tag) =	ssettag $0x2  }
0x519: {  	s0 =	rddreg [dreg:$0x0];
	s2 =	stileid.u32  }
0x51a: {  	s1 =	rddreg [dreg:$0x1];
	p0 =	sne.s32 s2, $0x0  }
0x51b: {  	s3 =	rddreg [dreg:$0x2];
	[bflag:$0x3] =	sbarrier.arrive $0xFFFF;
	s2 =	simm.s32 @!p0 $0x1C0B  }
0x51c: {  	[timem:s3], [sflag:s2] =	dma.local @!p0 [hbm:s0], s1  }
0x51d: {  	s0 =	simm.s32 @!p0 $0xB  }
0x51e: {  	_ =	swait.ge @!p0 [sflag:s0], s1  }
0x51f: {  	s1 =	ssub.s32 @!p0 $0x0, s1;
	[sflag:s0] =	ssyncset.done @!p0 $0x0  }
0x520: {  	[sflag:s0] =	ssyncadd.s32 @!p0 s1  }
0x521: {  	[bflag:$0x3] =	sbarrier.arrive $0xFFFF  }
0x522: {  	_ =	shalt  }

</sc_bundles>
